<compile_context>
chip_gen: v7x
topology: tpu7x:2x2x1
jax: 0.10.2.dev20260603
libtpu: 0.0.44.dev20260713+nightly
codegen_flags: <defaults>
</compile_context>

<pallas_src>
import functools
import jax
import jax.numpy as jnp
from jax import lax
from jax.experimental import pallas as pl
from jax.experimental.pallas import tpu as pltpu
from jax.experimental.pallas import tpu_sc as plsc

N = 10000
E = 160000
PE = 80000
ALPHA = 0.8
WD = 0.0001

NC, NS, NW = 2, 16, 32
NROW = 10240
RB = 2048
EA_T, EP_T = E // NW, PE // NW
CA, CP = 40, 20
RPT = NROW // NS
PADROW = NROW - 1

_mesh = plsc.VectorSubcoreMesh(
    core_axis_name="c", subcore_axis_name="s", num_cores=NC, num_subcores=NS)


def _f32(shape):
    return jax.ShapeDtypeStruct(shape, jnp.float32)



def _mm_q_nt_body(x_ref, w_ref, o_ref):
    o_ref[...] = jnp.dot(x_ref[...], w_ref[...],
                         preferred_element_type=jnp.float32)


def _mm_q_nt(x, w):
    k = x.shape[1]
    return pl.pallas_call(
        _mm_q_nt_body,
        grid=(5, 4),
        in_specs=[pl.BlockSpec((RB, k), lambda i, q: (i, 0)),
                  pl.BlockSpec((k, 128), lambda i, q: (0, q))],
        out_specs=pl.BlockSpec((RB, 128), lambda i, q: (q * 5 + i, 0)),
        out_shape=_f32((4 * NROW, 128)),
    )(x, w)


def _mm_q_t_body(x_ref, w_ref, o_ref):
    o_ref[...] = lax.dot_general(
        x_ref[...], w_ref[...], (((1,), (1,)), ((), ())),
        preferred_element_type=jnp.float32)


def _mm_q_t(x, w):
    k = x.shape[1]
    return pl.pallas_call(
        _mm_q_t_body,
        grid=(5, 4),
        in_specs=[pl.BlockSpec((RB, k), lambda i, q: (i, 0)),
                  pl.BlockSpec((128, k), lambda i, q: (q, 0))],
        out_specs=pl.BlockSpec((RB, 128), lambda i, q: (q * 5 + i, 0)),
        out_shape=_f32((4 * NROW, 128)),
    )(x, w)


def _mm_v_body(h_ref, v_ref, o_ref):
    q = pl.program_id(1)
    p = lax.dot_general(v_ref[...], h_ref[...], (((0,), (1,)), ((), ())),
                        preferred_element_type=jnp.float32)

    @pl.when(q == 0)
    def _():
        o_ref[...] = p

    @pl.when(q != 0)
    def _():
        o_ref[...] += p


def _mm_v(hq, v4):
    return pl.pallas_call(
        _mm_v_body,
        grid=(5, 4),
        in_specs=[pl.BlockSpec((RB, 128), lambda i, q: (q * 5 + i, 0)),
                  pl.BlockSpec((128, 4), lambda i, q: (q, 0))],
        out_specs=pl.BlockSpec((4, RB), lambda i, q: (0, i)),
        out_shape=_f32((4, NROW)),
    )(hq, v4)


def _mm_acc_body(h_ref, w_ref, o_ref):
    q = pl.program_id(1)
    p = jnp.dot(h_ref[...], w_ref[...], preferred_element_type=jnp.float32)

    @pl.when(q == 0)
    def _():
        o_ref[...] = p

    @pl.when(q != 0)
    def _():
        o_ref[...] += p


def _mm_acc(hq, w):
    dout = w.shape[1]
    return pl.pallas_call(
        _mm_acc_body,
        grid=(5, 4),
        in_specs=[pl.BlockSpec((RB, 128), lambda i, q: (q * 5 + i, 0)),
                  pl.BlockSpec((128, dout), lambda i, q: (q, 0))],
        out_specs=pl.BlockSpec((RB, dout), lambda i, q: (i, 0)),
        out_shape=_f32((NROW, dout)),
    )(hq, w)


def _mm_out_body(h_ref, w_ref, x_ref, o_ref, p_ref):
    q = pl.program_id(1)
    p = lax.dot_general(h_ref[...], w_ref[...], (((1,), (1,)), ((), ())),
                        preferred_element_type=jnp.float32)

    @pl.when(q == 0)
    def _():
        o_ref[...] = p

    @pl.when(q != 0)
    def _():
        o_ref[...] += p

    @pl.when(q == 3)
    def _():
        i = pl.program_id(0)
        rid = i * RB + lax.broadcasted_iota(jnp.int32, (RB, 256), 0)
        d = jnp.where(rid < N, o_ref[...] - x_ref[...], 0.0)
        p_ref[...] = jnp.full((1, 8, 128), jnp.sum(d * d), jnp.float32)


def _mm_out(h2q, w0, xp):
    return pl.pallas_call(
        _mm_out_body,
        grid=(5, 4),
        in_specs=[pl.BlockSpec((RB, 128), lambda i, q: (q * 5 + i, 0)),
                  pl.BlockSpec((256, 128), lambda i, q: (0, q)),
                  pl.BlockSpec((RB, 256), lambda i, q: (i, 0))],
        out_specs=[pl.BlockSpec((RB, 256), lambda i, q: (i, 0)),
                   pl.BlockSpec((1, 8, 128), lambda i, q: (i, 0, 0))],
        out_shape=[_f32((NROW, 256)), _f32((5, 8, 128))],
    )(h2q, w0, xp)


def _wd_body(w0_ref, w1_ref, o_ref):
    s = jnp.sum(w0_ref[...] * w0_ref[...]) + jnp.sum(w1_ref[...] * w1_ref[...])
    o_ref[...] = jnp.full((1, 128), s, jnp.float32)


def _wd_sum(w0, w1):
    return pl.pallas_call(
        _wd_body,
        in_specs=[pl.BlockSpec(w0.shape, lambda: (0, 0)),
                  pl.BlockSpec(w1.shape, lambda: (0, 0))],
        out_specs=pl.BlockSpec((1, 128), lambda: (0, 0)),
        out_shape=_f32((1, 128)),
    )(w0, w1)



def _k1a_body(f1, f2, f3, f4, rows_a, cols_a, vals_a, rows_p, cols_p, vals_p,
              exa_o, exp_o, ss_o, pss_o,
              f1_vm, f2_vm, f3_vm, f4_vm, r_vm, c_vm, v_vm, ex_vm,
              pr_vm, pc_vm, pv_vm, pex_vm, z_vm, s_sh, ps_sh):
    cidx = lax.axis_index("c")
    sidx = lax.axis_index("s")
    wid = sidx * NC + cidx

    pltpu.sync_copy(f1, f1_vm)
    pltpu.sync_copy(f2, f2_vm)
    pltpu.sync_copy(f3, f3_vm)
    pltpu.sync_copy(f4, f4_vm)
    pltpu.sync_copy(rows_a.at[wid], r_vm)
    pltpu.sync_copy(cols_a.at[wid], c_vm)
    pltpu.sync_copy(vals_a.at[wid], v_vm)
    pltpu.sync_copy(rows_p.at[wid], pr_vm)
    pltpu.sync_copy(cols_p.at[wid], pc_vm)
    pltpu.sync_copy(vals_p.at[wid], pv_vm)

    def zero16(i, _):
        z_vm[pl.ds(i * 16, 16)] = jnp.zeros((16,), jnp.float32)
        return None
    lax.fori_loop(0, NROW // 16, zero16, None)

    @pl.when(sidx == 0)
    def _():
        pltpu.sync_copy(z_vm, s_sh.at[0])
        pltpu.sync_copy(z_vm, ps_sh.at[0])

    plsc.subcore_barrier()

    def edge_pass(nch, rr, cc, vv, ee, fa, fb):
        def body(i, _):
            jj = i // 8
            kk = (i % 8) * 16
            r16 = rr[jj, pl.ds(kk, 16)]
            c16 = cc[jj, pl.ds(kk, 16)]
            v16 = vv[jj, pl.ds(kk, 16)]
            g1 = plsc.load_gather(fa, [r16])
            g2 = plsc.load_gather(fb, [c16])
            ee[jj, pl.ds(kk, 16)] = jnp.exp(v16 * (g1 + g2))
            return None
        lax.fori_loop(0, nch * 8, body, None)

    edge_pass(CA, r_vm, c_vm, v_vm, ex_vm, f1_vm, f2_vm)
    edge_pass(CP, pr_vm, pc_vm, pv_vm, pex_vm, f3_vm, f4_vm)

    def scat_a(j, _):
        pltpu.sync_copy(ex_vm.at[j], s_sh.at[0].at[r_vm.at[j]], add=True)
        return None
    lax.fori_loop(0, CA, scat_a, None)

    def scat_p(j, _):
        pltpu.sync_copy(pex_vm.at[j], ps_sh.at[0].at[pr_vm.at[j]], add=True)
        return None
    lax.fori_loop(0, CP, scat_p, None)

    pltpu.sync_copy(ex_vm, exa_o.at[wid])
    pltpu.sync_copy(pex_vm, exp_o.at[wid])

    plsc.subcore_barrier()

    @pl.when(sidx == 0)
    def _():
        pltpu.sync_copy(s_sh, ss_o.at[cidx])
        pltpu.sync_copy(ps_sh, pss_o.at[cidx])


def _k1a(f1, f2, f3, f4, rows_a, cols_a, vals_a, rows_p, cols_p, vals_p):
    return pl.kernel(
        _k1a_body,
        out_type=[_f32((NW, CA, 128)), _f32((NW, CP, 128)),
                  _f32((NC, 1, NROW)), _f32((NC, 1, NROW))],
        mesh=_mesh,
        compiler_params=pltpu.CompilerParams(needs_layout_passes=False),
        scratch_types=[
            pltpu.VMEM((NROW,), jnp.float32),
            pltpu.VMEM((NROW,), jnp.float32),
            pltpu.VMEM((NROW,), jnp.float32),
            pltpu.VMEM((NROW,), jnp.float32),
            pltpu.VMEM((CA, 128), jnp.int32),
            pltpu.VMEM((CA, 128), jnp.int32),
            pltpu.VMEM((CA, 128), jnp.float32),
            pltpu.VMEM((CA, 128), jnp.float32),
            pltpu.VMEM((CP, 128), jnp.int32),
            pltpu.VMEM((CP, 128), jnp.int32),
            pltpu.VMEM((CP, 128), jnp.float32),
            pltpu.VMEM((CP, 128), jnp.float32),
            pltpu.VMEM((NROW,), jnp.float32),
            pltpu.VMEM_SHARED((1, NROW), jnp.float32),
            pltpu.VMEM_SHARED((1, NROW), jnp.float32),
        ],
    )(f1, f2, f3, f4, rows_a, cols_a, vals_a, rows_p, cols_p, vals_p)



def _k1b_body(ss, pss, exa, exp_, rows_a, rows_p,
              c0_o, pc0_o, vca_o, vcp_o,
              st_vm, s1_vm, ex_vm, r_vm, c0_vm, vc_vm,
              pex_vm, pr_vm, pc0_vm, pvc_vm):
    cidx = lax.axis_index("c")
    sidx = lax.axis_index("s")
    wid = sidx * NC + cidx

    def div_pass(part, e_hbm, r_hbm, nchunks, e_vm, r_vm_, o_vm, v_vm_, scale,
                 o_hbm, v_hbm):
        pltpu.sync_copy(part, st_vm)

        def merge(i, _):
            ds = pl.ds(i * 16, 16)
            s1_vm[ds] = st_vm[0, 0, ds] + st_vm[1, 0, ds]
            return None
        lax.fori_loop(0, NROW // 16, merge, None)

        pltpu.sync_copy(e_hbm.at[wid], e_vm)
        pltpu.sync_copy(r_hbm.at[wid], r_vm_)

        def body(i, _):
            jj = i // 8
            kk = (i % 8) * 16
            r16 = r_vm_[jj, pl.ds(kk, 16)]
            e16 = e_vm[jj, pl.ds(kk, 16)]
            sv = plsc.load_gather(s1_vm, [r16])
            c0 = e16 / (sv + 1e-16)
            o_vm[jj, pl.ds(kk, 16)] = c0
            v_vm_[jj, pl.ds(kk, 16)] = c0 * scale
            return None
        lax.fori_loop(0, nchunks * 8, body, None)

        pltpu.sync_copy(o_vm, o_hbm.at[wid])
        pltpu.sync_copy(v_vm_, v_hbm.at[wid])

    div_pass(ss, exa, rows_a, CA, ex_vm, r_vm, c0_vm, vc_vm,
             jnp.float32(1.0 - ALPHA), c0_o, vca_o)
    div_pass(pss, exp_, rows_p, CP, pex_vm, pr_vm, pc0_vm, pvc_vm,
             jnp.float32(ALPHA), pc0_o, vcp_o)


def _k1b(ss, pss, exa, exp_, rows_a, rows_p):
    return pl.kernel(
        _k1b_body,
        out_type=[_f32((NW, CA, 128)), _f32((NW, CP, 128)),
                  _f32((NW, CA, 128)), _f32((NW, CP, 128))],
        mesh=_mesh,
        compiler_params=pltpu.CompilerParams(needs_layout_passes=False),
        scratch_types=[
            pltpu.VMEM((NC, 1, NROW), jnp.float32),
            pltpu.VMEM((NROW,), jnp.float32),
            pltpu.VMEM((CA, 128), jnp.float32),
            pltpu.VMEM((CA, 128), jnp.int32),
            pltpu.VMEM((CA, 128), jnp.float32),
            pltpu.VMEM((CA, 128), jnp.float32),
            pltpu.VMEM((CP, 128), jnp.float32),
            pltpu.VMEM((CP, 128), jnp.int32),
            pltpu.VMEM((CP, 128), jnp.float32),
            pltpu.VMEM((CP, 128), jnp.float32),
        ],
    )(ss, pss, exa, exp_, rows_a, rows_p)



def _k2_body(hq, rows_a, gcols_a, vca, rows_p, gcols_p, vcp,
             op,
             r_vm, v_vm, pr_vm, pv_vm, ci_vm,
             gbuf, acc_sh):
    cidx = lax.axis_index("c")
    sidx = lax.axis_index("s")
    wid = sidx * NC + cidx

    pltpu.sync_copy(rows_a.at[wid], r_vm)
    pltpu.sync_copy(vca.at[wid], v_vm)
    pltpu.sync_copy(rows_p.at[wid], pr_vm)
    pltpu.sync_copy(vcp.at[wid], pv_vm)

    for h in range(2):
        q = NC * h + cidx
        qn = q * NROW

        def zero_g(i, _):
            jj = i // 8
            kk = (i % 8) * 16
            gbuf[jj, pl.ds(kk, 16)] = jnp.zeros((16,), jnp.float32)
            return None
        lax.fori_loop(0, 1024, zero_g, None)

        def zero_acc(k, _):
            pltpu.sync_copy(gbuf, acc_sh.at[pl.ds(sidx * RPT + k * 128, 128)])
            return None
        lax.fori_loop(0, RPT // 128, zero_acc, None)

        plsc.subcore_barrier()

        def spmm_chunks(nch, rr, cc, vv):
            def chunk(j, _):
                pltpu.sync_copy(cc.at[q].at[wid].at[j], ci_vm)
                pltpu.sync_copy(hq.at[ci_vm], gbuf)

                def scale(e, _):
                    v16 = plsc.load_gather(
                        vv, [jnp.full((16,), 1, jnp.int32) * (j * 128 + e)])
                    for u in range(8):
                        ds = pl.ds(u * 16, 16)
                        gbuf[e, ds] = gbuf[e, ds] * v16
                    return None
                lax.fori_loop(0, 128, scale, None)

                pltpu.sync_copy(gbuf, acc_sh.at[rr.at[j]], add=True)
                return None
            lax.fori_loop(0, nch, chunk, None)

        spmm_chunks(CA, r_vm, gcols_a, v_vm)
        spmm_chunks(CP, pr_vm, gcols_p, pv_vm)

        plsc.subcore_barrier()

        def writeout(k, _):
            off = sidx * RPT + k * 128
            pltpu.sync_copy(acc_sh.at[pl.ds(off, 128)], gbuf)

            def elu(i, _):
                jj = i // 8
                kk = (i % 8) * 16
                x = gbuf[jj, pl.ds(kk, 16)]
                gbuf[jj, pl.ds(kk, 16)] = jnp.where(x > 0, x, jnp.exp(x) - 1.0)
                return None
            lax.fori_loop(0, 1024, elu, None)

            pltpu.sync_copy(gbuf, op.at[pl.ds(qn + off, 128)])
            return None
        lax.fori_loop(0, RPT // 128, writeout, None)

        plsc.subcore_barrier()


def _k2(hq, rows_a, gcols_a, vca, rows_p, gcols_p, vcp):
    return pl.kernel(
        _k2_body,
        out_type=_f32((4 * NROW, 128)),
        mesh=_mesh,
        compiler_params=pltpu.CompilerParams(needs_layout_passes=False),
        scratch_types=[
            pltpu.VMEM((CA, 128), jnp.int32),
            pltpu.VMEM((CA * 128,), jnp.float32),
            pltpu.VMEM((CP, 128), jnp.int32),
            pltpu.VMEM((CP * 128,), jnp.float32),
            pltpu.VMEM((128,), jnp.int32),
            pltpu.VMEM((128, 128), jnp.float32),
            pltpu.VMEM_SHARED((NROW, 128), jnp.float32),
        ],
    )(hq, rows_a, gcols_a, vca, rows_p, gcols_p, vcp)



def _pad2d(x, per_tile, chunks, fill):
    pad_to = chunks * 128
    x2 = x.reshape(NW, per_tile)
    x2 = jnp.pad(x2, ((0, 0), (0, pad_to - per_tile)), constant_values=fill)
    return x2.reshape(NW, chunks, 128)


def kernel(X, A, prune_A, A_vals, prune_vals, W0, W1, v00, v01, pv00, pv01):
    row, col = A[0], A[1]
    prow, pcol = prune_A[0], prune_A[1]

    xp = jnp.pad(X, ((0, NROW - N), (0, 0)))
    v4 = jnp.concatenate([v00, v01, pv00, pv01], axis=1)

    rows_a = _pad2d(row, EA_T, CA, PADROW)
    cols_a = _pad2d(col, EA_T, CA, 0)
    vals_a = _pad2d(A_vals, EA_T, CA, 0.0)
    rows_p = _pad2d(prow, EP_T, CP, PADROW)
    cols_p = _pad2d(pcol, EP_T, CP, 0)
    vals_p = _pad2d(prune_vals, EP_T, CP, 0.0)

    h0q = _mm_q_nt(xp, W0)
    f4 = _mm_v(h0q, v4)

    exa, exp_, ss, pss = _k1a(f4[0], f4[1], f4[2], f4[3],
                              rows_a, cols_a, vals_a,
                              rows_p, cols_p, vals_p)
    c0p, pc0p, vca, vcp = _k1b(ss, pss, exa, exp_, rows_a, rows_p)

    qoff = (jnp.arange(4, dtype=jnp.int32) * NROW).reshape(4, 1, 1, 1)
    gcols_a = cols_a[None] + qoff
    gcols_p = cols_p[None] + qoff

    C0 = c0p.reshape(NW, CA * 128)[:, :EA_T].reshape(E)
    PC0 = pc0p.reshape(NW, CP * 128)[:, :EP_T].reshape(PE)
    wedge = jnp.concatenate([(1.0 - ALPHA) * C0, ALPHA * PC0])
    rowsj = jnp.concatenate([row, prow])
    colsj = jnp.concatenate([col, pcol])

    def jax_spmm(hq):
        hfull = hq.reshape(4, NROW, 128).transpose(1, 0, 2).reshape(NROW, 512)
        o = jax.ops.segment_sum(wedge[:, None] * hfull[colsj], rowsj,
                                num_segments=NROW)
        o = jax.nn.elu(o)
        return o.reshape(NROW, 4, 128).transpose(1, 0, 2).reshape(4 * NROW, 128)

    h1q = jax_spmm(h0q)
    henc_p = _mm_acc(h1q, W1)
    hdq = _mm_q_t(henc_p, W1)
    h2q = jax_spmm(hdq)
    x_p, partials = _mm_out(h2q, W0, xp)
    wd = _wd_sum(W0, W1)

    loss = jnp.sqrt(jnp.sum(partials[:, 0, 0])) + wd[0, 0] * WD
    return (loss, henc_p[:N], C0, PC0, x_p[:N])

# --- scband reference (transcript-rebuilt; emitter-appended) ---
"""Pipeline reference for scband-gate-83090437309062 (READ-ONLY COPY).

The authoritative reference and input builder live on the scoring server;
editing this copy changes nothing except your own understanding.
"""

import jax, jax.numpy as jnp
import numpy as np

N = 10000
E = 160000
PE = 80000
D = [256, 512, 256]
ALPHA = 0.8
WD = 0.0001


def _sparse_softmax(logits, row, n):
    m = jax.ops.segment_max(logits, row, num_segments=n)
    m = jnp.where(jnp.isfinite(m), m, 0.0)
    ex = jnp.exp(logits - m[row])
    s = jax.ops.segment_sum(ex, row, num_segments=n)
    return ex / (s[row] + 1e-16)


def _spmm(att, row, col, H, n):
    return jax.ops.segment_sum(att[:, None] * H[col], row, num_segments=n)


def _gat(row, col, avals, H, v0, v1, n):
    f1 = (H @ v0)[:, 0]
    f2 = (H @ v1)[:, 0]
    logits = avals * f1[row] + avals * f2[col]
    return _sparse_softmax(logits, row, n)


def setup_inputs(seed: int = 0):
    key = jax.random.key(seed)
    ks = jax.random.split(key, 12)
    X = jax.random.normal(ks[0], (N, D[0]), dtype=jnp.float32)
    A = jax.random.randint(ks[1], (2, E), 0, N)
    prune_A = jax.random.randint(ks[2], (2, PE), 0, N)
    A_vals = jnp.ones((E,), jnp.float32)
    prune_vals = jnp.ones((PE,), jnp.float32)
    W0 = jax.random.normal(ks[3], (D[0], D[1]), dtype=jnp.float32) * 0.05
    W1 = jax.random.normal(ks[4], (D[1], D[2]), dtype=jnp.float32) * 0.05
    v00 = jax.random.normal(ks[5], (D[1], 1), dtype=jnp.float32) * 0.05
    v01 = jax.random.normal(ks[6], (D[1], 1), dtype=jnp.float32) * 0.05
    pv00 = jax.random.normal(ks[7], (D[1], 1), dtype=jnp.float32) * 0.05
    pv01 = jax.random.normal(ks[8], (D[1], 1), dtype=jnp.float32) * 0.05
    return {"X": X, "A": A, "prune_A": prune_A, "A_vals": A_vals,
            "prune_vals": prune_vals, "W0": W0, "W1": W1,
            "v00": v00, "v01": v01, "pv00": pv00, "pv01": pv01}


def reference(X, A, prune_A, A_vals, prune_vals, W0, W1, v00, v01, pv00, pv01):
    row, col = A[0], A[1]
    prow, pcol = prune_A[0], prune_A[1]
    n = X.shape[0]
    # encoder layer 0
    H = X @ W0
    C0 = _gat(row, col, A_vals, H, v00, v01, n)
    PC0 = _gat(prow, pcol, prune_vals, H, pv00, pv01, n)
    H = (1.0 - ALPHA) * _spmm(C0, row, col, H, n) + ALPHA * _spmm(PC0, prow, pcol, H, n)
    H = jax.nn.elu(H)  # nonlinear, layer 0 != n_layers-1
    # encoder layer 1 (last): plain linear
    H = H @ W1
    H_enc = H
    # decoder layer 1
    H = H @ W1.T
    H = (1.0 - ALPHA) * _spmm(C0, row, col, H, n) + ALPHA * _spmm(PC0, prow, pcol, H, n)
    H = jax.nn.elu(H)
    # decoder layer 0
    H = H @ W0.T
    X_ = H
    features_loss = jnp.sqrt(jnp.sum(jnp.power(X - X_, 2)))
    weight_decay_loss = (jnp.sum(W0 ** 2) + jnp.sum(W1 ** 2)) * WD
    loss = features_loss + weight_decay_loss
    return (loss, H_enc, C0, PC0, X_)

if __name__ == "__main__":
    import jax
    _d = setup_inputs()
    print(jax.jit(kernel)(*tuple(_d.values())))

</pallas_src>

<mosaic_0001>
#map = affine_map<(d0, d1) -> (0, 0, 0)>
module attributes {stable_mosaic.version = 14 : i64} {
  func.func @_k1b_body(%arg0: i32, %arg1: i32, %arg2: memref<2x1x10240xf32, #tpu.memory_space<hbm>>, %arg3: memref<2x1x10240xf32, #tpu.memory_space<hbm>>, %arg4: memref<32x40x128xf32, #tpu.memory_space<hbm>>, %arg5: memref<32x20x128xf32, #tpu.memory_space<hbm>>, %arg6: memref<32x40x128xi32, #tpu.memory_space<hbm>>, %arg7: memref<32x20x128xi32, #tpu.memory_space<hbm>>, %arg8: memref<32x40x128xf32, #tpu.memory_space<hbm>>, %arg9: memref<32x20x128xf32, #tpu.memory_space<hbm>>, %arg10: memref<32x40x128xf32, #tpu.memory_space<hbm>>, %arg11: memref<32x20x128xf32, #tpu.memory_space<hbm>>, %arg12: memref<2x1x10240xf32, #tpu.memory_space<vmem>>, %arg13: memref<10240xf32, #tpu.memory_space<vmem>>, %arg14: memref<40x128xf32, #tpu.memory_space<vmem>>, %arg15: memref<40x128xi32, #tpu.memory_space<vmem>>, %arg16: memref<40x128xf32, #tpu.memory_space<vmem>>, %arg17: memref<40x128xf32, #tpu.memory_space<vmem>>, %arg18: memref<20x128xf32, #tpu.memory_space<vmem>>, %arg19: memref<20x128xi32, #tpu.memory_space<vmem>>, %arg20: memref<20x128xf32, #tpu.memory_space<vmem>>, %arg21: memref<20x128xf32, #tpu.memory_space<vmem>>) attributes {dimension_semantics = [#tpu.dimension_semantics<core_parallel>, #tpu.dimension_semantics<subcore_parallel>], iteration_bounds = array<i64: 2, 16>, scalar_prefetch = 0 : i64, scratch_operands = 10 : i64, tpu.core_type = #tpu.core_type<sc_vector_subcore>, window_params = [{transform_indices = #map}, {transform_indices = #map}, {transform_indices = #map}, {transform_indices = #map}, {transform_indices = #map}, {transform_indices = #map}, {transform_indices = #map}, {transform_indices = #map}, {transform_indices = #map}, {transform_indices = #map}]} {
    %mul3A = arith.constant 2 : i32
    %mul3A_0 = arith.muli %arg1, %mul3A : i32
    %add3A = arith.addi %mul3A_0, %arg0 : i32
    "tpu.region"() ({
      %run_scoped3A = tpu.sem_alloc : memref<!tpu.dma_semaphore, #tpu.memory_space<semaphore_mem>>
      tpu.enqueue_dma source(%arg2 : memref<2x1x10240xf32, #tpu.memory_space<hbm>>) target(%arg12 : memref<2x1x10240xf32, #tpu.memory_space<vmem>>) target_semaphore(%run_scoped3A : memref<!tpu.dma_semaphore, #tpu.memory_space<semaphore_mem>>)
      tpu.wait_dma2 semaphore(%run_scoped3A : memref<!tpu.dma_semaphore, #tpu.memory_space<semaphore_mem>>) src(%arg2 : memref<2x1x10240xf32, #tpu.memory_space<hbm>>) dst(%arg12 : memref<2x1x10240xf32, #tpu.memory_space<vmem>>)
      tpu.yield
    }) : () -> ()
    %scan3A = arith.constant 0 : i32
    %scan3A_1 = arith.constant 640 : i32
    %scan3A_2 = arith.addi %scan3A, %scan3A_1 : i32
    %scan3A_3 = arith.constant 1 : i32
    scf.for %scan3A_22 = %scan3A to %scan3A_2 step %scan3A_3  : i32 {
      %mul3A_23 = arith.constant 16 : i32
      %mul3A_24 = arith.muli %scan3A_22, %mul3A_23 : i32
      %get3A = arith.constant 0 : i32
      %get3A_25 = arith.constant 0 : i32
      %get3A_26 = arith.index_cast %get3A : i32 to index
      %get3A_27 = arith.index_cast %get3A_25 : i32 to index
      %get3A_28 = arith.index_cast %mul3A_24 : i32 to index
      %get3A_29 = tpu.vector_load %arg12[%get3A_26, %get3A_27, %get3A_28] {strides = array<i32>} : memref<2x1x10240xf32, #tpu.memory_space<vmem>>, vector<16xf32>,
      %get3A_30 = arith.constant 1 : i32
      %get3A_31 = arith.constant 0 : i32
      %get3A_32 = arith.index_cast %get3A_30 : i32 to index
      %get3A_33 = arith.index_cast %get3A_31 : i32 to index
      %get3A_34 = arith.index_cast %mul3A_24 : i32 to index
      %get3A_35 = tpu.vector_load %arg12[%get3A_32, %get3A_33, %get3A_34] {strides = array<i32>} : memref<2x1x10240xf32, #tpu.memory_space<vmem>>, vector<16xf32>,
      %add3A_36 = arith.addf %get3A_29, %get3A_35 : vector<16xf32>
      %swap3A = arith.index_cast %mul3A_24 : i32 to index
      %swap3A_37 = tpu.vector_load %arg13[%swap3A] {strides = array<i32>} : memref<10240xf32, #tpu.memory_space<vmem>>, vector<16xf32>,
      tpu.vector_store %arg13[%swap3A], %add3A_36 {strides = array<i32>} : memref<10240xf32, #tpu.memory_space<vmem>>, vector<16xf32>,
    }
    %scan3A_4 = arith.constant 640 : i32
    "tpu.region"() ({
      %run_scoped3A = tpu.sem_alloc : memref<!tpu.dma_semaphore, #tpu.memory_space<semaphore_mem>>
      %dma_start3A = arith.constant 0 : i32
      %dma_start3A_22 = arith.constant 0 : i32
      %dma_start3A_23 = tpu.memref_slice %arg4[%add3A, %dma_start3A, %dma_start3A_22] : memref<32x40x128xf32, #tpu.memory_space<hbm>> -> memref<1x40x128xf32, #tpu.memory_space<hbm>>
      %dma_start3A_24 = tpu.memref_squeeze %dma_start3A_23 : memref<1x40x128xf32, #tpu.memory_space<hbm>> -> memref<40x128xf32, #tpu.memory_space<hbm>>
      %dma_start3A_25 = arith.constant 0 : i32
      %dma_start3A_26 = arith.constant 0 : i32
      %dma_start3A_27 = tpu.memref_slice %arg4[%add3A, %dma_start3A_25, %dma_start3A_26] : memref<32x40x128xf32, #tpu.memory_space<hbm>> -> memref<1x40x128xf32, #tpu.memory_space<hbm>>
      %dma_start3A_28 = tpu.memref_squeeze %dma_start3A_27 : memref<1x40x128xf32, #tpu.memory_space<hbm>> -> memref<40x128xf32, #tpu.memory_space<hbm>>
      tpu.enqueue_dma source(%dma_start3A_28 : memref<40x128xf32, #tpu.memory_space<hbm>>) target(%arg14 : memref<40x128xf32, #tpu.memory_space<vmem>>) target_semaphore(%run_scoped3A : memref<!tpu.dma_semaphore, #tpu.memory_space<semaphore_mem>>)
      %dma_wait3A = arith.constant 0 : i32
      %dma_wait3A_29 = arith.constant 0 : i32
      %dma_wait3A_30 = tpu.memref_slice %arg4[%add3A, %dma_wait3A, %dma_wait3A_29] : memref<32x40x128xf32, #tpu.memory_space<hbm>> -> memref<1x40x128xf32, #tpu.memory_space<hbm>>
      %dma_wait3A_31 = tpu.memref_squeeze %dma_wait3A_30 : memref<1x40x128xf32, #tpu.memory_space<hbm>> -> memref<40x128xf32, #tpu.memory_space<hbm>>
      %dma_wait3A_32 = arith.constant 0 : i32
      %dma_wait3A_33 = arith.constant 0 : i32
      %dma_wait3A_34 = tpu.memref_slice %arg4[%add3A, %dma_wait3A_32, %dma_wait3A_33] : memref<32x40x128xf32, #tpu.memory_space<hbm>> -> memref<1x40x128xf32, #tpu.memory_space<hbm>>
      %dma_wait3A_35 = tpu.memref_squeeze %dma_wait3A_34 : memref<1x40x128xf32, #tpu.memory_space<hbm>> -> memref<40x128xf32, #tpu.memory_space<hbm>>
      tpu.wait_dma2 semaphore(%run_scoped3A : memref<!tpu.dma_semaphore, #tpu.memory_space<semaphore_mem>>) src(%dma_wait3A_35 : memref<40x128xf32, #tpu.memory_space<hbm>>) dst(%arg14 : memref<40x128xf32, #tpu.memory_space<vmem>>)
      tpu.yield
    }) : () -> ()
    "tpu.region"() ({
      %run_scoped3A = tpu.sem_alloc : memref<!tpu.dma_semaphore, #tpu.memory_space<semaphore_mem>>
      %dma_start3A = arith.constant 0 : i32
      %dma_start3A_22 = arith.constant 0 : i32
      %dma_start3A_23 = tpu.memref_slice %arg6[%add3A, %dma_start3A, %dma_start3A_22] : memref<32x40x128xi32, #tpu.memory_space<hbm>> -> memref<1x40x128xi32, #tpu.memory_space<hbm>>
      %dma_start3A_24 = tpu.memref_squeeze %dma_start3A_23 : memref<1x40x128xi32, #tpu.memory_space<hbm>> -> memref<40x128xi32, #tpu.memory_space<hbm>>
      %dma_start3A_25 = arith.constant 0 : i32
      %dma_start3A_26 = arith.constant 0 : i32
      %dma_start3A_27 = tpu.memref_slice %arg6[%add3A, %dma_start3A_25, %dma_start3A_26] : memref<32x40x128xi32, #tpu.memory_space<hbm>> -> memref<1x40x128xi32, #tpu.memory_space<hbm>>
      %dma_start3A_28 = tpu.memref_squeeze %dma_start3A_27 : memref<1x40x128xi32, #tpu.memory_space<hbm>> -> memref<40x128xi32, #tpu.memory_space<hbm>>
      tpu.enqueue_dma source(%dma_start3A_28 : memref<40x128xi32, #tpu.memory_space<hbm>>) target(%arg15 : memref<40x128xi32, #tpu.memory_space<vmem>>) target_semaphore(%run_scoped3A : memref<!tpu.dma_semaphore, #tpu.memory_space<semaphore_mem>>)
      %dma_wait3A = arith.constant 0 : i32
      %dma_wait3A_29 = arith.constant 0 : i32
      %dma_wait3A_30 = tpu.memref_slice %arg6[%add3A, %dma_wait3A, %dma_wait3A_29] : memref<32x40x128xi32, #tpu.memory_space<hbm>> -> memref<1x40x128xi32, #tpu.memory_space<hbm>>
      %dma_wait3A_31 = tpu.memref_squeeze %dma_wait3A_30 : memref<1x40x128xi32, #tpu.memory_space<hbm>> -> memref<40x128xi32, #tpu.memory_space<hbm>>
      %dma_wait3A_32 = arith.constant 0 : i32
      %dma_wait3A_33 = arith.constant 0 : i32
      %dma_wait3A_34 = tpu.memref_slice %arg6[%add3A, %dma_wait3A_32, %dma_wait3A_33] : memref<32x40x128xi32, #tpu.memory_space<hbm>> -> memref<1x40x128xi32, #tpu.memory_space<hbm>>
      %dma_wait3A_35 = tpu.memref_squeeze %dma_wait3A_34 : memref<1x40x128xi32, #tpu.memory_space<hbm>> -> memref<40x128xi32, #tpu.memory_space<hbm>>
      tpu.wait_dma2 semaphore(%run_scoped3A : memref<!tpu.dma_semaphore, #tpu.memory_space<semaphore_mem>>) src(%dma_wait3A_35 : memref<40x128xi32, #tpu.memory_space<hbm>>) dst(%arg15 : memref<40x128xi32, #tpu.memory_space<vmem>>)
      tpu.yield
    }) : () -> ()
    %scan3A_5 = arith.constant 2.000000e-01 : f32
    %scan3A_6 = arith.constant 0 : i32
    %scan3A_7 = arith.constant 320 : i32
    %scan3A_8 = arith.addi %scan3A_6, %scan3A_7 : i32
    %scan3A_9 = arith.constant 1 : i32
    scf.for %scan3A_22 = %scan3A_6 to %scan3A_8 step %scan3A_9  : i32 {
      %jit3A = arith.constant 8 : i32
      %div3A = arith.divsi %scan3A_22, %jit3A : i32
      %sign3A = arith.constant 0 : i32
      %sign3A_23 = arith.cmpi sgt, %scan3A_22, %sign3A : i32
      %sign3A_24 = arith.extui %sign3A_23 : i1 to i32
      %sign3A_25 = arith.constant 0 : i32
      %sign3A_26 = arith.cmpi slt, %scan3A_22, %sign3A_25 : i32
      %sign3A_27 = arith.extui %sign3A_26 : i1 to i32
      %sign3A_28 = arith.subi %sign3A_24, %sign3A_27 : i32
      %sign3A_29 = arith.constant 0 : i32
      %sign3A_30 = arith.cmpi sgt, %jit3A, %sign3A_29 : i32
      %sign3A_31 = arith.extui %sign3A_30 : i1 to i32
      %sign3A_32 = arith.constant 0 : i32
      %sign3A_33 = arith.cmpi slt, %jit3A, %sign3A_32 : i32
      %sign3A_34 = arith.extui %sign3A_33 : i1 to i32
      %sign3A_35 = arith.subi %sign3A_31, %sign3A_34 : i32
      %ne3A = arith.cmpi ne, %sign3A_28, %sign3A_35 : i32
      %rem3A = arith.remsi %scan3A_22, %jit3A : i32
      %ne3A_36 = arith.constant 0 : i32
      %ne3A_37 = arith.cmpi ne, %rem3A, %ne3A_36 : i32
      %and3A = arith.andi %ne3A, %ne3A_37 : i1
      %sub3A = arith.constant 1 : i32
      %sub3A_38 = arith.subi %div3A, %sub3A : i32
      %select_n3A = arith.select %and3A, %sub3A_38, %div3A : i32
      %jit3A_39 = arith.constant 8 : i32
      %eq3A = arith.constant 0 : i32
      %eq3A_40 = arith.cmpi eq, %jit3A_39, %eq3A : i32
      %jit3A_41 = arith.constant 1 : i32
      %select_n3A_42 = arith.select %eq3A_40, %jit3A_41, %jit3A_39 : i32
      %rem3A_43 = arith.remsi %scan3A_22, %select_n3A_42 : i32
      %ne3A_44 = arith.constant 0 : i32
      %ne3A_45 = arith.cmpi ne, %rem3A_43, %ne3A_44 : i32
      %lt3A = arith.constant 0 : i32
      %lt3A_46 = arith.cmpi slt, %rem3A_43, %lt3A : i32
      %lt3A_47 = arith.constant 0 : i32
      %lt3A_48 = arith.cmpi slt, %select_n3A_42, %lt3A_47 : i32
      %ne3A_49 = arith.xori %lt3A_46, %lt3A_48 : i1
      %and3A_50 = arith.andi %ne3A_49, %ne3A_45 : i1
      %add3A_51 = arith.addi %rem3A_43, %select_n3A_42 : i32
      %select_n3A_52 = arith.select %and3A_50, %add3A_51, %rem3A_43 : i32
      %mul3A_53 = arith.constant 16 : i32
      %mul3A_54 = arith.muli %select_n3A_52, %mul3A_53 : i32
      %get3A = arith.index_cast %select_n3A : i32 to index
      %get3A_55 = arith.index_cast %mul3A_54 : i32 to index
      %get3A_56 = tpu.vector_load %arg15[%get3A, %get3A_55] {strides = array<i32>} : memref<40x128xi32, #tpu.memory_space<vmem>>, vector<16xi32>,
      %get3A_57 = arith.index_cast %select_n3A : i32 to index
      %get3A_58 = arith.index_cast %mul3A_54 : i32 to index
      %get3A_59 = tpu.vector_load %arg14[%get3A_57, %get3A_58] {strides = array<i32>} : memref<40x128xf32, #tpu.memory_space<vmem>>, vector<16xf32>,
      %gather3A = tpu.vector_load_idx %arg13[%get3A_56] : memref<10240xf32, #tpu.memory_space<vmem>>[vector<16xi32>], vector<16xf32>,
      %add3A_60 = arith.constant 1.000000e-16 : f32
      %add3A_61 = vector.broadcast %add3A_60 : f32 to vector<16xf32>
      %add3A_62 = arith.addf %gather3A, %add3A_61 : vector<16xf32>
      %div3A_63 = arith.divf %get3A_59, %add3A_62 : vector<16xf32>
      %swap3A = arith.index_cast %select_n3A : i32 to index
      %swap3A_64 = arith.index_cast %mul3A_54 : i32 to index
      %swap3A_65 = tpu.vector_load %arg16[%swap3A, %swap3A_64] {strides = array<i32>} : memref<40x128xf32, #tpu.memory_space<vmem>>, vector<16xf32>,
      tpu.vector_store %arg16[%swap3A, %swap3A_64], %div3A_63 {strides = array<i32>} : memref<40x128xf32, #tpu.memory_space<vmem>>, vector<16xf32>,
      %mul3A_66 = vector.broadcast %scan3A_5 : f32 to vector<16xf32>
      %mul3A_67 = arith.mulf %div3A_63, %mul3A_66 : vector<16xf32>
      %swap3A_68 = arith.index_cast %select_n3A : i32 to index
      %swap3A_69 = arith.index_cast %mul3A_54 : i32 to index
      %swap3A_70 = tpu.vector_load %arg17[%swap3A_68, %swap3A_69] {strides = array<i32>} : memref<40x128xf32, #tpu.memory_space<vmem>>, vector<16xf32>,
      tpu.vector_store %arg17[%swap3A_68, %swap3A_69], %mul3A_67 {strides = array<i32>} : memref<40x128xf32, #tpu.memory_space<vmem>>, vector<16xf32>,
    }
    %scan3A_10 = arith.constant 320 : i32
    "tpu.region"() ({
      %run_scoped3A = tpu.sem_alloc : memref<!tpu.dma_semaphore, #tpu.memory_space<semaphore_mem>>
      %dma_start3A = arith.constant 0 : i32
      %dma_start3A_22 = arith.constant 0 : i32
      %dma_start3A_23 = tpu.memref_slice %arg8[%add3A, %dma_start3A, %dma_start3A_22] : memref<32x40x128xf32, #tpu.memory_space<hbm>> -> memref<1x40x128xf32, #tpu.memory_space<hbm>>
      %dma_start3A_24 = tpu.memref_squeeze %dma_start3A_23 : memref<1x40x128xf32, #tpu.memory_space<hbm>> -> memref<40x128xf32, #tpu.memory_space<hbm>>
      %dma_start3A_25 = arith.constant 0 : i32
      %dma_start3A_26 = arith.constant 0 : i32
      %dma_start3A_27 = tpu.memref_slice %arg8[%add3A, %dma_start3A_25, %dma_start3A_26] : memref<32x40x128xf32, #tpu.memory_space<hbm>> -> memref<1x40x128xf32, #tpu.memory_space<hbm>>
      %dma_start3A_28 = tpu.memref_squeeze %dma_start3A_27 : memref<1x40x128xf32, #tpu.memory_space<hbm>> -> memref<40x128xf32, #tpu.memory_space<hbm>>
      tpu.enqueue_dma source(%arg16 : memref<40x128xf32, #tpu.memory_space<vmem>>) target(%dma_start3A_28 : memref<40x128xf32, #tpu.memory_space<hbm>>) target_semaphore(%run_scoped3A : memref<!tpu.dma_semaphore, #tpu.memory_space<semaphore_mem>>)
      %dma_wait3A = arith.constant 0 : i32
      %dma_wait3A_29 = arith.constant 0 : i32
      %dma_wait3A_30 = tpu.memref_slice %arg8[%add3A, %dma_wait3A, %dma_wait3A_29] : memref<32x40x128xf32, #tpu.memory_space<hbm>> -> memref<1x40x128xf32, #tpu.memory_space<hbm>>
      %dma_wait3A_31 = tpu.memref_squeeze %dma_wait3A_30 : memref<1x40x128xf32, #tpu.memory_space<hbm>> -> memref<40x128xf32, #tpu.memory_space<hbm>>
      %dma_wait3A_32 = arith.constant 0 : i32
      %dma_wait3A_33 = arith.constant 0 : i32
      %dma_wait3A_34 = tpu.memref_slice %arg8[%add3A, %dma_wait3A_32, %dma_wait3A_33] : memref<32x40x128xf32, #tpu.memory_space<hbm>> -> memref<1x40x128xf32, #tpu.memory_space<hbm>>
      %dma_wait3A_35 = tpu.memref_squeeze %dma_wait3A_34 : memref<1x40x128xf32, #tpu.memory_space<hbm>> -> memref<40x128xf32, #tpu.memory_space<hbm>>
      tpu.wait_dma2 semaphore(%run_scoped3A : memref<!tpu.dma_semaphore, #tpu.memory_space<semaphore_mem>>) src(%arg16 : memref<40x128xf32, #tpu.memory_space<vmem>>) dst(%dma_wait3A_35 : memref<40x128xf32, #tpu.memory_space<hbm>>)
      tpu.yield
    }) : () -> ()
    "tpu.region"() ({
      %run_scoped3A = tpu.sem_alloc : memref<!tpu.dma_semaphore, #tpu.memory_space<semaphore_mem>>
      %dma_start3A = arith.constant 0 : i32
      %dma_start3A_22 = arith.constant 0 : i32
      %dma_start3A_23 = tpu.memref_slice %arg10[%add3A, %dma_start3A, %dma_start3A_22] : memref<32x40x128xf32, #tpu.memory_space<hbm>> -> memref<1x40x128xf32, #tpu.memory_space<hbm>>
      %dma_start3A_24 = tpu.memref_squeeze %dma_start3A_23 : memref<1x40x128xf32, #tpu.memory_space<hbm>> -> memref<40x128xf32, #tpu.memory_space<hbm>>
      %dma_start3A_25 = arith.constant 0 : i32
      %dma_start3A_26 = arith.constant 0 : i32
      %dma_start3A_27 = tpu.memref_slice %arg10[%add3A, %dma_start3A_25, %dma_start3A_26] : memref<32x40x128xf32, #tpu.memory_space<hbm>> -> memref<1x40x128xf32, #tpu.memory_space<hbm>>
      %dma_start3A_28 = tpu.memref_squeeze %dma_start3A_27 : memref<1x40x128xf32, #tpu.memory_space<hbm>> -> memref<40x128xf32, #tpu.memory_space<hbm>>
      tpu.enqueue_dma source(%arg17 : memref<40x128xf32, #tpu.memory_space<vmem>>) target(%dma_start3A_28 : memref<40x128xf32, #tpu.memory_space<hbm>>) target_semaphore(%run_scoped3A : memref<!tpu.dma_semaphore, #tpu.memory_space<semaphore_mem>>)
      %dma_wait3A = arith.constant 0 : i32
      %dma_wait3A_29 = arith.constant 0 : i32
      %dma_wait3A_30 = tpu.memref_slice %arg10[%add3A, %dma_wait3A, %dma_wait3A_29] : memref<32x40x128xf32, #tpu.memory_space<hbm>> -> memref<1x40x128xf32, #tpu.memory_space<hbm>>
      %dma_wait3A_31 = tpu.memref_squeeze %dma_wait3A_30 : memref<1x40x128xf32, #tpu.memory_space<hbm>> -> memref<40x128xf32, #tpu.memory_space<hbm>>
      %dma_wait3A_32 = arith.constant 0 : i32
      %dma_wait3A_33 = arith.constant 0 : i32
      %dma_wait3A_34 = tpu.memref_slice %arg10[%add3A, %dma_wait3A_32, %dma_wait3A_33] : memref<32x40x128xf32, #tpu.memory_space<hbm>> -> memref<1x40x128xf32, #tpu.memory_space<hbm>>
      %dma_wait3A_35 = tpu.memref_squeeze %dma_wait3A_34 : memref<1x40x128xf32, #tpu.memory_space<hbm>> -> memref<40x128xf32, #tpu.memory_space<hbm>>
      tpu.wait_dma2 semaphore(%run_scoped3A : memref<!tpu.dma_semaphore, #tpu.memory_space<semaphore_mem>>) src(%arg17 : memref<40x128xf32, #tpu.memory_space<vmem>>) dst(%dma_wait3A_35 : memref<40x128xf32, #tpu.memory_space<hbm>>)
      tpu.yield
    }) : () -> ()
    "tpu.region"() ({
      %run_scoped3A = tpu.sem_alloc : memref<!tpu.dma_semaphore, #tpu.memory_space<semaphore_mem>>
      tpu.enqueue_dma source(%arg3 : memref<2x1x10240xf32, #tpu.memory_space<hbm>>) target(%arg12 : memref<2x1x10240xf32, #tpu.memory_space<vmem>>) target_semaphore(%run_scoped3A : memref<!tpu.dma_semaphore, #tpu.memory_space<semaphore_mem>>)
      tpu.wait_dma2 semaphore(%run_scoped3A : memref<!tpu.dma_semaphore, #tpu.memory_space<semaphore_mem>>) src(%arg3 : memref<2x1x10240xf32, #tpu.memory_space<hbm>>) dst(%arg12 : memref<2x1x10240xf32, #tpu.memory_space<vmem>>)
      tpu.yield
    }) : () -> ()
    %scan3A_11 = arith.constant 0 : i32
    %scan3A_12 = arith.constant 640 : i32
    %scan3A_13 = arith.addi %scan3A_11, %scan3A_12 : i32
    %scan3A_14 = arith.constant 1 : i32
    scf.for %scan3A_22 = %scan3A_11 to %scan3A_13 step %scan3A_14  : i32 {
      %mul3A_23 = arith.constant 16 : i32
      %mul3A_24 = arith.muli %scan3A_22, %mul3A_23 : i32
      %get3A = arith.constant 0 : i32
      %get3A_25 = arith.constant 0 : i32
      %get3A_26 = arith.index_cast %get3A : i32 to index
      %get3A_27 = arith.index_cast %get3A_25 : i32 to index
      %get3A_28 = arith.index_cast %mul3A_24 : i32 to index
      %get3A_29 = tpu.vector_load %arg12[%get3A_26, %get3A_27, %get3A_28] {strides = array<i32>} : memref<2x1x10240xf32, #tpu.memory_space<vmem>>, vector<16xf32>,
      %get3A_30 = arith.constant 1 : i32
      %get3A_31 = arith.constant 0 : i32
      %get3A_32 = arith.index_cast %get3A_30 : i32 to index
      %get3A_33 = arith.index_cast %get3A_31 : i32 to index
      %get3A_34 = arith.index_cast %mul3A_24 : i32 to index
      %get3A_35 = tpu.vector_load %arg12[%get3A_32, %get3A_33, %get3A_34] {strides = array<i32>} : memref<2x1x10240xf32, #tpu.memory_space<vmem>>, vector<16xf32>,
      %add3A_36 = arith.addf %get3A_29, %get3A_35 : vector<16xf32>
      %swap3A = arith.index_cast %mul3A_24 : i32 to index
      %swap3A_37 = tpu.vector_load %arg13[%swap3A] {strides = array<i32>} : memref<10240xf32, #tpu.memory_space<vmem>>, vector<16xf32>,
      tpu.vector_store %arg13[%swap3A], %add3A_36 {strides = array<i32>} : memref<10240xf32, #tpu.memory_space<vmem>>, vector<16xf32>,
    }
    %scan3A_15 = arith.constant 640 : i32
    "tpu.region"() ({
      %run_scoped3A = tpu.sem_alloc : memref<!tpu.dma_semaphore, #tpu.memory_space<semaphore_mem>>
      %dma_start3A = arith.constant 0 : i32
      %dma_start3A_22 = arith.constant 0 : i32
      %dma_start3A_23 = tpu.memref_slice %arg5[%add3A, %dma_start3A, %dma_start3A_22] : memref<32x20x128xf32, #tpu.memory_space<hbm>> -> memref<1x20x128xf32, #tpu.memory_space<hbm>>
      %dma_start3A_24 = tpu.memref_squeeze %dma_start3A_23 : memref<1x20x128xf32, #tpu.memory_space<hbm>> -> memref<20x128xf32, #tpu.memory_space<hbm>>
      %dma_start3A_25 = arith.constant 0 : i32
      %dma_start3A_26 = arith.constant 0 : i32
      %dma_start3A_27 = tpu.memref_slice %arg5[%add3A, %dma_start3A_25, %dma_start3A_26] : memref<32x20x128xf32, #tpu.memory_space<hbm>> -> memref<1x20x128xf32, #tpu.memory_space<hbm>>
      %dma_start3A_28 = tpu.memref_squeeze %dma_start3A_27 : memref<1x20x128xf32, #tpu.memory_space<hbm>> -> memref<20x128xf32, #tpu.memory_space<hbm>>
      tpu.enqueue_dma source(%dma_start3A_28 : memref<20x128xf32, #tpu.memory_space<hbm>>) target(%arg18 : memref<20x128xf32, #tpu.memory_space<vmem>>) target_semaphore(%run_scoped3A : memref<!tpu.dma_semaphore, #tpu.memory_space<semaphore_mem>>)
      %dma_wait3A = arith.constant 0 : i32
      %dma_wait3A_29 = arith.constant 0 : i32
      %dma_wait3A_30 = tpu.memref_slice %arg5[%add3A, %dma_wait3A, %dma_wait3A_29] : memref<32x20x128xf32, #tpu.memory_space<hbm>> -> memref<1x20x128xf32, #tpu.memory_space<hbm>>
      %dma_wait3A_31 = tpu.memref_squeeze %dma_wait3A_30 : memref<1x20x128xf32, #tpu.memory_space<hbm>> -> memref<20x128xf32, #tpu.memory_space<hbm>>
      %dma_wait3A_32 = arith.constant 0 : i32
      %dma_wait3A_33 = arith.constant 0 : i32
      %dma_wait3A_34 = tpu.memref_slice %arg5[%add3A, %dma_wait3A_32, %dma_wait3A_33] : memref<32x20x128xf32, #tpu.memory_space<hbm>> -> memref<1x20x128xf32, #tpu.memory_space<hbm>>
      %dma_wait3A_35 = tpu.memref_squeeze %dma_wait3A_34 : memref<1x20x128xf32, #tpu.memory_space<hbm>> -> memref<20x128xf32, #tpu.memory_space<hbm>>
      tpu.wait_dma2 semaphore(%run_scoped3A : memref<!tpu.dma_semaphore, #tpu.memory_space<semaphore_mem>>) src(%dma_wait3A_35 : memref<20x128xf32, #tpu.memory_space<hbm>>) dst(%arg18 : memref<20x128xf32, #tpu.memory_space<vmem>>)
      tpu.yield
    }) : () -> ()
    "tpu.region"() ({
      %run_scoped3A = tpu.sem_alloc : memref<!tpu.dma_semaphore, #tpu.memory_space<semaphore_mem>>
      %dma_start3A = arith.constant 0 : i32
      %dma_start3A_22 = arith.constant 0 : i32
      %dma_start3A_23 = tpu.memref_slice %arg7[%add3A, %dma_start3A, %dma_start3A_22] : memref<32x20x128xi32, #tpu.memory_space<hbm>> -> memref<1x20x128xi32, #tpu.memory_space<hbm>>
      %dma_start3A_24 = tpu.memref_squeeze %dma_start3A_23 : memref<1x20x128xi32, #tpu.memory_space<hbm>> -> memref<20x128xi32, #tpu.memory_space<hbm>>
      %dma_start3A_25 = arith.constant 0 : i32
      %dma_start3A_26 = arith.constant 0 : i32
      %dma_start3A_27 = tpu.memref_slice %arg7[%add3A, %dma_start3A_25, %dma_start3A_26] : memref<32x20x128xi32, #tpu.memory_space<hbm>> -> memref<1x20x128xi32, #tpu.memory_space<hbm>>
      %dma_start3A_28 = tpu.memref_squeeze %dma_start3A_27 : memref<1x20x128xi32, #tpu.memory_space<hbm>> -> memref<20x128xi32, #tpu.memory_space<hbm>>
      tpu.enqueue_dma source(%dma_start3A_28 : memref<20x128xi32, #tpu.memory_space<hbm>>) target(%arg19 : memref<20x128xi32, #tpu.memory_space<vmem>>) target_semaphore(%run_scoped3A : memref<!tpu.dma_semaphore, #tpu.memory_space<semaphore_mem>>)
      %dma_wait3A = arith.constant 0 : i32
      %dma_wait3A_29 = arith.constant 0 : i32
      %dma_wait3A_30 = tpu.memref_slice %arg7[%add3A, %dma_wait3A, %dma_wait3A_29] : memref<32x20x128xi32, #tpu.memory_space<hbm>> -> memref<1x20x128xi32, #tpu.memory_space<hbm>>
      %dma_wait3A_31 = tpu.memref_squeeze %dma_wait3A_30 : memref<1x20x128xi32, #tpu.memory_space<hbm>> -> memref<20x128xi32, #tpu.memory_space<hbm>>
      %dma_wait3A_32 = arith.constant 0 : i32
      %dma_wait3A_33 = arith.constant 0 : i32
      %dma_wait3A_34 = tpu.memref_slice %arg7[%add3A, %dma_wait3A_32, %dma_wait3A_33] : memref<32x20x128xi32, #tpu.memory_space<hbm>> -> memref<1x20x128xi32, #tpu.memory_space<hbm>>
      %dma_wait3A_35 = tpu.memref_squeeze %dma_wait3A_34 : memref<1x20x128xi32, #tpu.memory_space<hbm>> -> memref<20x128xi32, #tpu.memory_space<hbm>>
      tpu.wait_dma2 semaphore(%run_scoped3A : memref<!tpu.dma_semaphore, #tpu.memory_space<semaphore_mem>>) src(%dma_wait3A_35 : memref<20x128xi32, #tpu.memory_space<hbm>>) dst(%arg19 : memref<20x128xi32, #tpu.memory_space<vmem>>)
      tpu.yield
    }) : () -> ()
    %scan3A_16 = arith.constant 8.000000e-01 : f32
    %scan3A_17 = arith.constant 0 : i32
    %scan3A_18 = arith.constant 160 : i32
    %scan3A_19 = arith.addi %scan3A_17, %scan3A_18 : i32
    %scan3A_20 = arith.constant 1 : i32
    scf.for %scan3A_22 = %scan3A_17 to %scan3A_19 step %scan3A_20  : i32 {
      %jit3A = arith.constant 8 : i32
      %div3A = arith.divsi %scan3A_22, %jit3A : i32
      %sign3A = arith.constant 0 : i32
      %sign3A_23 = arith.cmpi sgt, %scan3A_22, %sign3A : i32
      %sign3A_24 = arith.extui %sign3A_23 : i1 to i32
      %sign3A_25 = arith.constant 0 : i32
      %sign3A_26 = arith.cmpi slt, %scan3A_22, %sign3A_25 : i32
      %sign3A_27 = arith.extui %sign3A_26 : i1 to i32
      %sign3A_28 = arith.subi %sign3A_24, %sign3A_27 : i32
      %sign3A_29 = arith.constant 0 : i32
      %sign3A_30 = arith.cmpi sgt, %jit3A, %sign3A_29 : i32
      %sign3A_31 = arith.extui %sign3A_30 : i1 to i32
      %sign3A_32 = arith.constant 0 : i32
      %sign3A_33 = arith.cmpi slt, %jit3A, %sign3A_32 : i32
      %sign3A_34 = arith.extui %sign3A_33 : i1 to i32
      %sign3A_35 = arith.subi %sign3A_31, %sign3A_34 : i32
      %ne3A = arith.cmpi ne, %sign3A_28, %sign3A_35 : i32
      %rem3A = arith.remsi %scan3A_22, %jit3A : i32
      %ne3A_36 = arith.constant 0 : i32
      %ne3A_37 = arith.cmpi ne, %rem3A, %ne3A_36 : i32
      %and3A = arith.andi %ne3A, %ne3A_37 : i1
      %sub3A = arith.constant 1 : i32
      %sub3A_38 = arith.subi %div3A, %sub3A : i32
      %select_n3A = arith.select %and3A, %sub3A_38, %div3A : i32
      %jit3A_39 = arith.constant 8 : i32
      %eq3A = arith.constant 0 : i32
      %eq3A_40 = arith.cmpi eq, %jit3A_39, %eq3A : i32
      %jit3A_41 = arith.constant 1 : i32
      %select_n3A_42 = arith.select %eq3A_40, %jit3A_41, %jit3A_39 : i32
      %rem3A_43 = arith.remsi %scan3A_22, %select_n3A_42 : i32
      %ne3A_44 = arith.constant 0 : i32
      %ne3A_45 = arith.cmpi ne, %rem3A_43, %ne3A_44 : i32
      %lt3A = arith.constant 0 : i32
      %lt3A_46 = arith.cmpi slt, %rem3A_43, %lt3A : i32
      %lt3A_47 = arith.constant 0 : i32
      %lt3A_48 = arith.cmpi slt, %select_n3A_42, %lt3A_47 : i32
      %ne3A_49 = arith.xori %lt3A_46, %lt3A_48 : i1
      %and3A_50 = arith.andi %ne3A_49, %ne3A_45 : i1
      %add3A_51 = arith.addi %rem3A_43, %select_n3A_42 : i32
      %select_n3A_52 = arith.select %and3A_50, %add3A_51, %rem3A_43 : i32
      %mul3A_53 = arith.constant 16 : i32
      %mul3A_54 = arith.muli %select_n3A_52, %mul3A_53 : i32
      %get3A = arith.index_cast %select_n3A : i32 to index
      %get3A_55 = arith.index_cast %mul3A_54 : i32 to index
      %get3A_56 = tpu.vector_load %arg19[%get3A, %get3A_55] {strides = array<i32>} : memref<20x128xi32, #tpu.memory_space<vmem>>, vector<16xi32>,
      %get3A_57 = arith.index_cast %select_n3A : i32 to index
      %get3A_58 = arith.index_cast %mul3A_54 : i32 to index
      %get3A_59 = tpu.vector_load %arg18[%get3A_57, %get3A_58] {strides = array<i32>} : memref<20x128xf32, #tpu.memory_space<vmem>>, vector<16xf32>,
      %gather3A = tpu.vector_load_idx %arg13[%get3A_56] : memref<10240xf32, #tpu.memory_space<vmem>>[vector<16xi32>], vector<16xf32>,
      %add3A_60 = arith.constant 1.000000e-16 : f32
      %add3A_61 = vector.broadcast %add3A_60 : f32 to vector<16xf32>
      %add3A_62 = arith.addf %gather3A, %add3A_61 : vector<16xf32>
      %div3A_63 = arith.divf %get3A_59, %add3A_62 : vector<16xf32>
      %swap3A = arith.index_cast %select_n3A : i32 to index
      %swap3A_64 = arith.index_cast %mul3A_54 : i32 to index
      %swap3A_65 = tpu.vector_load %arg20[%swap3A, %swap3A_64] {strides = array<i32>} : memref<20x128xf32, #tpu.memory_space<vmem>>, vector<16xf32>,
      tpu.vector_store %arg20[%swap3A, %swap3A_64], %div3A_63 {strides = array<i32>} : memref<20x128xf32, #tpu.memory_space<vmem>>, vector<16xf32>,
      %mul3A_66 = vector.broadcast %scan3A_16 : f32 to vector<16xf32>
      %mul3A_67 = arith.mulf %div3A_63, %mul3A_66 : vector<16xf32>
      %swap3A_68 = arith.index_cast %select_n3A : i32 to index
      %swap3A_69 = arith.index_cast %mul3A_54 : i32 to index
      %swap3A_70 = tpu.vector_load %arg21[%swap3A_68, %swap3A_69] {strides = array<i32>} : memref<20x128xf32, #tpu.memory_space<vmem>>, vector<16xf32>,
      tpu.vector_store %arg21[%swap3A_68, %swap3A_69], %mul3A_67 {strides = array<i32>} : memref<20x128xf32, #tpu.memory_space<vmem>>, vector<16xf32>,
    }
    %scan3A_21 = arith.constant 160 : i32
    "tpu.region"() ({
      %run_scoped3A = tpu.sem_alloc : memref<!tpu.dma_semaphore, #tpu.memory_space<semaphore_mem>>
      %dma_start3A = arith.constant 0 : i32
      %dma_start3A_22 = arith.constant 0 : i32
      %dma_start3A_23 = tpu.memref_slice %arg9[%add3A, %dma_start3A, %dma_start3A_22] : memref<32x20x128xf32, #tpu.memory_space<hbm>> -> memref<1x20x128xf32, #tpu.memory_space<hbm>>
      %dma_start3A_24 = tpu.memref_squeeze %dma_start3A_23 : memref<1x20x128xf32, #tpu.memory_space<hbm>> -> memref<20x128xf32, #tpu.memory_space<hbm>>
      %dma_start3A_25 = arith.constant 0 : i32
      %dma_start3A_26 = arith.constant 0 : i32
      %dma_start3A_27 = tpu.memref_slice %arg9[%add3A, %dma_start3A_25, %dma_start3A_26] : memref<32x20x128xf32, #tpu.memory_space<hbm>> -> memref<1x20x128xf32, #tpu.memory_space<hbm>>
      %dma_start3A_28 = tpu.memref_squeeze %dma_start3A_27 : memref<1x20x128xf32, #tpu.memory_space<hbm>> -> memref<20x128xf32, #tpu.memory_space<hbm>>
      tpu.enqueue_dma source(%arg20 : memref<20x128xf32, #tpu.memory_space<vmem>>) target(%dma_start3A_28 : memref<20x128xf32, #tpu.memory_space<hbm>>) target_semaphore(%run_scoped3A : memref<!tpu.dma_semaphore, #tpu.memory_space<semaphore_mem>>)
      %dma_wait3A = arith.constant 0 : i32
      %dma_wait3A_29 = arith.constant 0 : i32
      %dma_wait3A_30 = tpu.memref_slice %arg9[%add3A, %dma_wait3A, %dma_wait3A_29] : memref<32x20x128xf32, #tpu.memory_space<hbm>> -> memref<1x20x128xf32, #tpu.memory_space<hbm>>
      %dma_wait3A_31 = tpu.memref_squeeze %dma_wait3A_30 : memref<1x20x128xf32, #tpu.memory_space<hbm>> -> memref<20x128xf32, #tpu.memory_space<hbm>>
      %dma_wait3A_32 = arith.constant 0 : i32
      %dma_wait3A_33 = arith.constant 0 : i32
      %dma_wait3A_34 = tpu.memref_slice %arg9[%add3A, %dma_wait3A_32, %dma_wait3A_33] : memref<32x20x128xf32, #tpu.memory_space<hbm>> -> memref<1x20x128xf32, #tpu.memory_space<hbm>>
      %dma_wait3A_35 = tpu.memref_squeeze %dma_wait3A_34 : memref<1x20x128xf32, #tpu.memory_space<hbm>> -> memref<20x128xf32, #tpu.memory_space<hbm>>
      tpu.wait_dma2 semaphore(%run_scoped3A : memref<!tpu.dma_semaphore, #tpu.memory_space<semaphore_mem>>) src(%arg20 : memref<20x128xf32, #tpu.memory_space<vmem>>) dst(%dma_wait3A_35 : memref<20x128xf32, #tpu.memory_space<hbm>>)
      tpu.yield
    }) : () -> ()
    "tpu.region"() ({
      %run_scoped3A = tpu.sem_alloc : memref<!tpu.dma_semaphore, #tpu.memory_space<semaphore_mem>>
      %dma_start3A = arith.constant 0 : i32
      %dma_start3A_22 = arith.constant 0 : i32
      %dma_start3A_23 = tpu.memref_slice %arg11[%add3A, %dma_start3A, %dma_start3A_22] : memref<32x20x128xf32, #tpu.memory_space<hbm>> -> memref<1x20x128xf32, #tpu.memory_space<hbm>>
      %dma_start3A_24 = tpu.memref_squeeze %dma_start3A_23 : memref<1x20x128xf32, #tpu.memory_space<hbm>> -> memref<20x128xf32, #tpu.memory_space<hbm>>
      %dma_start3A_25 = arith.constant 0 : i32
      %dma_start3A_26 = arith.constant 0 : i32
      %dma_start3A_27 = tpu.memref_slice %arg11[%add3A, %dma_start3A_25, %dma_start3A_26] : memref<32x20x128xf32, #tpu.memory_space<hbm>> -> memref<1x20x128xf32, #tpu.memory_space<hbm>>
      %dma_start3A_28 = tpu.memref_squeeze %dma_start3A_27 : memref<1x20x128xf32, #tpu.memory_space<hbm>> -> memref<20x128xf32, #tpu.memory_space<hbm>>
      tpu.enqueue_dma source(%arg21 : memref<20x128xf32, #tpu.memory_space<vmem>>) target(%dma_start3A_28 : memref<20x128xf32, #tpu.memory_space<hbm>>) target_semaphore(%run_scoped3A : memref<!tpu.dma_semaphore, #tpu.memory_space<semaphore_mem>>)
      %dma_wait3A = arith.constant 0 : i32
      %dma_wait3A_29 = arith.constant 0 : i32
      %dma_wait3A_30 = tpu.memref_slice %arg11[%add3A, %dma_wait3A, %dma_wait3A_29] : memref<32x20x128xf32, #tpu.memory_space<hbm>> -> memref<1x20x128xf32, #tpu.memory_space<hbm>>
      %dma_wait3A_31 = tpu.memref_squeeze %dma_wait3A_30 : memref<1x20x128xf32, #tpu.memory_space<hbm>> -> memref<20x128xf32, #tpu.memory_space<hbm>>
      %dma_wait3A_32 = arith.constant 0 : i32
      %dma_wait3A_33 = arith.constant 0 : i32
      %dma_wait3A_34 = tpu.memref_slice %arg11[%add3A, %dma_wait3A_32, %dma_wait3A_33] : memref<32x20x128xf32, #tpu.memory_space<hbm>> -> memref<1x20x128xf32, #tpu.memory_space<hbm>>
      %dma_wait3A_35 = tpu.memref_squeeze %dma_wait3A_34 : memref<1x20x128xf32, #tpu.memory_space<hbm>> -> memref<20x128xf32, #tpu.memory_space<hbm>>
      tpu.wait_dma2 semaphore(%run_scoped3A : memref<!tpu.dma_semaphore, #tpu.memory_space<semaphore_mem>>) src(%arg21 : memref<20x128xf32, #tpu.memory_space<vmem>>) dst(%dma_wait3A_35 : memref<20x128xf32, #tpu.memory_space<hbm>>)
      tpu.yield
    }) : () -> ()
    return
  }
}

#map = affine_map<(d0, d1) -> (0)>
#map1 = affine_map<(d0, d1) -> (0, 0, 0)>
module attributes {stable_mosaic.version = 14 : i64} {
  func.func @_k1a_body(%arg0: i32, %arg1: i32, %arg2: memref<10240xf32, #tpu.memory_space<hbm>>, %arg3: memref<10240xf32, #tpu.memory_space<hbm>>, %arg4: memref<10240xf32, #tpu.memory_space<hbm>>, %arg5: memref<10240xf32, #tpu.memory_space<hbm>>, %arg6: memref<32x40x128xi32, #tpu.memory_space<hbm>>, %arg7: memref<32x40x128xi32, #tpu.memory_space<hbm>>, %arg8: memref<32x40x128xf32, #tpu.memory_space<hbm>>, %arg9: memref<32x20x128xi32, #tpu.memory_space<hbm>>, %arg10: memref<32x20x128xi32, #tpu.memory_space<hbm>>, %arg11: memref<32x20x128xf32, #tpu.memory_space<hbm>>, %arg12: memref<32x40x128xf32, #tpu.memory_space<hbm>>, %arg13: memref<32x20x128xf32, #tpu.memory_space<hbm>>, %arg14: memref<2x1x10240xf32, #tpu.memory_space<hbm>>, %arg15: memref<2x1x10240xf32, #tpu.memory_space<hbm>>, %arg16: memref<10240xf32, #tpu.memory_space<vmem>>, %arg17: memref<10240xf32, #tpu.memory_space<vmem>>, %arg18: memref<10240xf32, #tpu.memory_space<vmem>>, %arg19: memref<10240xf32, #tpu.memory_space<vmem>>, %arg20: memref<40x128xi32, #tpu.memory_space<vmem>>, %arg21: memref<40x128xi32, #tpu.memory_space<vmem>>, %arg22: memref<40x128xf32, #tpu.memory_space<vmem>>, %arg23: memref<40x128xf32, #tpu.memory_space<vmem>>, %arg24: memref<20x128xi32, #tpu.memory_space<vmem>>, %arg25: memref<20x128xi32, #tpu.memory_space<vmem>>, %arg26: memref<20x128xf32, #tpu.memory_space<vmem>>, %arg27: memref<20x128xf32, #tpu.memory_space<vmem>>, %arg28: memref<10240xf32, #tpu.memory_space<vmem>>, %arg29: memref<1x10240xf32, #tpu.memory_space<vmem_shared>>, %arg30: memref<1x10240xf32, #tpu.memory_space<vmem_shared>>) attributes {dimension_semantics = [#tpu.dimension_semantics<core_parallel>, #tpu.dimension_semantics<subcore_parallel>], iteration_bounds = array<i64: 2, 16>, scalar_prefetch = 0 : i64, scratch_operands = 15 : i64, tpu.core_type = #tpu.core_type<sc_vector_subcore>, window_params = [{transform_indices = #map}, {transform_indices = #map}, {transform_indices = #map}, {transform_indices = #map}, {transform_indices = #map1}, {transform_indices = #map1}, {transform_indices = #map1}, {transform_indices = #map1}, {transform_indices = #map1}, {transform_indices = #map1}, {transform_indices = #map1}, {transform_indices = #map1}, {transform_indices = #map1}, {transform_indices = #map1}]} {
    %mul3A = arith.constant 2 : i32
    %mul3A_0 = arith.muli %arg1, %mul3A : i32
    %add3A = arith.addi %mul3A_0, %arg0 : i32
    "tpu.region"() ({
      %run_scoped3A = tpu.sem_alloc : memref<!tpu.dma_semaphore, #tpu.memory_space<semaphore_mem>>
      tpu.enqueue_dma source(%arg2 : memref<10240xf32, #tpu.memory_space<hbm>>) target(%arg16 : memref<10240xf32, #tpu.memory_space<vmem>>) target_semaphore(%run_scoped3A : memref<!tpu.dma_semaphore, #tpu.memory_space<semaphore_mem>>)
      tpu.wait_dma2 semaphore(%run_scoped3A : memref<!tpu.dma_semaphore, #tpu.memory_space<semaphore_mem>>) src(%arg2 : memref<10240xf32, #tpu.memory_space<hbm>>) dst(%arg16 : memref<10240xf32, #tpu.memory_space<vmem>>)
      tpu.yield
    }) : () -> ()
    "tpu.region"() ({
      %run_scoped3A = tpu.sem_alloc : memref<!tpu.dma_semaphore, #tpu.memory_space<semaphore_mem>>
      tpu.enqueue_dma source(%arg3 : memref<10240xf32, #tpu.memory_space<hbm>>) target(%arg17 : memref<10240xf32, #tpu.memory_space<vmem>>) target_semaphore(%run_scoped3A : memref<!tpu.dma_semaphore, #tpu.memory_space<semaphore_mem>>)
      tpu.wait_dma2 semaphore(%run_scoped3A : memref<!tpu.dma_semaphore, #tpu.memory_space<semaphore_mem>>) src(%arg3 : memref<10240xf32, #tpu.memory_space<hbm>>) dst(%arg17 : memref<10240xf32, #tpu.memory_space<vmem>>)
      tpu.yield
    }) : () -> ()
    "tpu.region"() ({
      %run_scoped3A = tpu.sem_alloc : memref<!tpu.dma_semaphore, #tpu.memory_space<semaphore_mem>>
      tpu.enqueue_dma source(%arg4 : memref<10240xf32, #tpu.memory_space<hbm>>) target(%arg18 : memref<10240xf32, #tpu.memory_space<vmem>>) target_semaphore(%run_scoped3A : memref<!tpu.dma_semaphore, #tpu.memory_space<semaphore_mem>>)
      tpu.wait_dma2 semaphore(%run_scoped3A : memref<!tpu.dma_semaphore, #tpu.memory_space<semaphore_mem>>) src(%arg4 : memref<10240xf32, #tpu.memory_space<hbm>>) dst(%arg18 : memref<10240xf32, #tpu.memory_space<vmem>>)
      tpu.yield
    }) : () -> ()
    "tpu.region"() ({
      %run_scoped3A = tpu.sem_alloc : memref<!tpu.dma_semaphore, #tpu.memory_space<semaphore_mem>>
      tpu.enqueue_dma source(%arg5 : memref<10240xf32, #tpu.memory_space<hbm>>) target(%arg19 : memref<10240xf32, #tpu.memory_space<vmem>>) target_semaphore(%run_scoped3A : memref<!tpu.dma_semaphore, #tpu.memory_space<semaphore_mem>>)
      tpu.wait_dma2 semaphore(%run_scoped3A : memref<!tpu.dma_semaphore, #tpu.memory_space<semaphore_mem>>) src(%arg5 : memref<10240xf32, #tpu.memory_space<hbm>>) dst(%arg19 : memref<10240xf32, #tpu.memory_space<vmem>>)
      tpu.yield
    }) : () -> ()
    "tpu.region"() ({
      %run_scoped3A = tpu.sem_alloc : memref<!tpu.dma_semaphore, #tpu.memory_space<semaphore_mem>>
      %dma_start3A = arith.constant 0 : i32
      %dma_start3A_33 = arith.constant 0 : i32
      %dma_start3A_34 = tpu.memref_slice %arg6[%add3A, %dma_start3A, %dma_start3A_33] : memref<32x40x128xi32, #tpu.memory_space<hbm>> -> memref<1x40x128xi32, #tpu.memory_space<hbm>>
      %dma_start3A_35 = tpu.memref_squeeze %dma_start3A_34 : memref<1x40x128xi32, #tpu.memory_space<hbm>> -> memref<40x128xi32, #tpu.memory_space<hbm>>
      %dma_start3A_36 = arith.constant 0 : i32
      %dma_start3A_37 = arith.constant 0 : i32
      %dma_start3A_38 = tpu.memref_slice %arg6[%add3A, %dma_start3A_36, %dma_start3A_37] : memref<32x40x128xi32, #tpu.memory_space<hbm>> -> memref<1x40x128xi32, #tpu.memory_space<hbm>>
      %dma_start3A_39 = tpu.memref_squeeze %dma_start3A_38 : memref<1x40x128xi32, #tpu.memory_space<hbm>> -> memref<40x128xi32, #tpu.memory_space<hbm>>
      tpu.enqueue_dma source(%dma_start3A_39 : memref<40x128xi32, #tpu.memory_space<hbm>>) target(%arg20 : memref<40x128xi32, #tpu.memory_space<vmem>>) target_semaphore(%run_scoped3A : memref<!tpu.dma_semaphore, #tpu.memory_space<semaphore_mem>>)
      %dma_wait3A = arith.constant 0 : i32
      %dma_wait3A_40 = arith.constant 0 : i32
      %dma_wait3A_41 = tpu.memref_slice %arg6[%add3A, %dma_wait3A, %dma_wait3A_40] : memref<32x40x128xi32, #tpu.memory_space<hbm>> -> memref<1x40x128xi32, #tpu.memory_space<hbm>>
      %dma_wait3A_42 = tpu.memref_squeeze %dma_wait3A_41 : memref<1x40x128xi32, #tpu.memory_space<hbm>> -> memref<40x128xi32, #tpu.memory_space<hbm>>
      %dma_wait3A_43 = arith.constant 0 : i32
      %dma_wait3A_44 = arith.constant 0 : i32
      %dma_wait3A_45 = tpu.memref_slice %arg6[%add3A, %dma_wait3A_43, %dma_wait3A_44] : memref<32x40x128xi32, #tpu.memory_space<hbm>> -> memref<1x40x128xi32, #tpu.memory_space<hbm>>
      %dma_wait3A_46 = tpu.memref_squeeze %dma_wait3A_45 : memref<1x40x128xi32, #tpu.memory_space<hbm>> -> memref<40x128xi32, #tpu.memory_space<hbm>>
      tpu.wait_dma2 semaphore(%run_scoped3A : memref<!tpu.dma_semaphore, #tpu.memory_space<semaphore_mem>>) src(%dma_wait3A_46 : memref<40x128xi32, #tpu.memory_space<hbm>>) dst(%arg20 : memref<40x128xi32, #tpu.memory_space<vmem>>)
      tpu.yield
    }) : () -> ()
    "tpu.region"() ({
      %run_scoped3A = tpu.sem_alloc : memref<!tpu.dma_semaphore, #tpu.memory_space<semaphore_mem>>
      %dma_start3A = arith.constant 0 : i32
      %dma_start3A_33 = arith.constant 0 : i32
      %dma_start3A_34 = tpu.memref_slice %arg7[%add3A, %dma_start3A, %dma_start3A_33] : memref<32x40x128xi32, #tpu.memory_space<hbm>> -> memref<1x40x128xi32, #tpu.memory_space<hbm>>
      %dma_start3A_35 = tpu.memref_squeeze %dma_start3A_34 : memref<1x40x128xi32, #tpu.memory_space<hbm>> -> memref<40x128xi32, #tpu.memory_space<hbm>>
      %dma_start3A_36 = arith.constant 0 : i32
      %dma_start3A_37 = arith.constant 0 : i32
      %dma_start3A_38 = tpu.memref_slice %arg7[%add3A, %dma_start3A_36, %dma_start3A_37] : memref<32x40x128xi32, #tpu.memory_space<hbm>> -> memref<1x40x128xi32, #tpu.memory_space<hbm>>
      %dma_start3A_39 = tpu.memref_squeeze %dma_start3A_38 : memref<1x40x128xi32, #tpu.memory_space<hbm>> -> memref<40x128xi32, #tpu.memory_space<hbm>>
      tpu.enqueue_dma source(%dma_start3A_39 : memref<40x128xi32, #tpu.memory_space<hbm>>) target(%arg21 : memref<40x128xi32, #tpu.memory_space<vmem>>) target_semaphore(%run_scoped3A : memref<!tpu.dma_semaphore, #tpu.memory_space<semaphore_mem>>)
      %dma_wait3A = arith.constant 0 : i32
      %dma_wait3A_40 = arith.constant 0 : i32
      %dma_wait3A_41 = tpu.memref_slice %arg7[%add3A, %dma_wait3A, %dma_wait3A_40] : memref<32x40x128xi32, #tpu.memory_space<hbm>> -> memref<1x40x128xi32, #tpu.memory_space<hbm>>
      %dma_wait3A_42 = tpu.memref_squeeze %dma_wait3A_41 : memref<1x40x128xi32, #tpu.memory_space<hbm>> -> memref<40x128xi32, #tpu.memory_space<hbm>>
      %dma_wait3A_43 = arith.constant 0 : i32
      %dma_wait3A_44 = arith.constant 0 : i32
      %dma_wait3A_45 = tpu.memref_slice %arg7[%add3A, %dma_wait3A_43, %dma_wait3A_44] : memref<32x40x128xi32, #tpu.memory_space<hbm>> -> memref<1x40x128xi32, #tpu.memory_space<hbm>>
      %dma_wait3A_46 = tpu.memref_squeeze %dma_wait3A_45 : memref<1x40x128xi32, #tpu.memory_space<hbm>> -> memref<40x128xi32, #tpu.memory_space<hbm>>
      tpu.wait_dma2 semaphore(%run_scoped3A : memref<!tpu.dma_semaphore, #tpu.memory_space<semaphore_mem>>) src(%dma_wait3A_46 : memref<40x128xi32, #tpu.memory_space<hbm>>) dst(%arg21 : memref<40x128xi32, #tpu.memory_space<vmem>>)
      tpu.yield
    }) : () -> ()
    "tpu.region"() ({
      %run_scoped3A = tpu.sem_alloc : memref<!tpu.dma_semaphore, #tpu.memory_space<semaphore_mem>>
      %dma_start3A = arith.constant 0 : i32
      %dma_start3A_33 = arith.constant 0 : i32
      %dma_start3A_34 = tpu.memref_slice %arg8[%add3A, %dma_start3A, %dma_start3A_33] : memref<32x40x128xf32, #tpu.memory_space<hbm>> -> memref<1x40x128xf32, #tpu.memory_space<hbm>>
      %dma_start3A_35 = tpu.memref_squeeze %dma_start3A_34 : memref<1x40x128xf32, #tpu.memory_space<hbm>> -> memref<40x128xf32, #tpu.memory_space<hbm>>
      %dma_start3A_36 = arith.constant 0 : i32
      %dma_start3A_37 = arith.constant 0 : i32
      %dma_start3A_38 = tpu.memref_slice %arg8[%add3A, %dma_start3A_36, %dma_start3A_37] : memref<32x40x128xf32, #tpu.memory_space<hbm>> -> memref<1x40x128xf32, #tpu.memory_space<hbm>>
      %dma_start3A_39 = tpu.memref_squeeze %dma_start3A_38 : memref<1x40x128xf32, #tpu.memory_space<hbm>> -> memref<40x128xf32, #tpu.memory_space<hbm>>
      tpu.enqueue_dma source(%dma_start3A_39 : memref<40x128xf32, #tpu.memory_space<hbm>>) target(%arg22 : memref<40x128xf32, #tpu.memory_space<vmem>>) target_semaphore(%run_scoped3A : memref<!tpu.dma_semaphore, #tpu.memory_space<semaphore_mem>>)
      %dma_wait3A = arith.constant 0 : i32
      %dma_wait3A_40 = arith.constant 0 : i32
      %dma_wait3A_41 = tpu.memref_slice %arg8[%add3A, %dma_wait3A, %dma_wait3A_40] : memref<32x40x128xf32, #tpu.memory_space<hbm>> -> memref<1x40x128xf32, #tpu.memory_space<hbm>>
      %dma_wait3A_42 = tpu.memref_squeeze %dma_wait3A_41 : memref<1x40x128xf32, #tpu.memory_space<hbm>> -> memref<40x128xf32, #tpu.memory_space<hbm>>
      %dma_wait3A_43 = arith.constant 0 : i32
      %dma_wait3A_44 = arith.constant 0 : i32
      %dma_wait3A_45 = tpu.memref_slice %arg8[%add3A, %dma_wait3A_43, %dma_wait3A_44] : memref<32x40x128xf32, #tpu.memory_space<hbm>> -> memref<1x40x128xf32, #tpu.memory_space<hbm>>
      %dma_wait3A_46 = tpu.memref_squeeze %dma_wait3A_45 : memref<1x40x128xf32, #tpu.memory_space<hbm>> -> memref<40x128xf32, #tpu.memory_space<hbm>>
      tpu.wait_dma2 semaphore(%run_scoped3A : memref<!tpu.dma_semaphore, #tpu.memory_space<semaphore_mem>>) src(%dma_wait3A_46 : memref<40x128xf32, #tpu.memory_space<hbm>>) dst(%arg22 : memref<40x128xf32, #tpu.memory_space<vmem>>)
      tpu.yield
    }) : () -> ()
    "tpu.region"() ({
      %run_scoped3A = tpu.sem_alloc : memref<!tpu.dma_semaphore, #tpu.memory_space<semaphore_mem>>
      %dma_start3A = arith.constant 0 : i32
      %dma_start3A_33 = arith.constant 0 : i32
      %dma_start3A_34 = tpu.memref_slice %arg9[%add3A, %dma_start3A, %dma_start3A_33] : memref<32x20x128xi32, #tpu.memory_space<hbm>> -> memref<1x20x128xi32, #tpu.memory_space<hbm>>
      %dma_start3A_35 = tpu.memref_squeeze %dma_start3A_34 : memref<1x20x128xi32, #tpu.memory_space<hbm>> -> memref<20x128xi32, #tpu.memory_space<hbm>>
      %dma_start3A_36 = arith.constant 0 : i32
      %dma_start3A_37 = arith.constant 0 : i32
      %dma_start3A_38 = tpu.memref_slice %arg9[%add3A, %dma_start3A_36, %dma_start3A_37] : memref<32x20x128xi32, #tpu.memory_space<hbm>> -> memref<1x20x128xi32, #tpu.memory_space<hbm>>
      %dma_start3A_39 = tpu.memref_squeeze %dma_start3A_38 : memref<1x20x128xi32, #tpu.memory_space<hbm>> -> memref<20x128xi32, #tpu.memory_space<hbm>>
      tpu.enqueue_dma source(%dma_start3A_39 : memref<20x128xi32, #tpu.memory_space<hbm>>) target(%arg24 : memref<20x128xi32, #tpu.memory_space<vmem>>) target_semaphore(%run_scoped3A : memref<!tpu.dma_semaphore, #tpu.memory_space<semaphore_mem>>)
      %dma_wait3A = arith.constant 0 : i32
      %dma_wait3A_40 = arith.constant 0 : i32
      %dma_wait3A_41 = tpu.memref_slice %arg9[%add3A, %dma_wait3A, %dma_wait3A_40] : memref<32x20x128xi32, #tpu.memory_space<hbm>> -> memref<1x20x128xi32, #tpu.memory_space<hbm>>
      %dma_wait3A_42 = tpu.memref_squeeze %dma_wait3A_41 : memref<1x20x128xi32, #tpu.memory_space<hbm>> -> memref<20x128xi32, #tpu.memory_space<hbm>>
      %dma_wait3A_43 = arith.constant 0 : i32
      %dma_wait3A_44 = arith.constant 0 : i32
      %dma_wait3A_45 = tpu.memref_slice %arg9[%add3A, %dma_wait3A_43, %dma_wait3A_44] : memref<32x20x128xi32, #tpu.memory_space<hbm>> -> memref<1x20x128xi32, #tpu.memory_space<hbm>>
      %dma_wait3A_46 = tpu.memref_squeeze %dma_wait3A_45 : memref<1x20x128xi32, #tpu.memory_space<hbm>> -> memref<20x128xi32, #tpu.memory_space<hbm>>
      tpu.wait_dma2 semaphore(%run_scoped3A : memref<!tpu.dma_semaphore, #tpu.memory_space<semaphore_mem>>) src(%dma_wait3A_46 : memref<20x128xi32, #tpu.memory_space<hbm>>) dst(%arg24 : memref<20x128xi32, #tpu.memory_space<vmem>>)
      tpu.yield
    }) : () -> ()
    "tpu.region"() ({
      %run_scoped3A = tpu.sem_alloc : memref<!tpu.dma_semaphore, #tpu.memory_space<semaphore_mem>>
      %dma_start3A = arith.constant 0 : i32
      %dma_start3A_33 = arith.constant 0 : i32
      %dma_start3A_34 = tpu.memref_slice %arg10[%add3A, %dma_start3A, %dma_start3A_33] : memref<32x20x128xi32, #tpu.memory_space<hbm>> -> memref<1x20x128xi32, #tpu.memory_space<hbm>>
      %dma_start3A_35 = tpu.memref_squeeze %dma_start3A_34 : memref<1x20x128xi32, #tpu.memory_space<hbm>> -> memref<20x128xi32, #tpu.memory_space<hbm>>
      %dma_start3A_36 = arith.constant 0 : i32
      %dma_start3A_37 = arith.constant 0 : i32
      %dma_start3A_38 = tpu.memref_slice %arg10[%add3A, %dma_start3A_36, %dma_start3A_37] : memref<32x20x128xi32, #tpu.memory_space<hbm>> -> memref<1x20x128xi32, #tpu.memory_space<hbm>>
      %dma_start3A_39 = tpu.memref_squeeze %dma_start3A_38 : memref<1x20x128xi32, #tpu.memory_space<hbm>> -> memref<20x128xi32, #tpu.memory_space<hbm>>
      tpu.enqueue_dma source(%dma_start3A_39 : memref<20x128xi32, #tpu.memory_space<hbm>>) target(%arg25 : memref<20x128xi32, #tpu.memory_space<vmem>>) target_semaphore(%run_scoped3A : memref<!tpu.dma_semaphore, #tpu.memory_space<semaphore_mem>>)
      %dma_wait3A = arith.constant 0 : i32
      %dma_wait3A_40 = arith.constant 0 : i32
      %dma_wait3A_41 = tpu.memref_slice %arg10[%add3A, %dma_wait3A, %dma_wait3A_40] : memref<32x20x128xi32, #tpu.memory_space<hbm>> -> memref<1x20x128xi32, #tpu.memory_space<hbm>>
      %dma_wait3A_42 = tpu.memref_squeeze %dma_wait3A_41 : memref<1x20x128xi32, #tpu.memory_space<hbm>> -> memref<20x128xi32, #tpu.memory_space<hbm>>
      %dma_wait3A_43 = arith.constant 0 : i32
      %dma_wait3A_44 = arith.constant 0 : i32
      %dma_wait3A_45 = tpu.memref_slice %arg10[%add3A, %dma_wait3A_43, %dma_wait3A_44] : memref<32x20x128xi32, #tpu.memory_space<hbm>> -> memref<1x20x128xi32, #tpu.memory_space<hbm>>
      %dma_wait3A_46 = tpu.memref_squeeze %dma_wait3A_45 : memref<1x20x128xi32, #tpu.memory_space<hbm>> -> memref<20x128xi32, #tpu.memory_space<hbm>>
      tpu.wait_dma2 semaphore(%run_scoped3A : memref<!tpu.dma_semaphore, #tpu.memory_space<semaphore_mem>>) src(%dma_wait3A_46 : memref<20x128xi32, #tpu.memory_space<hbm>>) dst(%arg25 : memref<20x128xi32, #tpu.memory_space<vmem>>)
      tpu.yield
    }) : () -> ()
    "tpu.region"() ({
      %run_scoped3A = tpu.sem_alloc : memref<!tpu.dma_semaphore, #tpu.memory_space<semaphore_mem>>
      %dma_start3A = arith.constant 0 : i32
      %dma_start3A_33 = arith.constant 0 : i32
      %dma_start3A_34 = tpu.memref_slice %arg11[%add3A, %dma_start3A, %dma_start3A_33] : memref<32x20x128xf32, #tpu.memory_space<hbm>> -> memref<1x20x128xf32, #tpu.memory_space<hbm>>
      %dma_start3A_35 = tpu.memref_squeeze %dma_start3A_34 : memref<1x20x128xf32, #tpu.memory_space<hbm>> -> memref<20x128xf32, #tpu.memory_space<hbm>>
      %dma_start3A_36 = arith.constant 0 : i32
      %dma_start3A_37 = arith.constant 0 : i32
      %dma_start3A_38 = tpu.memref_slice %arg11[%add3A, %dma_start3A_36, %dma_start3A_37] : memref<32x20x128xf32, #tpu.memory_space<hbm>> -> memref<1x20x128xf32, #tpu.memory_space<hbm>>
      %dma_start3A_39 = tpu.memref_squeeze %dma_start3A_38 : memref<1x20x128xf32, #tpu.memory_space<hbm>> -> memref<20x128xf32, #tpu.memory_space<hbm>>
      tpu.enqueue_dma source(%dma_start3A_39 : memref<20x128xf32, #tpu.memory_space<hbm>>) target(%arg26 : memref<20x128xf32, #tpu.memory_space<vmem>>) target_semaphore(%run_scoped3A : memref<!tpu.dma_semaphore, #tpu.memory_space<semaphore_mem>>)
      %dma_wait3A = arith.constant 0 : i32
      %dma_wait3A_40 = arith.constant 0 : i32
      %dma_wait3A_41 = tpu.memref_slice %arg11[%add3A, %dma_wait3A, %dma_wait3A_40] : memref<32x20x128xf32, #tpu.memory_space<hbm>> -> memref<1x20x128xf32, #tpu.memory_space<hbm>>
      %dma_wait3A_42 = tpu.memref_squeeze %dma_wait3A_41 : memref<1x20x128xf32, #tpu.memory_space<hbm>> -> memref<20x128xf32, #tpu.memory_space<hbm>>
      %dma_wait3A_43 = arith.constant 0 : i32
      %dma_wait3A_44 = arith.constant 0 : i32
      %dma_wait3A_45 = tpu.memref_slice %arg11[%add3A, %dma_wait3A_43, %dma_wait3A_44] : memref<32x20x128xf32, #tpu.memory_space<hbm>> -> memref<1x20x128xf32, #tpu.memory_space<hbm>>
      %dma_wait3A_46 = tpu.memref_squeeze %dma_wait3A_45 : memref<1x20x128xf32, #tpu.memory_space<hbm>> -> memref<20x128xf32, #tpu.memory_space<hbm>>
      tpu.wait_dma2 semaphore(%run_scoped3A : memref<!tpu.dma_semaphore, #tpu.memory_space<semaphore_mem>>) src(%dma_wait3A_46 : memref<20x128xf32, #tpu.memory_space<hbm>>) dst(%arg26 : memref<20x128xf32, #tpu.memory_space<vmem>>)
      tpu.yield
    }) : () -> ()
    %scan3A = arith.constant 0 : i32
    %scan3A_1 = arith.constant 640 : i32
    %scan3A_2 = arith.addi %scan3A, %scan3A_1 : i32
    %scan3A_3 = arith.constant 1 : i32
    scf.for %scan3A_33 = %scan3A to %scan3A_2 step %scan3A_3  : i32 {
      %broadcast_in_dim3A = arith.constant 0.000000e+00 : f32
      %broadcast_in_dim3A_34 = vector.broadcast %broadcast_in_dim3A : f32 to vector<16xf32>
      %mul3A_35 = arith.constant 16 : i32
      %mul3A_36 = arith.muli %scan3A_33, %mul3A_35 : i32
      %swap3A = arith.index_cast %mul3A_36 : i32 to index
      %swap3A_37 = tpu.vector_load %arg28[%swap3A] {strides = array<i32>} : memref<10240xf32, #tpu.memory_space<vmem>>, vector<16xf32>,
      tpu.vector_store %arg28[%swap3A], %broadcast_in_dim3A_34 {strides = array<i32>} : memref<10240xf32, #tpu.memory_space<vmem>>, vector<16xf32>,
    }
    %scan3A_4 = arith.constant 640 : i32
    %eq3A = arith.constant 0 : i32
    %eq3A_5 = arith.cmpi eq, %arg1, %eq3A : i32
    %convert_element_type3A = arith.extui %eq3A_5 : i1 to i32
    %cond3A = arith.constant 0 : i32
    %cond3A_6 = arith.cmpi ne, %convert_element_type3A, %cond3A : i32
    scf.if %cond3A_6 {
      %run_scoped3A = arith.constant 0 : i32
      "tpu.region"() ({
        %run_scoped3A_34 = tpu.sem_alloc : memref<!tpu.dma_semaphore, #tpu.memory_space<semaphore_mem>>
        %dma_start3A = arith.constant 0 : i32
        %dma_start3A_35 = tpu.memref_slice %arg29[%run_scoped3A, %dma_start3A] : memref<1x10240xf32, #tpu.memory_space<vmem_shared>> -> memref<1x10240xf32, #tpu.memory_space<vmem_shared>>
        %dma_start3A_36 = tpu.memref_squeeze %dma_start3A_35 : memref<1x10240xf32, #tpu.memory_space<vmem_shared>> -> memref<10240xf32, #tpu.memory_space<vmem_shared>>
        %dma_start3A_37 = arith.constant 0 : i32
        %dma_start3A_38 = tpu.memref_slice %arg29[%run_scoped3A, %dma_start3A_37] : memref<1x10240xf32, #tpu.memory_space<vmem_shared>> -> memref<1x10240xf32, #tpu.memory_space<vmem_shared>>
        %dma_start3A_39 = tpu.memref_squeeze %dma_start3A_38 : memref<1x10240xf32, #tpu.memory_space<vmem_shared>> -> memref<10240xf32, #tpu.memory_space<vmem_shared>>
        tpu.enqueue_dma source(%arg28 : memref<10240xf32, #tpu.memory_space<vmem>>) target(%dma_start3A_39 : memref<10240xf32, #tpu.memory_space<vmem_shared>>) target_semaphore(%run_scoped3A_34 : memref<!tpu.dma_semaphore, #tpu.memory_space<semaphore_mem>>)
        %dma_wait3A = arith.constant 0 : i32
        %dma_wait3A_40 = tpu.memref_slice %arg29[%run_scoped3A, %dma_wait3A] : memref<1x10240xf32, #tpu.memory_space<vmem_shared>> -> memref<1x10240xf32, #tpu.memory_space<vmem_shared>>
        %dma_wait3A_41 = tpu.memref_squeeze %dma_wait3A_40 : memref<1x10240xf32, #tpu.memory_space<vmem_shared>> -> memref<10240xf32, #tpu.memory_space<vmem_shared>>
        %dma_wait3A_42 = arith.constant 0 : i32
        %dma_wait3A_43 = tpu.memref_slice %arg29[%run_scoped3A, %dma_wait3A_42] : memref<1x10240xf32, #tpu.memory_space<vmem_shared>> -> memref<1x10240xf32, #tpu.memory_space<vmem_shared>>
        %dma_wait3A_44 = tpu.memref_squeeze %dma_wait3A_43 : memref<1x10240xf32, #tpu.memory_space<vmem_shared>> -> memref<10240xf32, #tpu.memory_space<vmem_shared>>
        tpu.wait_dma2 semaphore(%run_scoped3A_34 : memref<!tpu.dma_semaphore, #tpu.memory_space<semaphore_mem>>) src(%arg28 : memref<10240xf32, #tpu.memory_space<vmem>>) dst(%dma_wait3A_44 : memref<10240xf32, #tpu.memory_space<vmem_shared>>)
        tpu.yield
      }) : () -> ()
      %run_scoped3A_33 = arith.constant 0 : i32
      "tpu.region"() ({
        %run_scoped3A_34 = tpu.sem_alloc : memref<!tpu.dma_semaphore, #tpu.memory_space<semaphore_mem>>
        %dma_start3A = arith.constant 0 : i32
        %dma_start3A_35 = tpu.memref_slice %arg30[%run_scoped3A_33, %dma_start3A] : memref<1x10240xf32, #tpu.memory_space<vmem_shared>> -> memref<1x10240xf32, #tpu.memory_space<vmem_shared>>
        %dma_start3A_36 = tpu.memref_squeeze %dma_start3A_35 : memref<1x10240xf32, #tpu.memory_space<vmem_shared>> -> memref<10240xf32, #tpu.memory_space<vmem_shared>>
        %dma_start3A_37 = arith.constant 0 : i32
        %dma_start3A_38 = tpu.memref_slice %arg30[%run_scoped3A_33, %dma_start3A_37] : memref<1x10240xf32, #tpu.memory_space<vmem_shared>> -> memref<1x10240xf32, #tpu.memory_space<vmem_shared>>
        %dma_start3A_39 = tpu.memref_squeeze %dma_start3A_38 : memref<1x10240xf32, #tpu.memory_space<vmem_shared>> -> memref<10240xf32, #tpu.memory_space<vmem_shared>>
        tpu.enqueue_dma source(%arg28 : memref<10240xf32, #tpu.memory_space<vmem>>) target(%dma_start3A_39 : memref<10240xf32, #tpu.memory_space<vmem_shared>>) target_semaphore(%run_scoped3A_34 : memref<!tpu.dma_semaphore, #tpu.memory_space<semaphore_mem>>)
        %dma_wait3A = arith.constant 0 : i32
        %dma_wait3A_40 = tpu.memref_slice %arg30[%run_scoped3A_33, %dma_wait3A] : memref<1x10240xf32, #tpu.memory_space<vmem_shared>> -> memref<1x10240xf32, #tpu.memory_space<vmem_shared>>
        %dma_wait3A_41 = tpu.memref_squeeze %dma_wait3A_40 : memref<1x10240xf32, #tpu.memory_space<vmem_shared>> -> memref<10240xf32, #tpu.memory_space<vmem_shared>>
        %dma_wait3A_42 = arith.constant 0 : i32
        %dma_wait3A_43 = tpu.memref_slice %arg30[%run_scoped3A_33, %dma_wait3A_42] : memref<1x10240xf32, #tpu.memory_space<vmem_shared>> -> memref<1x10240xf32, #tpu.memory_space<vmem_shared>>
        %dma_wait3A_44 = tpu.memref_squeeze %dma_wait3A_43 : memref<1x10240xf32, #tpu.memory_space<vmem_shared>> -> memref<10240xf32, #tpu.memory_space<vmem_shared>>
        tpu.wait_dma2 semaphore(%run_scoped3A_34 : memref<!tpu.dma_semaphore, #tpu.memory_space<semaphore_mem>>) src(%arg28 : memref<10240xf32, #tpu.memory_space<vmem>>) dst(%dma_wait3A_44 : memref<10240xf32, #tpu.memory_space<vmem_shared>>)
        tpu.yield
      }) : () -> ()
    } else {
    }
    %barrier3A = arith.constant 0 : index
    tpu.barrier barrier_id(%barrier3A)
    %scan3A_7 = arith.constant 0 : i32
    %scan3A_8 = arith.constant 320 : i32
    %scan3A_9 = arith.addi %scan3A_7, %scan3A_8 : i32
    %scan3A_10 = arith.constant 1 : i32
    scf.for %scan3A_33 = %scan3A_7 to %scan3A_9 step %scan3A_10  : i32 {
      %jit3A = arith.constant 8 : i32
      %div3A = arith.divsi %scan3A_33, %jit3A : i32
      %sign3A = arith.constant 0 : i32
      %sign3A_34 = arith.cmpi sgt, %scan3A_33, %sign3A : i32
      %sign3A_35 = arith.extui %sign3A_34 : i1 to i32
      %sign3A_36 = arith.constant 0 : i32
      %sign3A_37 = arith.cmpi slt, %scan3A_33, %sign3A_36 : i32
      %sign3A_38 = arith.extui %sign3A_37 : i1 to i32
      %sign3A_39 = arith.subi %sign3A_35, %sign3A_38 : i32
      %sign3A_40 = arith.constant 0 : i32
      %sign3A_41 = arith.cmpi sgt, %jit3A, %sign3A_40 : i32
      %sign3A_42 = arith.extui %sign3A_41 : i1 to i32
      %sign3A_43 = arith.constant 0 : i32
      %sign3A_44 = arith.cmpi slt, %jit3A, %sign3A_43 : i32
      %sign3A_45 = arith.extui %sign3A_44 : i1 to i32
      %sign3A_46 = arith.subi %sign3A_42, %sign3A_45 : i32
      %ne3A = arith.cmpi ne, %sign3A_39, %sign3A_46 : i32
      %rem3A = arith.remsi %scan3A_33, %jit3A : i32
      %ne3A_47 = arith.constant 0 : i32
      %ne3A_48 = arith.cmpi ne, %rem3A, %ne3A_47 : i32
      %and3A = arith.andi %ne3A, %ne3A_48 : i1
      %sub3A = arith.constant 1 : i32
      %sub3A_49 = arith.subi %div3A, %sub3A : i32
      %select_n3A = arith.select %and3A, %sub3A_49, %div3A : i32
      %jit3A_50 = arith.constant 8 : i32
      %eq3A_51 = arith.constant 0 : i32
      %eq3A_52 = arith.cmpi eq, %jit3A_50, %eq3A_51 : i32
      %jit3A_53 = arith.constant 1 : i32
      %select_n3A_54 = arith.select %eq3A_52, %jit3A_53, %jit3A_50 : i32
      %rem3A_55 = arith.remsi %scan3A_33, %select_n3A_54 : i32
      %ne3A_56 = arith.constant 0 : i32
      %ne3A_57 = arith.cmpi ne, %rem3A_55, %ne3A_56 : i32
      %lt3A = arith.constant 0 : i32
      %lt3A_58 = arith.cmpi slt, %rem3A_55, %lt3A : i32
      %lt3A_59 = arith.constant 0 : i32
      %lt3A_60 = arith.cmpi slt, %select_n3A_54, %lt3A_59 : i32
      %ne3A_61 = arith.xori %lt3A_58, %lt3A_60 : i1
      %and3A_62 = arith.andi %ne3A_61, %ne3A_57 : i1
      %add3A_63 = arith.addi %rem3A_55, %select_n3A_54 : i32
      %select_n3A_64 = arith.select %and3A_62, %add3A_63, %rem3A_55 : i32
      %mul3A_65 = arith.constant 16 : i32
      %mul3A_66 = arith.muli %select_n3A_64, %mul3A_65 : i32
      %get3A = arith.index_cast %select_n3A : i32 to index
      %get3A_67 = arith.index_cast %mul3A_66 : i32 to index
      %get3A_68 = tpu.vector_load %arg20[%get3A, %get3A_67] {strides = array<i32>} : memref<40x128xi32, #tpu.memory_space<vmem>>, vector<16xi32>,
      %get3A_69 = arith.index_cast %select_n3A : i32 to index
      %get3A_70 = arith.index_cast %mul3A_66 : i32 to index
      %get3A_71 = tpu.vector_load %arg21[%get3A_69, %get3A_70] {strides = array<i32>} : memref<40x128xi32, #tpu.memory_space<vmem>>, vector<16xi32>,
      %get3A_72 = arith.index_cast %select_n3A : i32 to index
      %get3A_73 = arith.index_cast %mul3A_66 : i32 to index
      %get3A_74 = tpu.vector_load %arg22[%get3A_72, %get3A_73] {strides = array<i32>} : memref<40x128xf32, #tpu.memory_space<vmem>>, vector<16xf32>,
      %gather3A = tpu.vector_load_idx %arg16[%get3A_68] : memref<10240xf32, #tpu.memory_space<vmem>>[vector<16xi32>], vector<16xf32>,
      %gather3A_75 = tpu.vector_load_idx %arg17[%get3A_71] : memref<10240xf32, #tpu.memory_space<vmem>>[vector<16xi32>], vector<16xf32>,
      %add3A_76 = arith.addf %gather3A, %gather3A_75 : vector<16xf32>
      %mul3A_77 = arith.mulf %get3A_74, %add3A_76 : vector<16xf32>
      %exp3A = math.exp %mul3A_77 : vector<16xf32>
      %swap3A = arith.index_cast %select_n3A : i32 to index
      %swap3A_78 = arith.index_cast %mul3A_66 : i32 to index
      %swap3A_79 = tpu.vector_load %arg23[%swap3A, %swap3A_78] {strides = array<i32>} : memref<40x128xf32, #tpu.memory_space<vmem>>, vector<16xf32>,
      tpu.vector_store %arg23[%swap3A, %swap3A_78], %exp3A {strides = array<i32>} : memref<40x128xf32, #tpu.memory_space<vmem>>, vector<16xf32>,
    }
    %scan3A_11 = arith.constant 320 : i32
    %scan3A_12 = arith.constant 0 : i32
    %scan3A_13 = arith.constant 160 : i32
    %scan3A_14 = arith.addi %scan3A_12, %scan3A_13 : i32
    %scan3A_15 = arith.constant 1 : i32
    scf.for %scan3A_33 = %scan3A_12 to %scan3A_14 step %scan3A_15  : i32 {
      %jit3A = arith.constant 8 : i32
      %div3A = arith.divsi %scan3A_33, %jit3A : i32
      %sign3A = arith.constant 0 : i32
      %sign3A_34 = arith.cmpi sgt, %scan3A_33, %sign3A : i32
      %sign3A_35 = arith.extui %sign3A_34 : i1 to i32
      %sign3A_36 = arith.constant 0 : i32
      %sign3A_37 = arith.cmpi slt, %scan3A_33, %sign3A_36 : i32
      %sign3A_38 = arith.extui %sign3A_37 : i1 to i32
      %sign3A_39 = arith.subi %sign3A_35, %sign3A_38 : i32
      %sign3A_40 = arith.constant 0 : i32
      %sign3A_41 = arith.cmpi sgt, %jit3A, %sign3A_40 : i32
      %sign3A_42 = arith.extui %sign3A_41 : i1 to i32
      %sign3A_43 = arith.constant 0 : i32
      %sign3A_44 = arith.cmpi slt, %jit3A, %sign3A_43 : i32
      %sign3A_45 = arith.extui %sign3A_44 : i1 to i32
      %sign3A_46 = arith.subi %sign3A_42, %sign3A_45 : i32
      %ne3A = arith.cmpi ne, %sign3A_39, %sign3A_46 : i32
      %rem3A = arith.remsi %scan3A_33, %jit3A : i32
      %ne3A_47 = arith.constant 0 : i32
      %ne3A_48 = arith.cmpi ne, %rem3A, %ne3A_47 : i32
      %and3A = arith.andi %ne3A, %ne3A_48 : i1
      %sub3A = arith.constant 1 : i32
      %sub3A_49 = arith.subi %div3A, %sub3A : i32
      %select_n3A = arith.select %and3A, %sub3A_49, %div3A : i32
      %jit3A_50 = arith.constant 8 : i32
      %eq3A_51 = arith.constant 0 : i32
      %eq3A_52 = arith.cmpi eq, %jit3A_50, %eq3A_51 : i32
      %jit3A_53 = arith.constant 1 : i32
      %select_n3A_54 = arith.select %eq3A_52, %jit3A_53, %jit3A_50 : i32
      %rem3A_55 = arith.remsi %scan3A_33, %select_n3A_54 : i32
      %ne3A_56 = arith.constant 0 : i32
      %ne3A_57 = arith.cmpi ne, %rem3A_55, %ne3A_56 : i32
      %lt3A = arith.constant 0 : i32
      %lt3A_58 = arith.cmpi slt, %rem3A_55, %lt3A : i32
      %lt3A_59 = arith.constant 0 : i32
      %lt3A_60 = arith.cmpi slt, %select_n3A_54, %lt3A_59 : i32
      %ne3A_61 = arith.xori %lt3A_58, %lt3A_60 : i1
      %and3A_62 = arith.andi %ne3A_61, %ne3A_57 : i1
      %add3A_63 = arith.addi %rem3A_55, %select_n3A_54 : i32
      %select_n3A_64 = arith.select %and3A_62, %add3A_63, %rem3A_55 : i32
      %mul3A_65 = arith.constant 16 : i32
      %mul3A_66 = arith.muli %select_n3A_64, %mul3A_65 : i32
      %get3A = arith.index_cast %select_n3A : i32 to index
      %get3A_67 = arith.index_cast %mul3A_66 : i32 to index
      %get3A_68 = tpu.vector_load %arg24[%get3A, %get3A_67] {strides = array<i32>} : memref<20x128xi32, #tpu.memory_space<vmem>>, vector<16xi32>,
      %get3A_69 = arith.index_cast %select_n3A : i32 to index
      %get3A_70 = arith.index_cast %mul3A_66 : i32 to index
      %get3A_71 = tpu.vector_load %arg25[%get3A_69, %get3A_70] {strides = array<i32>} : memref<20x128xi32, #tpu.memory_space<vmem>>, vector<16xi32>,
      %get3A_72 = arith.index_cast %select_n3A : i32 to index
      %get3A_73 = arith.index_cast %mul3A_66 : i32 to index
      %get3A_74 = tpu.vector_load %arg26[%get3A_72, %get3A_73] {strides = array<i32>} : memref<20x128xf32, #tpu.memory_space<vmem>>, vector<16xf32>,
      %gather3A = tpu.vector_load_idx %arg18[%get3A_68] : memref<10240xf32, #tpu.memory_space<vmem>>[vector<16xi32>], vector<16xf32>,
      %gather3A_75 = tpu.vector_load_idx %arg19[%get3A_71] : memref<10240xf32, #tpu.memory_space<vmem>>[vector<16xi32>], vector<16xf32>,
      %add3A_76 = arith.addf %gather3A, %gather3A_75 : vector<16xf32>
      %mul3A_77 = arith.mulf %get3A_74, %add3A_76 : vector<16xf32>
      %exp3A = math.exp %mul3A_77 : vector<16xf32>
      %swap3A = arith.index_cast %select_n3A : i32 to index
      %swap3A_78 = arith.index_cast %mul3A_66 : i32 to index
      %swap3A_79 = tpu.vector_load %arg27[%swap3A, %swap3A_78] {strides = array<i32>} : memref<20x128xf32, #tpu.memory_space<vmem>>, vector<16xf32>,
      tpu.vector_store %arg27[%swap3A, %swap3A_78], %exp3A {strides = array<i32>} : memref<20x128xf32, #tpu.memory_space<vmem>>, vector<16xf32>,
    }
    %scan3A_16 = arith.constant 160 : i32
    %scan3A_17 = arith.constant 0 : i32
    %scan3A_18 = arith.constant 40 : i32
    %scan3A_19 = arith.addi %scan3A_17, %scan3A_18 : i32
    %scan3A_20 = arith.constant 1 : i32
    scf.for %scan3A_33 = %scan3A_17 to %scan3A_19 step %scan3A_20  : i32 {
      %run_scoped3A = arith.constant 0 : i32
      "tpu.region"() ({
        %run_scoped3A_34 = tpu.sem_alloc : memref<!tpu.dma_semaphore, #tpu.memory_space<semaphore_mem>>
        %dma_start3A = arith.constant 0 : i32
        %dma_start3A_35 = tpu.memref_slice %arg23[%scan3A_33, %dma_start3A] : memref<40x128xf32, #tpu.memory_space<vmem>> -> memref<1x128xf32, #tpu.memory_space<vmem>>
        %dma_start3A_36 = tpu.memref_squeeze %dma_start3A_35 : memref<1x128xf32, #tpu.memory_space<vmem>> -> memref<128xf32, #tpu.memory_space<vmem>>
        %dma_start3A_37 = arith.constant 0 : i32
        %dma_start3A_38 = tpu.memref_slice %arg20[%scan3A_33, %dma_start3A_37] : memref<40x128xi32, #tpu.memory_space<vmem>> -> memref<1x128xi32, #tpu.memory_space<vmem>>
        %dma_start3A_39 = tpu.memref_squeeze %dma_start3A_38 : memref<1x128xi32, #tpu.memory_space<vmem>> -> memref<128xi32, #tpu.memory_space<vmem>>
        %dma_start3A_40 = arith.constant 0 : i32
        %dma_start3A_41 = tpu.memref_slice %arg29[%run_scoped3A, %dma_start3A_40] : memref<1x10240xf32, #tpu.memory_space<vmem_shared>> -> memref<1x10240xf32, #tpu.memory_space<vmem_shared>>
        %dma_start3A_42 = tpu.memref_squeeze %dma_start3A_41 : memref<1x10240xf32, #tpu.memory_space<vmem_shared>> -> memref<10240xf32, #tpu.memory_space<vmem_shared>>
        %dma_start3A_43 = arith.constant 0 : i32
        %dma_start3A_44 = tpu.memref_slice %dma_start3A_42[%dma_start3A_43] : memref<10240xf32, #tpu.memory_space<vmem_shared>> -> memref<10240xf32, #tpu.memory_space<vmem_shared>>
        tpu.enqueue_indirect_dma source(%dma_start3A_36 : memref<128xf32, #tpu.memory_space<vmem>>) target(%dma_start3A_44 : memref<10240xf32, #tpu.memory_space<vmem_shared>>) offsets(%dma_start3A_39 : memref<128xi32, #tpu.memory_space<vmem>>) semaphore(%run_scoped3A_34 : memref<!tpu.dma_semaphore, #tpu.memory_space<semaphore_mem>>) {add = true}
        %dma_wait3A = arith.constant 0 : i32
        %dma_wait3A_45 = tpu.memref_slice %arg23[%scan3A_33, %dma_wait3A] : memref<40x128xf32, #tpu.memory_space<vmem>> -> memref<1x128xf32, #tpu.memory_space<vmem>>
        %dma_wait3A_46 = tpu.memref_squeeze %dma_wait3A_45 : memref<1x128xf32, #tpu.memory_space<vmem>> -> memref<128xf32, #tpu.memory_space<vmem>>
        %dma_wait3A_47 = arith.constant 0 : i32
        %dma_wait3A_48 = tpu.memref_slice %arg20[%scan3A_33, %dma_wait3A_47] : memref<40x128xi32, #tpu.memory_space<vmem>> -> memref<1x128xi32, #tpu.memory_space<vmem>>
        %dma_wait3A_49 = tpu.memref_squeeze %dma_wait3A_48 : memref<1x128xi32, #tpu.memory_space<vmem>> -> memref<128xi32, #tpu.memory_space<vmem>>
        %dma_wait3A_50 = arith.constant 0 : i32
        %dma_wait3A_51 = tpu.memref_slice %arg29[%run_scoped3A, %dma_wait3A_50] : memref<1x10240xf32, #tpu.memory_space<vmem_shared>> -> memref<1x10240xf32, #tpu.memory_space<vmem_shared>>
        %dma_wait3A_52 = tpu.memref_squeeze %dma_wait3A_51 : memref<1x10240xf32, #tpu.memory_space<vmem_shared>> -> memref<10240xf32, #tpu.memory_space<vmem_shared>>
        %dma_wait3A_53 = arith.constant 0 : i32
        %dma_wait3A_54 = tpu.memref_slice %dma_wait3A_52[%dma_wait3A_53] : memref<10240xf32, #tpu.memory_space<vmem_shared>> -> memref<10240xf32, #tpu.memory_space<vmem_shared>>
        tpu.wait_indirect_dma semaphore(%run_scoped3A_34 : memref<!tpu.dma_semaphore, #tpu.memory_space<semaphore_mem>>) src(%dma_wait3A_46 : memref<128xf32, #tpu.memory_space<vmem>>) dst(%dma_wait3A_54 : memref<10240xf32, #tpu.memory_space<vmem_shared>>)
        tpu.yield
      }) : () -> ()
    }
    %scan3A_21 = arith.constant 40 : i32
    %scan3A_22 = arith.constant 0 : i32
    %scan3A_23 = arith.constant 20 : i32
    %scan3A_24 = arith.addi %scan3A_22, %scan3A_23 : i32
    %scan3A_25 = arith.constant 1 : i32
    scf.for %scan3A_33 = %scan3A_22 to %scan3A_24 step %scan3A_25  : i32 {
      %run_scoped3A = arith.constant 0 : i32
      "tpu.region"() ({
        %run_scoped3A_34 = tpu.sem_alloc : memref<!tpu.dma_semaphore, #tpu.memory_space<semaphore_mem>>
        %dma_start3A = arith.constant 0 : i32
        %dma_start3A_35 = tpu.memref_slice %arg27[%scan3A_33, %dma_start3A] : memref<20x128xf32, #tpu.memory_space<vmem>> -> memref<1x128xf32, #tpu.memory_space<vmem>>
        %dma_start3A_36 = tpu.memref_squeeze %dma_start3A_35 : memref<1x128xf32, #tpu.memory_space<vmem>> -> memref<128xf32, #tpu.memory_space<vmem>>
        %dma_start3A_37 = arith.constant 0 : i32
        %dma_start3A_38 = tpu.memref_slice %arg24[%scan3A_33, %dma_start3A_37] : memref<20x128xi32, #tpu.memory_space<vmem>> -> memref<1x128xi32, #tpu.memory_space<vmem>>
        %dma_start3A_39 = tpu.memref_squeeze %dma_start3A_38 : memref<1x128xi32, #tpu.memory_space<vmem>> -> memref<128xi32, #tpu.memory_space<vmem>>
        %dma_start3A_40 = arith.constant 0 : i32
        %dma_start3A_41 = tpu.memref_slice %arg30[%run_scoped3A, %dma_start3A_40] : memref<1x10240xf32, #tpu.memory_space<vmem_shared>> -> memref<1x10240xf32, #tpu.memory_space<vmem_shared>>
        %dma_start3A_42 = tpu.memref_squeeze %dma_start3A_41 : memref<1x10240xf32, #tpu.memory_space<vmem_shared>> -> memref<10240xf32, #tpu.memory_space<vmem_shared>>
        %dma_start3A_43 = arith.constant 0 : i32
        %dma_start3A_44 = tpu.memref_slice %dma_start3A_42[%dma_start3A_43] : memref<10240xf32, #tpu.memory_space<vmem_shared>> -> memref<10240xf32, #tpu.memory_space<vmem_shared>>
        tpu.enqueue_indirect_dma source(%dma_start3A_36 : memref<128xf32, #tpu.memory_space<vmem>>) target(%dma_start3A_44 : memref<10240xf32, #tpu.memory_space<vmem_shared>>) offsets(%dma_start3A_39 : memref<128xi32, #tpu.memory_space<vmem>>) semaphore(%run_scoped3A_34 : memref<!tpu.dma_semaphore, #tpu.memory_space<semaphore_mem>>) {add = true}
        %dma_wait3A = arith.constant 0 : i32
        %dma_wait3A_45 = tpu.memref_slice %arg27[%scan3A_33, %dma_wait3A] : memref<20x128xf32, #tpu.memory_space<vmem>> -> memref<1x128xf32, #tpu.memory_space<vmem>>
        %dma_wait3A_46 = tpu.memref_squeeze %dma_wait3A_45 : memref<1x128xf32, #tpu.memory_space<vmem>> -> memref<128xf32, #tpu.memory_space<vmem>>
        %dma_wait3A_47 = arith.constant 0 : i32
        %dma_wait3A_48 = tpu.memref_slice %arg24[%scan3A_33, %dma_wait3A_47] : memref<20x128xi32, #tpu.memory_space<vmem>> -> memref<1x128xi32, #tpu.memory_space<vmem>>
        %dma_wait3A_49 = tpu.memref_squeeze %dma_wait3A_48 : memref<1x128xi32, #tpu.memory_space<vmem>> -> memref<128xi32, #tpu.memory_space<vmem>>
        %dma_wait3A_50 = arith.constant 0 : i32
        %dma_wait3A_51 = tpu.memref_slice %arg30[%run_scoped3A, %dma_wait3A_50] : memref<1x10240xf32, #tpu.memory_space<vmem_shared>> -> memref<1x10240xf32, #tpu.memory_space<vmem_shared>>
        %dma_wait3A_52 = tpu.memref_squeeze %dma_wait3A_51 : memref<1x10240xf32, #tpu.memory_space<vmem_shared>> -> memref<10240xf32, #tpu.memory_space<vmem_shared>>
        %dma_wait3A_53 = arith.constant 0 : i32
        %dma_wait3A_54 = tpu.memref_slice %dma_wait3A_52[%dma_wait3A_53] : memref<10240xf32, #tpu.memory_space<vmem_shared>> -> memref<10240xf32, #tpu.memory_space<vmem_shared>>
        tpu.wait_indirect_dma semaphore(%run_scoped3A_34 : memref<!tpu.dma_semaphore, #tpu.memory_space<semaphore_mem>>) src(%dma_wait3A_46 : memref<128xf32, #tpu.memory_space<vmem>>) dst(%dma_wait3A_54 : memref<10240xf32, #tpu.memory_space<vmem_shared>>)
        tpu.yield
      }) : () -> ()
    }
    %scan3A_26 = arith.constant 20 : i32
    "tpu.region"() ({
      %run_scoped3A = tpu.sem_alloc : memref<!tpu.dma_semaphore, #tpu.memory_space<semaphore_mem>>
      %dma_start3A = arith.constant 0 : i32
      %dma_start3A_33 = arith.constant 0 : i32
      %dma_start3A_34 = tpu.memref_slice %arg12[%add3A, %dma_start3A, %dma_start3A_33] : memref<32x40x128xf32, #tpu.memory_space<hbm>> -> memref<1x40x128xf32, #tpu.memory_space<hbm>>
      %dma_start3A_35 = tpu.memref_squeeze %dma_start3A_34 : memref<1x40x128xf32, #tpu.memory_space<hbm>> -> memref<40x128xf32, #tpu.memory_space<hbm>>
      %dma_start3A_36 = arith.constant 0 : i32
      %dma_start3A_37 = arith.constant 0 : i32
      %dma_start3A_38 = tpu.memref_slice %arg12[%add3A, %dma_start3A_36, %dma_start3A_37] : memref<32x40x128xf32, #tpu.memory_space<hbm>> -> memref<1x40x128xf32, #tpu.memory_space<hbm>>
      %dma_start3A_39 = tpu.memref_squeeze %dma_start3A_38 : memref<1x40x128xf32, #tpu.memory_space<hbm>> -> memref<40x128xf32, #tpu.memory_space<hbm>>
      tpu.enqueue_dma source(%arg23 : memref<40x128xf32, #tpu.memory_space<vmem>>) target(%dma_start3A_39 : memref<40x128xf32, #tpu.memory_space<hbm>>) target_semaphore(%run_scoped3A : memref<!tpu.dma_semaphore, #tpu.memory_space<semaphore_mem>>)
      %dma_wait3A = arith.constant 0 : i32
      %dma_wait3A_40 = arith.constant 0 : i32
      %dma_wait3A_41 = tpu.memref_slice %arg12[%add3A, %dma_wait3A, %dma_wait3A_40] : memref<32x40x128xf32, #tpu.memory_space<hbm>> -> memref<1x40x128xf32, #tpu.memory_space<hbm>>
      %dma_wait3A_42 = tpu.memref_squeeze %dma_wait3A_41 : memref<1x40x128xf32, #tpu.memory_space<hbm>> -> memref<40x128xf32, #tpu.memory_space<hbm>>
      %dma_wait3A_43 = arith.constant 0 : i32
      %dma_wait3A_44 = arith.constant 0 : i32
      %dma_wait3A_45 = tpu.memref_slice %arg12[%add3A, %dma_wait3A_43, %dma_wait3A_44] : memref<32x40x128xf32, #tpu.memory_space<hbm>> -> memref<1x40x128xf32, #tpu.memory_space<hbm>>
      %dma_wait3A_46 = tpu.memref_squeeze %dma_wait3A_45 : memref<1x40x128xf32, #tpu.memory_space<hbm>> -> memref<40x128xf32, #tpu.memory_space<hbm>>
      tpu.wait_dma2 semaphore(%run_scoped3A : memref<!tpu.dma_semaphore, #tpu.memory_space<semaphore_mem>>) src(%arg23 : memref<40x128xf32, #tpu.memory_space<vmem>>) dst(%dma_wait3A_46 : memref<40x128xf32, #tpu.memory_space<hbm>>)
      tpu.yield
    }) : () -> ()
    "tpu.region"() ({
      %run_scoped3A = tpu.sem_alloc : memref<!tpu.dma_semaphore, #tpu.memory_space<semaphore_mem>>
      %dma_start3A = arith.constant 0 : i32
      %dma_start3A_33 = arith.constant 0 : i32
      %dma_start3A_34 = tpu.memref_slice %arg13[%add3A, %dma_start3A, %dma_start3A_33] : memref<32x20x128xf32, #tpu.memory_space<hbm>> -> memref<1x20x128xf32, #tpu.memory_space<hbm>>
      %dma_start3A_35 = tpu.memref_squeeze %dma_start3A_34 : memref<1x20x128xf32, #tpu.memory_space<hbm>> -> memref<20x128xf32, #tpu.memory_space<hbm>>
      %dma_start3A_36 = arith.constant 0 : i32
      %dma_start3A_37 = arith.constant 0 : i32
      %dma_start3A_38 = tpu.memref_slice %arg13[%add3A, %dma_start3A_36, %dma_start3A_37] : memref<32x20x128xf32, #tpu.memory_space<hbm>> -> memref<1x20x128xf32, #tpu.memory_space<hbm>>
      %dma_start3A_39 = tpu.memref_squeeze %dma_start3A_38 : memref<1x20x128xf32, #tpu.memory_space<hbm>> -> memref<20x128xf32, #tpu.memory_space<hbm>>
      tpu.enqueue_dma source(%arg27 : memref<20x128xf32, #tpu.memory_space<vmem>>) target(%dma_start3A_39 : memref<20x128xf32, #tpu.memory_space<hbm>>) target_semaphore(%run_scoped3A : memref<!tpu.dma_semaphore, #tpu.memory_space<semaphore_mem>>)
      %dma_wait3A = arith.constant 0 : i32
      %dma_wait3A_40 = arith.constant 0 : i32
      %dma_wait3A_41 = tpu.memref_slice %arg13[%add3A, %dma_wait3A, %dma_wait3A_40] : memref<32x20x128xf32, #tpu.memory_space<hbm>> -> memref<1x20x128xf32, #tpu.memory_space<hbm>>
      %dma_wait3A_42 = tpu.memref_squeeze %dma_wait3A_41 : memref<1x20x128xf32, #tpu.memory_space<hbm>> -> memref<20x128xf32, #tpu.memory_space<hbm>>
      %dma_wait3A_43 = arith.constant 0 : i32
      %dma_wait3A_44 = arith.constant 0 : i32
      %dma_wait3A_45 = tpu.memref_slice %arg13[%add3A, %dma_wait3A_43, %dma_wait3A_44] : memref<32x20x128xf32, #tpu.memory_space<hbm>> -> memref<1x20x128xf32, #tpu.memory_space<hbm>>
      %dma_wait3A_46 = tpu.memref_squeeze %dma_wait3A_45 : memref<1x20x128xf32, #tpu.memory_space<hbm>> -> memref<20x128xf32, #tpu.memory_space<hbm>>
      tpu.wait_dma2 semaphore(%run_scoped3A : memref<!tpu.dma_semaphore, #tpu.memory_space<semaphore_mem>>) src(%arg27 : memref<20x128xf32, #tpu.memory_space<vmem>>) dst(%dma_wait3A_46 : memref<20x128xf32, #tpu.memory_space<hbm>>)
      tpu.yield
    }) : () -> ()
    %barrier3A_27 = arith.constant 0 : index
    tpu.barrier barrier_id(%barrier3A_27)
    %eq3A_28 = arith.constant 0 : i32
    %eq3A_29 = arith.cmpi eq, %arg1, %eq3A_28 : i32
    %convert_element_type3A_30 = arith.extui %eq3A_29 : i1 to i32
    %cond3A_31 = arith.constant 0 : i32
    %cond3A_32 = arith.cmpi ne, %convert_element_type3A_30, %cond3A_31 : i32
    scf.if %cond3A_32 {
      "tpu.region"() ({
        %run_scoped3A = tpu.sem_alloc : memref<!tpu.dma_semaphore, #tpu.memory_space<semaphore_mem>>
        %dma_start3A = arith.constant 0 : i32
        %dma_start3A_33 = arith.constant 0 : i32
        %dma_start3A_34 = tpu.memref_slice %arg14[%arg0, %dma_start3A, %dma_start3A_33] : memref<2x1x10240xf32, #tpu.memory_space<hbm>> -> memref<1x1x10240xf32, #tpu.memory_space<hbm>>
        %dma_start3A_35 = tpu.memref_squeeze %dma_start3A_34 : memref<1x1x10240xf32, #tpu.memory_space<hbm>> -> memref<1x10240xf32, #tpu.memory_space<hbm>>
        tpu.enqueue_dma source(%arg29 : memref<1x10240xf32, #tpu.memory_space<vmem_shared>>) target(%dma_start3A_35 : memref<1x10240xf32, #tpu.memory_space<hbm>>) target_semaphore(%run_scoped3A : memref<!tpu.dma_semaphore, #tpu.memory_space<semaphore_mem>>)
        %dma_wait3A = arith.constant 0 : i32
        %dma_wait3A_36 = arith.constant 0 : i32
        %dma_wait3A_37 = tpu.memref_slice %arg14[%arg0, %dma_wait3A, %dma_wait3A_36] : memref<2x1x10240xf32, #tpu.memory_space<hbm>> -> memref<1x1x10240xf32, #tpu.memory_space<hbm>>
        %dma_wait3A_38 = tpu.memref_squeeze %dma_wait3A_37 : memref<1x1x10240xf32, #tpu.memory_space<hbm>> -> memref<1x10240xf32, #tpu.memory_space<hbm>>
        tpu.wait_dma2 semaphore(%run_scoped3A : memref<!tpu.dma_semaphore, #tpu.memory_space<semaphore_mem>>) src(%arg29 : memref<1x10240xf32, #tpu.memory_space<vmem_shared>>) dst(%dma_wait3A_38 : memref<1x10240xf32, #tpu.memory_space<hbm>>)
        tpu.yield
      }) : () -> ()
      "tpu.region"() ({
        %run_scoped3A = tpu.sem_alloc : memref<!tpu.dma_semaphore, #tpu.memory_space<semaphore_mem>>
        %dma_start3A = arith.constant 0 : i32
        %dma_start3A_33 = arith.constant 0 : i32
        %dma_start3A_34 = tpu.memref_slice %arg15[%arg0, %dma_start3A, %dma_start3A_33] : memref<2x1x10240xf32, #tpu.memory_space<hbm>> -> memref<1x1x10240xf32, #tpu.memory_space<hbm>>
        %dma_start3A_35 = tpu.memref_squeeze %dma_start3A_34 : memref<1x1x10240xf32, #tpu.memory_space<hbm>> -> memref<1x10240xf32, #tpu.memory_space<hbm>>
        tpu.enqueue_dma source(%arg30 : memref<1x10240xf32, #tpu.memory_space<vmem_shared>>) target(%dma_start3A_35 : memref<1x10240xf32, #tpu.memory_space<hbm>>) target_semaphore(%run_scoped3A : memref<!tpu.dma_semaphore, #tpu.memory_space<semaphore_mem>>)
        %dma_wait3A = arith.constant 0 : i32
        %dma_wait3A_36 = arith.constant 0 : i32
        %dma_wait3A_37 = tpu.memref_slice %arg15[%arg0, %dma_wait3A, %dma_wait3A_36] : memref<2x1x10240xf32, #tpu.memory_space<hbm>> -> memref<1x1x10240xf32, #tpu.memory_space<hbm>>
        %dma_wait3A_38 = tpu.memref_squeeze %dma_wait3A_37 : memref<1x1x10240xf32, #tpu.memory_space<hbm>> -> memref<1x10240xf32, #tpu.memory_space<hbm>>
        tpu.wait_dma2 semaphore(%run_scoped3A : memref<!tpu.dma_semaphore, #tpu.memory_space<semaphore_mem>>) src(%arg30 : memref<1x10240xf32, #tpu.memory_space<vmem_shared>>) dst(%dma_wait3A_38 : memref<1x10240xf32, #tpu.memory_space<hbm>>)
        tpu.yield
      }) : () -> ()
    } else {
    }
    return
  }
}

module attributes {stable_mosaic.version = 14 : i64} {
  func.func @_mm_q_nt_body(%arg0: i32, %arg1: i32, %arg2: memref<2048x256xf32, #tpu.memory_space<vmem>>, %arg3: memref<256x128xf32, #tpu.memory_space<vmem>>, %arg4: memref<2048x128xf32, #tpu.memory_space<vmem>>) attributes {dimension_semantics = [#tpu.dimension_semantics<arbitrary>, #tpu.dimension_semantics<arbitrary>], iteration_bounds = array<i64: 5, 4>, scalar_prefetch = 0 : i64, scratch_operands = 0 : i64, tpu.core_type = #tpu.core_type<tc>, window_params = [{transform_indices = @transform_0, window_bounds = array<i64: 2048, 256>}, {transform_indices = @transform_1, window_bounds = array<i64: 256, 128>}, {transform_indices = @transform_2, window_bounds = array<i64: 2048, 128>}]} {
    %get3A = arith.constant 0 : index
    %get3A_0 = arith.constant 0 : index
    %get3A_1 = vector.load %arg2[%get3A, %get3A_0] : memref<2048x256xf32, #tpu.memory_space<vmem>>, vector<2048x256xf32>
    %get3A_2 = arith.constant 0 : index
    %get3A_3 = arith.constant 0 : index
    %get3A_4 = vector.load %arg3[%get3A_2, %get3A_3] : memref<256x128xf32, #tpu.memory_space<vmem>>, vector<256x128xf32>
    %dot_general3A = arith.constant dense<0.000000e+00> : vector<2048x128xf32>
    %dot_general3A_5 = tpu.matmul %get3A_1, %get3A_4, %dot_general3A {dimension_numbers = #tpu.dot_dimension_numbers<[1], [0], [0], [1], [0, 0, 1, 1], [], []>, transpose_lhs_hint = false} : vector<2048x256xf32>, vector<256x128xf32>, vector<2048x128xf32> -> vector<2048x128xf32>
    %swap3A = arith.constant 0 : index
    %swap3A_6 = arith.constant 0 : index
    %swap3A_7 = vector.load %arg4[%swap3A, %swap3A_6] : memref<2048x128xf32, #tpu.memory_space<vmem>>, vector<2048x128xf32>
    tpu.vector_store %arg4[%swap3A, %swap3A_6], %dot_general3A_5 {strides = array<i32>} : memref<2048x128xf32, #tpu.memory_space<vmem>>, vector<2048x128xf32>,
    return
  }
  func.func @transform_0(%arg0: i32, %arg1: i32) -> (i32, i32) {
    %c0_i32 = arith.constant 0 : i32
    %c0_i32_0 = arith.constant 0 : i32
    return %arg0, %c0_i32 : i32, i32
  }
  func.func @transform_1(%arg0: i32, %arg1: i32) -> (i32, i32) {
    %c0_i32 = arith.constant 0 : i32
    %c0_i32_0 = arith.constant 0 : i32
    return %c0_i32, %arg1 : i32, i32
  }
  func.func @transform_2(%arg0: i32, %arg1: i32) -> (i32, i32) {
    %mul3A = arith.constant 5 : i32
    %mul3A_0 = arith.muli %arg1, %mul3A : i32
    %add3A = arith.addi %mul3A_0, %arg0 : i32
    %c0_i32 = arith.constant 0 : i32
    %c0_i32_1 = arith.constant 0 : i32
    return %add3A, %c0_i32 : i32, i32
  }
}

module attributes {stable_mosaic.version = 14 : i64} {
  func.func @_mm_v_body(%arg0: i32, %arg1: i32, %arg2: memref<2048x128xf32, #tpu.memory_space<vmem>>, %arg3: memref<128x4xf32, #tpu.memory_space<vmem>>, %arg4: memref<4x2048xf32, #tpu.memory_space<vmem>>) attributes {dimension_semantics = [#tpu.dimension_semantics<arbitrary>, #tpu.dimension_semantics<arbitrary>], iteration_bounds = array<i64: 5, 4>, scalar_prefetch = 0 : i64, scratch_operands = 0 : i64, tpu.core_type = #tpu.core_type<tc>, window_params = [{transform_indices = @transform_0, window_bounds = array<i64: 2048, 128>}, {transform_indices = @transform_1, window_bounds = array<i64: 128, 4>}, {transform_indices = @transform_2, window_bounds = array<i64: 4, 2048>}]} {
    %get3A = arith.constant 0 : index
    %get3A_0 = arith.constant 0 : index
    %get3A_1 = vector.load %arg3[%get3A, %get3A_0] : memref<128x4xf32, #tpu.memory_space<vmem>>, vector<128x4xf32>
    %get3A_2 = arith.constant 0 : index
    %get3A_3 = arith.constant 0 : index
    %get3A_4 = vector.load %arg2[%get3A_2, %get3A_3] : memref<2048x128xf32, #tpu.memory_space<vmem>>, vector<2048x128xf32>
    %dot_general3A = arith.constant dense<0.000000e+00> : vector<4x2048xf32>
    %dot_general3A_5 = tpu.matmul %get3A_1, %get3A_4, %dot_general3A {dimension_numbers = #tpu.dot_dimension_numbers<[0], [1], [1], [0], [0, 1, 1, 0], [], []>, transpose_lhs_hint = false} : vector<128x4xf32>, vector<2048x128xf32>, vector<4x2048xf32> -> vector<4x2048xf32>
    %eq3A = arith.constant 0 : i32
    %eq3A_6 = arith.cmpi eq, %arg1, %eq3A : i32
    %convert_element_type3A = arith.extui %eq3A_6 : i1 to i32
    %cond3A = arith.constant 0 : i32
    %cond3A_7 = arith.cmpi ne, %convert_element_type3A, %cond3A : i32
    scf.if %cond3A_7 {
      %swap3A = arith.constant 0 : index
      %swap3A_12 = arith.constant 0 : index
      %swap3A_13 = vector.load %arg4[%swap3A, %swap3A_12] : memref<4x2048xf32, #tpu.memory_space<vmem>>, vector<4x2048xf32>
      tpu.vector_store %arg4[%swap3A, %swap3A_12], %dot_general3A_5 {strides = array<i32>} : memref<4x2048xf32, #tpu.memory_space<vmem>>, vector<4x2048xf32>,
    } else {
    }
    %ne3A = arith.constant 0 : i32
    %ne3A_8 = arith.cmpi ne, %arg1, %ne3A : i32
    %convert_element_type3A_9 = arith.extui %ne3A_8 : i1 to i32
    %cond3A_10 = arith.constant 0 : i32
    %cond3A_11 = arith.cmpi ne, %convert_element_type3A_9, %cond3A_10 : i32
    scf.if %cond3A_11 {
      %get3A_12 = arith.constant 0 : index
      %get3A_13 = arith.constant 0 : index
      %get3A_14 = vector.load %arg4[%get3A_12, %get3A_13] : memref<4x2048xf32, #tpu.memory_space<vmem>>, vector<4x2048xf32>
      %add3A = arith.addf %get3A_14, %dot_general3A_5 : vector<4x2048xf32>
      %swap3A = arith.constant 0 : index
      %swap3A_15 = arith.constant 0 : index
      %swap3A_16 = vector.load %arg4[%swap3A, %swap3A_15] : memref<4x2048xf32, #tpu.memory_space<vmem>>, vector<4x2048xf32>
      tpu.vector_store %arg4[%swap3A, %swap3A_15], %add3A {strides = array<i32>} : memref<4x2048xf32, #tpu.memory_space<vmem>>, vector<4x2048xf32>,
    } else {
    }
    return
  }
  func.func @transform_0(%arg0: i32, %arg1: i32) -> (i32, i32) {
    %mul3A = arith.constant 5 : i32
    %mul3A_0 = arith.muli %arg1, %mul3A : i32
    %add3A = arith.addi %mul3A_0, %arg0 : i32
    %c0_i32 = arith.constant 0 : i32
    %c0_i32_1 = arith.constant 0 : i32
    return %add3A, %c0_i32 : i32, i32
  }
  func.func @transform_1(%arg0: i32, %arg1: i32) -> (i32, i32) {
    %c0_i32 = arith.constant 0 : i32
    %c0_i32_0 = arith.constant 0 : i32
    return %arg1, %c0_i32 : i32, i32
  }
  func.func @transform_2(%arg0: i32, %arg1: i32) -> (i32, i32) {
    %c0_i32 = arith.constant 0 : i32
    %c0_i32_0 = arith.constant 0 : i32
    return %c0_i32, %arg0 : i32, i32
  }
}

module attributes {stable_mosaic.version = 14 : i64} {
  func.func @_mm_acc_body(%arg0: i32, %arg1: i32, %arg2: memref<2048x128xf32, #tpu.memory_space<vmem>>, %arg3: memref<128x256xf32, #tpu.memory_space<vmem>>, %arg4: memref<2048x256xf32, #tpu.memory_space<vmem>>) attributes {dimension_semantics = [#tpu.dimension_semantics<arbitrary>, #tpu.dimension_semantics<arbitrary>], iteration_bounds = array<i64: 5, 4>, scalar_prefetch = 0 : i64, scratch_operands = 0 : i64, tpu.core_type = #tpu.core_type<tc>, window_params = [{transform_indices = @transform_0, window_bounds = array<i64: 2048, 128>}, {transform_indices = @transform_1, window_bounds = array<i64: 128, 256>}, {transform_indices = @transform_2, window_bounds = array<i64: 2048, 256>}]} {
    %get3A = arith.constant 0 : index
    %get3A_0 = arith.constant 0 : index
    %get3A_1 = vector.load %arg2[%get3A, %get3A_0] : memref<2048x128xf32, #tpu.memory_space<vmem>>, vector<2048x128xf32>
    %get3A_2 = arith.constant 0 : index
    %get3A_3 = arith.constant 0 : index
    %get3A_4 = vector.load %arg3[%get3A_2, %get3A_3] : memref<128x256xf32, #tpu.memory_space<vmem>>, vector<128x256xf32>
    %dot_general3A = arith.constant dense<0.000000e+00> : vector<2048x256xf32>
    %dot_general3A_5 = tpu.matmul %get3A_1, %get3A_4, %dot_general3A {dimension_numbers = #tpu.dot_dimension_numbers<[1], [0], [0], [1], [0, 0, 1, 1], [], []>, transpose_lhs_hint = false} : vector<2048x128xf32>, vector<128x256xf32>, vector<2048x256xf32> -> vector<2048x256xf32>
    %eq3A = arith.constant 0 : i32
    %eq3A_6 = arith.cmpi eq, %arg1, %eq3A : i32
    %convert_element_type3A = arith.extui %eq3A_6 : i1 to i32
    %cond3A = arith.constant 0 : i32
    %cond3A_7 = arith.cmpi ne, %convert_element_type3A, %cond3A : i32
    scf.if %cond3A_7 {
      %swap3A = arith.constant 0 : index
      %swap3A_12 = arith.constant 0 : index
      %swap3A_13 = vector.load %arg4[%swap3A, %swap3A_12] : memref<2048x256xf32, #tpu.memory_space<vmem>>, vector<2048x256xf32>
      tpu.vector_store %arg4[%swap3A, %swap3A_12], %dot_general3A_5 {strides = array<i32>} : memref<2048x256xf32, #tpu.memory_space<vmem>>, vector<2048x256xf32>,
    } else {
    }
    %ne3A = arith.constant 0 : i32
    %ne3A_8 = arith.cmpi ne, %arg1, %ne3A : i32
    %convert_element_type3A_9 = arith.extui %ne3A_8 : i1 to i32
    %cond3A_10 = arith.constant 0 : i32
    %cond3A_11 = arith.cmpi ne, %convert_element_type3A_9, %cond3A_10 : i32
    scf.if %cond3A_11 {
      %get3A_12 = arith.constant 0 : index
      %get3A_13 = arith.constant 0 : index
      %get3A_14 = vector.load %arg4[%get3A_12, %get3A_13] : memref<2048x256xf32, #tpu.memory_space<vmem>>, vector<2048x256xf32>
      %add3A = arith.addf %get3A_14, %dot_general3A_5 : vector<2048x256xf32>
      %swap3A = arith.constant 0 : index
      %swap3A_15 = arith.constant 0 : index
      %swap3A_16 = vector.load %arg4[%swap3A, %swap3A_15] : memref<2048x256xf32, #tpu.memory_space<vmem>>, vector<2048x256xf32>
      tpu.vector_store %arg4[%swap3A, %swap3A_15], %add3A {strides = array<i32>} : memref<2048x256xf32, #tpu.memory_space<vmem>>, vector<2048x256xf32>,
    } else {
    }
    return
  }
  func.func @transform_0(%arg0: i32, %arg1: i32) -> (i32, i32) {
    %mul3A = arith.constant 5 : i32
    %mul3A_0 = arith.muli %arg1, %mul3A : i32
    %add3A = arith.addi %mul3A_0, %arg0 : i32
    %c0_i32 = arith.constant 0 : i32
    %c0_i32_1 = arith.constant 0 : i32
    return %add3A, %c0_i32 : i32, i32
  }
  func.func @transform_1(%arg0: i32, %arg1: i32) -> (i32, i32) {
    %c0_i32 = arith.constant 0 : i32
    %c0_i32_0 = arith.constant 0 : i32
    return %arg1, %c0_i32 : i32, i32
  }
  func.func @transform_2(%arg0: i32, %arg1: i32) -> (i32, i32) {
    %c0_i32 = arith.constant 0 : i32
    %c0_i32_0 = arith.constant 0 : i32
    return %arg0, %c0_i32 : i32, i32
  }
}

module attributes {stable_mosaic.version = 14 : i64} {
  func.func @_mm_q_t_body(%arg0: i32, %arg1: i32, %arg2: memref<2048x256xf32, #tpu.memory_space<vmem>>, %arg3: memref<128x256xf32, #tpu.memory_space<vmem>>, %arg4: memref<2048x128xf32, #tpu.memory_space<vmem>>) attributes {dimension_semantics = [#tpu.dimension_semantics<arbitrary>, #tpu.dimension_semantics<arbitrary>], iteration_bounds = array<i64: 5, 4>, scalar_prefetch = 0 : i64, scratch_operands = 0 : i64, tpu.core_type = #tpu.core_type<tc>, window_params = [{transform_indices = @transform_0, window_bounds = array<i64: 2048, 256>}, {transform_indices = @transform_1, window_bounds = array<i64: 128, 256>}, {transform_indices = @transform_2, window_bounds = array<i64: 2048, 128>}]} {
    %get3A = arith.constant 0 : index
    %get3A_0 = arith.constant 0 : index
    %get3A_1 = vector.load %arg2[%get3A, %get3A_0] : memref<2048x256xf32, #tpu.memory_space<vmem>>, vector<2048x256xf32>
    %get3A_2 = arith.constant 0 : index
    %get3A_3 = arith.constant 0 : index
    %get3A_4 = vector.load %arg3[%get3A_2, %get3A_3] : memref<128x256xf32, #tpu.memory_space<vmem>>, vector<128x256xf32>
    %dot_general3A = arith.constant dense<0.000000e+00> : vector<2048x128xf32>
    %dot_general3A_5 = tpu.matmul %get3A_1, %get3A_4, %dot_general3A {dimension_numbers = #tpu.dot_dimension_numbers<[1], [1], [0], [0], [0, 0, 1, 0], [], []>, transpose_lhs_hint = false} : vector<2048x256xf32>, vector<128x256xf32>, vector<2048x128xf32> -> vector<2048x128xf32>
    %swap3A = arith.constant 0 : index
    %swap3A_6 = arith.constant 0 : index
    %swap3A_7 = vector.load %arg4[%swap3A, %swap3A_6] : memref<2048x128xf32, #tpu.memory_space<vmem>>, vector<2048x128xf32>
    tpu.vector_store %arg4[%swap3A, %swap3A_6], %dot_general3A_5 {strides = array<i32>} : memref<2048x128xf32, #tpu.memory_space<vmem>>, vector<2048x128xf32>,
    return
  }
  func.func @transform_0(%arg0: i32, %arg1: i32) -> (i32, i32) {
    %c0_i32 = arith.constant 0 : i32
    %c0_i32_0 = arith.constant 0 : i32
    return %arg0, %c0_i32 : i32, i32
  }
  func.func @transform_1(%arg0: i32, %arg1: i32) -> (i32, i32) {
    %c0_i32 = arith.constant 0 : i32
    %c0_i32_0 = arith.constant 0 : i32
    return %arg1, %c0_i32 : i32, i32
  }
  func.func @transform_2(%arg0: i32, %arg1: i32) -> (i32, i32) {
    %mul3A = arith.constant 5 : i32
    %mul3A_0 = arith.muli %arg1, %mul3A : i32
    %add3A = arith.addi %mul3A_0, %arg0 : i32
    %c0_i32 = arith.constant 0 : i32
    %c0_i32_1 = arith.constant 0 : i32
    return %add3A, %c0_i32 : i32, i32
  }
}

module attributes {stable_mosaic.version = 14 : i64} {
  func.func @_wd_body(%arg0: memref<256x512xf32, #tpu.memory_space<vmem>>, %arg1: memref<512x256xf32, #tpu.memory_space<vmem>>, %arg2: memref<1x128xf32, #tpu.memory_space<vmem>>) attributes {dimension_semantics = [], scalar_prefetch = 0 : i64, scratch_operands = 0 : i64, tpu.core_type = #tpu.core_type<tc>} {
    %get3A = arith.constant 0 : index
    %get3A_0 = arith.constant 0 : index
    %get3A_1 = vector.load %arg0[%get3A, %get3A_0] : memref<256x512xf32, #tpu.memory_space<vmem>>, vector<256x512xf32>
    %get3A_2 = arith.constant 0 : index
    %get3A_3 = arith.constant 0 : index
    %get3A_4 = vector.load %arg0[%get3A_2, %get3A_3] : memref<256x512xf32, #tpu.memory_space<vmem>>, vector<256x512xf32>
    %mul3A = arith.mulf %get3A_1, %get3A_4 : vector<256x512xf32>
    %reduce_sum3A = vector.shape_cast %mul3A : vector<256x512xf32> to vector<1x256x512xf32>
    %reduce_sum3A_5 = arith.constant dense<0.000000e+00> : vector<1xf32>
    %reduce_sum3A_6 = vector.multi_reduction <add>, %reduce_sum3A, %reduce_sum3A_5 [1, 2] : vector<1x256x512xf32> to vector<1xf32>
    %reduce_sum3A_7 = vector.shape_cast %reduce_sum3A_6 : vector<1xf32> to vector<1x1x1xf32>
    %reduce_sum3A_8 = vector.extract %reduce_sum3A_7[0, 0, 0] : f32 from vector<1x1x1xf32>
    %get3A_9 = arith.constant 0 : index
    %get3A_10 = arith.constant 0 : index
    %get3A_11 = vector.load %arg1[%get3A_9, %get3A_10] : memref<512x256xf32, #tpu.memory_space<vmem>>, vector<512x256xf32>
    %get3A_12 = arith.constant 0 : index
    %get3A_13 = arith.constant 0 : index
    %get3A_14 = vector.load %arg1[%get3A_12, %get3A_13] : memref<512x256xf32, #tpu.memory_space<vmem>>, vector<512x256xf32>
    %mul3A_15 = arith.mulf %get3A_11, %get3A_14 : vector<512x256xf32>
    %reduce_sum3A_16 = vector.shape_cast %mul3A_15 : vector<512x256xf32> to vector<1x512x256xf32>
    %reduce_sum3A_17 = arith.constant dense<0.000000e+00> : vector<1xf32>
    %reduce_sum3A_18 = vector.multi_reduction <add>, %reduce_sum3A_16, %reduce_sum3A_17 [1, 2] : vector<1x512x256xf32> to vector<1xf32>
    %reduce_sum3A_19 = vector.shape_cast %reduce_sum3A_18 : vector<1xf32> to vector<1x1x1xf32>
    %reduce_sum3A_20 = vector.extract %reduce_sum3A_19[0, 0, 0] : f32 from vector<1x1x1xf32>
    %add3A = arith.addf %reduce_sum3A_8, %reduce_sum3A_20 : f32
    %broadcast_in_dim3A = vector.broadcast %add3A : f32 to vector<1x128xf32>
    %swap3A = arith.constant 0 : index
    %swap3A_21 = arith.constant 0 : index
    %swap3A_22 = vector.load %arg2[%swap3A, %swap3A_21] : memref<1x128xf32, #tpu.memory_space<vmem>>, vector<1x128xf32>
    tpu.vector_store %arg2[%swap3A, %swap3A_21], %broadcast_in_dim3A {strides = array<i32>} : memref<1x128xf32, #tpu.memory_space<vmem>>, vector<1x128xf32>,
    return
  }
}

module attributes {stable_mosaic.version = 14 : i64} {
  func.func @_mm_out_body(%arg0: i32, %arg1: i32, %arg2: memref<2048x128xf32, #tpu.memory_space<vmem>>, %arg3: memref<256x128xf32, #tpu.memory_space<vmem>>, %arg4: memref<2048x256xf32, #tpu.memory_space<vmem>>, %arg5: memref<2048x256xf32, #tpu.memory_space<vmem>>, %arg6: memref<1x8x128xf32, #tpu.memory_space<vmem>>) attributes {dimension_semantics = [#tpu.dimension_semantics<arbitrary>, #tpu.dimension_semantics<arbitrary>], iteration_bounds = array<i64: 5, 4>, scalar_prefetch = 0 : i64, scratch_operands = 0 : i64, tpu.core_type = #tpu.core_type<tc>, window_params = [{transform_indices = @transform_0, window_bounds = array<i64: 2048, 128>}, {transform_indices = @transform_1, window_bounds = array<i64: 256, 128>}, {transform_indices = @transform_2, window_bounds = array<i64: 2048, 256>}, {transform_indices = @transform_3, window_bounds = array<i64: 2048, 256>}, {transform_indices = @transform_4, window_bounds = array<i64: 1, 8, 128>}]} {
    %get3A = arith.constant 0 : index
    %get3A_0 = arith.constant 0 : index
    %get3A_1 = vector.load %arg2[%get3A, %get3A_0] : memref<2048x128xf32, #tpu.memory_space<vmem>>, vector<2048x128xf32>
    %get3A_2 = arith.constant 0 : index
    %get3A_3 = arith.constant 0 : index
    %get3A_4 = vector.load %arg3[%get3A_2, %get3A_3] : memref<256x128xf32, #tpu.memory_space<vmem>>, vector<256x128xf32>
    %dot_general3A = arith.constant dense<0.000000e+00> : vector<2048x256xf32>
    %dot_general3A_5 = tpu.matmul %get3A_1, %get3A_4, %dot_general3A {dimension_numbers = #tpu.dot_dimension_numbers<[1], [1], [0], [0], [0, 0, 1, 0], [], []>, transpose_lhs_hint = false} : vector<2048x128xf32>, vector<256x128xf32>, vector<2048x256xf32> -> vector<2048x256xf32>
    %eq3A = arith.constant 0 : i32
    %eq3A_6 = arith.cmpi eq, %arg1, %eq3A : i32
    %convert_element_type3A = arith.extui %eq3A_6 : i1 to i32
    %cond3A = arith.constant 0 : i32
    %cond3A_7 = arith.cmpi ne, %convert_element_type3A, %cond3A : i32
    scf.if %cond3A_7 {
      %swap3A = arith.constant 0 : index
      %swap3A_17 = arith.constant 0 : index
      %swap3A_18 = vector.load %arg5[%swap3A, %swap3A_17] : memref<2048x256xf32, #tpu.memory_space<vmem>>, vector<2048x256xf32>
      tpu.vector_store %arg5[%swap3A, %swap3A_17], %dot_general3A_5 {strides = array<i32>} : memref<2048x256xf32, #tpu.memory_space<vmem>>, vector<2048x256xf32>,
    } else {
    }
    %ne3A = arith.constant 0 : i32
    %ne3A_8 = arith.cmpi ne, %arg1, %ne3A : i32
    %convert_element_type3A_9 = arith.extui %ne3A_8 : i1 to i32
    %cond3A_10 = arith.constant 0 : i32
    %cond3A_11 = arith.cmpi ne, %convert_element_type3A_9, %cond3A_10 : i32
    scf.if %cond3A_11 {
      %get3A_17 = arith.constant 0 : index
      %get3A_18 = arith.constant 0 : index
      %get3A_19 = vector.load %arg5[%get3A_17, %get3A_18] : memref<2048x256xf32, #tpu.memory_space<vmem>>, vector<2048x256xf32>
      %add3A = arith.addf %get3A_19, %dot_general3A_5 : vector<2048x256xf32>
      %swap3A = arith.constant 0 : index
      %swap3A_20 = arith.constant 0 : index
      %swap3A_21 = vector.load %arg5[%swap3A, %swap3A_20] : memref<2048x256xf32, #tpu.memory_space<vmem>>, vector<2048x256xf32>
      tpu.vector_store %arg5[%swap3A, %swap3A_20], %add3A {strides = array<i32>} : memref<2048x256xf32, #tpu.memory_space<vmem>>, vector<2048x256xf32>,
    } else {
    }
    %eq3A_12 = arith.constant 3 : i32
    %eq3A_13 = arith.cmpi eq, %arg1, %eq3A_12 : i32
    %convert_element_type3A_14 = arith.extui %eq3A_13 : i1 to i32
    %cond3A_15 = arith.constant 0 : i32
    %cond3A_16 = arith.cmpi ne, %convert_element_type3A_14, %cond3A_15 : i32
    scf.if %cond3A_16 {
      %mul3A = arith.constant 2048 : i32
      %mul3A_17 = arith.muli %arg0, %mul3A : i32
      %iota3A = tpu.iota {dimensions = array<i32: 0>} : vector<2048x256xi32>
      %add3A = vector.broadcast %mul3A_17 : i32 to vector<2048x256xi32>
      %add3A_18 = arith.addi %add3A, %iota3A : vector<2048x256xi32>
      %lt3A = arith.constant 10000 : i32
      %lt3A_19 = vector.broadcast %lt3A : i32 to vector<2048x256xi32>
      %lt3A_20 = arith.cmpi slt, %add3A_18, %lt3A_19 : vector<2048x256xi32>
      %get3A_21 = arith.constant 0 : index
      %get3A_22 = arith.constant 0 : index
      %get3A_23 = vector.load %arg5[%get3A_21, %get3A_22] : memref<2048x256xf32, #tpu.memory_space<vmem>>, vector<2048x256xf32>
      %get3A_24 = arith.constant 0 : index
      %get3A_25 = arith.constant 0 : index
      %get3A_26 = vector.load %arg4[%get3A_24, %get3A_25] : memref<2048x256xf32, #tpu.memory_space<vmem>>, vector<2048x256xf32>
      %sub3A = arith.subf %get3A_23, %get3A_26 : vector<2048x256xf32>
      %jit3A = arith.constant 0.000000e+00 : f32
      %broadcast_in_dim3A = vector.broadcast %jit3A : f32 to vector<2048x256xf32>
      %select_n3A = arith.select %lt3A_20, %sub3A, %broadcast_in_dim3A : vector<2048x256xi1>, vector<2048x256xf32>
      %mul3A_27 = arith.mulf %select_n3A, %select_n3A : vector<2048x256xf32>
      %reduce_sum3A = vector.shape_cast %mul3A_27 : vector<2048x256xf32> to vector<1x2048x256xf32>
      %reduce_sum3A_28 = arith.constant dense<0.000000e+00> : vector<1xf32>
      %reduce_sum3A_29 = vector.multi_reduction <add>, %reduce_sum3A, %reduce_sum3A_28 [1, 2] : vector<1x2048x256xf32> to vector<1xf32>
      %reduce_sum3A_30 = vector.shape_cast %reduce_sum3A_29 : vector<1xf32> to vector<1x1x1xf32>
      %reduce_sum3A_31 = vector.extract %reduce_sum3A_30[0, 0, 0] : f32 from vector<1x1x1xf32>
      %broadcast_in_dim3A_32 = vector.broadcast %reduce_sum3A_31 : f32 to vector<1x8x128xf32>
      %swap3A = arith.constant 0 : index
      %swap3A_33 = arith.constant 0 : index
      %swap3A_34 = arith.constant 0 : index
      %swap3A_35 = vector.load %arg6[%swap3A, %swap3A_33, %swap3A_34] : memref<1x8x128xf32, #tpu.memory_space<vmem>>, vector<1x8x128xf32>
      tpu.vector_store %arg6[%swap3A, %swap3A_33, %swap3A_34], %broadcast_in_dim3A_32 {strides = array<i32>} : memref<1x8x128xf32, #tpu.memory_space<vmem>>, vector<1x8x128xf32>,
    } else {
    }
    return
  }
  func.func @transform_0(%arg0: i32, %arg1: i32) -> (i32, i32) {
    %mul3A = arith.constant 5 : i32
    %mul3A_0 = arith.muli %arg1, %mul3A : i32
    %add3A = arith.addi %mul3A_0, %arg0 : i32
    %c0_i32 = arith.constant 0 : i32
    %c0_i32_1 = arith.constant 0 : i32
    return %add3A, %c0_i32 : i32, i32
  }
  func.func @transform_1(%arg0: i32, %arg1: i32) -> (i32, i32) {
    %c0_i32 = arith.constant 0 : i32
    %c0_i32_0 = arith.constant 0 : i32
    return %c0_i32, %arg1 : i32, i32
  }
  func.func @transform_2(%arg0: i32, %arg1: i32) -> (i32, i32) {
    %c0_i32 = arith.constant 0 : i32
    %c0_i32_0 = arith.constant 0 : i32
    return %arg0, %c0_i32 : i32, i32
  }
  func.func @transform_3(%arg0: i32, %arg1: i32) -> (i32, i32) {
    %c0_i32 = arith.constant 0 : i32
    %c0_i32_0 = arith.constant 0 : i32
    return %arg0, %c0_i32 : i32, i32
  }
  func.func @transform_4(%arg0: i32, %arg1: i32) -> (i32, i32, i32) {
    %c0_i32 = arith.constant 0 : i32
    %c0_i32_0 = arith.constant 0 : i32
    %c0_i32_1 = arith.constant 0 : i32
    return %arg0, %c0_i32, %c0_i32_0 : i32, i32, i32
  }
}

</mosaic_0001>

<sc_bundles>
// kernel: kernel.10.cloned.1.call-start
scs
__scs_entry_jumppad:
0x0: {  	(pc) =	sbr.rel $0x88, $3  }
0x1: {  	(tag) =	ssettag $0x0;
	lr =	simm.s32 $0x1  }
0x2: {  	[smem:$0x3F96] =	sst lr;
	_ =	strace $0xD0000000  }
0x3: {  	_ = 	snop  }
0x4: {  	_ = 	snop  }
0x5: {  	_ = 	snop  }
0x6: {  	_ = 	snop  }
0x7: {  	_ = 	snop  }
__scs_overlays_trampoline_lowered:
0x8: {  	[smem:$0x3FA5] =	sst s0  }
0x9: {  	[smem:$0x3FA6] =	sst s1  }
0xa: {  	[smem:$0x3FA7] =	sst s2  }
0xb: {  	[smem:$0x3FA8] =	sst s3  }
0xc: {  	[smem:$0x3FA9] =	sst s4  }
0xd: {  	[smem:$0x3FAA] =	sst s5  }
0xe: {  	[smem:$0x3FAB] =	sst s6  }
0xf: {  	[smem:$0x3FAC] =	sst s7  }
0x10: {  	[smem:$0x3FAD] =	sst s8  }
0x11: {  	[smem:$0x3FAE] =	sst s9;
	s0 =	simm.s32 @!p0 $0x0  }
0x12: {  	s1 =	sld [smem:$0x3F94];
	s0 =	simm.s32 @p0 $0x1  }
0x13: {  	[smem:$0x3FAF] =	sst s0;
	s0 =	simm.s32 @!p1 $0x0  }
0x14: {  	s2 =	sld [smem:$0x3F93];
	s0 =	simm.s32 @p1 $0x1  }
0x15: {  	[smem:$0x3FB0] =	sst s0;
	s0 =	simm.s32 @!p2 $0x0  }
0x16: {  	s3 =	sld [smem:$0x3FDB];
	s0 =	simm.s32 @p2 $0x1  }
0x17: {  	s4 =	simm.s32 $0x1BF5;
	[smem:$0x3FB2] =	sst s0  }
0x18: {  	s0 =	sld [smem:$0x3F95];
	_ =	swait.ge [sflag:s4], $0x0  }
0x19: {  	s7 =	sld [smem:$0x3F96]  }
0x1a: {  	s8 =	sadd.s32 $0xFFFFE003, lr  }
0x1b: {  	s9 =	sadd.s32 $0xFFFFFEF7, lr;
	s5 =	simm.s32 $0xFFFFFFFF;
	p2 =	slt.u32 s8, $0xFFFFF086  }
0x1c: {  	p1 =	slt.u32 s9, $0xF7A;
	s5 =	simm.s32 @!p2 $0x0  }
0x1d: {  	s5 =	simm.s32 @p1 $0x1;
	p0 =	seq.s32 s7, s2  }
0x1e: {  	s7 =	smul.u32 @!p0 $0xF7A, s2;
	p2 =	seq.s32 @!p0 s5, $0x0  }
0x1f: {  	s9 =	smul.u32 $0xF7A, s1;
	s8 =	simm.s32 @!p0 $0x1BF5;
	p2 =	por !p2, p0  }
0x20: {  	[sflag:s8] =	ssyncset.s32 @!p0 $0xFFFFF086;
	s6 =	sadd.s32 @!p0 s3, s7;
	s7 =	simm.s32 @!p0 $0x108  }
0x21: {  	s3 =	sadd.s32 s3, s9;
	s6 =	sadd.s32 @!p0 $0x88, s6;
	s7 =	simm.s32 @p2 $0x1082  }
0x22: {  	[simem:s7], [sflag:s8] =	dma.local @!p0 [hbm:s6], $0xF7A  }
0x23: {  	s9 =	sor.u32 $0xD0000000, s2;
	s6 =	simm.s32 $0x108;
	_ =	swait.ge @!p0 [sflag:s8], $0x0  }
0x24: {  	s3 =	sadd.s32 $0x88, s3;
	s6 =	simm.s32 @!p1 $0x1082;
	[sflag:s4] =	ssyncset.s32 $0xFFFFF086  }
0x25: {  	[simem:s6], [sflag:s4] =	dma.local [hbm:s3], $0xF7A  }
0x26: {  	[smem:$0x3F96] =	sst s1;
	(tag) =	ssettag s2;
	_ =	strace s9  }
0x27: {  	s1 =	sld [smem:$0x3FA6]  }
0x28: {  	s2 =	sld [smem:$0x3FA7]  }
0x29: {  	s4 =	sld [smem:$0x3FA9]  }
0x2a: {  	p0 =	seq.s32 s5, $0x0;
	s5 =	sld [smem:$0x3FAA]  }
0x2b: {  	s6 =	sld [smem:$0x3FAB]  }
0x2c: {  	s7 =	sld [smem:$0x3FAC]  }
0x2d: {  	s3 =	simm.s32 $0x108;
	s8 =	sld [smem:$0x3FAD]  }
0x2e: {  	s3 =	simm.s32 @!p0 $0x1082;
	s9 =	sld [smem:$0x3FAE]  }
0x2f: {  	lr =	sadd.s32 s0, s3;
	s0 =	sld [smem:$0x3FA5]  }
0x30: {  	s3 =	sld [smem:$0x3FA8]  }
0x31: {  	[smem:$0x3FB1] =	sst s10  }
0x32: {  	s10 =	sld [smem:$0x3FAF];
	_ =	sdelay $0x3  }
0x33: {  	p0 =	seq.s32 s10, $0x1;
	s10 =	sld [smem:$0x3FB1];
	_ =	sdelay $0x3  }
0x34: {  	[smem:$0x3FB1] =	sst s10  }
0x35: {  	s10 =	sld [smem:$0x3FB0];
	_ =	sdelay $0x3  }
0x36: {  	p1 =	seq.s32 s10, $0x1;
	s10 =	sld [smem:$0x3FB1];
	_ =	sdelay $0x3  }
0x37: {  	[smem:$0x3FB1] =	sst s10  }
0x38: {  	s10 =	sld [smem:$0x3FB2]  }
0x39: {  	_ = 	snop;
	(pc) =	sbr.ind lr, $3  }
0x3a: {  	_ = 	snop  }
0x3b: {  	_ = 	snop  }
0x3c: {  	p2 =	seq.s32 s10, $0x1;
	s10 =	sld [smem:$0x3FB1]  }
0x3d: {  	_ =	shalt  }
0x3e: {  	_ =	shalt  }
0x3f: {  	_ =	shalt  }
0x40: {  	_ =	shalt  }
0x41: {  	_ =	shalt  }
0x42: {  	_ =	shalt  }
0x43: {  	_ =	shalt  }
0x44: {  	_ =	shalt  }
0x45: {  	_ =	shalt  }
0x46: {  	_ =	shalt  }
0x47: {  	_ =	shalt  }
0x48: {  	_ =	shalt  }
0x49: {  	_ =	shalt  }
0x4a: {  	_ =	shalt  }
0x4b: {  	_ =	shalt  }
0x4c: {  	_ =	shalt  }
0x4d: {  	_ =	shalt  }
0x4e: {  	_ =	shalt  }
0x4f: {  	_ =	shalt  }
0x50: {  	_ =	shalt  }
0x51: {  	_ =	shalt  }
0x52: {  	_ =	shalt  }
0x53: {  	_ =	shalt  }
0x54: {  	_ =	shalt  }
0x55: {  	_ =	shalt  }
0x56: {  	_ =	shalt  }
0x57: {  	_ =	shalt  }
0x58: {  	_ =	shalt  }
0x59: {  	_ =	shalt  }
0x5a: {  	_ =	shalt  }
0x5b: {  	_ =	shalt  }
0x5c: {  	_ =	shalt  }
0x5d: {  	_ =	shalt  }
0x5e: {  	_ =	shalt  }
0x5f: {  	_ =	shalt  }
0x60: {  	_ =	shalt  }
0x61: {  	_ =	shalt  }
0x62: {  	_ =	shalt  }
0x63: {  	_ =	shalt  }
0x64: {  	_ =	shalt  }
0x65: {  	_ =	shalt  }
0x66: {  	_ =	shalt  }
0x67: {  	_ =	shalt  }
0x68: {  	_ =	shalt  }
0x69: {  	_ =	shalt  }
0x6a: {  	_ =	shalt  }
0x6b: {  	_ =	shalt  }
0x6c: {  	_ =	shalt  }
0x6d: {  	_ =	shalt  }
0x6e: {  	_ =	shalt  }
0x6f: {  	_ =	shalt  }
0x70: {  	_ =	shalt  }
0x71: {  	_ =	shalt  }
0x72: {  	_ =	shalt  }
0x73: {  	_ =	shalt  }
0x74: {  	_ =	shalt  }
0x75: {  	_ =	shalt  }
0x76: {  	_ =	shalt  }
0x77: {  	_ =	shalt  }
0x78: {  	_ =	shalt  }
0x79: {  	_ =	shalt  }
0x7a: {  	_ =	shalt  }
0x7b: {  	_ =	shalt  }
0x7c: {  	_ =	shalt  }
0x7d: {  	_ =	shalt  }
0x7e: {  	_ =	shalt  }
0x7f: {  	_ =	shalt  }
0x80: {  	_ =	shalt  }
0x81: {  	_ =	shalt  }
0x82: {  	_ =	shalt  }
0x83: {  	_ =	shalt  }
0x84: {  	_ =	shalt  }
0x85: {  	_ =	shalt  }
0x86: {  	_ =	shalt  }
0x87: {  	_ =	shalt  }
.Lfunc_end0:
.L_simem_size_0:
called_computation.2_lowered:
.L_overlay_start_0:
0x88: {  	s2 =	sld [smem:$0x3FD9]  }
0x89: {  	s3 =	sld [smem:$0x3FFE];
	_ =	sdelay $0x1  }
0x8a: {  	s1 =	srdreg.scid  }
0x8b: {  	s0 =	sand.u32 $0x1, s1  }
0x8c: {  	s14 =	sshll.u32 s0, $0xA;
	s2 =	sadd.s32 s3, s2  }
0x8d: {  	s2 =	sadd.s32 s2, s14  }
0x8e: {  	[smem:$0x3FBD] =	sst s2  }
0x8f: {  	_ = 	snop  }
0x90: {  	s2 =	sld [smem:$0x3FD0];
	_ =	sdelay $0x2  }
0x91: {  	s15 =	simm.s32 $0xB;
	s4 =	simm.s32 $0x10  }
0x92: {  	[smem:s4], [sflag:s15] =	dma.local [hbm:s2], $0x1  }
0x93: {  	_ =	swait.eq [sflag:s15], $0x1  }
0x94: {  	[sflag:s15] =	ssyncset.done $0x0  }
0x95: {  	s16 =	sld [smem:$0x11];
	[sflag:s15] =	ssyncadd.s32 $0xFFFFFFFF  }
0x96: {  	s17 =	sld [smem:$0x14];
	(tm) =	ssettm $0x1  }
0x97: {  	s18 =	sld [smem:$0x3FFB];
	_ =	sdelay $0x3  }
0x98: {  	_ =	strace s18  }
0x99: {  	s4 =	sld [smem:$0x3FFC];
	_ =	sdelay $0x3  }
0x9a: {  	_ =	strace s4  }
0x9b: {  	s4 =	sld [smem:$0x3FFD];
	_ =	sdelay $0x3  }
0x9c: {  	_ =	strace s4  }
0x9d: {  	_ =	strace $0x8FFFFFFF  }
0x9e: {  	s19 =	sld [smem:$0x3FDB];
	_ =	sdelay $0x1  }
0x9f: {  	s5 =	simm.s32 $_scs_section_size  }
0xa0: {  	s6 =	simm.s32 $_size__tile_overlayer_lowered;
	s7 =	simm.s32 $_tile_overlayer_lowered  }
0xa1: {  	s22 =	simm.s32 $0x1BFF;
	s21 =	sshll.u32 s7, $0x1;
	s4 =	sadd.s32 s5, s19  }
0xa2: {  	s8 =	simm.s32 $0x0;
	s20 =	sshll.u32 s6, $0x1;
	s6 =	sadd.s32 s21, s4  }
0xa3: {  	[timem:s8], [sflag:s22] =	dma.local [hbm:s6], s20  }
0xa4: {  	_ =	swait.ge [sflag:s22], s20  }
0xa5: {  	s5 =	ssub.s32 $0x0, s20;
	[sflag:s22] =	ssyncset.done $0x0  }
0xa6: {  	[sflag:s22] =	ssyncadd.s32 s5;
	_ =	sdelay $0x1  }
0xa7: {  	s23 =	simm.s32 $0x1B8B  }
0xa8: {  	_ =	swait.ge [sflag:s23], $0x1  }
0xa9: {  	[sflag:s23] =	ssyncset.done $0x0  }
0xaa: {  	s25 =	simm.s32 $0x1B8E;
	s24 =	sld [smem:$0x3FFE];
	[sflag:s23] =	ssyncadd.s32 $0xFFFFFFFF  }
0xab: {  	s26 =	simm.s32 $execute0_lowered;
	[smem:$0x3FD2] =	sst s25  }
0xac: {  	s6 =	sshll.u32 s26, $0x1;
	_ =	strace $0x80000046;
	[dreg:$0x1] =	wrdreg $0xFFFFFFFF  }
0xad: {  	s28 =	simm.s32 $_size_execute0_lowered;
	s4 =	sadd.s32 s4, s6;
	[dreg:$0x0] =	wrdreg $0x0  }
0xae: {  	s6 =	sshll.u32 s28, $0x1;
	[dreg:$0x2] =	wrdreg s4  }
0xaf: {  	[dreg:$0x3] =	wrdreg s6  }
0xb0: {  	[dreg:$0x4] =	wrdreg $0xC0  }
0xb1: {  	_ =	task [dreg:s8], $0x5FFFF  }
0xb2: {  	[dreg:$0x1] =	wrdreg $0xFFFFFFFF  }
0xb3: {  	[dreg:$0x0] =	wrdreg $0x60  }
0xb4: {  	[dreg:$0x2] =	wrdreg s24  }
0xb5: {  	[dreg:$0x3] =	wrdreg s17  }
0xb6: {  	[dreg:$0x4] =	wrdreg s16  }
0xb7: {  	[dreg:$0x5] =	wrdreg $0x148000  }
0xb8: {  	[dreg:$0x6] =	wrdreg $0x14A800  }
0xb9: {  	[dreg:$0x7] =	wrdreg $0x9  }
0xba: {  	_ =	task.clear_ibuf [dreg:s8], $0x8FFFF;
	_ =	strace $0x90000046  }
0xbb: {  	s29 =	simm.s32 $0x9;
	_ =	strace $0x80000048  }
0xbc: {  	_ =	swait.ge [sflag:s29], $0x1  }
0xbd: {  	[sflag:s29] =	ssyncadd.s32 $0xFFFFFFFF  }
0xbe: {  	_ =	strace $0x90000048  }
0xbf: {  	_ =	sfence  }
0xc0: {  	s30 =	sld [smem:$0x0];
	_ =	sdelay $0x2  }
0xc1: {  	s31 =	sshll.u32 s1, $0xD;
	s1 =	sshrl.u32 s1, $0x2  }
0xc2: {  	s3 =	sand.u32 $0x4000, s31;
	s1 =	sadd.s32 s1, s30  }
0xc3: {  	s0 =	sor.u32 s3, s0;
	s1 =	sshll.u32 s1, $0x11  }
0xc4: {  	s0 =	sor.u32 s1, s0  }
0xc5: {  	s0 =	sadd.s32 $0x8F2B, s0  }
0xc6: {  	[sflag:s0] =	ssyncadd.remote.s32 $0x1  }
0xc7: {  	_ =	sfence.sel $0xFFFF  }
0xc8: {  	[dreg:$0x0] =	wrdreg $0xFFFFFFFF;
	(pc) =	sbr.abs _section_cstart, $3  }
0xc9: {  	[dreg:$0x1] =	wrdreg $0xFFFFFFFF  }
0xca: {  	_ =	task.clear_ibuf [dreg:s8], $0x2FFFF;
	_ =	strace $0x9FFFFFFF  }
0xcb: {  	(tm) =	ssettm $0x7FFFFFFF  }
tec
execute0_lowered:
.L_overlay_start_1:
0x0: {  	(tag) =	ssettag $0x1  }
0x1: {  	s1 =	rddreg [dreg:$0x0]  }
0x2: {  	s9 =	rddreg [dreg:$0x1]  }
0x3: {  	s10 =	rddreg [dreg:$0x2]  }
0x4: {  	s0 =	rddreg [dreg:$0x3];
	s3 =	srdreg.scid  }
0x5: {  	s23 =	stileid.u32;
	s2 =	rddreg [dreg:$0x4]  }
0x6: {  	s19 =	simm.s32 $0x1;
	s20 =	simm.s32 $0x2800;
	s21 =	simm.s32 $0x5000  }
0x7: {  	s22 =	simm.s32 $0x7800;
	s30 =	simm.s32 $0x80;
	s31 =	simm.s32 $0xDC00  }
0x8: {  	s8 =	sand.u32 $0x1, s3;
	s4 =	sshll.u32 s23, $0x1;
	s3 =	simm.s32 $0x0  }
0x9: {  	s6 =	sadd.s32 $0x2200, s1;
	s7 =	sadd.s32 $0x1C00, s1;
	p0 =	sne.s32 s23, $0x0  }
0xa: {  	s23 =	simm.s32 $0x0;
	s5 =	sor.u32 s8, s4;
	s13 =	smul.u32 $0x500, s8  }
0xb: {  	[smem:$0x7FF] =	sst s3;
	s8 =	ssub.s32 $0x2, s8;
	s11 =	smul.u32 $0x280, s5  }
0xc: {  	s4 =	sadd.s32 $0x2E00, s1;
	s12 =	smul.u32 $0x180, s5;
	s29 =	sshrl.u32 s8, $0x1  }
0xd: {  	_ =	strace $0x80000047;
	s5 =	sadd.s32 $0x2800, s1;
	s18 =	ssub.s32 s8, s29  }
0xe: {  	s14 =	sadd.s32 s11, s1;
	s15 =	sadd.s32 s12, s1;
	s1 =	sadd.s32 s13, s1  }
0xf: {  	s9 =	sadd.s32 s9, s11;
	s10 =	sadd.s32 s10, s11;
	s18 =	smax.u32 s18, $0x1  }
0x10: {  	s8 =	sadd.s32 $0x3400, s14;
	s11 =	sadd.s32 $0x8400, s15;
	s12 =	sadd.s32 $0xB400, s15  }
0x11: {  	s13 =	sadd.s32 $0xE400, s15;
	s14 =	sadd.s32 $0x11400, s14;
	s15 =	sadd.s32 $0x16400, s15  }
0x12: {  	v0 =	vimm.f32 $0.0e+00;
	s16 =	sadd.s32 $0x19400, s1;
	s17 =	sadd.s32 $0x19E00, s1;
	s1 =	simm.s32 $0x11400  }
.LBB2_1:
0x13: {  	[tilespmem:s3], [sflag:$0x1] =	stream.linear.gather [hbm4b:s4+s3], $0x2800, $0x38;
	[tilespmem:$0x14D00] =	vst v63  }
0x14: {  	_ =	swait.ge [sflag:s19], $0x2800  }
0x15: {  	[sflag:s19] =	ssyncset.done $0x0  }
0x16: {  	[sflag:s19] =	ssyncadd.s32 $0xFFFFD800  }
0x17: {  	[tilespmem:s20], [sflag:$0x1] =	stream.linear.gather [hbm4b:s5+s3], $0x2800, $0x38;
	[tilespmem:$0x14D00] =	vst v63  }
0x18: {  	_ =	swait.ge [sflag:s19], $0x2800  }
0x19: {  	[sflag:s19] =	ssyncset.done $0x0  }
0x1a: {  	[sflag:s19] =	ssyncadd.s32 $0xFFFFD800  }
0x1b: {  	[tilespmem:s21], [sflag:$0x1] =	stream.linear.gather [hbm4b:s6+s3], $0x2800, $0x38;
	[tilespmem:$0x14D00] =	vst v63  }
0x1c: {  	_ =	swait.ge [sflag:s19], $0x2800  }
0x1d: {  	[sflag:s19] =	ssyncset.done $0x0  }
0x1e: {  	[sflag:s19] =	ssyncadd.s32 $0xFFFFD800  }
0x1f: {  	[tilespmem:s22], [sflag:$0x1] =	stream.linear.gather [hbm4b:s7+s3], $0x2800, $0x38;
	[tilespmem:$0x14D00] =	vst v63  }
0x20: {  	_ =	swait.ge [sflag:s19], $0x2800  }
0x21: {  	[sflag:s19] =	ssyncset.done $0x0  }
0x22: {  	s24 =	simm.s32 $0xA000;
	[sflag:s19] =	ssyncadd.s32 $0xFFFFD800  }
0x23: {  	[tilespmem:s24], [sflag:$0x1] =	stream.linear.gather [hbm4b:s8+s3], $0x1400, $0x38;
	[tilespmem:$0x14D00] =	vst v63  }
0x24: {  	_ =	swait.ge [sflag:s19], $0x1400  }
0x25: {  	[sflag:s19] =	ssyncset.done $0x0  }
0x26: {  	s29 =	simm.s32 $0xB400;
	[sflag:s19] =	ssyncadd.s32 $0xFFFFEC00  }
0x27: {  	[tilespmem:s29], [sflag:$0x1] =	stream.linear.gather [hbm4b:s9+s3], $0x1400, $0x38;
	[tilespmem:$0x14D00] =	vst v63  }
0x28: {  	_ =	swait.ge [sflag:s19], $0x1400  }
0x29: {  	[sflag:s19] =	ssyncset.done $0x0  }
0x2a: {  	s25 =	simm.s32 $0xC800;
	[sflag:s19] =	ssyncadd.s32 $0xFFFFEC00  }
0x2b: {  	[tilespmem:s25], [sflag:$0x1] =	stream.linear.gather [hbm4b:s10+s3], $0x1400, $0x38;
	[tilespmem:$0x14D00] =	vst v63  }
0x2c: {  	_ =	swait.ge [sflag:s19], $0x1400  }
0x2d: {  	[sflag:s19] =	ssyncset.done $0x0  }
0x2e: {  	s26 =	simm.s32 $0xF000;
	[sflag:s19] =	ssyncadd.s32 $0xFFFFEC00  }
0x2f: {  	[tilespmem:s26], [sflag:$0x1] =	stream.linear.gather [hbm4b:s11+s3], $0xA00, $0x38;
	[tilespmem:$0x14D00] =	vst v63  }
0x30: {  	_ =	swait.ge [sflag:s19], $0xA00  }
0x31: {  	[sflag:s19] =	ssyncset.done $0x0  }
0x32: {  	s28 =	simm.s32 $0xFC00;
	[sflag:s19] =	ssyncadd.s32 $0xFFFFF600  }
0x33: {  	[tilespmem:s28], [sflag:$0x1] =	stream.linear.gather [hbm4b:s12+s3], $0xA00, $0x38;
	[tilespmem:$0x14D00] =	vst v63  }
0x34: {  	_ =	swait.ge [sflag:s19], $0xA00  }
0x35: {  	[sflag:s19] =	ssyncset.done $0x0  }
0x36: {  	s29 =	simm.s32 $0x10800;
	[sflag:s19] =	ssyncadd.s32 $0xFFFFF600  }
0x37: {  	[tilespmem:s29], [sflag:$0x1] =	stream.linear.gather [hbm4b:s13+s3], $0xA00, $0x38;
	[tilespmem:$0x14D00] =	vst v63  }
0x38: {  	_ =	swait.ge [sflag:s19], $0xA00  }
0x39: {  	[sflag:s19] =	ssyncset.done $0x0  }
0x3a: {  	s24 =	simm.s32 $0x40;
	s25 =	simm.s32 $0x0;
	[sflag:s19] =	ssyncadd.s32 $0xFFFFF600  }
.LBB2_2:
0x3b: {  	p1 =	sne.s32 s24, $0x9FC0;
	[tilespmem:s25+$0x12000] =	vst v0;
	s25 =	smov.u32 s24;
	s24 =	sadd.s32 $0x40, s24  }
.Ltmp0:
0x3c: {  	(pc) =	sbr.rel @p1 .LBB2_2-.Ltmp0, $2  }
0x3d: {  	_ =	sdelay $0x2  }
0x3e: {  	s25 =	sshra.s32 s25, $0x2  }
0x3f: {  	[tilespmem:s25+$0x12000] =	vst v0;
	s24 =	simm.s32 @!p0 $0x12000;
	s25 =	simm.s32 @!p0 $0x1  }
0x40: {  	[spmem:s0] =	stream.linear.scatter @!p0 [tilespmem:s24], [sflag:$0x1], $0x2800, $0x38;
	[tilespmem:$0x14D00] =	vst v63  }
0x41: {  	_ =	swait.ge @!p0 [sflag:s25], $0x2800  }
0x42: {  	[sflag:s25] =	ssyncset.done @!p0 $0x0  }
0x43: {  	[sflag:s25] =	ssyncadd.s32 @!p0 $0xFFFFD800  }
0x44: {  	[spmem:s2] =	stream.linear.scatter @!p0 [tilespmem:s24], [sflag:$0x1], $0x2800, $0x38;
	[tilespmem:$0x14D00] =	vst v63  }
0x45: {  	_ =	swait.ge @!p0 [sflag:s25], $0x2800  }
0x46: {  	[sflag:s25] =	ssyncset.done @!p0 $0x0  }
0x47: {  	[sflag:s25] =	ssyncadd.s32 @!p0 $0xFFFFD800  }
0x48: {  	s24 =	simm.s32 $0x0;
	[bflag:$0x0] =	sbarrier.arrive $0xFFFF  }
0x49: {  	v1 =	vld [tilespmem:s24+$0xB400]  }
0x4a: {  	v2 =	vld [tilespmem:s24+$0xA000];
	_ =	sdelay $0x6  }
0x4b: {  	s25 =	simm.s32 $0x0;
	v1 =	vld.idx.msk [tilespmem:v1+s20+$0x0], $0xffff  }
0x4c: {  	v2 =	vld.idx.msk [tilespmem:v2+s25+$0x0], $0xffff;
	_ =	sdelay $0x1  }
0x4d: {  	v3 =	vld [tilespmem:s24+$0xC800];
	_ =	sdelay $0x2  }
0x4e: {  	v1 =	vadd.f32 v1, v2;
	_ =	sdelay $0x1  }
0x4f: {  	v1 =	vmul.f32 v1, v3;
	_ =	sdelay $0x1  }
0x50: {  	v1 =	vmul.f32 $1.442695020e+00, v1;
	_ =	sdelay $0x1  }
0x51: {  	(erf) = vpow2.f32 v1;
	_ =	sdelay $0x1  }
0x52: {  	s29 =	simm.s32 $0x10  }
0x53: {  	s28 =	simm.s32 $0x80;
	s26 =	simm.s32 $0x0;
	v1 =	vld [tilespmem:s29+$0xB400]  }
.LBB2_4:
0x54: {  	p1 =	sne.s32 s28, $0x4FC0;
	v2 =	vld [tilespmem:s29+$0xA000];
	_ =	sdelay $0x4  }
0x55: {  	v3 =	vpop (erf)  }
0x56: {  	[tilespmem:s26+$0xDC00] =	vst v3;
	s26 =	smov.u32 s29  }
0x57: {  	v1 =	vld.idx.msk [tilespmem:v1+s20+$0x0], $0xffff  }
0x58: {  	v2 =	vld.idx.msk [tilespmem:v2+s25+$0x0], $0xffff;
	_ =	sdelay $0x2  }
0x59: {  	v3 =	vld [tilespmem:s26+$0xC800];
	_ =	sdelay $0x2  }
0x5a: {  	v1 =	vadd.f32 v1, v2;
	_ =	sdelay $0x1  }
0x5b: {  	v1 =	vmul.f32 v1, v3;
	_ =	sdelay $0x1  }
0x5c: {  	v1 =	vmul.f32 $1.442695020e+00, v1  }
.Ltmp1:
0x5d: {  	(pc) =	sbr.rel @p1 .LBB2_4-.Ltmp1, $3  }
0x5e: {  	(erf) = vpow2.f32 v1;
	_ =	sdelay $0x1  }
0x5f: {  	s29 =	sshra.s32 s28, $0x2  }
0x60: {  	s28 =	sadd.s32 $0x40, s28;
	v1 =	vld [tilespmem:s29+$0xB400]  }
0x61: {  	_ = 	snop  }
0x62: {  	v2 =	vld [tilespmem:s29+$0xA000];
	_ =	sdelay $0x4  }
0x63: {  	v3 =	vpop (erf)  }
0x64: {  	[tilespmem:s26+$0xDC00] =	vst v3  }
0x65: {  	v1 =	vld.idx.msk [tilespmem:v1+s20+$0x0], $0xffff  }
0x66: {  	v2 =	vld.idx.msk [tilespmem:v2+s25+$0x0], $0xffff;
	_ =	sdelay $0x1  }
0x67: {  	v3 =	vld [tilespmem:s29+$0xC800];
	_ =	sdelay $0x2  }
0x68: {  	v1 =	vadd.f32 v1, v2;
	_ =	sdelay $0x1  }
0x69: {  	v1 =	vmul.f32 v1, v3;
	_ =	sdelay $0x1  }
0x6a: {  	v1 =	vmul.f32 $1.442695020e+00, v1;
	_ =	sdelay $0x1  }
0x6b: {  	(erf) = vpow2.f32 v1;
	_ =	sdelay $0x8  }
0x6c: {  	v1 =	vpop (erf)  }
0x6d: {  	[tilespmem:s29+$0xDC00] =	vst v1  }
0x6e: {  	v1 =	vld [tilespmem:s24+$0xFC00]  }
0x6f: {  	v2 =	vld [tilespmem:s24+$0xF000];
	_ =	sdelay $0x6  }
0x70: {  	v1 =	vld.idx.msk [tilespmem:v1+s22+$0x0], $0xffff  }
0x71: {  	v2 =	vld.idx.msk [tilespmem:v2+s21+$0x0], $0xffff;
	_ =	sdelay $0x1  }
0x72: {  	v3 =	vld [tilespmem:s24+$0x10800];
	_ =	sdelay $0x2  }
0x73: {  	v1 =	vadd.f32 v1, v2;
	_ =	sdelay $0x1  }
0x74: {  	v1 =	vmul.f32 v1, v3;
	_ =	sdelay $0x1  }
0x75: {  	v1 =	vmul.f32 $1.442695020e+00, v1;
	_ =	sdelay $0x1  }
0x76: {  	(erf) = vpow2.f32 v1;
	_ =	sdelay $0x1  }
0x77: {  	s26 =	simm.s32 $0x10  }
0x78: {  	s25 =	simm.s32 $0x80;
	v1 =	vld [tilespmem:s26+$0xFC00]  }
.LBB2_6:
0x79: {  	p1 =	sne.s32 s25, $0x27C0;
	v2 =	vld [tilespmem:s26+$0xF000];
	_ =	sdelay $0x4  }
0x7a: {  	v3 =	vpop (erf)  }
0x7b: {  	[tilespmem:s24+$0x11400] =	vst v3;
	s24 =	smov.u32 s26  }
0x7c: {  	v1 =	vld.idx.msk [tilespmem:v1+s22+$0x0], $0xffff  }
0x7d: {  	v2 =	vld.idx.msk [tilespmem:v2+s21+$0x0], $0xffff;
	_ =	sdelay $0x2  }
0x7e: {  	v3 =	vld [tilespmem:s24+$0x10800];
	_ =	sdelay $0x2  }
0x7f: {  	v1 =	vadd.f32 v1, v2;
	_ =	sdelay $0x1  }
0x80: {  	v1 =	vmul.f32 v1, v3;
	_ =	sdelay $0x1  }
0x81: {  	v1 =	vmul.f32 $1.442695020e+00, v1  }
.Ltmp2:
0x82: {  	(pc) =	sbr.rel @p1 .LBB2_6-.Ltmp2, $3  }
0x83: {  	(erf) = vpow2.f32 v1;
	_ =	sdelay $0x1  }
0x84: {  	s26 =	sshra.s32 s25, $0x2  }
0x85: {  	s25 =	sadd.s32 $0x40, s25;
	v1 =	vld [tilespmem:s26+$0xFC00]  }
0x86: {  	_ = 	snop  }
0x87: {  	v2 =	vld [tilespmem:s26+$0xF000];
	_ =	sdelay $0x4  }
0x88: {  	v3 =	vpop (erf)  }
0x89: {  	[tilespmem:s24+$0x11400] =	vst v3  }
0x8a: {  	v1 =	vld.idx.msk [tilespmem:v1+s22+$0x0], $0xffff  }
0x8b: {  	v2 =	vld.idx.msk [tilespmem:v2+s21+$0x0], $0xffff;
	_ =	sdelay $0x1  }
0x8c: {  	v3 =	vld [tilespmem:s26+$0x10800];
	_ =	sdelay $0x2  }
0x8d: {  	v1 =	vadd.f32 v1, v2;
	_ =	sdelay $0x1  }
0x8e: {  	v1 =	vmul.f32 v1, v3;
	_ =	sdelay $0x1  }
0x8f: {  	v1 =	vmul.f32 $1.442695020e+00, v1;
	_ =	sdelay $0x1  }
0x90: {  	(erf) = vpow2.f32 v1;
	_ =	sdelay $0x8  }
0x91: {  	v1 =	vpop (erf)  }
0x92: {  	s29 =	simm.s32 $0xDC00;
	s25 =	simm.s32 $0xA000;
	[tilespmem:s26+$0x11400] =	vst v1  }
0x93: {  	[spmem:s0] =	stream.indirect.scatter.add.f32 [tilespmem:s29], [sflag:$0x1], $0x1, s25, s30, $0xb8;
	[tilespmem:$0x14D00] =	vst v63  }
0x94: {  	s24 =	simm.s32 $0x200;
	_ =	swait.ge [sflag:s19], $0x80  }
.LBB2_8:
0x95: {  	s25 =	sshra.s32 s24, $0x2  }
0x96: {  	[sflag:s19] =	ssyncset.done $0x0;
	p1 =	sne.s32 s24, $0x4E00;
	s26 =	sadd.s32 $0xDC00, s25  }
.Ltmp3:
0x97: {  	s25 =	sadd.s32 $0xA000, s25;
	[sflag:s19] =	ssyncadd.s32 $0xFFFFFF80;
	(pc) =	sbr.rel @p1 .LBB2_8-.Ltmp3, $3  }
0x98: {  	[spmem:s0] =	stream.indirect.scatter.add.f32 [tilespmem:s26], [sflag:$0x1], $0x1, s25, s30, $0xb8;
	[tilespmem:$0x14D00] =	vst v63  }
0x99: {  	s24 =	sadd.s32 $0x200, s24;
	_ =	sdelay $0x1  }
0x9a: {  	_ =	swait.ge [sflag:s19], $0x80  }
0x9b: {  	[sflag:s19] =	ssyncset.done $0x0  }
0x9c: {  	s24 =	simm.s32 $0x11400;
	s25 =	simm.s32 $0xF000;
	[sflag:s19] =	ssyncadd.s32 $0xFFFFFF80  }
0x9d: {  	[spmem:s2] =	stream.indirect.scatter.add.f32 [tilespmem:s24], [sflag:$0x1], $0x1, s25, s30, $0xb8;
	[tilespmem:$0x14D00] =	vst v63  }
0x9e: {  	s24 =	simm.s32 $0x200;
	_ =	swait.ge [sflag:s19], $0x80  }
.LBB2_10:
0x9f: {  	s25 =	sshra.s32 s24, $0x2  }
0xa0: {  	[sflag:s19] =	ssyncset.done $0x0;
	p1 =	sne.s32 s24, $0x2600;
	s26 =	sadd.s32 $0x11400, s25  }
.Ltmp4:
0xa1: {  	s25 =	sadd.s32 $0xF000, s25;
	[sflag:s19] =	ssyncadd.s32 $0xFFFFFF80;
	(pc) =	sbr.rel @p1 .LBB2_10-.Ltmp4, $3  }
0xa2: {  	[spmem:s2] =	stream.indirect.scatter.add.f32 [tilespmem:s26], [sflag:$0x1], $0x1, s25, s30, $0xb8;
	[tilespmem:$0x14D00] =	vst v63  }
0xa3: {  	s24 =	sadd.s32 $0x200, s24;
	_ =	sdelay $0x1  }
0xa4: {  	_ =	swait.ge [sflag:s19], $0x80  }
0xa5: {  	[sflag:s19] =	ssyncset.done $0x0  }
0xa6: {  	[sflag:s19] =	ssyncadd.s32 $0xFFFFFF80  }
0xa7: {  	[hbm4b:s14+s3] =	stream.linear.scatter [tilespmem:s31], [sflag:$0x1], $0x1400, $0x38;
	[tilespmem:$0x14D00] =	vst v63  }
0xa8: {  	_ =	swait.ge [sflag:s19], $0x1400  }
0xa9: {  	[sflag:s19] =	ssyncset.done $0x0  }
0xaa: {  	[sflag:s19] =	ssyncadd.s32 $0xFFFFEC00  }
0xab: {  	[hbm4b:s15+s3] =	stream.linear.scatter [tilespmem:s1], [sflag:$0x1], $0xA00, $0x38;
	[tilespmem:$0x14D00] =	vst v63  }
0xac: {  	_ =	swait.ge [sflag:s19], $0xA00  }
0xad: {  	[sflag:s19] =	ssyncset.done $0x0  }
0xae: {  	[sflag:s19] =	ssyncadd.s32 $0xFFFFF600  }
0xaf: {  	s24 =	sshrl.u32 @!p0 s0, $0x3;
	s25 =	simm.s32 @!p0 $0x1C01;
	[bflag:$0x0] =	sbarrier.arrive $0xFFFF  }
0xb0: {  	[hbm:s16], [sflag:s25] =	dma.local @!p0 [spmem:s24], $0x500  }
0xb1: {  	s24 =	simm.s32 @!p0 $0x1  }
0xb2: {  	s23 =	sadd.s32 $0x1, s23;
	_ =	swait.ge @!p0 [sflag:s24], $0x500  }
0xb3: {  	p1 =	sne.s32 s23, s18;
	[sflag:s24] =	ssyncset.done @!p0 $0x0  }
.Ltmp5:
0xb4: {  	s26 =	sshrl.u32 @!p0 s2, $0x3;
	[sflag:s24] =	ssyncadd.s32 @!p0 $0xFFFFFB00;
	(pc) =	sbr.rel @p1 .LBB2_1-.Ltmp5, $4  }
0xb5: {  	[hbm:s17], [sflag:s25] =	dma.local @!p0 [spmem:s26], $0x500  }
0xb6: {  	_ =	swait.ge @!p0 [sflag:s24], $0x500  }
0xb7: {  	[sflag:s24] =	ssyncset.done @!p0 $0x0  }
0xb8: {  	[sflag:s24] =	ssyncadd.s32 @!p0 $0xFFFFFB00  }
0xb9: {  	_ =	sfence.sel $0x180000  }
0xba: {  	[bflag:$0x0] =	sbarrier.arrive $0xFFFF  }
0xbb: {  	_ =	strace $0x90000047  }
0xbc: {  	[bflag:$0x2] =	sbarrier.arrive $0xFFFF  }
0xbd: {  	s0 =	rddreg [dreg:$0x5]  }
0xbe: {  	s0 =	sadd.s32 @!p0 $0x100000, s0  }
0xbf: {  	[sflag:s0] =	ssyncadd.tile.s32 @!p0 $0x1;
	_ =	shalt  }
.Lfunc_end2:
_tile_overlayer_lowered:
.L_overlay_start_2:
0xc0: {  	(tag) =	ssettag $0x2  }
0xc1: {  	s0 =	rddreg [dreg:$0x0];
	s2 =	stileid.u32  }
0xc2: {  	s1 =	rddreg [dreg:$0x1];
	p0 =	sne.s32 s2, $0x0  }
0xc3: {  	s3 =	rddreg [dreg:$0x2];
	[bflag:$0x3] =	sbarrier.arrive $0xFFFF;
	s2 =	simm.s32 @!p0 $0x1C01  }
0xc4: {  	[timem:s3], [sflag:s2] =	dma.local @!p0 [hbm:s0], s1  }
0xc5: {  	s0 =	simm.s32 @!p0 $0x1  }
0xc6: {  	_ =	swait.ge @!p0 [sflag:s0], s1  }
0xc7: {  	s1 =	ssub.s32 @!p0 $0x0, s1;
	[sflag:s0] =	ssyncset.done @!p0 $0x0  }
0xc8: {  	[sflag:s0] =	ssyncadd.s32 @!p0 s1  }
0xc9: {  	[bflag:$0x3] =	sbarrier.arrive $0xFFFF  }
0xca: {  	_ =	shalt  }

// kernel: kernel.13.cloned.1.call-start
scs
__scs_entry_jumppad:
0x0: {  	(pc) =	sbr.rel $0x88, $3  }
0x1: {  	(tag) =	ssettag $0x0;
	lr =	simm.s32 $0x1  }
0x2: {  	[smem:$0x3F96] =	sst lr;
	_ =	strace $0xD0000000  }
0x3: {  	_ = 	snop  }
0x4: {  	_ = 	snop  }
0x5: {  	_ = 	snop  }
0x6: {  	_ = 	snop  }
0x7: {  	_ = 	snop  }
__scs_overlays_trampoline_lowered:
0x8: {  	[smem:$0x3FA5] =	sst s0  }
0x9: {  	[smem:$0x3FA6] =	sst s1  }
0xa: {  	[smem:$0x3FA7] =	sst s2  }
0xb: {  	[smem:$0x3FA8] =	sst s3  }
0xc: {  	[smem:$0x3FA9] =	sst s4  }
0xd: {  	[smem:$0x3FAA] =	sst s5  }
0xe: {  	[smem:$0x3FAB] =	sst s6  }
0xf: {  	[smem:$0x3FAC] =	sst s7  }
0x10: {  	[smem:$0x3FAD] =	sst s8  }
0x11: {  	[smem:$0x3FAE] =	sst s9;
	s0 =	simm.s32 @!p0 $0x0  }
0x12: {  	s1 =	sld [smem:$0x3F94];
	s0 =	simm.s32 @p0 $0x1  }
0x13: {  	[smem:$0x3FAF] =	sst s0;
	s0 =	simm.s32 @!p1 $0x0  }
0x14: {  	s2 =	sld [smem:$0x3F93];
	s0 =	simm.s32 @p1 $0x1  }
0x15: {  	[smem:$0x3FB0] =	sst s0;
	s0 =	simm.s32 @!p2 $0x0  }
0x16: {  	s3 =	sld [smem:$0x3FDB];
	s0 =	simm.s32 @p2 $0x1  }
0x17: {  	s4 =	simm.s32 $0x1BF5;
	[smem:$0x3FB2] =	sst s0  }
0x18: {  	s0 =	sld [smem:$0x3F95];
	_ =	swait.ge [sflag:s4], $0x0  }
0x19: {  	s7 =	sld [smem:$0x3F96]  }
0x1a: {  	s8 =	sadd.s32 $0xFFFFE003, lr  }
0x1b: {  	s9 =	sadd.s32 $0xFFFFFEF7, lr;
	s5 =	simm.s32 $0xFFFFFFFF;
	p2 =	slt.u32 s8, $0xFFFFF086  }
0x1c: {  	p1 =	slt.u32 s9, $0xF7A;
	s5 =	simm.s32 @!p2 $0x0  }
0x1d: {  	s5 =	simm.s32 @p1 $0x1;
	p0 =	seq.s32 s7, s2  }
0x1e: {  	s7 =	smul.u32 @!p0 $0xF7A, s2;
	p2 =	seq.s32 @!p0 s5, $0x0  }
0x1f: {  	s9 =	smul.u32 $0xF7A, s1;
	s8 =	simm.s32 @!p0 $0x1BF5;
	p2 =	por !p2, p0  }
0x20: {  	[sflag:s8] =	ssyncset.s32 @!p0 $0xFFFFF086;
	s6 =	sadd.s32 @!p0 s3, s7;
	s7 =	simm.s32 @!p0 $0x108  }
0x21: {  	s3 =	sadd.s32 s3, s9;
	s6 =	sadd.s32 @!p0 $0x88, s6;
	s7 =	simm.s32 @p2 $0x1082  }
0x22: {  	[simem:s7], [sflag:s8] =	dma.local @!p0 [hbm:s6], $0xF7A  }
0x23: {  	s9 =	sor.u32 $0xD0000000, s2;
	s6 =	simm.s32 $0x108;
	_ =	swait.ge @!p0 [sflag:s8], $0x0  }
0x24: {  	s3 =	sadd.s32 $0x88, s3;
	s6 =	simm.s32 @!p1 $0x1082;
	[sflag:s4] =	ssyncset.s32 $0xFFFFF086  }
0x25: {  	[simem:s6], [sflag:s4] =	dma.local [hbm:s3], $0xF7A  }
0x26: {  	[smem:$0x3F96] =	sst s1;
	(tag) =	ssettag s2;
	_ =	strace s9  }
0x27: {  	s1 =	sld [smem:$0x3FA6]  }
0x28: {  	s2 =	sld [smem:$0x3FA7]  }
0x29: {  	s4 =	sld [smem:$0x3FA9]  }
0x2a: {  	p0 =	seq.s32 s5, $0x0;
	s5 =	sld [smem:$0x3FAA]  }
0x2b: {  	s6 =	sld [smem:$0x3FAB]  }
0x2c: {  	s7 =	sld [smem:$0x3FAC]  }
0x2d: {  	s3 =	simm.s32 $0x108;
	s8 =	sld [smem:$0x3FAD]  }
0x2e: {  	s3 =	simm.s32 @!p0 $0x1082;
	s9 =	sld [smem:$0x3FAE]  }
0x2f: {  	lr =	sadd.s32 s0, s3;
	s0 =	sld [smem:$0x3FA5]  }
0x30: {  	s3 =	sld [smem:$0x3FA8]  }
0x31: {  	[smem:$0x3FB1] =	sst s10  }
0x32: {  	s10 =	sld [smem:$0x3FAF];
	_ =	sdelay $0x3  }
0x33: {  	p0 =	seq.s32 s10, $0x1;
	s10 =	sld [smem:$0x3FB1];
	_ =	sdelay $0x3  }
0x34: {  	[smem:$0x3FB1] =	sst s10  }
0x35: {  	s10 =	sld [smem:$0x3FB0];
	_ =	sdelay $0x3  }
0x36: {  	p1 =	seq.s32 s10, $0x1;
	s10 =	sld [smem:$0x3FB1];
	_ =	sdelay $0x3  }
0x37: {  	[smem:$0x3FB1] =	sst s10  }
0x38: {  	s10 =	sld [smem:$0x3FB2]  }
0x39: {  	_ = 	snop;
	(pc) =	sbr.ind lr, $3  }
0x3a: {  	_ = 	snop  }
0x3b: {  	_ = 	snop  }
0x3c: {  	p2 =	seq.s32 s10, $0x1;
	s10 =	sld [smem:$0x3FB1]  }
0x3d: {  	_ =	shalt  }
0x3e: {  	_ =	shalt  }
0x3f: {  	_ =	shalt  }
0x40: {  	_ =	shalt  }
0x41: {  	_ =	shalt  }
0x42: {  	_ =	shalt  }
0x43: {  	_ =	shalt  }
0x44: {  	_ =	shalt  }
0x45: {  	_ =	shalt  }
0x46: {  	_ =	shalt  }
0x47: {  	_ =	shalt  }
0x48: {  	_ =	shalt  }
0x49: {  	_ =	shalt  }
0x4a: {  	_ =	shalt  }
0x4b: {  	_ =	shalt  }
0x4c: {  	_ =	shalt  }
0x4d: {  	_ =	shalt  }
0x4e: {  	_ =	shalt  }
0x4f: {  	_ =	shalt  }
0x50: {  	_ =	shalt  }
0x51: {  	_ =	shalt  }
0x52: {  	_ =	shalt  }
0x53: {  	_ =	shalt  }
0x54: {  	_ =	shalt  }
0x55: {  	_ =	shalt  }
0x56: {  	_ =	shalt  }
0x57: {  	_ =	shalt  }
0x58: {  	_ =	shalt  }
0x59: {  	_ =	shalt  }
0x5a: {  	_ =	shalt  }
0x5b: {  	_ =	shalt  }
0x5c: {  	_ =	shalt  }
0x5d: {  	_ =	shalt  }
0x5e: {  	_ =	shalt  }
0x5f: {  	_ =	shalt  }
0x60: {  	_ =	shalt  }
0x61: {  	_ =	shalt  }
0x62: {  	_ =	shalt  }
0x63: {  	_ =	shalt  }
0x64: {  	_ =	shalt  }
0x65: {  	_ =	shalt  }
0x66: {  	_ =	shalt  }
0x67: {  	_ =	shalt  }
0x68: {  	_ =	shalt  }
0x69: {  	_ =	shalt  }
0x6a: {  	_ =	shalt  }
0x6b: {  	_ =	shalt  }
0x6c: {  	_ =	shalt  }
0x6d: {  	_ =	shalt  }
0x6e: {  	_ =	shalt  }
0x6f: {  	_ =	shalt  }
0x70: {  	_ =	shalt  }
0x71: {  	_ =	shalt  }
0x72: {  	_ =	shalt  }
0x73: {  	_ =	shalt  }
0x74: {  	_ =	shalt  }
0x75: {  	_ =	shalt  }
0x76: {  	_ =	shalt  }
0x77: {  	_ =	shalt  }
0x78: {  	_ =	shalt  }
0x79: {  	_ =	shalt  }
0x7a: {  	_ =	shalt  }
0x7b: {  	_ =	shalt  }
0x7c: {  	_ =	shalt  }
0x7d: {  	_ =	shalt  }
0x7e: {  	_ =	shalt  }
0x7f: {  	_ =	shalt  }
0x80: {  	_ =	shalt  }
0x81: {  	_ =	shalt  }
0x82: {  	_ =	shalt  }
0x83: {  	_ =	shalt  }
0x84: {  	_ =	shalt  }
0x85: {  	_ =	shalt  }
0x86: {  	_ =	shalt  }
0x87: {  	_ =	shalt  }
.Lfunc_end0:
.L_simem_size_0:
called_computation.3_lowered:
.L_overlay_start_0:
0x88: {  	s2 =	sld [smem:$0x3FD9]  }
0x89: {  	s3 =	sld [smem:$0x3FFE];
	_ =	sdelay $0x1  }
0x8a: {  	s1 =	srdreg.scid  }
0x8b: {  	s0 =	sand.u32 $0x1, s1  }
0x8c: {  	s16 =	sshll.u32 s0, $0xA;
	s2 =	sadd.s32 s3, s2  }
0x8d: {  	s2 =	sadd.s32 s2, s16  }
0x8e: {  	[smem:$0x3FBD] =	sst s2  }
0x8f: {  	_ = 	snop  }
0x90: {  	(tm) =	ssettm $0x1  }
0x91: {  	s17 =	sld [smem:$0x3FFB];
	_ =	sdelay $0x3  }
0x92: {  	_ =	strace s17  }
0x93: {  	s2 =	sld [smem:$0x3FFC];
	_ =	sdelay $0x3  }
0x94: {  	_ =	strace s2  }
0x95: {  	s2 =	sld [smem:$0x3FFD];
	_ =	sdelay $0x3  }
0x96: {  	_ =	strace s2  }
0x97: {  	_ =	strace $0x8FFFFFFF  }
0x98: {  	s18 =	sld [smem:$0x3FDB];
	_ =	sdelay $0x1  }
0x99: {  	s19 =	simm.s32 $_scs_section_size  }
0x9a: {  	s4 =	simm.s32 $_size__tile_overlayer_lowered;
	s5 =	simm.s32 $_tile_overlayer_lowered  }
0x9b: {  	s22 =	simm.s32 $0x1BFF;
	s21 =	sshll.u32 s5, $0x1;
	s2 =	sadd.s32 s19, s18  }
0x9c: {  	s6 =	simm.s32 $0x0;
	s20 =	sshll.u32 s4, $0x1;
	s4 =	sadd.s32 s21, s2  }
0x9d: {  	[timem:s6], [sflag:s22] =	dma.local [hbm:s4], s20  }
0x9e: {  	_ =	swait.ge [sflag:s22], s20  }
0x9f: {  	s3 =	ssub.s32 $0x0, s20;
	[sflag:s22] =	ssyncset.done $0x0  }
0xa0: {  	[sflag:s22] =	ssyncadd.s32 s3;
	_ =	sdelay $0x1  }
0xa1: {  	s23 =	simm.s32 $0x1B8B  }
0xa2: {  	_ =	swait.ge [sflag:s23], $0x1  }
0xa3: {  	[sflag:s23] =	ssyncset.done $0x0  }
0xa4: {  	s25 =	simm.s32 $0x1B8E;
	s24 =	sld [smem:$0x3FFE];
	[sflag:s23] =	ssyncadd.s32 $0xFFFFFFFF  }
0xa5: {  	s26 =	simm.s32 $execute0_lowered;
	[smem:$0x3FD2] =	sst s25  }
0xa6: {  	s4 =	sshll.u32 s26, $0x1;
	_ =	strace $0x80000049;
	[dreg:$0x1] =	wrdreg $0xFFFFFFFF  }
0xa7: {  	s28 =	simm.s32 $_size_execute0_lowered;
	s2 =	sadd.s32 s2, s4;
	[dreg:$0x0] =	wrdreg $0x0  }
0xa8: {  	s4 =	sshll.u32 s28, $0x1;
	[dreg:$0x2] =	wrdreg s2  }
0xa9: {  	[dreg:$0x3] =	wrdreg s4  }
0xaa: {  	[dreg:$0x4] =	wrdreg $0xC0  }
0xab: {  	_ =	task [dreg:s6], $0x5FFFF  }
0xac: {  	[dreg:$0x1] =	wrdreg $0xFFFFFFFF  }
0xad: {  	[dreg:$0x0] =	wrdreg $0x60  }
0xae: {  	[dreg:$0x2] =	wrdreg s24  }
0xaf: {  	[dreg:$0x3] =	wrdreg $0x9  }
0xb0: {  	_ =	task.clear_ibuf [dreg:s6], $0x4FFFF;
	_ =	strace $0x90000049  }
0xb1: {  	s29 =	simm.s32 $0x9;
	_ =	strace $0x8000004B  }
0xb2: {  	_ =	swait.ge [sflag:s29], $0x1  }
0xb3: {  	[sflag:s29] =	ssyncadd.s32 $0xFFFFFFFF  }
0xb4: {  	_ =	strace $0x9000004B  }
0xb5: {  	_ =	sfence  }
0xb6: {  	s30 =	sld [smem:$0x0];
	_ =	sdelay $0x2  }
0xb7: {  	s31 =	sshll.u32 s1, $0xD;
	s1 =	sshrl.u32 s1, $0x2  }
0xb8: {  	s3 =	sand.u32 $0x4000, s31;
	s1 =	sadd.s32 s1, s30  }
0xb9: {  	s0 =	sor.u32 s3, s0;
	s1 =	sshll.u32 s1, $0x11  }
0xba: {  	s0 =	sor.u32 s1, s0  }
0xbb: {  	s0 =	sadd.s32 $0x8F2B, s0  }
0xbc: {  	[sflag:s0] =	ssyncadd.remote.s32 $0x1  }
0xbd: {  	_ =	sfence.sel $0xFFFF  }
0xbe: {  	[dreg:$0x0] =	wrdreg $0xFFFFFFFF;
	(pc) =	sbr.abs _section_cstart, $3  }
0xbf: {  	[dreg:$0x1] =	wrdreg $0xFFFFFFFF  }
0xc0: {  	_ =	task.clear_ibuf [dreg:s6], $0x2FFFF;
	_ =	strace $0x9FFFFFFF  }
0xc1: {  	(tm) =	ssettm $0x7FFFFFFF  }
tec
execute0_lowered:
.L_overlay_start_1:
0x0: {  	(tag) =	ssettag $0x1  }
0x1: {  	s1 =	srdreg.scid  }
0x2: {  	s0 =	stileid.u32;
	s5 =	rddreg [dreg:$0x0]  }
0x3: {  	s2 =	simm.s32 $0x0;
	s14 =	simm.s32 $0x1;
	s15 =	simm.s32 $0x7800  }
0x4: {  	s16 =	simm.s32 $0x8C00;
	s17 =	simm.s32 $0x5000;
	s18 =	simm.s32 $0xA000  }
0x5: {  	s19 =	simm.s32 $0xB400;
	s20 =	simm.s32 $0xC800;
	s21 =	simm.s32 $0xD400  }
0x6: {  	s22 =	simm.s32 $0xE000;
	s6 =	sand.u32 $0x1, s1;
	s3 =	sshll.u32 s0, $0x1  }
0x7: {  	s23 =	simm.s32 $0xEC00;
	s1 =	rddreg [dreg:$0x1];
	s3 =	sor.u32 s6, s3  }
0x8: {  	s24 =	simm.s32 $0x0;
	[smem:$0x7FF] =	sst s2;
	s7 =	smul.u32 $0x280, s3  }
0x9: {  	s4 =	sadd.s32 $0x19E00, s5;
	s6 =	ssub.s32 $0x2, s6;
	s8 =	smul.u32 $0x180, s3  }
0xa: {  	_ =	strace $0x8000004A;
	s3 =	sadd.s32 $0x19400, s5;
	s31 =	sshrl.u32 s6, $0x1  }
0xb: {  	s13 =	ssub.s32 s6, s31;
	s9 =	sadd.s32 s7, s5;
	s12 =	sadd.s32 s8, s5  }
0xc: {  	s13 =	smax.u32 s13, $0x1;
	s5 =	sadd.s32 $0x11400, s9;
	s6 =	sadd.s32 $0x3400, s9  }
0xd: {  	s7 =	sadd.s32 $0x1D800, s9;
	s8 =	sadd.s32 $0xB400, s9;
	s9 =	sadd.s32 $0x16400, s12  }
0xe: {  	s10 =	sadd.s32 $0x8400, s12;
	s11 =	sadd.s32 $0x22800, s12;
	s12 =	sadd.s32 $0x1A800, s12  }
.LBB2_1:
0xf: {  	[tilespmem:s2], [sflag:$0x1] =	stream.linear.gather [hbm4b:s3+s2], $0x5000, $0x38;
	[tilespmem:$0xF800] =	vst v63  }
0x10: {  	_ =	swait.ge [sflag:s14], $0x5000  }
0x11: {  	[sflag:s14] =	ssyncset.done $0x0  }
0x12: {  	s25 =	sand.u32 $0x3FF0, s2;
	[sflag:s14] =	ssyncadd.s32 $0xFFFFB000  }
0x13: {  	v0 =	vld [tilespmem:s25+$0x2800]  }
0x14: {  	v1 =	vld [tilespmem:s2+$0x0];
	_ =	sdelay $0x4  }
0x15: {  	v0 =	vadd.f32 v0, v1  }
0x16: {  	s25 =	simm.s32 $0x10  }
0x17: {  	s26 =	sand.u32 $0x3FF0, s25;
	[tilespmem:s17+$0x0] =	vst v0  }
0x18: {  	s28 =	simm.s32 $0x20;
	v0 =	vld [tilespmem:s26+$0x2800];
	s26 =	simm.s32 $0x5000  }
.LBB2_2:
0x19: {  	p0 =	sne.s32 s28, $0x27F0;
	v1 =	vld [tilespmem:s25+$0x0];
	_ =	sdelay $0x3  }
.Ltmp0:
0x1a: {  	(pc) =	sbr.rel @p0 .LBB2_2-.Ltmp0, $4  }
0x1b: {  	v0 =	vadd.f32 v0, v1  }
0x1c: {  	s26 =	sadd.s32 $0x10, s26  }
0x1d: {  	s29 =	sand.u32 $0x3FF0, s28;
	[tilespmem:s26+$0x0] =	vst v0  }
0x1e: {  	s28 =	sadd.s32 $0x10, s28;
	s25 =	sadd.s32 $0x10, s25;
	v0 =	vld [tilespmem:s29+$0x2800]  }
0x1f: {  	v1 =	vld [tilespmem:s25+$0x0];
	_ =	sdelay $0x4  }
0x20: {  	v0 =	vadd.f32 v0, v1  }
0x21: {  	s30 =	sadd.s32 $0x10, s26  }
0x22: {  	s31 =	simm.s32 $0x0;
	[tilespmem:s30+$0x0] =	vst v0  }
0x23: {  	[tilespmem:s15], [sflag:$0x1] =	stream.linear.gather [hbm4b:s5+s31], $0x1400, $0x38;
	[tilespmem:$0xF800] =	vst v63  }
0x24: {  	_ =	swait.ge [sflag:s14], $0x1400  }
0x25: {  	[sflag:s14] =	ssyncset.done $0x0  }
0x26: {  	[sflag:s14] =	ssyncadd.s32 $0xFFFFEC00  }
0x27: {  	[tilespmem:s16], [sflag:$0x1] =	stream.linear.gather [hbm4b:s6+s31], $0x1400, $0x38;
	[tilespmem:$0xF800] =	vst v63  }
0x28: {  	_ =	swait.ge [sflag:s14], $0x1400  }
0x29: {  	[sflag:s14] =	ssyncset.done $0x0  }
0x2a: {  	s25 =	simm.s32 $0x0;
	[sflag:s14] =	ssyncadd.s32 $0xFFFFEC00  }
0x2b: {  	v0 =	vld [tilespmem:s25+$0x8C00];
	_ =	sdelay $0x7  }
0x2c: {  	v0 =	vld.idx.msk [tilespmem:v0+s17+$0x0], $0xffff;
	_ =	sdelay $0x4  }
0x2d: {  	v0 =	vadd.f32 $1.000000020e-16, v0;
	_ =	sdelay $0x1  }
0x2e: {  	(erf) = vrcp.f32 v0;
	_ =	sdelay $0x4  }
0x2f: {  	v0 =	vld [tilespmem:s25+$0x7800]  }
0x30: {  	s28 =	simm.s32 $0x10;
	s26 =	simm.s32 $0x80  }
.LBB2_4:
0x31: {  	p0 =	sne.s32 s26, $0x4FC0;
	v1 =	vld [tilespmem:s28+$0x8C00];
	_ =	sdelay $0x1  }
0x32: {  	v2 =	vpop (erf)  }
0x33: {  	v0 =	vmul.f32 v2, v0;
	_ =	sdelay $0x1  }
0x34: {  	[tilespmem:s25+$0xA000] =	vst v0;
	v0 =	vmul.f32 $2.000000030e-01, v0;
	_ =	sdelay $0x1  }
0x35: {  	[tilespmem:s25+$0xB400] =	vst v0;
	s25 =	smov.u32 s28  }
0x36: {  	v0 =	vld.idx.msk [tilespmem:v1+s17+$0x0], $0xffff;
	_ =	sdelay $0x5  }
0x37: {  	v0 =	vadd.f32 $1.000000020e-16, v0;
	_ =	sdelay $0x1  }
0x38: {  	(erf) = vrcp.f32 v0;
	_ =	sdelay $0x1  }
.Ltmp1:
0x39: {  	(pc) =	sbr.rel @p0 .LBB2_4-.Ltmp1, $3  }
0x3a: {  	_ =	sdelay $0x1  }
0x3b: {  	v0 =	vld [tilespmem:s25+$0x7800]  }
0x3c: {  	s28 =	sshra.s32 s26, $0x2;
	s26 =	sadd.s32 $0x40, s26  }
0x3d: {  	v1 =	vld [tilespmem:s28+$0x8C00];
	_ =	sdelay $0x1  }
0x3e: {  	v2 =	vpop (erf)  }
0x3f: {  	v0 =	vmul.f32 v2, v0;
	_ =	sdelay $0x1  }
0x40: {  	v2 =	vmul.f32 $2.000000030e-01, v0  }
0x41: {  	[tilespmem:s25+$0xA000] =	vst v0  }
0x42: {  	[tilespmem:s25+$0xB400] =	vst v2  }
0x43: {  	v0 =	vld.idx.msk [tilespmem:v1+s17+$0x0], $0xffff;
	_ =	sdelay $0x4  }
0x44: {  	v0 =	vadd.f32 $1.000000020e-16, v0;
	_ =	sdelay $0x1  }
0x45: {  	(erf) = vrcp.f32 v0;
	_ =	sdelay $0x4  }
0x46: {  	v0 =	vld [tilespmem:s28+$0x7800];
	_ =	sdelay $0x3  }
0x47: {  	v1 =	vpop (erf)  }
0x48: {  	v0 =	vmul.f32 v1, v0;
	_ =	sdelay $0x1  }
0x49: {  	v1 =	vmul.f32 $2.000000030e-01, v0  }
0x4a: {  	[tilespmem:s28+$0xA000] =	vst v0  }
0x4b: {  	s31 =	simm.s32 $0x0;
	[tilespmem:s28+$0xB400] =	vst v1  }
0x4c: {  	[hbm4b:s7+s31] =	stream.linear.scatter [tilespmem:s18], [sflag:$0x1], $0x1400, $0x38;
	[tilespmem:$0xF800] =	vst v63  }
0x4d: {  	_ =	swait.ge [sflag:s14], $0x1400  }
0x4e: {  	[sflag:s14] =	ssyncset.done $0x0  }
0x4f: {  	[sflag:s14] =	ssyncadd.s32 $0xFFFFEC00  }
0x50: {  	[hbm4b:s8+s31] =	stream.linear.scatter [tilespmem:s19], [sflag:$0x1], $0x1400, $0x38;
	[tilespmem:$0xF800] =	vst v63  }
0x51: {  	_ =	swait.ge [sflag:s14], $0x1400  }
0x52: {  	[sflag:s14] =	ssyncset.done $0x0  }
0x53: {  	[sflag:s14] =	ssyncadd.s32 $0xFFFFEC00  }
0x54: {  	[tilespmem:s31], [sflag:$0x1] =	stream.linear.gather [hbm4b:s4+s31], $0x5000, $0x38;
	[tilespmem:$0xF800] =	vst v63  }
0x55: {  	_ =	swait.ge [sflag:s14], $0x5000  }
0x56: {  	[sflag:s14] =	ssyncset.done $0x0  }
0x57: {  	s26 =	sand.u32 $0x3FF0, s31;
	[sflag:s14] =	ssyncadd.s32 $0xFFFFB000  }
0x58: {  	v0 =	vld [tilespmem:s26+$0x2800]  }
0x59: {  	v1 =	vld [tilespmem:s31+$0x0];
	_ =	sdelay $0x4  }
0x5a: {  	v0 =	vadd.f32 v0, v1  }
0x5b: {  	s25 =	simm.s32 $0x5000;
	s26 =	simm.s32 $0x10  }
0x5c: {  	s28 =	sand.u32 $0x3FF0, s26;
	[tilespmem:s25+$0x0] =	vst v0  }
0x5d: {  	v0 =	vld [tilespmem:s28+$0x2800];
	s28 =	simm.s32 $0x20  }
.LBB2_6:
0x5e: {  	p0 =	sne.s32 s28, $0x27F0;
	v1 =	vld [tilespmem:s26+$0x0];
	_ =	sdelay $0x3  }
.Ltmp2:
0x5f: {  	(pc) =	sbr.rel @p0 .LBB2_6-.Ltmp2, $4  }
0x60: {  	v0 =	vadd.f32 v0, v1  }
0x61: {  	s25 =	sadd.s32 $0x10, s25  }
0x62: {  	s29 =	sand.u32 $0x3FF0, s28;
	[tilespmem:s25+$0x0] =	vst v0  }
0x63: {  	s28 =	sadd.s32 $0x10, s28;
	s26 =	sadd.s32 $0x10, s26;
	v0 =	vld [tilespmem:s29+$0x2800]  }
0x64: {  	v1 =	vld [tilespmem:s26+$0x0];
	_ =	sdelay $0x4  }
0x65: {  	v0 =	vadd.f32 v0, v1  }
0x66: {  	s25 =	sadd.s32 $0x10, s25  }
0x67: {  	s31 =	simm.s32 $0x0;
	[tilespmem:s25+$0x0] =	vst v0  }
0x68: {  	[tilespmem:s20], [sflag:$0x1] =	stream.linear.gather [hbm4b:s9+s31], $0xA00, $0x38;
	[tilespmem:$0xF800] =	vst v63  }
0x69: {  	_ =	swait.ge [sflag:s14], $0xA00  }
0x6a: {  	[sflag:s14] =	ssyncset.done $0x0  }
0x6b: {  	[sflag:s14] =	ssyncadd.s32 $0xFFFFF600  }
0x6c: {  	[tilespmem:s21], [sflag:$0x1] =	stream.linear.gather [hbm4b:s10+s31], $0xA00, $0x38;
	[tilespmem:$0xF800] =	vst v63  }
0x6d: {  	_ =	swait.ge [sflag:s14], $0xA00  }
0x6e: {  	[sflag:s14] =	ssyncset.done $0x0  }
0x6f: {  	s25 =	simm.s32 $0x0;
	[sflag:s14] =	ssyncadd.s32 $0xFFFFF600  }
0x70: {  	v0 =	vld [tilespmem:s25+$0xD400];
	_ =	sdelay $0x7  }
0x71: {  	v0 =	vld.idx.msk [tilespmem:v0+s17+$0x0], $0xffff;
	_ =	sdelay $0x4  }
0x72: {  	v0 =	vadd.f32 $1.000000020e-16, v0;
	_ =	sdelay $0x1  }
0x73: {  	(erf) = vrcp.f32 v0;
	_ =	sdelay $0x4  }
0x74: {  	v0 =	vld [tilespmem:s25+$0xC800]  }
0x75: {  	s28 =	simm.s32 $0x10;
	s26 =	simm.s32 $0x80  }
.LBB2_8:
0x76: {  	p0 =	sne.s32 s26, $0x27C0;
	v1 =	vld [tilespmem:s28+$0xD400];
	_ =	sdelay $0x1  }
0x77: {  	v2 =	vpop (erf)  }
0x78: {  	v0 =	vmul.f32 v2, v0;
	_ =	sdelay $0x1  }
0x79: {  	[tilespmem:s25+$0xE000] =	vst v0;
	v0 =	vmul.f32 $8.000000110e-01, v0;
	_ =	sdelay $0x1  }
0x7a: {  	[tilespmem:s25+$0xEC00] =	vst v0;
	s25 =	smov.u32 s28  }
0x7b: {  	v0 =	vld.idx.msk [tilespmem:v1+s17+$0x0], $0xffff;
	_ =	sdelay $0x5  }
0x7c: {  	v0 =	vadd.f32 $1.000000020e-16, v0;
	_ =	sdelay $0x1  }
0x7d: {  	(erf) = vrcp.f32 v0;
	_ =	sdelay $0x1  }
.Ltmp3:
0x7e: {  	(pc) =	sbr.rel @p0 .LBB2_8-.Ltmp3, $3  }
0x7f: {  	_ =	sdelay $0x1  }
0x80: {  	v0 =	vld [tilespmem:s25+$0xC800]  }
0x81: {  	s28 =	sshra.s32 s26, $0x2;
	s26 =	sadd.s32 $0x40, s26  }
0x82: {  	v1 =	vld [tilespmem:s28+$0xD400];
	_ =	sdelay $0x1  }
0x83: {  	v2 =	vpop (erf)  }
0x84: {  	v0 =	vmul.f32 v2, v0;
	_ =	sdelay $0x1  }
0x85: {  	v2 =	vmul.f32 $8.000000110e-01, v0  }
0x86: {  	[tilespmem:s25+$0xE000] =	vst v0  }
0x87: {  	[tilespmem:s25+$0xEC00] =	vst v2  }
0x88: {  	v0 =	vld.idx.msk [tilespmem:v1+s17+$0x0], $0xffff;
	_ =	sdelay $0x4  }
0x89: {  	v0 =	vadd.f32 $1.000000020e-16, v0;
	_ =	sdelay $0x1  }
0x8a: {  	(erf) = vrcp.f32 v0;
	_ =	sdelay $0x4  }
0x8b: {  	v62 =	vld [tilespmem:s28+$0xC800];
	_ =	sdelay $0x3  }
0x8c: {  	v63 =	vpop (erf)  }
0x8d: {  	v0 =	vmul.f32 v63, v62;
	_ =	sdelay $0x1  }
0x8e: {  	v1 =	vmul.f32 $8.000000110e-01, v0  }
0x8f: {  	[tilespmem:s28+$0xE000] =	vst v0  }
0x90: {  	[tilespmem:s28+$0xEC00] =	vst v1  }
0x91: {  	[hbm4b:s11+s2] =	stream.linear.scatter [tilespmem:s22], [sflag:$0x1], $0xA00, $0x38;
	[tilespmem:$0xF800] =	vst v63  }
0x92: {  	s24 =	sadd.s32 $0x1, s24;
	_ =	swait.ge [sflag:s14], $0xA00  }
0x93: {  	p0 =	sne.s32 s24, s13;
	[sflag:s14] =	ssyncset.done $0x0  }
.Ltmp4:
0x94: {  	[sflag:s14] =	ssyncadd.s32 $0xFFFFF600;
	(pc) =	sbr.rel @p0 .LBB2_1-.Ltmp4, $4  }
0x95: {  	[hbm4b:s12+s2] =	stream.linear.scatter [tilespmem:s23], [sflag:$0x1], $0xA00, $0x38;
	[tilespmem:$0xF800] =	vst v63  }
0x96: {  	_ =	swait.ge [sflag:s14], $0xA00  }
0x97: {  	[sflag:s14] =	ssyncset.done $0x0  }
0x98: {  	[sflag:s14] =	ssyncadd.s32 $0xFFFFF600  }
0x99: {  	_ =	sfence.sel $0x180000  }
0x9a: {  	[bflag:$0x0] =	sbarrier.arrive $0xFFFF  }
0x9b: {  	p0 =	sne.s32 s0, $0x0;
	_ =	strace $0x9000004A  }
0x9c: {  	s0 =	sadd.s32 @!p0 $0x100000, s1;
	[bflag:$0x2] =	sbarrier.arrive $0xFFFF  }
0x9d: {  	[sflag:s0] =	ssyncadd.tile.s32 @!p0 $0x1;
	_ =	shalt  }
.Lfunc_end2:
_tile_overlayer_lowered:
.L_overlay_start_2:
0x9e: {  	(tag) =	ssettag $0x2  }
0x9f: {  	s0 =	rddreg [dreg:$0x0];
	s2 =	stileid.u32  }
0xa0: {  	s1 =	rddreg [dreg:$0x1];
	p0 =	sne.s32 s2, $0x0  }
0xa1: {  	s3 =	rddreg [dreg:$0x2];
	[bflag:$0x3] =	sbarrier.arrive $0xFFFF;
	s2 =	simm.s32 @!p0 $0x1C01  }
0xa2: {  	[timem:s3], [sflag:s2] =	dma.local @!p0 [hbm:s0], s1  }
0xa3: {  	s0 =	simm.s32 @!p0 $0x1  }
0xa4: {  	_ =	swait.ge @!p0 [sflag:s0], s1  }
0xa5: {  	s1 =	ssub.s32 @!p0 $0x0, s1;
	[sflag:s0] =	ssyncset.done @!p0 $0x0  }
0xa6: {  	[sflag:s0] =	ssyncadd.s32 @!p0 s1  }
0xa7: {  	[bflag:$0x3] =	sbarrier.arrive $0xFFFF  }
0xa8: {  	_ =	shalt  }

// kernel: scatter_offload_async_start.1
scs
__scs_entry_jumppad:
0x0: {  	(pc) =	sbr.rel $0x88, $3  }
0x1: {  	(tag) =	ssettag $0x0;
	lr =	simm.s32 $0x1  }
0x2: {  	[smem:$0x3F96] =	sst lr;
	_ =	strace $0xD0000000  }
0x3: {  	_ = 	snop  }
0x4: {  	_ = 	snop  }
0x5: {  	_ = 	snop  }
0x6: {  	_ = 	snop  }
0x7: {  	_ = 	snop  }
__scs_overlays_trampoline_lowered:
0x8: {  	[smem:$0x3FA5] =	sst s0  }
0x9: {  	[smem:$0x3FA6] =	sst s1  }
0xa: {  	[smem:$0x3FA7] =	sst s2  }
0xb: {  	[smem:$0x3FA8] =	sst s3  }
0xc: {  	[smem:$0x3FA9] =	sst s4  }
0xd: {  	[smem:$0x3FAA] =	sst s5  }
0xe: {  	[smem:$0x3FAB] =	sst s6  }
0xf: {  	[smem:$0x3FAC] =	sst s7  }
0x10: {  	[smem:$0x3FAD] =	sst s8  }
0x11: {  	[smem:$0x3FAE] =	sst s9;
	s0 =	simm.s32 @!p0 $0x0  }
0x12: {  	s1 =	sld [smem:$0x3F94];
	s0 =	simm.s32 @p0 $0x1  }
0x13: {  	[smem:$0x3FAF] =	sst s0;
	s0 =	simm.s32 @!p1 $0x0  }
0x14: {  	s2 =	sld [smem:$0x3F93];
	s0 =	simm.s32 @p1 $0x1  }
0x15: {  	[smem:$0x3FB0] =	sst s0;
	s0 =	simm.s32 @!p2 $0x0  }
0x16: {  	s3 =	sld [smem:$0x3FDB];
	s0 =	simm.s32 @p2 $0x1  }
0x17: {  	s4 =	simm.s32 $0x1BF5;
	[smem:$0x3FB2] =	sst s0  }
0x18: {  	s0 =	sld [smem:$0x3F95];
	_ =	swait.ge [sflag:s4], $0x0  }
0x19: {  	s7 =	sld [smem:$0x3F96]  }
0x1a: {  	s8 =	sadd.s32 $0xFFFFE003, lr  }
0x1b: {  	s9 =	sadd.s32 $0xFFFFFEF7, lr;
	s5 =	simm.s32 $0xFFFFFFFF;
	p2 =	slt.u32 s8, $0xFFFFF086  }
0x1c: {  	p1 =	slt.u32 s9, $0xF7A;
	s5 =	simm.s32 @!p2 $0x0  }
0x1d: {  	s5 =	simm.s32 @p1 $0x1;
	p0 =	seq.s32 s7, s2  }
0x1e: {  	s7 =	smul.u32 @!p0 $0xF7A, s2;
	p2 =	seq.s32 @!p0 s5, $0x0  }
0x1f: {  	s9 =	smul.u32 $0xF7A, s1;
	s8 =	simm.s32 @!p0 $0x1BF5;
	p2 =	por !p2, p0  }
0x20: {  	[sflag:s8] =	ssyncset.s32 @!p0 $0xFFFFF086;
	s6 =	sadd.s32 @!p0 s3, s7;
	s7 =	simm.s32 @!p0 $0x108  }
0x21: {  	s3 =	sadd.s32 s3, s9;
	s6 =	sadd.s32 @!p0 $0x88, s6;
	s7 =	simm.s32 @p2 $0x1082  }
0x22: {  	[simem:s7], [sflag:s8] =	dma.local @!p0 [hbm:s6], $0xF7A  }
0x23: {  	s9 =	sor.u32 $0xD0000000, s2;
	s6 =	simm.s32 $0x108;
	_ =	swait.ge @!p0 [sflag:s8], $0x0  }
0x24: {  	s3 =	sadd.s32 $0x88, s3;
	s6 =	simm.s32 @!p1 $0x1082;
	[sflag:s4] =	ssyncset.s32 $0xFFFFF086  }
0x25: {  	[simem:s6], [sflag:s4] =	dma.local [hbm:s3], $0xF7A  }
0x26: {  	[smem:$0x3F96] =	sst s1;
	(tag) =	ssettag s2;
	_ =	strace s9  }
0x27: {  	s1 =	sld [smem:$0x3FA6]  }
0x28: {  	s2 =	sld [smem:$0x3FA7]  }
0x29: {  	s4 =	sld [smem:$0x3FA9]  }
0x2a: {  	p0 =	seq.s32 s5, $0x0;
	s5 =	sld [smem:$0x3FAA]  }
0x2b: {  	s6 =	sld [smem:$0x3FAB]  }
0x2c: {  	s7 =	sld [smem:$0x3FAC]  }
0x2d: {  	s3 =	simm.s32 $0x108;
	s8 =	sld [smem:$0x3FAD]  }
0x2e: {  	s3 =	simm.s32 @!p0 $0x1082;
	s9 =	sld [smem:$0x3FAE]  }
0x2f: {  	lr =	sadd.s32 s0, s3;
	s0 =	sld [smem:$0x3FA5]  }
0x30: {  	s3 =	sld [smem:$0x3FA8]  }
0x31: {  	[smem:$0x3FB1] =	sst s10  }
0x32: {  	s10 =	sld [smem:$0x3FAF];
	_ =	sdelay $0x3  }
0x33: {  	p0 =	seq.s32 s10, $0x1;
	s10 =	sld [smem:$0x3FB1];
	_ =	sdelay $0x3  }
0x34: {  	[smem:$0x3FB1] =	sst s10  }
0x35: {  	s10 =	sld [smem:$0x3FB0];
	_ =	sdelay $0x3  }
0x36: {  	p1 =	seq.s32 s10, $0x1;
	s10 =	sld [smem:$0x3FB1];
	_ =	sdelay $0x3  }
0x37: {  	[smem:$0x3FB1] =	sst s10  }
0x38: {  	s10 =	sld [smem:$0x3FB2]  }
0x39: {  	_ = 	snop;
	(pc) =	sbr.ind lr, $3  }
0x3a: {  	_ = 	snop  }
0x3b: {  	_ = 	snop  }
0x3c: {  	p2 =	seq.s32 s10, $0x1;
	s10 =	sld [smem:$0x3FB1]  }
0x3d: {  	_ =	shalt  }
0x3e: {  	_ =	shalt  }
0x3f: {  	_ =	shalt  }
0x40: {  	_ =	shalt  }
0x41: {  	_ =	shalt  }
0x42: {  	_ =	shalt  }
0x43: {  	_ =	shalt  }
0x44: {  	_ =	shalt  }
0x45: {  	_ =	shalt  }
0x46: {  	_ =	shalt  }
0x47: {  	_ =	shalt  }
0x48: {  	_ =	shalt  }
0x49: {  	_ =	shalt  }
0x4a: {  	_ =	shalt  }
0x4b: {  	_ =	shalt  }
0x4c: {  	_ =	shalt  }
0x4d: {  	_ =	shalt  }
0x4e: {  	_ =	shalt  }
0x4f: {  	_ =	shalt  }
0x50: {  	_ =	shalt  }
0x51: {  	_ =	shalt  }
0x52: {  	_ =	shalt  }
0x53: {  	_ =	shalt  }
0x54: {  	_ =	shalt  }
0x55: {  	_ =	shalt  }
0x56: {  	_ =	shalt  }
0x57: {  	_ =	shalt  }
0x58: {  	_ =	shalt  }
0x59: {  	_ =	shalt  }
0x5a: {  	_ =	shalt  }
0x5b: {  	_ =	shalt  }
0x5c: {  	_ =	shalt  }
0x5d: {  	_ =	shalt  }
0x5e: {  	_ =	shalt  }
0x5f: {  	_ =	shalt  }
0x60: {  	_ =	shalt  }
0x61: {  	_ =	shalt  }
0x62: {  	_ =	shalt  }
0x63: {  	_ =	shalt  }
0x64: {  	_ =	shalt  }
0x65: {  	_ =	shalt  }
0x66: {  	_ =	shalt  }
0x67: {  	_ =	shalt  }
0x68: {  	_ =	shalt  }
0x69: {  	_ =	shalt  }
0x6a: {  	_ =	shalt  }
0x6b: {  	_ =	shalt  }
0x6c: {  	_ =	shalt  }
0x6d: {  	_ =	shalt  }
0x6e: {  	_ =	shalt  }
0x6f: {  	_ =	shalt  }
0x70: {  	_ =	shalt  }
0x71: {  	_ =	shalt  }
0x72: {  	_ =	shalt  }
0x73: {  	_ =	shalt  }
0x74: {  	_ =	shalt  }
0x75: {  	_ =	shalt  }
0x76: {  	_ =	shalt  }
0x77: {  	_ =	shalt  }
0x78: {  	_ =	shalt  }
0x79: {  	_ =	shalt  }
0x7a: {  	_ =	shalt  }
0x7b: {  	_ =	shalt  }
0x7c: {  	_ =	shalt  }
0x7d: {  	_ =	shalt  }
0x7e: {  	_ =	shalt  }
0x7f: {  	_ =	shalt  }
0x80: {  	_ =	shalt  }
0x81: {  	_ =	shalt  }
0x82: {  	_ =	shalt  }
0x83: {  	_ =	shalt  }
0x84: {  	_ =	shalt  }
0x85: {  	_ =	shalt  }
0x86: {  	_ =	shalt  }
0x87: {  	_ =	shalt  }
.Lfunc_end0:
.L_simem_size_0:
called_computation.1_lowered:
.L_overlay_start_0:
0x88: {  	s2 =	sld [smem:$0x3FD9]  }
0x89: {  	s3 =	sld [smem:$0x3FFE];
	_ =	sdelay $0x1  }
0x8a: {  	s1 =	srdreg.scid  }
0x8b: {  	s0 =	sand.u32 $0x1, s1  }
0x8c: {  	s13 =	sshll.u32 s0, $0xA;
	s2 =	sadd.s32 s3, s2  }
0x8d: {  	s2 =	sadd.s32 s2, s13  }
0x8e: {  	[smem:$0x3FBD] =	sst s2  }
0x8f: {  	_ = 	snop  }
0x90: {  	s2 =	sld [smem:$0x3FD0];
	_ =	sdelay $0x2  }
0x91: {  	s14 =	simm.s32 $0xB;
	s4 =	simm.s32 $0x10  }
0x92: {  	[smem:s4], [sflag:s14] =	dma.local [hbm:s2], $0x1  }
0x93: {  	_ =	swait.eq [sflag:s14], $0x1  }
0x94: {  	[sflag:s14] =	ssyncset.done $0x0  }
0x95: {  	[sflag:s14] =	ssyncadd.s32 $0xFFFFFFFF  }
0x96: {  	s15 =	sld [smem:$0x14];
	(tm) =	ssettm $0x1  }
0x97: {  	s16 =	sld [smem:$0x3FFB];
	_ =	sdelay $0x3  }
0x98: {  	_ =	strace s16  }
0x99: {  	s3 =	sld [smem:$0x3FFC];
	_ =	sdelay $0x3  }
0x9a: {  	_ =	strace s3  }
0x9b: {  	s3 =	sld [smem:$0x3FFD];
	_ =	sdelay $0x3  }
0x9c: {  	_ =	strace s3  }
0x9d: {  	_ =	strace $0x8FFFFFFF  }
0x9e: {  	s17 =	sld [smem:$0x3FDB];
	_ =	sdelay $0x1  }
0x9f: {  	s18 =	simm.s32 $_scs_section_size  }
0xa0: {  	s5 =	simm.s32 $_size__tile_overlayer_lowered;
	s6 =	simm.s32 $_tile_overlayer_lowered  }
0xa1: {  	s21 =	simm.s32 $0x1BFF;
	s20 =	sshll.u32 s6, $0x1;
	s3 =	sadd.s32 s18, s17  }
0xa2: {  	s7 =	simm.s32 $0x0;
	s19 =	sshll.u32 s5, $0x1;
	s5 =	sadd.s32 s20, s3  }
0xa3: {  	[timem:s7], [sflag:s21] =	dma.local [hbm:s5], s19  }
0xa4: {  	_ =	swait.ge [sflag:s21], s19  }
0xa5: {  	s4 =	ssub.s32 $0x0, s19;
	[sflag:s21] =	ssyncset.done $0x0  }
0xa6: {  	[sflag:s21] =	ssyncadd.s32 s4;
	_ =	sdelay $0x1  }
0xa7: {  	s22 =	simm.s32 $0x1B8B  }
0xa8: {  	_ =	swait.ge [sflag:s22], $0x1  }
0xa9: {  	[sflag:s22] =	ssyncset.done $0x0  }
0xaa: {  	s23 =	sld [smem:$0x3FFE];
	[sflag:s22] =	ssyncadd.s32 $0xFFFFFFFF  }
0xab: {  	s25 =	simm.s32 $0x1B8E;
	s24 =	sld [smem:$0x0]  }
0xac: {  	s26 =	simm.s32 $execute0_lowered;
	[smem:$0x3FD2] =	sst s25  }
0xad: {  	s6 =	sshll.u32 s26, $0x1;
	_ =	strace $0x80000052;
	[dreg:$0x1] =	wrdreg $0xFFFFFFFF  }
0xae: {  	s28 =	simm.s32 $_size_execute0_lowered;
	s3 =	sadd.s32 s3, s6;
	[dreg:$0x0] =	wrdreg $0x0  }
0xaf: {  	s6 =	sshll.u32 s28, $0x1;
	[dreg:$0x2] =	wrdreg s3  }
0xb0: {  	[dreg:$0x3] =	wrdreg s6  }
0xb1: {  	[dreg:$0x4] =	wrdreg $0xC0  }
0xb2: {  	_ =	task [dreg:s7], $0x5FFFF  }
0xb3: {  	[dreg:$0x1] =	wrdreg $0xFFFFFFFF  }
0xb4: {  	[dreg:$0x0] =	wrdreg $0x60  }
0xb5: {  	[dreg:$0x2] =	wrdreg s23  }
0xb6: {  	[dreg:$0x3] =	wrdreg s15  }
0xb7: {  	[dreg:$0x4] =	wrdreg s1  }
0xb8: {  	[dreg:$0x5] =	wrdreg s24  }
0xb9: {  	[dreg:$0x6] =	wrdreg $0x9  }
0xba: {  	_ =	task.clear_ibuf [dreg:s7], $0x7FFFF;
	_ =	strace $0x90000052  }
0xbb: {  	s29 =	simm.s32 $0x9;
	_ =	strace $0x80000054  }
0xbc: {  	_ =	swait.ge [sflag:s29], $0x1  }
0xbd: {  	[sflag:s29] =	ssyncadd.s32 $0xFFFFFFFF  }
0xbe: {  	_ =	strace $0x90000054  }
0xbf: {  	_ =	sfence  }
0xc0: {  	s30 =	sld [smem:$0x0];
	_ =	sdelay $0x2  }
0xc1: {  	s31 =	sshll.u32 s1, $0xD;
	s1 =	sshrl.u32 s1, $0x2  }
0xc2: {  	s3 =	sand.u32 $0x4000, s31;
	s1 =	sadd.s32 s1, s30  }
0xc3: {  	s0 =	sor.u32 s3, s0;
	s1 =	sshll.u32 s1, $0x11  }
0xc4: {  	s0 =	sor.u32 s1, s0  }
0xc5: {  	s0 =	sadd.s32 $0x8F2B, s0  }
0xc6: {  	[sflag:s0] =	ssyncadd.remote.s32 $0x1  }
0xc7: {  	_ =	sfence.sel $0xFFFF  }
0xc8: {  	[dreg:$0x0] =	wrdreg $0xFFFFFFFF;
	(pc) =	sbr.abs _section_cstart, $3  }
0xc9: {  	[dreg:$0x1] =	wrdreg $0xFFFFFFFF  }
0xca: {  	_ =	task.clear_ibuf [dreg:s7], $0x2FFFF;
	_ =	strace $0x9FFFFFFF  }
0xcb: {  	(tm) =	ssettm $0x7FFFFFFF  }
tec
execute0_lowered:
.L_overlay_start_1:
0x0: {  	(tag) =	ssettag $0x1  }
0x1: {  	s2 =	rddreg [dreg:$0x0]  }
0x2: {  	s0 =	rddreg [dreg:$0x1]  }
0x3: {  	s4 =	rddreg [dreg:$0x2];
	_ =	strace $0x80000053;
	s1 =	simm.s32 $0x1  }
0x4: {  	s3 =	simm.s32 $0x408;
	v0 =	vimm.s32 $0x0;
	[sflag:s1] =	ssyncpa.u1 $0x0  }
0x5: {  	[tilespmem:s3+$0x70] =	vst v0  }
0x6: {  	[tilespmem:s3+$0x60] =	vst v0  }
0x7: {  	[tilespmem:s3+$0x50] =	vst v0  }
0x8: {  	[tilespmem:s3+$0x40] =	vst v0  }
0x9: {  	[tilespmem:s3+$0x30] =	vst v0  }
0xa: {  	s1 =	sadd.s32 $0xF1C00, s2;
	s6 =	sadd.s32 $0x191C00, s2;
	[tilespmem:s3+$0x20] =	vst v0  }
0xb: {  	s2 =	sadd.s32 $0x25800, s2;
	s7 =	sand.u32 $0x1, s4;
	s4 =	simm.s32 $0x40;
	[tilespmem:s3+$0x10] =	vst v0  }
.LBB2_1:
0xc: {  	s4 =	sadd.s32 $0x40, s4;
	[tilespmem:s3+$0x0] =	vst v0;
	s3 =	sadd.s32 $0x80, s3  }
0xd: {  	p0 =	slt.u32 s4, $0x3100;
	[tilespmem:s3+$0x70] =	vst v0  }
0xe: {  	[tilespmem:s3+$0x60] =	vst v0  }
.Ltmp0:
0xf: {  	[tilespmem:s3+$0x50] =	vst v0;
	(pc) =	sbr.rel @p0 .LBB2_1-.Ltmp0, $4  }
0x10: {  	[tilespmem:s3+$0x40] =	vst v0  }
0x11: {  	[tilespmem:s3+$0x30] =	vst v0  }
0x12: {  	[tilespmem:s3+$0x20] =	vst v0  }
0x13: {  	[tilespmem:s3+$0x10] =	vst v0  }
0x14: {  	s9 =	stileid.u32  }
0x15: {  	s4 =	smul.u32 $0x9C, s9  }
0x16: {  	s5 =	smin.u32 s9, $0x4  }
0x17: {  	s4 =	sadd.s32 s5, s4  }
0x18: {  	p0 =	slt.u32 s9, $0x4;
	s11 =	smul.u32 $0x30, s4;
	s4 =	simm.s32 $0x1D70  }
0x19: {  	s4 =	simm.s32 @!p0 $0x1D40  }
0x1a: {  	s4 =	sadd.s32 s4, s11  }
0x1b: {  	s8 =	smin.u32 s4, $0x1D4C0  }
0x1c: {  	s26 =	simm.s32 $0x2;
	s10 =	simm.s32 $0x9;
	s4 =	ssub.s32 s8, s11  }
0x1d: {  	s29 =	simm.s32 $0xA;
	s30 =	simm.s32 $0xB;
	p0 =	sgt.s32 s4, $0x0  }
0x1e: {  	[dreg:$0x5] =	wrdreg s7;
	s31 =	smul.u32 $0x3A98, s7;
	s4 =	simm.s32 @!p0 $0x0  }
0x1f: {  	s13 =	simm.s32 $0x1;
	p1 =	por $0x0, $0x0;
	s25 =	smulhi.u32 $0x2AAAAAAB, s4  }
0x20: {  	s19 =	simm.s32 $0x80;
	s20 =	simm.s32 $0x400;
	s18 =	simm.s32 $0xC  }
0x21: {  	s22 =	simm.s32 $0x0;
	s24 =	simm.s32 $0x0;
	s28 =	sshrl.u32 s25, $0x3  }
0x22: {  	[tilespmem:s3+$0x0] =	vst v0;
	v0 =	vimm.s32 $0xFFFFFFFF;
	[sflag:s26] =	ssyncpa.u1 $0x0;
	s15 =	sshll.u32 s9, $0xA;
	s5 =	smul.u32 $0x30, s28  }
0x23: {  	[tilespmem:$0xC808] =	vst v0;
	[sflag:s10] =	ssyncpa.u1 $0x0;
	s0 =	sadd.s32 s31, s0;
	[dreg:$0x8] =	wrdreg s15  }
.Ltmp1:
0x24: {  	p0 =	sne.s32 s4, s5;
	s4 =	simm.s32 $0x1;
	(pc) =	sbr.rel .LBB2_3-.Ltmp1, $4  }
0x25: {  	s14 =	sadd.s32 s31, s2;
	[dreg:$0x7] =	wrdreg s0;
	s4 =	simm.s32 @!p0 $0x0  }
0x26: {  	[sflag:s29] =	ssyncpa.u1 $0x0;
	[dreg:$0x6] =	wrdreg s14;
	s12 =	sadd.s32 s4, s28  }
0x27: {  	[sflag:s30] =	ssyncpa.u1 $0x0;
	s23 =	smov.u32 s11;
	s17 =	sadd.s32 $0x1, s12  }
0x28: {  	v0 =	vlaneseq.u32;
	s25 =	simm.s32 $0x0;
	p0 =	por $0x1, $0x1;
	[dreg:$0x9] =	wrdreg s17  }
.LBB2_32:
0x29: {  	s2 =	sshrl.u32 s4, $0x2  }
.LBB2_34:
0x2a: {  	_ =	swait.ge [sflag:s18], s2  }
0x2b: {  	s31 =	ssub.s32 $0x0, s2;
	v1 =	vmov s28;
	vm0 =	veq.s32 v0, $0x0;
	[sflag:s18] =	ssyncset.done $0x0  }
0x2c: {  	vm15 =	veq.s32 v0, $0x2;
	v1 =	vsel vm0, s0, v1;
	[sflag:s18] =	ssyncadd.s32 s31  }
0x2d: {  	v1 =	vsel vm15, s25, v1;
	[sflag:s18] =	ssyncpa.u1 $0x1  }
0x2e: {  	[tilespmem:$0xC808] =	vst v1  }
.LBB2_35:
0x2f: {  	s0 =	sadd.s32 $0x30, s23  }
0x30: {  	s2 =	smov.u32 s11;
	p2 =	slt.s32 s0, s8  }
0x31: {  	s2 =	smov.u32 @p2 s0;
	p2 =	sne.s32 s24, s17  }
.Ltmp2:
0x32: {  	_ = 	snop;
	(pc) =	sbr.rel @!p2 .LBB2_36-.Ltmp2, $4  }
0x33: {  	_ = 	snop  }
0x34: {  	s25 =	smov.u32 s22  }
0x35: {  	s31 =	sadd.s32 $0x1, s24;
	s22 =	smov.u32 s23;
	p0 =	por !p0, !p0  }
0x36: {  	p1 =	por !p1, !p1;
	s24 =	smov.u32 s31;
	s23 =	smov.u32 s2  }
.LBB2_3:
0x37: {  	p2 =	sge.u32 s24, s12  }
0x38: {  	s0 =	smulhi.u32 @!p2 $0xAAAAAAAB, s24  }
0x39: {  	s2 =	smov.u32 s23;
	p3 =	sgt.s32 @!p2 s23, $0x1D490  }
0x3a: {  	s3 =	sshra.s32 @!p2 s23, $0x1F;
	p3 =	por !p3, p2;
	s0 =	sshrl.u32 @!p2 s0, $0x1  }
0x3b: {  	s3 =	sand.u32 @!p2 s3, s23;
	s2 =	simm.s32 @p3 $0x1D490;
	s0 =	smul.u32 @!p2 $0x3, s0  }
0x3c: {  	s2 =	ssub.s32 @!p2 s2, s3  }
0x3d: {  	s2 =	sadd.s32 @!p2 $0xFFFE2B70, s2;
	s0 =	ssub.s32 @!p2 s24, s0  }
0x3e: {  	s3 =	sshll.u32 @!p2 s2, $0x2;
	p3 =	sgt.s32 @!p2 s2, $0x2F;
	s0 =	smul.u32 @!p2 $0xC0, s0  }
0x3f: {  	s4 =	sand.u32 @!p2 $0x7, s23;
	s2 =	ssub.s32 @!p2 $0xC0, s3;
	p3 =	por !p3, p2  }
0x40: {  	s3 =	sshrl.u32 @!p2 s23, $0x3;
	s2 =	sshrl.u32 @!p2 s2, $0x2;
	s0 =	sshrl.u32 @!p2 s0, $0x2  }
0x41: {  	s3 =	sadd.s32 @!p2 s3, s14;
	s2 =	simm.s32 @!p3 $0x0;
	s0 =	sadd.s32 @!p2 $0x10848, s0  }
0x42: {  	[tilespmem:s0], [sflag:$0xA] =	stream.linear.gather @!p2 [hbm4b:s3+s4], s2, $0x38;
	[tilespmem:$0x1C938] =	vst v63  }
0x43: {  	s0 =	sadd.s32 $0xFFFFFFFF, s24  }
0x44: {  	p2 =	slt.u32 s0, s12  }
.Ltmp3:
0x45: {  	_ = 	snop;
	(pc) =	sbr.rel @!p2 .LBB2_11-.Ltmp3, $1  }
0x46: {  	_ =	sdelay $0x3  }
0x47: {  	p2 =	sgt.s32 s22, $0x1D490;
	s2 =	smov.u32 s22;
	s3 =	sshra.s32 s22, $0x1F  }
0x48: {  	s2 =	simm.s32 @!p2 $0x1D490;
	s3 =	sand.u32 s3, s22  }
0x49: {  	s21 =	smulhi.u32 $0xAAAAAAAB, s0;
	s2 =	ssub.s32 s2, s3  }
0x4a: {  	s26 =	sand.u32 $0x1, s0;
	s7 =	simm.s32 $0xA;
	s2 =	sadd.s32 $0xFFFE2B70, s2  }
0x4b: {  	s30 =	smul.u32 $0xC0, s26;
	s3 =	sshrl.u32 s21, $0x1;
	s4 =	sshll.u32 s2, $0x2  }
0x4c: {  	s5 =	sshrl.u32 s22, $0x3;
	s3 =	smul.u32 $0x3, s3;
	s4 =	ssub.s32 $0xC0, s4  }
0x4d: {  	s10 =	sand.u32 $0x7, s22;
	p2 =	sgt.s32 s2, $0x2F;
	s2 =	sshrl.u32 s4, $0x2  }
0x4e: {  	s29 =	ssub.s32 s0, s3;
	s3 =	sshrl.u32 s30, $0x2;
	s2 =	simm.s32 @p2 $0x0  }
0x4f: {  	s3 =	sadd.s32 $0x108D8, s3;
	s0 =	smul.u32 $0xC0, s29;
	_ =	swait.ge [sflag:s7], s2  }
0x50: {  	s31 =	ssub.s32 $0x0, s2;
	[sflag:s7] =	ssyncset.done $0x0;
	s9 =	rddreg [dreg:$0x7]  }
0x51: {  	s28 =	sshrl.u32 s0, $0x2;
	[sflag:s7] =	ssyncadd.s32 s31;
	s4 =	sadd.s32 s5, s9  }
0x52: {  	[tilespmem:s3], [sflag:$0xB] =	stream.linear.gather [hbm4b:s4+s10], s2, $0x38;
	[tilespmem:$0x1C938] =	vst v63  }
0x53: {  	v1 =	vld.msk [tilespmem:s28+$0x10848], $0xffff;
	_ =	sdelay $0x3  }
0x54: {  	s15 =	simm.s32 $0x0  }
0x55: {  	(v2sf) =	vpush v1, s15;
	_ =	sdelay $0x4  }
0x56: {  	s16 =	simm.s32 $0x1  }
0x57: {  	(v2sf) =	vpush v1, s16;
	_ =	sdelay $0x5  }
0x58: {  	s29 =	simm.s32 $0x2  }
0x59: {  	(v2sf) =	vpush v1, s29  }
0x5a: {  	s30 =	simm.s32 $0x3  }
0x5b: {  	s21 =	spop (v2sf);
	(v2sf) =	vpush v1, s30  }
0x5c: {  	s0 =	simm.s32 $0x1  }
0x5d: {  	s0 =	simm.s32 @!p0 $0x0  }
0x5e: {  	s0 =	smul.u32 $0x18000, s0;
	s26 =	sshll.u32 s21, $0x9;
	s2 =	sshll.u32 s21, $0x7  }
0x5f: {  	s3 =	sand.u32 $0xFFFFF000, s26;
	s2 =	sand.u32 $0x380, s2  }
0x60: {  	s0 =	sshrl.u32 s0, $0x2;
	s2 =	sor.u32 s2, s3  }
0x61: {  	s31 =	spop (v2sf);
	s26 =	sadd.s32 $0x14938, s0;
	s3 =	sshrl.u32 s2, $0x3  }
0x62: {  	s4 =	sshll.u32 s31, $0x9;
	s2 =	sor.u32 $0x10938, s0;
	s3 =	sadd.s32 s6, s3  }
0x63: {  	[tilespmem:s2], [sflag:$0x9] =	stream.strided.gather [hbm4b:s3+s19], $0x200, s20, s19, $0x38;
	[tilespmem:$0x1C938] =	vst v63  }
0x64: {  	s5 =	sshll.u32 s31, $0x7;
	s0 =	sadd.s32 $0x12938, s0;
	s3 =	simm.s32 $0x4  }
.LBB2_5:
0x65: {  	(v2sf) =	vpush v1, s3;
	s4 =	sand.u32 $0xFFFFF000, s4;
	s5 =	sand.u32 $0x380, s5;
	p2 =	seq.s32 s3, $0xF  }
.Ltmp4:
0x66: {  	s3 =	sadd.s32 $0x1, s3;
	s4 =	sor.u32 s5, s4;
	(pc) =	sbr.rel @!p2 .LBB2_5-.Ltmp4, $4  }
0x67: {  	s4 =	sshrl.u32 s4, $0x3  }
0x68: {  	s2 =	sadd.s32 $0x200, s2;
	s5 =	spop (v2sf);
	s4 =	sadd.s32 s6, s4  }
0x69: {  	[tilespmem:s2], [sflag:$0x9] =	stream.strided.gather [hbm4b:s4+s19], $0x200, s20, s19, $0x38;
	[tilespmem:$0x1C938] =	vst v63  }
0x6a: {  	s4 =	sshll.u32 s5, $0x9;
	s5 =	sshll.u32 s5, $0x7  }
0x6b: {  	s3 =	sand.u32 $0xFFFFF000, s4;
	s30 =	sand.u32 $0x380, s5  }
0x6c: {  	s3 =	sor.u32 s30, s3  }
0x6d: {  	s31 =	spop (v2sf);
	s2 =	sadd.s32 $0x200, s2;
	s3 =	sshrl.u32 s3, $0x3  }
0x6e: {  	s5 =	sshll.u32 s31, $0x9;
	s4 =	sshll.u32 s31, $0x7;
	s3 =	sadd.s32 s6, s3  }
0x6f: {  	[tilespmem:s2], [sflag:$0x9] =	stream.strided.gather [hbm4b:s3+s19], $0x200, s20, s19, $0x38;
	[tilespmem:$0x1C938] =	vst v63  }
0x70: {  	s4 =	sand.u32 $0x380, s4;
	s3 =	sand.u32 $0xFFFFF000, s5  }
0x71: {  	s3 =	sor.u32 s4, s3  }
0x72: {  	s3 =	sshrl.u32 s3, $0x3  }
0x73: {  	s2 =	sadd.s32 $0x200, s2;
	s3 =	sadd.s32 s6, s3  }
0x74: {  	[tilespmem:s2], [sflag:$0x9] =	stream.strided.gather [hbm4b:s3+s19], $0x200, s20, s19, $0x38;
	[tilespmem:$0x1C938] =	vst v63  }
0x75: {  	s7 =	spop (v2sf)  }
0x76: {  	s9 =	sshll.u32 s7, $0x9;
	s4 =	sshll.u32 s7, $0x7  }
0x77: {  	s3 =	sand.u32 $0xFFFFF000, s9;
	s4 =	sand.u32 $0x380, s4  }
0x78: {  	s3 =	sor.u32 s4, s3  }
0x79: {  	s3 =	sshrl.u32 s3, $0x3  }
0x7a: {  	s2 =	sadd.s32 $0x200, s2;
	s3 =	sadd.s32 s6, s3  }
0x7b: {  	[tilespmem:s2], [sflag:$0x9] =	stream.strided.gather [hbm4b:s3+s19], $0x200, s20, s19, $0x38;
	[tilespmem:$0x1C938] =	vst v63  }
0x7c: {  	v1 =	vld.msk [tilespmem:s28+$0x10858], $0xffff;
	_ =	sdelay $0x3  }
0x7d: {  	s10 =	simm.s32 $0x0  }
0x7e: {  	(v2sf) =	vpush v1, s10;
	_ =	sdelay $0x7  }
0x7f: {  	s15 =	simm.s32 $0x1  }
0x80: {  	(v2sf) =	vpush v1, s15;
	_ =	sdelay $0x4  }
0x81: {  	s29 =	simm.s32 $0x2  }
0x82: {  	s16 =	spop (v2sf);
	(v2sf) =	vpush v1, s29  }
0x83: {  	s30 =	simm.s32 $0x3  }
0x84: {  	(v2sf) =	vpush v1, s30;
	_ =	sdelay $0x2  }
0x85: {  	s21 =	sshll.u32 s16, $0x9;
	s2 =	sshll.u32 s16, $0x7  }
0x86: {  	s3 =	sand.u32 $0xFFFFF000, s21;
	s2 =	sand.u32 $0x380, s2  }
0x87: {  	s2 =	sor.u32 s2, s3  }
0x88: {  	s2 =	sshrl.u32 s2, $0x3  }
0x89: {  	s31 =	spop (v2sf);
	s2 =	sadd.s32 s6, s2  }
0x8a: {  	[tilespmem:s0], [sflag:$0x9] =	stream.strided.gather [hbm4b:s2+s19], $0x200, s20, s19, $0x38;
	[tilespmem:$0x1C938] =	vst v63  }
0x8b: {  	s4 =	sshll.u32 s31, $0x7;
	s3 =	sshll.u32 s31, $0x9;
	s2 =	simm.s32 $0x4  }
.LBB2_7:
0x8c: {  	(v2sf) =	vpush v1, s2;
	s3 =	sand.u32 $0xFFFFF000, s3;
	s4 =	sand.u32 $0x380, s4;
	p2 =	sne.s32 s2, $0xF  }
.Ltmp5:
0x8d: {  	s2 =	sadd.s32 $0x1, s2;
	s3 =	sor.u32 s4, s3;
	(pc) =	sbr.rel @p2 .LBB2_7-.Ltmp5, $4  }
0x8e: {  	s3 =	sshrl.u32 s3, $0x3  }
0x8f: {  	s0 =	sadd.s32 $0x200, s0;
	s4 =	spop (v2sf);
	s3 =	sadd.s32 s6, s3  }
0x90: {  	[tilespmem:s0], [sflag:$0x9] =	stream.strided.gather [hbm4b:s3+s19], $0x200, s20, s19, $0x38;
	[tilespmem:$0x1C938] =	vst v63  }
0x91: {  	s3 =	sshll.u32 s4, $0x9;
	s4 =	sshll.u32 s4, $0x7  }
0x92: {  	s2 =	sand.u32 $0xFFFFF000, s3;
	s4 =	sand.u32 $0x380, s4  }
0x93: {  	s2 =	sor.u32 s4, s2  }
0x94: {  	s5 =	spop (v2sf);
	s0 =	sadd.s32 $0x200, s0;
	s2 =	sshrl.u32 s2, $0x3  }
0x95: {  	s7 =	sshll.u32 s5, $0x9;
	s3 =	sshll.u32 s5, $0x7;
	s2 =	sadd.s32 s6, s2  }
0x96: {  	[tilespmem:s0], [sflag:$0x9] =	stream.strided.gather [hbm4b:s2+s19], $0x200, s20, s19, $0x38;
	[tilespmem:$0x1C938] =	vst v63  }
0x97: {  	s3 =	sand.u32 $0x380, s3;
	s2 =	sand.u32 $0xFFFFF000, s7  }
0x98: {  	s2 =	sor.u32 s3, s2  }
0x99: {  	s2 =	sshrl.u32 s2, $0x3  }
0x9a: {  	s0 =	sadd.s32 $0x200, s0;
	s2 =	sadd.s32 s6, s2  }
0x9b: {  	[tilespmem:s0], [sflag:$0x9] =	stream.strided.gather [hbm4b:s2+s19], $0x200, s20, s19, $0x38;
	[tilespmem:$0x1C938] =	vst v63  }
0x9c: {  	s9 =	spop (v2sf)  }
0x9d: {  	s10 =	sshll.u32 s9, $0x9;
	s3 =	sshll.u32 s9, $0x7  }
0x9e: {  	s2 =	sand.u32 $0xFFFFF000, s10;
	s3 =	sand.u32 $0x380, s3  }
0x9f: {  	s2 =	sor.u32 s3, s2  }
0xa0: {  	s2 =	sshrl.u32 s2, $0x3  }
0xa1: {  	s0 =	sadd.s32 $0x200, s0;
	s2 =	sadd.s32 s6, s2  }
0xa2: {  	[tilespmem:s0], [sflag:$0x9] =	stream.strided.gather [hbm4b:s2+s19], $0x200, s20, s19, $0x38;
	[tilespmem:$0x1C938] =	vst v63  }
0xa3: {  	v1 =	vld.msk [tilespmem:s28+$0x10868], $0xffff;
	_ =	sdelay $0x3  }
0xa4: {  	s15 =	simm.s32 $0x0  }
0xa5: {  	(v2sf) =	vpush v1, s15;
	_ =	sdelay $0x7  }
0xa6: {  	s16 =	simm.s32 $0x1  }
0xa7: {  	(v2sf) =	vpush v1, s16;
	_ =	sdelay $0x4  }
0xa8: {  	s29 =	simm.s32 $0x2  }
0xa9: {  	s21 =	spop (v2sf);
	(v2sf) =	vpush v1, s29  }
0xaa: {  	s30 =	simm.s32 $0x3  }
0xab: {  	(v2sf) =	vpush v1, s30;
	_ =	sdelay $0x2  }
0xac: {  	s28 =	sshll.u32 s21, $0x9;
	s0 =	sshll.u32 s21, $0x7  }
0xad: {  	s2 =	sand.u32 $0xFFFFF000, s28;
	s0 =	sand.u32 $0x380, s0  }
0xae: {  	s0 =	sor.u32 s0, s2  }
0xaf: {  	s0 =	sshrl.u32 s0, $0x3  }
0xb0: {  	s31 =	spop (v2sf);
	s0 =	sadd.s32 s6, s0  }
0xb1: {  	[tilespmem:s26], [sflag:$0x9] =	stream.strided.gather [hbm4b:s0+s19], $0x200, s20, s19, $0x38;
	[tilespmem:$0x1C938] =	vst v63  }
0xb2: {  	s3 =	sshll.u32 s31, $0x7;
	s2 =	sshll.u32 s31, $0x9;
	s0 =	simm.s32 $0x4  }
.LBB2_9:
0xb3: {  	(v2sf) =	vpush v1, s0;
	s2 =	sand.u32 $0xFFFFF000, s2;
	s3 =	sand.u32 $0x380, s3;
	p2 =	seq.s32 s0, $0xF  }
.Ltmp6:
0xb4: {  	s0 =	sadd.s32 $0x1, s0;
	s2 =	sor.u32 s3, s2;
	(pc) =	sbr.rel @!p2 .LBB2_9-.Ltmp6, $4  }
0xb5: {  	s2 =	sshrl.u32 s2, $0x3  }
0xb6: {  	s26 =	sadd.s32 $0x200, s26;
	s3 =	spop (v2sf);
	s2 =	sadd.s32 s6, s2  }
0xb7: {  	[tilespmem:s26], [sflag:$0x9] =	stream.strided.gather [hbm4b:s2+s19], $0x200, s20, s19, $0x38;
	[tilespmem:$0x1C938] =	vst v63  }
0xb8: {  	s2 =	sshll.u32 s3, $0x9;
	s3 =	sshll.u32 s3, $0x7  }
0xb9: {  	s0 =	sand.u32 $0xFFFFF000, s2;
	s16 =	sand.u32 $0x380, s3  }
0xba: {  	s0 =	sor.u32 s16, s0  }
0xbb: {  	s21 =	spop (v2sf);
	s26 =	sadd.s32 $0x200, s26;
	s0 =	sshrl.u32 s0, $0x3  }
0xbc: {  	s28 =	sshll.u32 s21, $0x9;
	s2 =	sshll.u32 s21, $0x7;
	s0 =	sadd.s32 s6, s0  }
0xbd: {  	[tilespmem:s26], [sflag:$0x9] =	stream.strided.gather [hbm4b:s0+s19], $0x200, s20, s19, $0x38;
	[tilespmem:$0x1C938] =	vst v63  }
0xbe: {  	s2 =	sand.u32 $0x380, s2;
	s0 =	sand.u32 $0xFFFFF000, s28  }
0xbf: {  	s0 =	sor.u32 s2, s0  }
0xc0: {  	s0 =	sshrl.u32 s0, $0x3  }
0xc1: {  	s3 =	sadd.s32 $0x200, s26;
	s0 =	sadd.s32 s6, s0  }
0xc2: {  	[tilespmem:s3], [sflag:$0x9] =	stream.strided.gather [hbm4b:s0+s19], $0x200, s20, s19, $0x38;
	[tilespmem:$0x1C938] =	vst v63  }
0xc3: {  	s29 =	spop (v2sf)  }
0xc4: {  	s30 =	sshll.u32 s29, $0x9;
	s2 =	sshll.u32 s29, $0x7  }
0xc5: {  	s0 =	sand.u32 $0xFFFFF000, s30;
	s2 =	sand.u32 $0x380, s2  }
0xc6: {  	s0 =	sor.u32 s2, s0  }
0xc7: {  	s0 =	sshrl.u32 s0, $0x3  }
0xc8: {  	s31 =	sadd.s32 $0x200, s3;
	s0 =	sadd.s32 s6, s0  }
0xc9: {  	[tilespmem:s31], [sflag:$0x9] =	stream.strided.gather [hbm4b:s0+s19], $0x200, s20, s19, $0x38;
	[tilespmem:$0x1C938] =	vst v63  }
.LBB2_11:
0xca: {  	p2 =	slt.u32 s24, $0x2  }
.Ltmp7:
0xcb: {  	_ = 	snop;
	(pc) =	sbr.rel @p2 .LBB2_35-.Ltmp7, $1  }
0xcc: {  	_ =	sdelay $0x3  }
0xcd: {  	p2 =	sgt.s32 s25, $0x1D490;
	s0 =	smov.u32 s25;
	s2 =	sshra.s32 s25, $0x1F  }
0xce: {  	s0 =	simm.s32 @!p2 $0x1D490;
	s2 =	sand.u32 s2, s25  }
0xcf: {  	s0 =	ssub.s32 s0, s2  }
0xd0: {  	s0 =	sadd.s32 $0xFFFE2B70, s0  }
0xd1: {  	s3 =	simm.s32 $0x9;
	s30 =	sshll.u32 s0, $0x2  }
0xd2: {  	_ =	swait.ge [sflag:s3], $0x6000;
	s2 =	ssub.s32 $0xC0, s30  }
0xd3: {  	[sflag:s3] =	ssyncset.done $0x0;
	p2 =	sgt.s32 s0, $0x2F;
	s0 =	sshrl.u32 s2, $0x2  }
0xd4: {  	s31 =	simm.s32 $0xB;
	[sflag:s3] =	ssyncadd.s32 $0xFFFFA000;
	s0 =	simm.s32 @p2 $0x0  }
0xd5: {  	_ =	swait.ge [sflag:s31], s0  }
0xd6: {  	s0 =	ssub.s32 $0x0, s0;
	[sflag:s31] =	ssyncset.done $0x0  }
0xd7: {  	[sflag:s31] =	ssyncadd.s32 s0  }
0xd8: {  	v1 =	vld [tilespmem:$0xC808];
	_ =	sdelay $0x4  }
0xd9: {  	(v2sf) =	vpush v1, $0x0  }
0xda: {  	(v2sf) =	vpush v1, $0x1  }
0xdb: {  	(v2sf) =	vpush v1, $0x2;
	_ =	sdelay $0x3  }
0xdc: {  	s2 =	sadd.s32 $0x30, s25  }
0xdd: {  	s3 =	ssub.s32 $0x3A980, s25;
	p2 =	slt.s32 s8, s2  }
0xde: {  	s2 =	smov.u32 @p2 s8;
	p2 =	sgt.s32 s3, $0x0  }
0xdf: {  	s26 =	ssub.s32 s2, s25;
	s3 =	simm.s32 @!p2 $0x0  }
0xe0: {  	p2 =	slt.s32 s3, s26  }
0xe1: {  	s26 =	smov.u32 @p2 s3  }
0xe2: {  	s0 =	simm.s32 $0x1;
	p2 =	slt.s32 s26, $0x1  }
.Ltmp8:
0xe3: {  	s0 =	simm.s32 @!p1 $0x0;
	(pc) =	sbr.rel @p2 .LBB2_16-.Ltmp8, $4  }
0xe4: {  	s4 =	smul.u32 $0xC0, s0  }
0xe5: {  	s2 =	spop (v2sf)  }
0xe6: {  	s4 =	sshrl.u32 s4, $0x2;
	s3 =	spop (v2sf)  }
0xe7: {  	s4 =	sadd.s32 $0x108D8, s4;
	s25 =	spop (v2sf)  }
0xe8: {  	s5 =	smin.u32 s26, $0x10  }
0xe9: {  	v1 =	vmov s5  }
0xea: {  	vm1 =	vgt.u32 v1, v0  }
0xeb: {  	p3 =	sgt.s32 s26, $0x10  }
.Ltmp9:
0xec: {  	_ = 	snop;
	(pc) =	sbr.rel @!p3 .LBB2_15-.Ltmp9, $2  }
0xed: {  	_ =	sdelay $0x2  }
0xee: {  	s9 =	simm.s32 $0x10;
	s16 =	sadd.s32 $0xFFFFFFF0, s26;
	s5 =	smov.u32 s4;
	vm0 =	vmmov vm1;
	v1 =	vld.msk [tilespmem:s4+$0x0 ss:$0x1], vm1  }
.LBB2_14:
0xef: {  	s10 =	smin.u32 s16, $0x10;
	s9 =	sadd.s32 $0x10, s9  }
0xf0: {  	v2 =	vmov s10;
	p3 =	slt.s32 s9, s26  }
0xf1: {  	vm1 =	vgt.u32 v2, v0;
	_ =	sdelay $0x1  }
0xf2: {  	v2 =	vshll.u32 v1, $0x6;
	v1 =	vshll.u32 v1, $0x4  }
.Ltmp10:
0xf3: {  	v2 =	vand.u32 $0xFFFFFE00, v2;
	v1 =	vand.u32 $0x70, v1;
	(pc) =	sbr.rel @p3 .LBB2_14-.Ltmp10, $4  }
0xf4: {  	v1 =	vor.u32 v1, v2  }
0xf5: {  	[tilespmem:s5+$0x0] =	vst.msk vm0, v1;
	s5 =	sadd.s32 $0x10, s5;
	vm0 =	vmmov vm1  }
0xf6: {  	v1 =	vld.msk [tilespmem:s5+$0x0 ss:$0x1], vm1  }
0xf7: {  	s16 =	sadd.s32 $0xFFFFFFF0, s16  }
.LBB2_15:
0xf8: {  	_ =	sdelay $0x3  }
0xf9: {  	v2 =	vshll.u32 v1, $0x6;
	v1 =	vshll.u32 v1, $0x4  }
0xfa: {  	v2 =	vand.u32 $0xFFFFFE00, v2;
	v1 =	vand.u32 $0x70, v1  }
0xfb: {  	v1 =	vor.u32 v1, v2  }
0xfc: {  	[tilespmem:s5+$0x0] =	vst.msk vm0, v1  }
.LBB2_16:
0xfd: {  	s5 =	sand.u32 $0x1, s24  }
0xfe: {  	s5 =	smul.u32 $0x30, s5  }
0xff: {  	p3 =	sne.s32 s3, $0xFFFFFFFF  }
0x100: {  	v1 =	vld.msk @!p3 [tilespmem:s5+$0x108D8], $0x1;
	_ =	sdelay $0x4  }
0x101: {  	(v2sf) =	vpush @!p3 v1, $0x0;
	_ =	sdelay $0xc  }
.Ltmp11:
0x102: {  	_ = 	snop;
	(pc) =	sbr.rel @p2 .LBB2_33-.Ltmp11, $4  }
0x103: {  	_ = 	snop  }
0x104: {  	s31 =	spop @!p3 (v2sf)  }
0x105: {  	s25 =	simm.s32 @!p3 $0x0;
	s28 =	smov.u32 s31  }
0x106: {  	[sflag:s18] =	ssyncpa.u1 $0x0;
	s31 =	smov.u32 @p3 s2;
	s28 =	smov.u32 @p3 s3  }
0x107: {  	v1 =	vld.msk [tilespmem:s4+$0x0], $0x1;
	_ =	sdelay $0x4  }
0x108: {  	(v2sf) =	vpush v1, $0x0;
	_ =	sdelay $0xe  }
0x109: {  	s17 =	smov.u32 s12;
	s2 =	spop (v2sf)  }
0x10a: {  	s14 =	smov.u32 s8;
	s0 =	smul.u32 $0x18000, s0;
	p2 =	seq.s32 s31, s2  }
0x10b: {  	s8 =	smov.u32 s11;
	s3 =	ssub.s32 $0x0, s26;
	p3 =	sgt.s32 @!p2 s31, $0x0  }
0x10c: {  	s9 =	smov.u32 s31;
	s0 =	sshrl.u32 s0, $0x2;
	p3 =	por !p3, p2  }
0x10d: {  	s29 =	sor.u32 $0x10938, s0;
	s0 =	sadd.s32 $0x108D8, s5;
	s9 =	simm.s32 @p3 $0x0  }
0x10e: {  	s5 =	sadd.s32 $0x1, s3;
	s10 =	simm.s32 @!p2 $0x6608;
	s9 =	smin.u32 @!p2 s9, $0x9FE70  }
0x10f: {  	p3 =	seq.s32 s5, $0x0;
	s16 =	sand.u32 @!p2 $0xFFFF8, s9;
	s11 =	sadd.s32 @!p2 $0x80, s9  }
0x110: {  	s15 =	sadd.s32 @!p2 s1, s16;
	s16 =	sand.u32 @!p2 $0x7, s9;
	s11 =	sand.u32 @!p2 $0x1FFFF8, s11  }
0x111: {  	[tilespmem:s10], [sflag:$0x2] =	stream.linear.gather @!p2 [hbm4b:s15+s16], $0x80, $0x38;
	[tilespmem:$0x1C938] =	vst v63  }
0x112: {  	s12 =	sadd.s32 @!p2 $0x100, s9;
	s10 =	simm.s32 @!p2 $0x6688;
	s11 =	sadd.s32 @!p2 s1, s11  }
0x113: {  	[tilespmem:s10], [sflag:$0x2] =	stream.linear.gather @!p2 [hbm4b:s11+s16], $0x80, $0x38;
	[tilespmem:$0x1C938] =	vst v63  }
.Ltmp12:
0x114: {  	s30 =	simm.s32 $0x0;
	s12 =	sand.u32 @!p2 $0x1FFFF8, s12;
	(pc) =	sbr.rel @p3 .LBB2_19-.Ltmp12, $4  }
0x115: {  	s9 =	sadd.s32 @!p2 $0x180, s9;
	s10 =	simm.s32 @!p2 $0x6708;
	s11 =	sadd.s32 @!p2 s1, s12  }
0x116: {  	[tilespmem:s10], [sflag:$0x2] =	stream.linear.gather @!p2 [hbm4b:s11+s16], $0x80, $0x38;
	[tilespmem:$0x1C938] =	vst v63  }
0x117: {  	s4 =	sadd.s32 $0x1, s4;
	s3 =	simm.s32 @!p2 $0x1;
	s10 =	sand.u32 @!p2 $0x1FFFF8, s9  }
0x118: {  	s3 =	smov.u32 @p2 s30;
	s9 =	simm.s32 @!p2 $0x6788;
	s10 =	sadd.s32 @!p2 s1, s10  }
.LBB2_18:
0x119: {  	s11 =	smov.u32 s3  }
0x11a: {  	[tilespmem:s9], [sflag:$0x2] =	stream.linear.gather @!p2 [hbm4b:s10+s16], $0x80, $0x38;
	[tilespmem:$0x1C938] =	vst v63  }
0x11b: {  	s5 =	sadd.s32 $0x1, s5;
	s9 =	smov.u32 s2  }
0x11c: {  	p3 =	seq.s32 s5, $0x0;
	v1 =	vld.msk [tilespmem:s4+$0x0], $0x1;
	_ =	sdelay $0x4  }
0x11d: {  	(v2sf) =	vpush v1, $0x0;
	_ =	sdelay $0xe  }
0x11e: {  	s2 =	spop (v2sf)  }
0x11f: {  	p2 =	seq.s32 s9, s2  }
0x120: {  	p4 =	sgt.s32 @!p2 s9, $0x0;
	s10 =	sshll.u32 @!p2 s3, $0xB;
	s3 =	sadd.s32 @!p2 $0x1, s3  }
0x121: {  	p4 =	por !p4, p2;
	s10 =	sshra.s32 @!p2 s10, $0x2;
	s3 =	smov.u32 @p2 s11  }
0x122: {  	s9 =	simm.s32 @p4 $0x0;
	s11 =	sadd.s32 @!p2 $0x6608, s10;
	s12 =	sadd.s32 @!p2 $0x6688, s10  }
0x123: {  	s18 =	sadd.s32 @!p2 $0x6708, s10;
	s15 =	smin.u32 @!p2 s9, $0x9FE70;
	s9 =	sadd.s32 @!p2 $0x6788, s10  }
0x124: {  	s10 =	sand.u32 @!p2 $0xFFFF8, s15;
	s7 =	sadd.s32 @!p2 $0x80, s15;
	s21 =	sadd.s32 @!p2 $0x100, s15  }
0x125: {  	s16 =	sand.u32 @!p2 $0x7, s15;
	s10 =	sadd.s32 @!p2 s1, s10;
	s7 =	sand.u32 @!p2 $0x1FFFF8, s7  }
0x126: {  	[tilespmem:s11], [sflag:$0x2] =	stream.linear.gather @!p2 [hbm4b:s10+s16], $0x80, $0x38;
	[tilespmem:$0x1C938] =	vst v63  }
0x127: {  	s7 =	sadd.s32 @!p2 s1, s7  }
.Ltmp13:
0x128: {  	s10 =	sand.u32 @!p2 $0x1FFFF8, s21;
	s11 =	sadd.s32 @!p2 $0x180, s15;
	(pc) =	sbr.rel @!p3 .LBB2_18-.Ltmp13, $4  }
0x129: {  	[tilespmem:s12], [sflag:$0x2] =	stream.linear.gather @!p2 [hbm4b:s7+s16], $0x80, $0x38;
	[tilespmem:$0x1C938] =	vst v63  }
0x12a: {  	s7 =	sadd.s32 @!p2 s1, s10;
	s10 =	sand.u32 @!p2 $0x1FFFF8, s11  }
0x12b: {  	[tilespmem:s18], [sflag:$0x2] =	stream.linear.gather @!p2 [hbm4b:s7+s16], $0x80, $0x38;
	[tilespmem:$0x1C938] =	vst v63  }
0x12c: {  	s4 =	sadd.s32 $0x1, s4;
	s10 =	sadd.s32 @!p2 s1, s10  }
.LBB2_19:
0x12d: {  	[tilespmem:s9], [sflag:$0x2] =	stream.linear.gather @!p2 [hbm4b:s10+s16], $0x80, $0x38;
	[tilespmem:$0x1C938] =	vst v63  }
0x12e: {  	s2 =	sshll.u32 s3, $0x9;
	s21 =	simm.s32 $0x2  }
.Ltmp14:
0x12f: {  	s4 =	simm.s32 $0x0;
	s2 =	sand.u32 $0x3FFFFE00, s2;
	(pc) =	sbr.rel .LBB2_20-.Ltmp14, $4  }
0x130: {  	s5 =	simm.s32 $0x0;
	s11 =	smov.u32 s8;
	_ =	swait.ge [sflag:s21], s2  }
0x131: {  	s8 =	smov.u32 s14;
	s12 =	smov.u32 s17;
	s14 =	rddreg [dreg:$0x6]  }
0x132: {  	s2 =	ssub.s32 $0x0, s2;
	[sflag:s21] =	ssyncset.done $0x0;
	s15 =	rddreg [dreg:$0x8]  }
0x133: {  	v1 =	vmov s0;
	s18 =	simm.s32 $0xC;
	s17 =	rddreg [dreg:$0x9];
	[sflag:s21] =	ssyncadd.s32 s2  }
.LBB2_30:
0x134: {  	[tilespmem:s2+$0x0] =	vst v2;
	s30 =	sadd.s32 $0x1, s30  }
.LBB2_31:
0x135: {  	s5 =	sadd.s32 $0x1, s5  }
0x136: {  	p2 =	sne.s32 s5, s26  }
.Ltmp15:
0x137: {  	_ = 	snop;
	(pc) =	sbr.rel @!p2 .LBB2_32-.Ltmp15, $2  }
0x138: {  	_ =	sdelay $0x2  }
0x139: {  	s29 =	sadd.s32 $0x200, s29;
	s31 =	smov.u32 s0  }
.LBB2_20:
0x13a: {  	_ =	sdelay $0x3  }
0x13b: {  	v2 =	vld.idx.msk [tilespmem:v1+s5+$0x0 ss:$0x1], $0x1;
	_ =	sdelay $0x4  }
0x13c: {  	(v2sf) =	vpush v2, $0x0;
	_ =	sdelay $0xe  }
0x13d: {  	s0 =	spop (v2sf)  }
0x13e: {  	p2 =	sne.s32 s31, s0  }
.Ltmp16:
0x13f: {  	_ = 	snop;
	(pc) =	sbr.rel @p2 .LBB2_24-.Ltmp16, $3  }
0x140: {  	_ =	sdelay $0x1  }
0x141: {  	s2 =	sshll.u32 s25, $0xB  }
0x142: {  	s2 =	sshra.s32 s2, $0x2  }
0x143: {  	s2 =	sadd.s32 $0x408, s2;
	s3 =	simm.s32 $0x0;
	v2 =	vld [tilespmem:s29+$0x0];
	s9 =	smov.u32 s29  }
.LBB2_22:
0x144: {  	s3 =	sadd.s32 $0x10, s3  }
0x145: {  	p2 =	slt.u32 s3, $0x1F0  }
.Ltmp17:
0x146: {  	_ = 	snop;
	(pc) =	sbr.rel @p2 .LBB2_22-.Ltmp17, $3  }
0x147: {  	_ =	sdelay $0x1  }
0x148: {  	s9 =	sadd.s32 $0x10, s9;
	[tilespmem:s2+$0x0] =	vst.add.f32.msk $0xffff, v2;
	s2 =	sadd.s32 $0x10, s2  }
0x149: {  	v2 =	vld [tilespmem:s9+$0x0]  }
.Ltmp18:
0x14a: {  	_ = 	snop;
	(pc) =	sbr.rel .LBB2_31-.Ltmp18, $2  }
0x14b: {  	_ =	sdelay $0x2  }
0x14c: {  	[tilespmem:s2+$0x0] =	vst.add.f32.msk $0xffff, v2  }
.LBB2_24:
0x14d: {  	p2 =	seq.s32 s31, s28  }
.Ltmp19:
0x14e: {  	_ = 	snop;
	(pc) =	sbr.rel @!p2 .LBB2_25-.Ltmp19, $1  }
0x14f: {  	_ =	sdelay $0x3  }
.Ltmp20:
0x150: {  	s2 =	sadd.s32 $0x408, s2;
	(pc) =	sbr.rel .LBB2_28-.Ltmp20, $4  }
0x151: {  	[spmem:s15] =	stream.linear.scatter [tilespmem:s2], [sflag:$0x1], $0x200, $0x38;
	[tilespmem:$0x1C938] =	vst v63  }
0x152: {  	_ =	swait.ge [sflag:s13], $0x200  }
0x153: {  	[sflag:s13] =	ssyncset.done $0x0  }
0x154: {  	[sflag:s13] =	ssyncadd.s32 $0xFFFFFE00  }
.LBB2_25:
0x155: {  	s3 =	sshll.u32 s30, $0xB  }
0x156: {  	s3 =	sshra.s32 s3, $0x2  }
0x157: {  	s9 =	sadd.s32 $0x6608, s3;
	s3 =	sadd.s32 $0x408, s2  }
0x158: {  	s10 =	simm.s32 $0x0;
	v2 =	vld [tilespmem:s9+$0x0];
	s16 =	smov.u32 s3  }
.LBB2_26:
0x159: {  	s10 =	sadd.s32 $0x10, s10  }
0x15a: {  	p2 =	slt.u32 s10, $0x1F0  }
.Ltmp21:
0x15b: {  	_ = 	snop;
	(pc) =	sbr.rel @p2 .LBB2_26-.Ltmp21, $3  }
0x15c: {  	_ =	sdelay $0x1  }
0x15d: {  	s9 =	sadd.s32 $0x10, s9;
	[tilespmem:s16+$0x0] =	vst.add.f32.msk $0xffff, v2;
	s16 =	sadd.s32 $0x10, s16  }
0x15e: {  	v2 =	vld [tilespmem:s9+$0x0]  }
0x15f: {  	_ =	sdelay $0x1  }
0x160: {  	p2 =	sgt.u32 s31, $0x9FE70  }
0x161: {  	s7 =	sand.u32 @!p2 $0xFFFF8, s31  }
0x162: {  	s9 =	sand.u32 @!p2 $0x7, s31;
	s7 =	sadd.s32 @!p2 s1, s7;
	[tilespmem:s16+$0x0] =	vst.add.f32.msk $0xffff, v2  }
0x163: {  	[hbm4b:s7+s9] =	stream.linear.scatter @!p2 [tilespmem:s3], [sflag:$0xC], $0x80, $0x38;
	[tilespmem:$0x1C938] =	vst v63  }
0x164: {  	s3 =	sadd.s32 @!p2 $0x80, s31  }
0x165: {  	s3 =	sand.u32 @!p2 $0x1FFFF8, s3  }
0x166: {  	s7 =	sadd.s32 @!p2 $0x488, s2;
	s3 =	sadd.s32 @!p2 s1, s3  }
0x167: {  	[hbm4b:s3+s9] =	stream.linear.scatter @!p2 [tilespmem:s7], [sflag:$0xC], $0x80, $0x38;
	[tilespmem:$0x1C938] =	vst v63  }
0x168: {  	s3 =	sadd.s32 @!p2 $0x100, s31  }
0x169: {  	s3 =	sand.u32 @!p2 $0x1FFFF8, s3  }
0x16a: {  	s7 =	sadd.s32 @!p2 $0x508, s2;
	s3 =	sadd.s32 @!p2 s1, s3  }
0x16b: {  	[hbm4b:s3+s9] =	stream.linear.scatter @!p2 [tilespmem:s7], [sflag:$0xC], $0x80, $0x38;
	[tilespmem:$0x1C938] =	vst v63  }
0x16c: {  	s3 =	sadd.s32 @!p2 $0x180, s31;
	s7 =	simm.s32 $0x0  }
0x16d: {  	s3 =	sand.u32 @!p2 $0x1FFFF8, s3;
	s7 =	simm.s32 @!p2 $0x800  }
0x16e: {  	s2 =	sadd.s32 @!p2 $0x588, s2;
	s3 =	sadd.s32 @!p2 s1, s3;
	s4 =	sadd.s32 s7, s4  }
0x16f: {  	[hbm4b:s3+s9] =	stream.linear.scatter @!p2 [tilespmem:s2], [sflag:$0xC], $0x80, $0x38;
	[tilespmem:$0x1C938] =	vst v63  }
.LBB2_28:
0x170: {  	s2 =	sadd.s32 $0x1, s25  }
0x171: {  	s3 =	smulhi.u32 $0xAAAAAAAB, s2;
	_ =	sdelay $0x1  }
0x172: {  	s3 =	sshrl.u32 s3, $0x5  }
0x173: {  	s3 =	smul.u32 $0x30, s3;
	_ =	sdelay $0x1  }
0x174: {  	s25 =	ssub.s32 s2, s3  }
0x175: {  	s2 =	sshll.u32 s25, $0x9  }
0x176: {  	v2 =	vld [tilespmem:s29+$0x0];
	s9 =	smov.u32 s29;
	s3 =	simm.s32 $0x0;
	s2 =	sadd.s32 $0x408, s2  }
.LBB2_29:
0x177: {  	s3 =	sadd.s32 $0x10, s3  }
0x178: {  	p2 =	slt.u32 s3, $0x1F0  }
.Ltmp22:
0x179: {  	_ = 	snop;
	(pc) =	sbr.rel @p2 .LBB2_29-.Ltmp22, $3  }
0x17a: {  	_ =	sdelay $0x1  }
0x17b: {  	[tilespmem:s2+$0x0] =	vst v2;
	s2 =	sadd.s32 $0x10, s2;
	s9 =	sadd.s32 $0x10, s9  }
0x17c: {  	v2 =	vld [tilespmem:s9+$0x0]  }
.Ltmp23:
0x17d: {  	_ = 	snop;
	(pc) =	sbr.rel .LBB2_30-.Ltmp23, $1  }
0x17e: {  	_ =	sdelay $0x3  }
.LBB2_33:
.Ltmp24:
0x17f: {  	(pc) =	sbr.rel .LBB2_34-.Ltmp24, $4  }
0x180: {  	_ = 	snop  }
0x181: {  	s0 =	simm.s32 $0x2  }
0x182: {  	_ =	swait.ge [sflag:s0], $0x0  }
0x183: {  	s2 =	simm.s32 $0x0;
	[sflag:s0] =	ssyncset.done $0x0;
	s0 =	smov.u32 s31  }
.LBB2_36:
0x184: {  	_ =	sfence.sel $0x180000  }
0x185: {  	s0 =	simm.s32 $0x9;
	[bflag:$0x0] =	sbarrier.arrive $0xFFFF  }
0x186: {  	s24 =	simm.s32 $0xA;
	[sflag:s0] =	ssyncpa.u1 $0x1  }
0x187: {  	s25 =	simm.s32 $0xB;
	[sflag:s24] =	ssyncpa.u1 $0x1  }
0x188: {  	s26 =	simm.s32 $0x2;
	[sflag:s25] =	ssyncpa.u1 $0x1  }
0x189: {  	[sflag:s26] =	ssyncpa.u1 $0x1  }
0x18a: {  	v0 =	vld [tilespmem:$0xC808];
	_ =	sdelay $0x4  }
0x18b: {  	(v2sf) =	vpush v0, $0x0  }
0x18c: {  	(v2sf) =	vpush v0, $0x1;
	_ =	sdelay $0x1  }
0x18d: {  	(v2sf) =	vpush v0, $0x2;
	_ =	sdelay $0xb  }
0x18e: {  	s0 =	spop (v2sf)  }
0x18f: {  	s2 =	spop (v2sf)  }
0x190: {  	s3 =	smov.u32 s0;
	p0 =	sne.s32 s0, s2  }
0x191: {  	s4 =	spop (v2sf);
	s3 =	simm.s32 @!p0 $0xFFFFFFFF  }
0x192: {  	v2 =	vimm.s32 $0x1;
	v3 =	vlaneseq.u32;
	p0 =	seq.s32 s4, $0xFFFFFFFF;
	v1 =	vmov s3  }
0x193: {  	s17 =	stileid.u32;
	v0 =	vperm.xlane v0, v2;
	p1 =	sne.s32 @!p0 s0, s2;
	v1 =	vperm.xlane v1, v3  }
0x194: {  	vm0 =	vcmask $0x3F04;
	s6 =	simm.s32 $0xC808;
	s0 =	simm.s32 @!p0 $0x1;
	p1 =	por !p1, p0  }
0x195: {  	s3 =	sshll.u32 s17, $0x1;
	s2 =	sshll.u32 @!p0 s4, $0xB;
	s0 =	simm.s32 @p1 $0x0;
	v0 =	vsel vm0, v1, v0  }
0x196: {  	s5 =	sor.u32 $0x4000, s3;
	s2 =	sshra.s32 @!p0 s2, $0x2;
	s0 =	sor.u32 @!p0 s0, s3;
	[tilespmem:$0xC808] =	vst v0  }
0x197: {  	[spmem:s5] =	stream.linear.scatter [tilespmem:s6], [sflag:$0x1], $0x2, $0x38;
	[tilespmem:$0x1C938] =	vst v63  }
0x198: {  	s2 =	sadd.s32 @!p0 $0x408, s2;
	s0 =	sshll.u32 @!p0 s0, $0x9  }
0x199: {  	[spmem:s0] =	stream.linear.scatter @!p0 [tilespmem:s2], [sflag:$0x1], $0x200, $0x38;
	[tilespmem:$0x1C938] =	vst v63  }
0x19a: {  	s0 =	simm.s32 @!p0 $0x202  }
0x19b: {  	s28 =	simm.s32 $0x1;
	s0 =	simm.s32 @p0 $0x2  }
0x19c: {  	_ =	swait.ge [sflag:s28], s0  }
0x19d: {  	s0 =	ssub.s32 $0x0, s0;
	[sflag:s28] =	ssyncset.done $0x0  }
0x19e: {  	p0 =	sne.s32 s17, $0x0;
	[sflag:s28] =	ssyncadd.s32 s0  }
.Ltmp25:
0x19f: {  	_ =	sfence.stream.spmem;
	(pc) =	sbr.rel @p0 .LBB2_61-.Ltmp25, $4  }
0x1a0: {  	s29 =	simm.s32 $0x3;
	[bflag:$0x0] =	sbarrier.arrive $0xFFFF  }
0x1a1: {  	s30 =	simm.s32 $0x4;
	[sflag:s29] =	ssyncpa.u1 $0x1  }
0x1a2: {  	s31 =	simm.s32 $0x3C;
	[sflag:s30] =	ssyncpa.u1 $0x1  }
0x1a3: {  	s16 =	rddreg [dreg:$0x5];
	[sflag:s31] =	ssyncpa.u1 $0x1  }
0x1a4: {  	_ =	sfence.stream.spmem;
	s0 =	simm.s32 $0x5  }
0x1a5: {  	s2 =	simm.s32 $0x4000;
	s3 =	simm.s32 $0xC818;
	[sflag:s0] =	ssyncpa.u1 $0x0  }
0x1a6: {  	[tilespmem:s3], [sflag:$0x5] =	stream.linear.gather [spmem:s2], $0x20, $0x38;
	[tilespmem:$0x1C938] =	vst v63  }
0x1a7: {  	s26 =	simm.s32 $0x0;
	s28 =	simm.s32 $0xC838  }
0x1a8: {  	[tilespmem:s28], [sflag:$0x5] =	stream.linear.gather [spmem:s26], $0x4000, $0x38;
	[tilespmem:$0x1C938] =	vst v63  }
0x1a9: {  	_ =	swait.ge [sflag:s0], $0x4020  }
0x1aa: {  	[sflag:s0] =	ssyncset.done $0x0  }
0x1ab: {  	s29 =	simm.s32 $0x0;
	[sflag:s0] =	ssyncadd.s32 $0xFFFFBFE0  }
0x1ac: {  	v0 =	vld.msk [tilespmem:s29+$0xC818], $0x1;
	_ =	sdelay $0x1  }
0x1ad: {  	s30 =	simm.s32 $0x1  }
0x1ae: {  	v1 =	vld.msk [tilespmem:s30+$0xC818], $0x1;
	_ =	sdelay $0x1  }
0x1af: {  	(v2sf) =	vpush v0, $0x0;
	_ =	sdelay $0x2  }
0x1b0: {  	(v2sf) =	vpush v1, $0x0;
	_ =	sdelay $0x2  }
0x1b1: {  	s31 =	simm.s32 $0x2  }
0x1b2: {  	v0 =	vld.msk [tilespmem:s31+$0xC818], $0x1;
	_ =	sdelay $0x2  }
0x1b3: {  	s2 =	simm.s32 $0xFFFFFFFF;
	s3 =	simm.s32 $0xFFFFFFFF;
	s0 =	simm.s32 $0xC  }
.LBB2_38:
0x1b4: {  	s4 =	smov.u32 s3;
	s5 =	smov.u32 s2  }
0x1b5: {  	s2 =	sshra.s32 s0, $0x2;
	p1 =	sne.s32 s0, $0x7C;
	s0 =	sadd.s32 $0x4, s0;
	(v2sf) =	vpush v0, $0x0  }
0x1b6: {  	v0 =	vld.msk [tilespmem:s2+$0xC818], $0x1  }
.Ltmp26:
0x1b7: {  	(pc) =	sbr.rel @p1 .LBB2_38-.Ltmp26, $4  }
0x1b8: {  	s3 =	spop (v2sf)  }
0x1b9: {  	p2 =	sne.s32 s5, $0xFFFFFFFF;
	s2 =	smov.u32 s3  }
0x1ba: {  	p3 =	seq.s32 s3, $0xFFFFFFFF;
	s2 =	smov.u32 @p2 s5  }
0x1bb: {  	s3 =	smov.u32 @p3 s4;
	s2 =	smov.u32 @p3 s5  }
0x1bc: {  	(v2sf) =	vpush v0, $0x0;
	_ =	sdelay $0x8  }
0x1bd: {  	s0 =	spop (v2sf);
	p1 =	sne.s32 s2, $0xFFFFFFFF;
	s9 =	simm.s32 $0x6  }
0x1be: {  	s6 =	simm.s32 $0x0;
	s10 =	simm.s32 $0xC838;
	s4 =	smov.u32 s0  }
0x1bf: {  	s11 =	simm.s32 $0xC688;
	p2 =	seq.s32 s0, $0xFFFFFFFF;
	s4 =	smov.u32 @p1 s2  }
0x1c0: {  	s12 =	simm.s32 $0xC708;
	s4 =	smov.u32 @p2 s2;
	s2 =	spop (v2sf)  }
0x1c1: {  	s0 =	smov.u32 @p2 s3;
	p1 =	sne.s32 s4, $0xFFFFFFFF;
	s5 =	smov.u32 s2  }
.Ltmp27:
0x1c2: {  	p2 =	seq.s32 s2, $0xFFFFFFFF;
	s5 =	smov.u32 @p1 s4;
	(pc) =	sbr.rel .LBB2_40-.Ltmp27, $4  }
0x1c3: {  	s13 =	simm.s32 $0xC788;
	s5 =	smov.u32 @p2 s4;
	s7 =	spop (v2sf)  }
0x1c4: {  	s14 =	simm.s32 $0x0;
	p1 =	sne.s32 s5, $0xFFFFFFFF;
	s8 =	smov.u32 s7  }
0x1c5: {  	s2 =	smov.u32 @p2 s0;
	p2 =	seq.s32 s7, $0xFFFFFFFF;
	s8 =	smov.u32 @p1 s5  }
0x1c6: {  	[sflag:s9] =	ssyncpa.u1 $0x0;
	s7 =	smov.u32 @p2 s2;
	s8 =	smov.u32 @p2 s5  }
.LBB2_55:
0x1c7: {  	s14 =	sadd.s32 $0x1, s14  }
0x1c8: {  	p1 =	sne.s32 s14, $0x20  }
.Ltmp28:
0x1c9: {  	_ = 	snop;
	(pc) =	sbr.rel @!p1 .LBB2_56-.Ltmp28, $2  }
0x1ca: {  	_ =	sdelay $0x2  }
0x1cb: {  	s10 =	sadd.s32 $0x200, s10  }
.LBB2_40:
0x1cc: {  	v0 =	vld.msk [tilespmem:s14+$0xC818], $0x1;
	_ =	sdelay $0x4  }
0x1cd: {  	(v2sf) =	vpush v0, $0x0;
	_ =	sdelay $0xe  }
0x1ce: {  	s0 =	spop (v2sf)  }
0x1cf: {  	p1 =	seq.s32 s0, $0xFFFFFFFF  }
.Ltmp29:
0x1d0: {  	_ = 	snop;
	(pc) =	sbr.rel @p1 .LBB2_55-.Ltmp29, $1  }
0x1d1: {  	_ =	sdelay $0x3  }
0x1d2: {  	p1 =	slt.s32 s6, $0x1  }
.Ltmp30:
0x1d3: {  	_ = 	snop;
	(pc) =	sbr.rel @p1 .LBB2_48-.Ltmp30, $1  }
0x1d4: {  	_ =	sdelay $0x3  }
0x1d5: {  	s2 =	simm.s32 $0xC818;
	p1 =	por $0x0, $0x0  }
0x1d6: {  	v1 =	vld.msk @!p1 [tilespmem:s2+$0x0], $0x1;
	_ =	sdelay $0x4  }
0x1d7: {  	(v2sf) =	vpush @!p1 v1, $0x0;
	_ =	sdelay $0xd  }
0x1d8: {  	p3 =	sne.s32 s6, $0x1  }
.Ltmp31:
0x1d9: {  	s3 =	spop @!p1 (v2sf);
	(pc) =	sbr.rel @!p3 .LBB2_44-.Ltmp31, $4  }
0x1da: {  	p2 =	seq.s32 @!p1 s0, s3  }
0x1db: {  	s3 =	simm.s32 $0x0;
	p2 =	por !p2, p1  }
0x1dc: {  	s5 =	simm.s32 $0xFFFFFFFF;
	s3 =	simm.s32 @p2 $0xFFFFFFFF  }
0x1dd: {  	s4 =	simm.s32 $0x1;
	s3 =	smov.u32 @p1 s5  }
.LBB2_43:
0x1de: {  	s5 =	smov.u32 s3;
	p1 =	sne.s32 s3, $0xFFFFFFFF  }
0x1df: {  	s2 =	sadd.s32 $0x1, s2;
	s3 =	smov.u32 s4;
	s4 =	sadd.s32 $0x1, s4  }
0x1e0: {  	p2 =	sne.s32 s6, s4;
	v1 =	vld.msk @!p1 [tilespmem:s2+$0x0], $0x1;
	_ =	sdelay $0x4  }
0x1e1: {  	(v2sf) =	vpush @!p1 v1, $0x0;
	_ =	sdelay $0xe  }
.Ltmp32:
0x1e2: {  	s15 =	spop @!p1 (v2sf);
	(pc) =	sbr.rel @p2 .LBB2_43-.Ltmp32, $4  }
0x1e3: {  	p3 =	seq.s32 @!p1 s0, s15  }
0x1e4: {  	p3 =	por !p3, p1  }
0x1e5: {  	s3 =	simm.s32 @p3 $0xFFFFFFFF  }
0x1e6: {  	s3 =	smov.u32 @p1 s5  }
.LBB2_44:
0x1e7: {  	p1 =	seq.s32 s3, $0xFFFFFFFF  }
.Ltmp33:
0x1e8: {  	_ = 	snop;
	(pc) =	sbr.rel @p1 .LBB2_48-.Ltmp33, $1  }
0x1e9: {  	_ =	sdelay $0x3  }
0x1ea: {  	s0 =	sshll.u32 s3, $0xB  }
0x1eb: {  	s0 =	sshra.s32 s0, $0x2  }
0x1ec: {  	s2 =	simm.s32 $0x0;
	v0 =	vld [tilespmem:s10+$0x0];
	s3 =	smov.u32 s10;
	s0 =	sadd.s32 $0xC838, s0  }
.LBB2_46:
0x1ed: {  	s2 =	sadd.s32 $0x10, s2  }
0x1ee: {  	p1 =	slt.u32 s2, $0x1F0  }
.Ltmp34:
0x1ef: {  	_ = 	snop;
	(pc) =	sbr.rel @p1 .LBB2_46-.Ltmp34, $3  }
0x1f0: {  	_ =	sdelay $0x1  }
0x1f1: {  	s3 =	sadd.s32 $0x10, s3;
	[tilespmem:s0+$0x0] =	vst.add.f32.msk $0xffff, v0;
	s0 =	sadd.s32 $0x10, s0  }
0x1f2: {  	v0 =	vld [tilespmem:s3+$0x0]  }
.Ltmp35:
0x1f3: {  	_ = 	snop;
	(pc) =	sbr.rel .LBB2_55-.Ltmp35, $2  }
0x1f4: {  	_ =	sdelay $0x2  }
0x1f5: {  	[tilespmem:s0+$0x0] =	vst.add.f32.msk $0xffff, v0  }
.LBB2_48:
0x1f6: {  	p1 =	sgt.u32 s0, $0x9FE70  }
0x1f7: {  	p2 =	seq.s32 @!p1 s0, s8  }
0x1f8: {  	p1 =	por p1, p2  }
0x1f9: {  	p2 =	seq.s32 @!p1 s0, s7  }
0x1fa: {  	p1 =	por p1, p2  }
.Ltmp36:
0x1fb: {  	_ = 	snop;
	(pc) =	sbr.rel @p1 .LBB2_52-.Ltmp36, $1  }
0x1fc: {  	_ =	sdelay $0x3  }
0x1fd: {  	s2 =	sand.u32 $0xFFFF8, s0;
	s4 =	sand.u32 $0x7, s0  }
0x1fe: {  	s29 =	sadd.s32 $0x80, s0;
	s3 =	sadd.s32 s1, s2;
	s2 =	simm.s32 $0xC608  }
0x1ff: {  	[tilespmem:s2], [sflag:$0x6] =	stream.linear.gather [hbm4b:s3+s4], $0x80, $0x38;
	[tilespmem:$0x1C938] =	vst v63  }
0x200: {  	s3 =	sand.u32 $0x1FFFF8, s29  }
0x201: {  	s30 =	sadd.s32 $0x100, s0;
	s3 =	sadd.s32 s1, s3  }
0x202: {  	[tilespmem:s11], [sflag:$0x6] =	stream.linear.gather [hbm4b:s3+s4], $0x80, $0x38;
	[tilespmem:$0x1C938] =	vst v63  }
0x203: {  	s31 =	sadd.s32 $0x180, s0;
	s3 =	sand.u32 $0x1FFFF8, s30  }
0x204: {  	s0 =	sand.u32 $0x1FFFF8, s31;
	s3 =	sadd.s32 s1, s3  }
0x205: {  	[tilespmem:s12], [sflag:$0x6] =	stream.linear.gather [hbm4b:s3+s4], $0x80, $0x38;
	[tilespmem:$0x1C938] =	vst v63  }
0x206: {  	s0 =	sadd.s32 s1, s0  }
0x207: {  	[tilespmem:s13], [sflag:$0x6] =	stream.linear.gather [hbm4b:s0+s4], $0x80, $0x38;
	[tilespmem:$0x1C938] =	vst v63  }
0x208: {  	_ =	swait.ge [sflag:s9], $0x200  }
0x209: {  	[sflag:s9] =	ssyncset.done $0x0  }
0x20a: {  	[sflag:s9] =	ssyncadd.s32 $0xFFFFFE00  }
0x20b: {  	s3 =	smov.u32 s10;
	s0 =	simm.s32 $0x0;
	v1 =	vld [tilespmem:s2+$0x0]  }
.LBB2_50:
0x20c: {  	s0 =	sadd.s32 $0x10, s0  }
0x20d: {  	p1 =	slt.u32 s0, $0x1F0  }
.Ltmp37:
0x20e: {  	_ = 	snop;
	(pc) =	sbr.rel @p1 .LBB2_50-.Ltmp37, $3  }
0x20f: {  	_ =	sdelay $0x1  }
0x210: {  	s2 =	sadd.s32 $0x10, s2;
	[tilespmem:s3+$0x0] =	vst.add.f32.msk $0xffff, v1;
	s3 =	sadd.s32 $0x10, s3  }
0x211: {  	v1 =	vld [tilespmem:s2+$0x0]  }
0x212: {  	_ =	sdelay $0x3  }
0x213: {  	[tilespmem:s3+$0x0] =	vst.add.f32.msk $0xffff, v1  }
.LBB2_52:
0x214: {  	s0 =	sshll.u32 s6, $0xB  }
0x215: {  	[tilespmem:s6+$0xC818] =	vst.msk $0x1, v0;
	s0 =	sshra.s32 s0, $0x2  }
0x216: {  	s2 =	simm.s32 $0x0;
	s3 =	smov.u32 s10;
	v0 =	vld [tilespmem:s10+$0x0];
	s0 =	sadd.s32 $0xC838, s0  }
.LBB2_53:
0x217: {  	s2 =	sadd.s32 $0x10, s2  }
0x218: {  	p1 =	slt.u32 s2, $0x1F0  }
.Ltmp38:
0x219: {  	_ = 	snop;
	(pc) =	sbr.rel @p1 .LBB2_53-.Ltmp38, $3  }
0x21a: {  	_ =	sdelay $0x1  }
0x21b: {  	s3 =	sadd.s32 $0x10, s3;
	[tilespmem:s0+$0x0] =	vst v0;
	s0 =	sadd.s32 $0x10, s0  }
0x21c: {  	v0 =	vld [tilespmem:s3+$0x0]  }
.Ltmp39:
0x21d: {  	_ = 	snop;
	(pc) =	sbr.rel .LBB2_55-.Ltmp39, $2  }
0x21e: {  	_ =	sdelay $0x2  }
0x21f: {  	s6 =	sadd.s32 $0x1, s6;
	[tilespmem:s0+$0x0] =	vst v0  }
.LBB2_56:
0x220: {  	s0 =	simm.s32 $0x6;
	p1 =	seq.s32 s6, $0x0  }
0x221: {  	[sflag:s0] =	ssyncpa.u1 $0x1;
	v0 =	vimm.s32 @p1 $0xFFFFFFFF  }
0x222: {  	s0 =	sadd.s32 $0xFFFFFFFF, s6;
	[tilespmem:$0x10838] =	vst @p1 v0  }
0x223: {  	v0 =	vld.msk @!p1 [tilespmem:s0+$0xC818], $0x1;
	_ =	sdelay $0x1  }
0x224: {  	v1 =	vld.msk @!p1 [tilespmem:$0xC818], $0x1;
	_ =	sdelay $0x2  }
0x225: {  	p2 =	seq.s32 @!p1 s0, $0x0;
	v0 =	vbroadcast @!p1 v0, $0x0  }
0x226: {  	vm0 =	vmmov @!p1 $0x1;
	p2 =	por !p2, p1  }
0x227: {  	v1 =	vnsel @!p1 vm0, $0xFFFFFFFF, v1;
	vm0 =	vcmask @!p1 $0x308;
	v0 =	vpsel !p2, $0xFFFFFFFF, v0  }
0x228: {  	p2 =	sne.s32 @!p1 s8, s7;
	v0 =	vsel @!p1 vm0, v1, v0  }
0x229: {  	s2 =	simm.s32 @!p1 $0xC838;
	s3 =	simm.s32 @!p1 $0x0;
	p3 =	por !p2, p1;
	[tilespmem:$0x10838] =	vst @!p1 v0  }
0x22a: {  	[spmem:s3] =	stream.linear.scatter @!p1 [tilespmem:s2], [sflag:$0x1], $0x200, $0x38;
	[tilespmem:$0x1C938] =	vst v63  }
0x22b: {  	s2 =	sshll.u32 @!p3 s0, $0xB  }
0x22c: {  	s2 =	sshra.s32 @!p3 s2, $0x2  }
0x22d: {  	s3 =	simm.s32 @!p3 $0x200;
	s2 =	sadd.s32 @!p3 $0xC838, s2  }
0x22e: {  	[spmem:s3] =	stream.linear.scatter @!p3 [tilespmem:s2], [sflag:$0x1], $0x200, $0x38;
	[tilespmem:$0x1C938] =	vst v63  }
0x22f: {  	s2 =	simm.s32 @!p3 $0x1  }
0x230: {  	_ =	swait.ge @!p3 [sflag:s2], $0x400  }
0x231: {  	p1 =	por p2, p1;
	[sflag:s2] =	ssyncset.done @!p3 $0x0  }
0x232: {  	[sflag:s2] =	ssyncadd.s32 @!p3 $0xFFFFFC00;
	s2 =	simm.s32 @!p1 $0x1  }
0x233: {  	_ =	swait.ge @!p1 [sflag:s2], $0x200  }
0x234: {  	s29 =	simm.s32 $0x10838;
	[sflag:s2] =	ssyncset.done @!p1 $0x0  }
0x235: {  	s30 =	simm.s32 $0x4000;
	s31 =	simm.s32 $0x1;
	[sflag:s2] =	ssyncadd.s32 @!p1 $0xFFFFFE00  }
0x236: {  	[spmem:s30] =	stream.linear.scatter [tilespmem:s29], [sflag:$0x1], $0x10, $0x38;
	[tilespmem:$0x1C938] =	vst v63  }
0x237: {  	_ =	swait.ge [sflag:s31], $0x10  }
0x238: {  	[sflag:s31] =	ssyncset.done $0x0  }
0x239: {  	p1 =	seq.s32 s16, $0x0;
	s9 =	rddreg [dreg:$0x2];
	[sflag:s31] =	ssyncadd.s32 $0xFFFFFFF0  }
0x23a: {  	s3 =	sshll.u32 @p1 s9, $0xE;
	s8 =	rddreg [dreg:$0x3]  }
0x23b: {  	s2 =	sadd.s32 @p1 $0x15C3C, s3;
	s3 =	sshll.u32 @p1 s8, $0x11  }
0x23c: {  	_ =	sfence.stream.spmem;
	s2 =	sor.u32 @p1 s3, s2  }
0x23d: {  	[sflag:s2] =	ssyncadd.remote.s32 @p1 $0x1;
	s2 =	simm.s32 @p1 $0x4  }
0x23e: {  	s4 =	simm.s32 @!p1 $0x3C;
	s3 =	sand.u32 $0xFFFFFFFE, s9;
	_ =	swait.ge @p1 [sflag:s2], $0x82  }
0x23f: {  	s5 =	simm.s32 @!p1 $0x0;
	s3 =	sadd.s32 @!p1 $0x4, s3;
	[sflag:s2] =	ssyncset.done @p1 $0x0  }
0x240: {  	s7 =	simm.s32 @!p1 $0x400;
	[sflag:s2] =	ssyncadd.s32 @p1 $0xFFFFFF7E;
	s2 =	sshll.u32 @!p1 s3, $0x1A  }
0x241: {  	s3 =	sshll.u32 @!p1 s3, $0xD;
	s2 =	sor.u32 @!p1 s2, s8;
	_ =	swait.eq @!p1 [sflag:s4], $0x1  }
0x242: {  	s3 =	sor.u32 @!p1 $0x1C04, s3;
	s4 =	simm.s32 @!p1 $0x1C03;
	s2 =	sor.u32 @!p1 $0x80004000, s2  }
0x243: {  	[spmem:s7], [sflag:s3] =	dma.general @!p1 [spmem:s5], [sflag:s4], length:$0x80, [dreg:$0x0], stride_count:$0x0, ici_dest:s2, dma_misc:DstOpCode:WRITE  }
0x244: {  	p2 =	slt.s32 s0, $0x2;
	s5 =	simm.s32 @!p1 $0x800;
	s7 =	simm.s32 @!p1 $0x802  }
0x245: {  	[spmem:s7], [sflag:s3] =	dma.general @!p1 [spmem:s5], [sflag:s4], length:$0x2, [dreg:$0x0], stride_count:$0x0, ici_dest:s2, dma_misc:DstOpCode:WRITE  }
.Ltmp40:
0x246: {  	s2 =	simm.s32 @!p1 $0x3;
	(pc) =	sbr.rel @p2 .LBB2_60-.Ltmp40, $4  }
0x247: {  	s3 =	sshll.u32 @!p1 s9, $0xE;
	_ =	swait.ge @!p1 [sflag:s2], $0x82  }
0x248: {  	s4 =	sshll.u32 @!p1 s8, $0x11;
	s3 =	sadd.s32 @!p1 $0x11C3C, s3;
	[sflag:s2] =	ssyncset.done @!p1 $0x0  }
0x249: {  	[sflag:s2] =	ssyncadd.s32 @!p1 $0xFFFFFF7E;
	s2 =	sor.u32 @!p1 s4, s3  }
0x24a: {  	s0 =	simm.s32 $0x0;
	[sflag:s2] =	ssyncadd.remote.s32 @!p1 $0xFFFFFFFF  }
0x24b: {  	s0 =	simm.s32 $0xC819  }
0x24c: {  	v0 =	vld.msk [tilespmem:s0+$0x0], $0x1;
	_ =	sdelay $0x4  }
0x24d: {  	(v2sf) =	vpush v0, $0x0;
	_ =	sdelay $0xe  }
0x24e: {  	s2 =	sadd.s32 $0xFFFFFFFE, s6;
	s6 =	spop (v2sf)  }
0x24f: {  	s0 =	simm.s32 $0x0;
	s4 =	sadd.s32 $0xFFFFFFFF, s2;
	p1 =	sgt.u32 s6, $0x9FE70  }
0x250: {  	s2 =	simm.s32 $0xCA38;
	p2 =	sne.s32 s4, $0x0;
	s3 =	sand.u32 @!p1 $0xFFFF8, s6  }
0x251: {  	s5 =	sadd.s32 @!p1 $0x80, s6;
	s7 =	sadd.s32 @!p1 $0x100, s6;
	s8 =	sadd.s32 @!p1 s1, s3  }
0x252: {  	s3 =	sand.u32 @!p1 $0x7, s6;
	s5 =	sand.u32 @!p1 $0x1FFFF8, s5;
	s7 =	sand.u32 @!p1 $0x1FFFF8, s7  }
0x253: {  	[hbm4b:s8+s3] =	stream.linear.scatter @!p1 [tilespmem:s2], [sflag:$0x5], $0x80, $0x38;
	[tilespmem:$0x1C938] =	vst v63  }
0x254: {  	s2 =	simm.s32 @!p1 $0xCAB8;
	s5 =	sadd.s32 @!p1 s1, s5;
	s7 =	sadd.s32 @!p1 s1, s7  }
.Ltmp41:
0x255: {  	s8 =	sadd.s32 @!p1 $0x180, s6;
	s6 =	simm.s32 $0x0;
	(pc) =	sbr.rel @!p2 .LBB2_59-.Ltmp41, $4  }
0x256: {  	[hbm4b:s5+s3] =	stream.linear.scatter @!p1 [tilespmem:s2], [sflag:$0x5], $0x80, $0x38;
	[tilespmem:$0x1C938] =	vst v63  }
0x257: {  	s6 =	simm.s32 @!p1 $0x800;
	s8 =	sand.u32 @!p1 $0x1FFFF8, s8;
	s5 =	simm.s32 @!p1 $0xCB38  }
0x258: {  	[hbm4b:s7+s3] =	stream.linear.scatter @!p1 [tilespmem:s5], [sflag:$0x5], $0x80, $0x38;
	[tilespmem:$0x1C938] =	vst v63  }
0x259: {  	s2 =	simm.s32 $0xC81A;
	s5 =	simm.s32 $0xCC38;
	s7 =	simm.s32 @!p1 $0xCBB8  }
.LBB2_58:
0x25a: {  	s4 =	sadd.s32 $0xFFFFFFFF, s4;
	s8 =	sadd.s32 @!p1 s1, s8;
	s0 =	sadd.s32 s0, s6  }
0x25b: {  	[hbm4b:s8+s3] =	stream.linear.scatter @!p1 [tilespmem:s7], [sflag:$0x5], $0x80, $0x38;
	[tilespmem:$0x1C938] =	vst v63  }
0x25c: {  	p2 =	sne.s32 s4, $0x0;
	s7 =	smov.u32 s5;
	v0 =	vld.msk [tilespmem:s2+$0x0], $0x1;
	_ =	sdelay $0x4  }
0x25d: {  	(v2sf) =	vpush v0, $0x0;
	_ =	sdelay $0xe  }
0x25e: {  	s6 =	spop (v2sf)  }
0x25f: {  	s5 =	sadd.s32 $0x200, s5;
	s2 =	sadd.s32 $0x1, s2;
	p1 =	sgt.u32 s6, $0x9FE70  }
0x260: {  	s3 =	sand.u32 @!p1 $0xFFFF8, s6;
	s8 =	sadd.s32 @!p1 $0x80, s6;
	s9 =	sadd.s32 @!p1 $0x100, s6  }
0x261: {  	s10 =	sadd.s32 @!p1 s1, s3;
	s3 =	sand.u32 @!p1 $0x7, s6;
	s8 =	sand.u32 @!p1 $0x1FFFF8, s8  }
0x262: {  	[hbm4b:s10+s3] =	stream.linear.scatter @!p1 [tilespmem:s7], [sflag:$0x5], $0x80, $0x38;
	[tilespmem:$0x1C938] =	vst v63  }
0x263: {  	s9 =	sand.u32 @!p1 $0x1FFFF8, s9;
	s10 =	sadd.s32 @!p1 $0x80, s7  }
.Ltmp42:
0x264: {  	s8 =	sadd.s32 @!p1 s1, s8;
	s9 =	sadd.s32 @!p1 s1, s9;
	(pc) =	sbr.rel @p2 .LBB2_58-.Ltmp42, $4  }
0x265: {  	[hbm4b:s8+s3] =	stream.linear.scatter @!p1 [tilespmem:s10], [sflag:$0x5], $0x80, $0x38;
	[tilespmem:$0x1C938] =	vst v63  }
0x266: {  	s8 =	sadd.s32 @!p1 $0x100, s7;
	s10 =	sadd.s32 @!p1 $0x180, s6;
	s6 =	simm.s32 $0x0  }
0x267: {  	[hbm4b:s9+s3] =	stream.linear.scatter @!p1 [tilespmem:s8], [sflag:$0x5], $0x80, $0x38;
	[tilespmem:$0x1C938] =	vst v63  }
0x268: {  	s7 =	sadd.s32 @!p1 $0x180, s7;
	s6 =	simm.s32 @!p1 $0x800;
	s8 =	sand.u32 @!p1 $0x1FFFF8, s10  }
.LBB2_59:
0x269: {  	s2 =	sadd.s32 @!p1 s1, s8;
	s0 =	sadd.s32 s0, s6  }
0x26a: {  	[hbm4b:s2+s3] =	stream.linear.scatter @!p1 [tilespmem:s7], [sflag:$0x5], $0x80, $0x38;
	[tilespmem:$0x1C938] =	vst v63  }
0x26b: {  	s0 =	sshrl.u32 s0, $0x2  }
.LBB2_60:
0x26c: {  	s2 =	simm.s32 $0x5  }
0x26d: {  	_ =	swait.ge [sflag:s2], s0  }
0x26e: {  	s31 =	ssub.s32 $0x0, s0;
	[sflag:s2] =	ssyncset.done $0x0  }
0x26f: {  	[sflag:s2] =	ssyncadd.s32 s31  }
0x270: {  	[sflag:s2] =	ssyncpa.u1 $0x1  }
.LBB2_61:
0x271: {  	s0 =	sor.u32 s16, s17  }
0x272: {  	p1 =	sne.s32 s0, $0x0  }
.Ltmp43:
0x273: {  	_ = 	snop;
	(pc) =	sbr.rel @p1 .LBB2_84-.Ltmp43, $3  }
0x274: {  	_ =	sdelay $0x1  }
0x275: {  	[bflag:$0x0] =	sbarrier.arrive $0xFFFF  }
0x276: {  	_ =	sfence  }
0x277: {  	s0 =	simm.s32 $0x7  }
0x278: {  	s2 =	simm.s32 $0x4000;
	s3 =	simm.s32 $0xC818;
	[sflag:s0] =	ssyncpa.u1 $0x0  }
0x279: {  	[tilespmem:s3], [sflag:$0x7] =	stream.linear.gather [spmem:s2], $0x20, $0x38;
	[tilespmem:$0x1C938] =	vst v63  }
0x27a: {  	s2 =	simm.s32 $0x0;
	s3 =	simm.s32 $0xC838  }
0x27b: {  	[tilespmem:s3], [sflag:$0x7] =	stream.linear.gather [spmem:s2], $0x4000, $0x38;
	[tilespmem:$0x1C938] =	vst v63  }
.Ltmp44:
0x27c: {  	_ = 	snop;
	(pc) =	sbr.rel .LBB2_63-.Ltmp44, $4  }
0x27d: {  	_ =	swait.ge [sflag:s0], $0x4020  }
0x27e: {  	s4 =	simm.s32 $0x8;
	[sflag:s0] =	ssyncset.done $0x0  }
0x27f: {  	s5 =	simm.s32 $0xC688;
	s6 =	simm.s32 $0xC708;
	[sflag:s0] =	ssyncadd.s32 $0xFFFFBFE0  }
0x280: {  	s7 =	simm.s32 $0xC788;
	s8 =	simm.s32 $0x0;
	[sflag:s4] =	ssyncpa.u1 $0x0  }
.LBB2_78:
0x281: {  	s8 =	sadd.s32 $0x1, s8  }
0x282: {  	p1 =	sne.s32 s8, $0x20  }
.Ltmp45:
0x283: {  	_ = 	snop;
	(pc) =	sbr.rel @!p1 .LBB2_79-.Ltmp45, $2  }
0x284: {  	_ =	sdelay $0x2  }
0x285: {  	s3 =	sadd.s32 $0x200, s3  }
.LBB2_63:
0x286: {  	v0 =	vld.msk [tilespmem:s8+$0xC818], $0x1;
	_ =	sdelay $0x4  }
0x287: {  	(v2sf) =	vpush v0, $0x0;
	_ =	sdelay $0xe  }
0x288: {  	s0 =	spop (v2sf)  }
0x289: {  	p1 =	seq.s32 s0, $0xFFFFFFFF  }
.Ltmp46:
0x28a: {  	_ = 	snop;
	(pc) =	sbr.rel @p1 .LBB2_78-.Ltmp46, $1  }
0x28b: {  	_ =	sdelay $0x3  }
0x28c: {  	p1 =	slt.s32 s2, $0x1  }
.Ltmp47:
0x28d: {  	_ = 	snop;
	(pc) =	sbr.rel @p1 .LBB2_71-.Ltmp47, $1  }
0x28e: {  	_ =	sdelay $0x3  }
0x28f: {  	s9 =	simm.s32 $0xC818;
	p1 =	por $0x0, $0x0  }
0x290: {  	v1 =	vld.msk @!p1 [tilespmem:s9+$0x0], $0x1;
	_ =	sdelay $0x4  }
0x291: {  	(v2sf) =	vpush @!p1 v1, $0x0;
	_ =	sdelay $0xd  }
0x292: {  	p3 =	sne.s32 s2, $0x1  }
.Ltmp48:
0x293: {  	s10 =	spop @!p1 (v2sf);
	(pc) =	sbr.rel @!p3 .LBB2_67-.Ltmp48, $4  }
0x294: {  	p2 =	seq.s32 @!p1 s0, s10  }
0x295: {  	s10 =	simm.s32 $0x0;
	p2 =	por !p2, p1  }
0x296: {  	s12 =	simm.s32 $0xFFFFFFFF;
	s10 =	simm.s32 @p2 $0xFFFFFFFF  }
0x297: {  	s11 =	simm.s32 $0x1;
	s10 =	smov.u32 @p1 s12  }
.LBB2_66:
0x298: {  	s12 =	smov.u32 s10;
	p1 =	sne.s32 s10, $0xFFFFFFFF  }
0x299: {  	s9 =	sadd.s32 $0x1, s9;
	s10 =	smov.u32 s11;
	s11 =	sadd.s32 $0x1, s11  }
0x29a: {  	p2 =	sne.s32 s2, s11;
	v1 =	vld.msk @!p1 [tilespmem:s9+$0x0], $0x1;
	_ =	sdelay $0x4  }
0x29b: {  	(v2sf) =	vpush @!p1 v1, $0x0;
	_ =	sdelay $0xe  }
.Ltmp49:
0x29c: {  	s13 =	spop @!p1 (v2sf);
	(pc) =	sbr.rel @p2 .LBB2_66-.Ltmp49, $4  }
0x29d: {  	p3 =	seq.s32 @!p1 s0, s13  }
0x29e: {  	p3 =	por !p3, p1  }
0x29f: {  	s10 =	simm.s32 @p3 $0xFFFFFFFF  }
0x2a0: {  	s10 =	smov.u32 @p1 s12  }
.LBB2_67:
0x2a1: {  	p1 =	seq.s32 s10, $0xFFFFFFFF  }
.Ltmp50:
0x2a2: {  	_ = 	snop;
	(pc) =	sbr.rel @p1 .LBB2_71-.Ltmp50, $1  }
0x2a3: {  	_ =	sdelay $0x3  }
0x2a4: {  	s0 =	sshll.u32 s10, $0xB  }
0x2a5: {  	s0 =	sshra.s32 s0, $0x2  }
0x2a6: {  	s9 =	simm.s32 $0x0;
	v0 =	vld [tilespmem:s3+$0x0];
	s10 =	smov.u32 s3;
	s0 =	sadd.s32 $0xC838, s0  }
.LBB2_69:
0x2a7: {  	s9 =	sadd.s32 $0x10, s9  }
0x2a8: {  	p1 =	slt.u32 s9, $0x1F0  }
.Ltmp51:
0x2a9: {  	_ = 	snop;
	(pc) =	sbr.rel @p1 .LBB2_69-.Ltmp51, $3  }
0x2aa: {  	_ =	sdelay $0x1  }
0x2ab: {  	s10 =	sadd.s32 $0x10, s10;
	[tilespmem:s0+$0x0] =	vst.add.f32.msk $0xffff, v0;
	s0 =	sadd.s32 $0x10, s0  }
0x2ac: {  	v0 =	vld [tilespmem:s10+$0x0]  }
.Ltmp52:
0x2ad: {  	_ = 	snop;
	(pc) =	sbr.rel .LBB2_78-.Ltmp52, $2  }
0x2ae: {  	_ =	sdelay $0x2  }
0x2af: {  	[tilespmem:s0+$0x0] =	vst.add.f32.msk $0xffff, v0  }
.LBB2_71:
0x2b0: {  	p1 =	sgt.u32 s0, $0x9FE70  }
.Ltmp53:
0x2b1: {  	_ = 	snop;
	(pc) =	sbr.rel @p1 .LBB2_75-.Ltmp53, $1  }
0x2b2: {  	_ =	sdelay $0x3  }
0x2b3: {  	s9 =	sand.u32 $0xFFFF8, s0;
	s11 =	sand.u32 $0x7, s0  }
0x2b4: {  	s29 =	sadd.s32 $0x80, s0;
	s10 =	sadd.s32 s1, s9;
	s9 =	simm.s32 $0xC608  }
0x2b5: {  	[tilespmem:s9], [sflag:$0x8] =	stream.linear.gather [hbm4b:s10+s11], $0x80, $0x38;
	[tilespmem:$0x1C938] =	vst v63  }
0x2b6: {  	s10 =	sand.u32 $0x1FFFF8, s29  }
0x2b7: {  	s30 =	sadd.s32 $0x100, s0;
	s10 =	sadd.s32 s1, s10  }
0x2b8: {  	[tilespmem:s5], [sflag:$0x8] =	stream.linear.gather [hbm4b:s10+s11], $0x80, $0x38;
	[tilespmem:$0x1C938] =	vst v63  }
0x2b9: {  	s31 =	sadd.s32 $0x180, s0;
	s10 =	sand.u32 $0x1FFFF8, s30  }
0x2ba: {  	s0 =	sand.u32 $0x1FFFF8, s31;
	s10 =	sadd.s32 s1, s10  }
0x2bb: {  	[tilespmem:s6], [sflag:$0x8] =	stream.linear.gather [hbm4b:s10+s11], $0x80, $0x38;
	[tilespmem:$0x1C938] =	vst v63  }
0x2bc: {  	s0 =	sadd.s32 s1, s0  }
0x2bd: {  	[tilespmem:s7], [sflag:$0x8] =	stream.linear.gather [hbm4b:s0+s11], $0x80, $0x38;
	[tilespmem:$0x1C938] =	vst v63  }
0x2be: {  	_ =	swait.ge [sflag:s4], $0x200  }
0x2bf: {  	[sflag:s4] =	ssyncset.done $0x0  }
0x2c0: {  	[sflag:s4] =	ssyncadd.s32 $0xFFFFFE00  }
0x2c1: {  	s10 =	smov.u32 s3;
	s0 =	simm.s32 $0x0;
	v1 =	vld [tilespmem:s9+$0x0]  }
.LBB2_73:
0x2c2: {  	s0 =	sadd.s32 $0x10, s0  }
0x2c3: {  	p1 =	slt.u32 s0, $0x1F0  }
.Ltmp54:
0x2c4: {  	_ = 	snop;
	(pc) =	sbr.rel @p1 .LBB2_73-.Ltmp54, $3  }
0x2c5: {  	_ =	sdelay $0x1  }
0x2c6: {  	s9 =	sadd.s32 $0x10, s9;
	[tilespmem:s10+$0x0] =	vst.add.f32.msk $0xffff, v1;
	s10 =	sadd.s32 $0x10, s10  }
0x2c7: {  	v1 =	vld [tilespmem:s9+$0x0]  }
0x2c8: {  	_ =	sdelay $0x3  }
0x2c9: {  	[tilespmem:s10+$0x0] =	vst.add.f32.msk $0xffff, v1  }
.LBB2_75:
0x2ca: {  	s0 =	sshll.u32 s2, $0xB  }
0x2cb: {  	[tilespmem:s2+$0xC818] =	vst.msk $0x1, v0;
	s0 =	sshra.s32 s0, $0x2  }
0x2cc: {  	s9 =	simm.s32 $0x0;
	s10 =	smov.u32 s3;
	v0 =	vld [tilespmem:s3+$0x0];
	s0 =	sadd.s32 $0xC838, s0  }
.LBB2_76:
0x2cd: {  	s9 =	sadd.s32 $0x10, s9  }
0x2ce: {  	p1 =	slt.u32 s9, $0x1F0  }
.Ltmp55:
0x2cf: {  	_ = 	snop;
	(pc) =	sbr.rel @p1 .LBB2_76-.Ltmp55, $3  }
0x2d0: {  	_ =	sdelay $0x1  }
0x2d1: {  	s10 =	sadd.s32 $0x10, s10;
	[tilespmem:s0+$0x0] =	vst v0;
	s0 =	sadd.s32 $0x10, s0  }
0x2d2: {  	v0 =	vld [tilespmem:s10+$0x0]  }
.Ltmp56:
0x2d3: {  	_ = 	snop;
	(pc) =	sbr.rel .LBB2_78-.Ltmp56, $2  }
0x2d4: {  	_ =	sdelay $0x2  }
0x2d5: {  	s2 =	sadd.s32 $0x1, s2;
	[tilespmem:s0+$0x0] =	vst v0  }
.LBB2_79:
0x2d6: {  	p1 =	slt.s32 s2, $0x1  }
.Ltmp57:
0x2d7: {  	_ = 	snop;
	(pc) =	sbr.rel @p1 .LBB2_83-.Ltmp57, $3  }
0x2d8: {  	_ =	sdelay $0x1  }
0x2d9: {  	s0 =	simm.s32 $0x8  }
0x2da: {  	[sflag:s0] =	ssyncpa.u1 $0x1;
	s0 =	simm.s32 $0x0  }
0x2db: {  	s3 =	simm.s32 $0xC818  }
0x2dc: {  	v0 =	vld.msk [tilespmem:s3+$0x0], $0x1;
	_ =	sdelay $0x4  }
0x2dd: {  	(v2sf) =	vpush v0, $0x0;
	_ =	sdelay $0xe  }
0x2de: {  	s7 =	spop (v2sf)  }
0x2df: {  	s2 =	sadd.s32 $0xFFFFFFFF, s2;
	p1 =	sgt.u32 s7, $0x9FE70  }
0x2e0: {  	s3 =	simm.s32 $0xC838;
	s4 =	sand.u32 @!p1 $0xFFFF8, s7;
	s8 =	sadd.s32 @!p1 $0x80, s7  }
0x2e1: {  	s5 =	sand.u32 @!p1 $0x7, s7;
	s4 =	sadd.s32 @!p1 s1, s4;
	s8 =	sand.u32 @!p1 $0x1FFFF8, s8  }
0x2e2: {  	[hbm4b:s4+s5] =	stream.linear.scatter @!p1 [tilespmem:s3], [sflag:$0x7], $0x80, $0x38;
	[tilespmem:$0x1C938] =	vst v63  }
0x2e3: {  	p2 =	sne.s32 s2, $0x0;
	s3 =	simm.s32 @!p1 $0xC8B8;
	s4 =	sadd.s32 @!p1 s1, s8  }
0x2e4: {  	[hbm4b:s4+s5] =	stream.linear.scatter @!p1 [tilespmem:s3], [sflag:$0x7], $0x80, $0x38;
	[tilespmem:$0x1C938] =	vst v63  }
.Ltmp58:
0x2e5: {  	s6 =	simm.s32 $0x0;
	s9 =	sadd.s32 @!p1 $0x100, s7;
	(pc) =	sbr.rel @!p2 .LBB2_82-.Ltmp58, $4  }
0x2e6: {  	s6 =	simm.s32 @!p1 $0x800;
	s8 =	sand.u32 @!p1 $0x1FFFF8, s9;
	s3 =	simm.s32 @!p1 $0xC938  }
0x2e7: {  	s4 =	sadd.s32 @!p1 s1, s8;
	s8 =	sadd.s32 @!p1 $0x180, s7;
	s7 =	simm.s32 @!p1 $0xC9B8  }
0x2e8: {  	[hbm4b:s4+s5] =	stream.linear.scatter @!p1 [tilespmem:s3], [sflag:$0x7], $0x80, $0x38;
	[tilespmem:$0x1C938] =	vst v63  }
0x2e9: {  	s8 =	sand.u32 @!p1 $0x1FFFF8, s8;
	s3 =	simm.s32 $0xC819;
	s4 =	simm.s32 $0xCA38  }
.LBB2_81:
0x2ea: {  	s2 =	sadd.s32 $0xFFFFFFFF, s2;
	s8 =	sadd.s32 @!p1 s1, s8;
	s0 =	sadd.s32 s0, s6  }
0x2eb: {  	[hbm4b:s8+s5] =	stream.linear.scatter @!p1 [tilespmem:s7], [sflag:$0x7], $0x80, $0x38;
	[tilespmem:$0x1C938] =	vst v63  }
0x2ec: {  	p2 =	sne.s32 s2, $0x0;
	s7 =	smov.u32 s4;
	v0 =	vld.msk [tilespmem:s3+$0x0], $0x1;
	_ =	sdelay $0x4  }
0x2ed: {  	(v2sf) =	vpush v0, $0x0;
	_ =	sdelay $0xe  }
0x2ee: {  	s6 =	spop (v2sf)  }
0x2ef: {  	s4 =	sadd.s32 $0x200, s4;
	s3 =	sadd.s32 $0x1, s3;
	p1 =	sgt.u32 s6, $0x9FE70  }
0x2f0: {  	s5 =	sand.u32 @!p1 $0xFFFF8, s6;
	s8 =	sadd.s32 @!p1 $0x80, s6;
	s9 =	sadd.s32 @!p1 $0x100, s6  }
0x2f1: {  	s10 =	sadd.s32 @!p1 s1, s5;
	s5 =	sand.u32 @!p1 $0x7, s6;
	s8 =	sand.u32 @!p1 $0x1FFFF8, s8  }
0x2f2: {  	[hbm4b:s10+s5] =	stream.linear.scatter @!p1 [tilespmem:s7], [sflag:$0x7], $0x80, $0x38;
	[tilespmem:$0x1C938] =	vst v63  }
0x2f3: {  	s9 =	sand.u32 @!p1 $0x1FFFF8, s9;
	s10 =	sadd.s32 @!p1 $0x80, s7  }
.Ltmp59:
0x2f4: {  	s8 =	sadd.s32 @!p1 s1, s8;
	s9 =	sadd.s32 @!p1 s1, s9;
	(pc) =	sbr.rel @p2 .LBB2_81-.Ltmp59, $4  }
0x2f5: {  	[hbm4b:s8+s5] =	stream.linear.scatter @!p1 [tilespmem:s10], [sflag:$0x7], $0x80, $0x38;
	[tilespmem:$0x1C938] =	vst v63  }
0x2f6: {  	s8 =	sadd.s32 @!p1 $0x100, s7;
	s10 =	sadd.s32 @!p1 $0x180, s6;
	s6 =	simm.s32 $0x0  }
0x2f7: {  	[hbm4b:s9+s5] =	stream.linear.scatter @!p1 [tilespmem:s8], [sflag:$0x7], $0x80, $0x38;
	[tilespmem:$0x1C938] =	vst v63  }
0x2f8: {  	s7 =	sadd.s32 @!p1 $0x180, s7;
	s6 =	simm.s32 @!p1 $0x800;
	s8 =	sand.u32 @!p1 $0x1FFFF8, s10  }
.LBB2_82:
0x2f9: {  	s1 =	sadd.s32 @!p1 s1, s8;
	s0 =	sadd.s32 s0, s6  }
0x2fa: {  	[hbm4b:s1+s5] =	stream.linear.scatter @!p1 [tilespmem:s7], [sflag:$0x7], $0x80, $0x38;
	[tilespmem:$0x1C938] =	vst v63  }
0x2fb: {  	s0 =	sshrl.u32 s0, $0x2  }
.LBB2_83:
0x2fc: {  	s1 =	simm.s32 $0x7  }
0x2fd: {  	_ =	swait.ge [sflag:s1], s0  }
0x2fe: {  	s31 =	ssub.s32 $0x0, s0;
	[sflag:s1] =	ssyncset.done $0x0  }
0x2ff: {  	[sflag:s1] =	ssyncadd.s32 s31  }
0x300: {  	[sflag:s1] =	ssyncpa.u1 $0x1  }
.LBB2_84:
0x301: {  	_ =	sfence;
	s0 =	simm.s32 $0x1  }
0x302: {  	[sflag:s0] =	ssyncpa.u1 $0x1  }
0x303: {  	_ =	strace $0x90000053  }
0x304: {  	[bflag:$0x2] =	sbarrier.arrive $0xFFFF  }
0x305: {  	s0 =	rddreg [dreg:$0x4]  }
0x306: {  	s0 =	sadd.s32 @!p0 $0x100000, s0  }
0x307: {  	[sflag:s0] =	ssyncadd.tile.s32 @!p0 $0x1;
	_ =	shalt  }
.Lfunc_end2:
_tile_overlayer_lowered:
.L_overlay_start_2:
0x308: {  	(tag) =	ssettag $0x2  }
0x309: {  	s0 =	rddreg [dreg:$0x0];
	s2 =	stileid.u32  }
0x30a: {  	s1 =	rddreg [dreg:$0x1];
	p0 =	sne.s32 s2, $0x0  }
0x30b: {  	s3 =	rddreg [dreg:$0x2];
	[bflag:$0x3] =	sbarrier.arrive $0xFFFF;
	s2 =	simm.s32 @!p0 $0x1C01  }
0x30c: {  	[timem:s3], [sflag:s2] =	dma.local @!p0 [hbm:s0], s1  }
0x30d: {  	s0 =	simm.s32 @!p0 $0x1  }
0x30e: {  	_ =	swait.ge @!p0 [sflag:s0], s1  }
0x30f: {  	s1 =	ssub.s32 @!p0 $0x0, s1;
	[sflag:s0] =	ssyncset.done @!p0 $0x0  }
0x310: {  	[sflag:s0] =	ssyncadd.s32 @!p0 s1  }
0x311: {  	[bflag:$0x3] =	sbarrier.arrive $0xFFFF  }
0x312: {  	_ =	shalt  }

// kernel: scatter_offload_async_start
scs
__scs_entry_jumppad:
0x0: {  	(pc) =	sbr.rel $0x88, $3  }
0x1: {  	(tag) =	ssettag $0x0;
	lr =	simm.s32 $0x1  }
0x2: {  	[smem:$0x3F96] =	sst lr;
	_ =	strace $0xD0000000  }
0x3: {  	_ = 	snop  }
0x4: {  	_ = 	snop  }
0x5: {  	_ = 	snop  }
0x6: {  	_ = 	snop  }
0x7: {  	_ = 	snop  }
__scs_overlays_trampoline_lowered:
0x8: {  	[smem:$0x3FA5] =	sst s0  }
0x9: {  	[smem:$0x3FA6] =	sst s1  }
0xa: {  	[smem:$0x3FA7] =	sst s2  }
0xb: {  	[smem:$0x3FA8] =	sst s3  }
0xc: {  	[smem:$0x3FA9] =	sst s4  }
0xd: {  	[smem:$0x3FAA] =	sst s5  }
0xe: {  	[smem:$0x3FAB] =	sst s6  }
0xf: {  	[smem:$0x3FAC] =	sst s7  }
0x10: {  	[smem:$0x3FAD] =	sst s8  }
0x11: {  	[smem:$0x3FAE] =	sst s9;
	s0 =	simm.s32 @!p0 $0x0  }
0x12: {  	s1 =	sld [smem:$0x3F94];
	s0 =	simm.s32 @p0 $0x1  }
0x13: {  	[smem:$0x3FAF] =	sst s0;
	s0 =	simm.s32 @!p1 $0x0  }
0x14: {  	s2 =	sld [smem:$0x3F93];
	s0 =	simm.s32 @p1 $0x1  }
0x15: {  	[smem:$0x3FB0] =	sst s0;
	s0 =	simm.s32 @!p2 $0x0  }
0x16: {  	s3 =	sld [smem:$0x3FDB];
	s0 =	simm.s32 @p2 $0x1  }
0x17: {  	s4 =	simm.s32 $0x1BF5;
	[smem:$0x3FB2] =	sst s0  }
0x18: {  	s0 =	sld [smem:$0x3F95];
	_ =	swait.ge [sflag:s4], $0x0  }
0x19: {  	s7 =	sld [smem:$0x3F96]  }
0x1a: {  	s8 =	sadd.s32 $0xFFFFE003, lr  }
0x1b: {  	s9 =	sadd.s32 $0xFFFFFEF7, lr;
	s5 =	simm.s32 $0xFFFFFFFF;
	p2 =	slt.u32 s8, $0xFFFFF086  }
0x1c: {  	p1 =	slt.u32 s9, $0xF7A;
	s5 =	simm.s32 @!p2 $0x0  }
0x1d: {  	s5 =	simm.s32 @p1 $0x1;
	p0 =	seq.s32 s7, s2  }
0x1e: {  	s7 =	smul.u32 @!p0 $0xF7A, s2;
	p2 =	seq.s32 @!p0 s5, $0x0  }
0x1f: {  	s9 =	smul.u32 $0xF7A, s1;
	s8 =	simm.s32 @!p0 $0x1BF5;
	p2 =	por !p2, p0  }
0x20: {  	[sflag:s8] =	ssyncset.s32 @!p0 $0xFFFFF086;
	s6 =	sadd.s32 @!p0 s3, s7;
	s7 =	simm.s32 @!p0 $0x108  }
0x21: {  	s3 =	sadd.s32 s3, s9;
	s6 =	sadd.s32 @!p0 $0x88, s6;
	s7 =	simm.s32 @p2 $0x1082  }
0x22: {  	[simem:s7], [sflag:s8] =	dma.local @!p0 [hbm:s6], $0xF7A  }
0x23: {  	s9 =	sor.u32 $0xD0000000, s2;
	s6 =	simm.s32 $0x108;
	_ =	swait.ge @!p0 [sflag:s8], $0x0  }
0x24: {  	s3 =	sadd.s32 $0x88, s3;
	s6 =	simm.s32 @!p1 $0x1082;
	[sflag:s4] =	ssyncset.s32 $0xFFFFF086  }
0x25: {  	[simem:s6], [sflag:s4] =	dma.local [hbm:s3], $0xF7A  }
0x26: {  	[smem:$0x3F96] =	sst s1;
	(tag) =	ssettag s2;
	_ =	strace s9  }
0x27: {  	s1 =	sld [smem:$0x3FA6]  }
0x28: {  	s2 =	sld [smem:$0x3FA7]  }
0x29: {  	s4 =	sld [smem:$0x3FA9]  }
0x2a: {  	p0 =	seq.s32 s5, $0x0;
	s5 =	sld [smem:$0x3FAA]  }
0x2b: {  	s6 =	sld [smem:$0x3FAB]  }
0x2c: {  	s7 =	sld [smem:$0x3FAC]  }
0x2d: {  	s3 =	simm.s32 $0x108;
	s8 =	sld [smem:$0x3FAD]  }
0x2e: {  	s3 =	simm.s32 @!p0 $0x1082;
	s9 =	sld [smem:$0x3FAE]  }
0x2f: {  	lr =	sadd.s32 s0, s3;
	s0 =	sld [smem:$0x3FA5]  }
0x30: {  	s3 =	sld [smem:$0x3FA8]  }
0x31: {  	[smem:$0x3FB1] =	sst s10  }
0x32: {  	s10 =	sld [smem:$0x3FAF];
	_ =	sdelay $0x3  }
0x33: {  	p0 =	seq.s32 s10, $0x1;
	s10 =	sld [smem:$0x3FB1];
	_ =	sdelay $0x3  }
0x34: {  	[smem:$0x3FB1] =	sst s10  }
0x35: {  	s10 =	sld [smem:$0x3FB0];
	_ =	sdelay $0x3  }
0x36: {  	p1 =	seq.s32 s10, $0x1;
	s10 =	sld [smem:$0x3FB1];
	_ =	sdelay $0x3  }
0x37: {  	[smem:$0x3FB1] =	sst s10  }
0x38: {  	s10 =	sld [smem:$0x3FB2]  }
0x39: {  	_ = 	snop;
	(pc) =	sbr.ind lr, $3  }
0x3a: {  	_ = 	snop  }
0x3b: {  	_ = 	snop  }
0x3c: {  	p2 =	seq.s32 s10, $0x1;
	s10 =	sld [smem:$0x3FB1]  }
0x3d: {  	_ =	shalt  }
0x3e: {  	_ =	shalt  }
0x3f: {  	_ =	shalt  }
0x40: {  	_ =	shalt  }
0x41: {  	_ =	shalt  }
0x42: {  	_ =	shalt  }
0x43: {  	_ =	shalt  }
0x44: {  	_ =	shalt  }
0x45: {  	_ =	shalt  }
0x46: {  	_ =	shalt  }
0x47: {  	_ =	shalt  }
0x48: {  	_ =	shalt  }
0x49: {  	_ =	shalt  }
0x4a: {  	_ =	shalt  }
0x4b: {  	_ =	shalt  }
0x4c: {  	_ =	shalt  }
0x4d: {  	_ =	shalt  }
0x4e: {  	_ =	shalt  }
0x4f: {  	_ =	shalt  }
0x50: {  	_ =	shalt  }
0x51: {  	_ =	shalt  }
0x52: {  	_ =	shalt  }
0x53: {  	_ =	shalt  }
0x54: {  	_ =	shalt  }
0x55: {  	_ =	shalt  }
0x56: {  	_ =	shalt  }
0x57: {  	_ =	shalt  }
0x58: {  	_ =	shalt  }
0x59: {  	_ =	shalt  }
0x5a: {  	_ =	shalt  }
0x5b: {  	_ =	shalt  }
0x5c: {  	_ =	shalt  }
0x5d: {  	_ =	shalt  }
0x5e: {  	_ =	shalt  }
0x5f: {  	_ =	shalt  }
0x60: {  	_ =	shalt  }
0x61: {  	_ =	shalt  }
0x62: {  	_ =	shalt  }
0x63: {  	_ =	shalt  }
0x64: {  	_ =	shalt  }
0x65: {  	_ =	shalt  }
0x66: {  	_ =	shalt  }
0x67: {  	_ =	shalt  }
0x68: {  	_ =	shalt  }
0x69: {  	_ =	shalt  }
0x6a: {  	_ =	shalt  }
0x6b: {  	_ =	shalt  }
0x6c: {  	_ =	shalt  }
0x6d: {  	_ =	shalt  }
0x6e: {  	_ =	shalt  }
0x6f: {  	_ =	shalt  }
0x70: {  	_ =	shalt  }
0x71: {  	_ =	shalt  }
0x72: {  	_ =	shalt  }
0x73: {  	_ =	shalt  }
0x74: {  	_ =	shalt  }
0x75: {  	_ =	shalt  }
0x76: {  	_ =	shalt  }
0x77: {  	_ =	shalt  }
0x78: {  	_ =	shalt  }
0x79: {  	_ =	shalt  }
0x7a: {  	_ =	shalt  }
0x7b: {  	_ =	shalt  }
0x7c: {  	_ =	shalt  }
0x7d: {  	_ =	shalt  }
0x7e: {  	_ =	shalt  }
0x7f: {  	_ =	shalt  }
0x80: {  	_ =	shalt  }
0x81: {  	_ =	shalt  }
0x82: {  	_ =	shalt  }
0x83: {  	_ =	shalt  }
0x84: {  	_ =	shalt  }
0x85: {  	_ =	shalt  }
0x86: {  	_ =	shalt  }
0x87: {  	_ =	shalt  }
.Lfunc_end0:
.L_simem_size_0:
called_computation_lowered:
.L_overlay_start_0:
0x88: {  	s2 =	sld [smem:$0x3FD9]  }
0x89: {  	s3 =	sld [smem:$0x3FFE];
	_ =	sdelay $0x1  }
0x8a: {  	s1 =	srdreg.scid  }
0x8b: {  	s0 =	sand.u32 $0x1, s1  }
0x8c: {  	s13 =	sshll.u32 s0, $0xA;
	s2 =	sadd.s32 s3, s2  }
0x8d: {  	s2 =	sadd.s32 s2, s13  }
0x8e: {  	[smem:$0x3FBD] =	sst s2  }
0x8f: {  	_ = 	snop  }
0x90: {  	s2 =	sld [smem:$0x3FD0];
	_ =	sdelay $0x2  }
0x91: {  	s14 =	simm.s32 $0xB;
	s4 =	simm.s32 $0x10  }
0x92: {  	[smem:s4], [sflag:s14] =	dma.local [hbm:s2], $0x1  }
0x93: {  	_ =	swait.eq [sflag:s14], $0x1  }
0x94: {  	[sflag:s14] =	ssyncset.done $0x0  }
0x95: {  	[sflag:s14] =	ssyncadd.s32 $0xFFFFFFFF  }
0x96: {  	s15 =	sld [smem:$0x14];
	(tm) =	ssettm $0x1  }
0x97: {  	s16 =	sld [smem:$0x3FFB];
	_ =	sdelay $0x3  }
0x98: {  	_ =	strace s16  }
0x99: {  	s2 =	sld [smem:$0x3FFC];
	_ =	sdelay $0x3  }
0x9a: {  	_ =	strace s2  }
0x9b: {  	s2 =	sld [smem:$0x3FFD];
	_ =	sdelay $0x3  }
0x9c: {  	_ =	strace s2  }
0x9d: {  	_ =	strace $0x8FFFFFFF  }
0x9e: {  	s17 =	sld [smem:$0x3FDB];
	_ =	sdelay $0x1  }
0x9f: {  	s18 =	simm.s32 $_scs_section_size  }
0xa0: {  	s5 =	simm.s32 $_size__tile_overlayer_lowered;
	s6 =	simm.s32 $_tile_overlayer_lowered  }
0xa1: {  	s7 =	simm.s32 $0x1BFF;
	s19 =	sshll.u32 s6, $0x1;
	s4 =	sadd.s32 s18, s17  }
0xa2: {  	s20 =	simm.s32 $0x0;
	s5 =	sshll.u32 s5, $0x1;
	s6 =	sadd.s32 s19, s4  }
0xa3: {  	[timem:s20], [sflag:s7] =	dma.local [hbm:s6], s5  }
0xa4: {  	_ =	swait.ge [sflag:s7], s5  }
0xa5: {  	s5 =	ssub.s32 $0x0, s5;
	[sflag:s7] =	ssyncset.done $0x0  }
0xa6: {  	[sflag:s7] =	ssyncadd.s32 s5;
	_ =	sdelay $0x1  }
0xa7: {  	s21 =	simm.s32 $0x1B8B  }
0xa8: {  	_ =	swait.ge [sflag:s21], $0x1  }
0xa9: {  	[sflag:s21] =	ssyncset.done $0x0  }
0xaa: {  	s22 =	sld [smem:$0x3FFE];
	[sflag:s21] =	ssyncadd.s32 $0xFFFFFFFF  }
0xab: {  	s24 =	simm.s32 $0x1B8E;
	s23 =	sld [smem:$0x0]  }
0xac: {  	s25 =	simm.s32 $execute0_lowered;
	[smem:$0x3FD2] =	sst s24  }
0xad: {  	s7 =	sshll.u32 s25, $0x1;
	_ =	strace $0x8000004C;
	[dreg:$0x1] =	wrdreg $0xFFFFFFFF  }
0xae: {  	s8 =	simm.s32 $_size_execute0_lowered;
	s7 =	sadd.s32 s4, s7;
	[dreg:$0x0] =	wrdreg $0x0  }
0xaf: {  	s8 =	sshll.u32 s8, $0x1;
	[dreg:$0x2] =	wrdreg s7  }
0xb0: {  	[dreg:$0x3] =	wrdreg s8  }
0xb1: {  	[dreg:$0x4] =	wrdreg $0xC0  }
0xb2: {  	s26 =	simm.s32 $execute1_lowered;
	_ =	task [dreg:s20], $0x5FFFF  }
0xb3: {  	s7 =	sshll.u32 s26, $0x1;
	[dreg:$0x1] =	wrdreg $0xFFFFFFFF  }
0xb4: {  	s4 =	sadd.s32 s4, s7;
	[dreg:$0x0] =	wrdreg $0x60  }
0xb5: {  	[dreg:$0x2] =	wrdreg s4  }
0xb6: {  	[dreg:$0x3] =	wrdreg s22  }
0xb7: {  	[dreg:$0x4] =	wrdreg $0x9  }
0xb8: {  	_ =	task.clear_ibuf [dreg:s20], $0x5FFFF;
	_ =	strace $0x9000004C  }
0xb9: {  	s28 =	simm.s32 $0x9;
	_ =	strace $0x8000004E  }
0xba: {  	_ =	swait.ge [sflag:s28], $0x1  }
0xbb: {  	[sflag:s28] =	ssyncadd.s32 $0xFFFFFFFF  }
0xbc: {  	_ =	strace $0x9000004E  }
0xbd: {  	s4 =	sld [smem:$0x0]  }
0xbe: {  	s7 =	sand.u32 $0xFFFFFFFE, s1  }
0xbf: {  	p0 =	sne.s32 s1, s7  }
0xc0: {  	s7 =	sshll.u32 @p0 s7, $0xE  }
0xc1: {  	s7 =	sadd.s32 @p0 $0x11BF3, s7;
	s8 =	sshll.u32 @p0 s4, $0x11  }
0xc2: {  	s7 =	sor.u32 @p0 s8, s7  }
0xc3: {  	[sflag:s7] =	ssyncadd.remote.s32 @p0 $0x1;
	_ =	sdelay $0x1  }
0xc4: {  	s7 =	simm.s32 @p0 $0x1BF3  }
0xc5: {  	_ =	swait.eq @p0 [sflag:s7], $0x1  }
0xc6: {  	[sflag:s7] =	ssyncadd.s32 @p0 $0xFFFFFFFF  }
0xc7: {  	s8 =	sshll.u32 @!p0 s1, $0xE  }
0xc8: {  	s8 =	sor.u32 @!p0 $0x4000, s8;
	s7 =	simm.s32 @!p0 $0x1BF3  }
0xc9: {  	s4 =	sshll.u32 @!p0 s4, $0x11;
	s8 =	sadd.s32 @!p0 $0x11BF3, s8;
	_ =	swait.eq @!p0 [sflag:s7], $0x1  }
0xca: {  	s4 =	sor.u32 @!p0 s4, s8;
	[sflag:s7] =	ssyncadd.s32 @!p0 $0xFFFFFFFF  }
0xcb: {  	[sflag:s4] =	ssyncadd.remote.s32 @!p0 $0x1  }
0xcc: {  	_ =	strace $0x8000004F;
	[dreg:$0x1] =	wrdreg $0xFFFFFFFF  }
0xcd: {  	[dreg:$0x0] =	wrdreg $0x2030  }
0xce: {  	[dreg:$0x2] =	wrdreg s22  }
0xcf: {  	[dreg:$0x3] =	wrdreg s15  }
0xd0: {  	[dreg:$0x4] =	wrdreg s1  }
0xd1: {  	[dreg:$0x5] =	wrdreg s23  }
0xd2: {  	[dreg:$0x6] =	wrdreg $0xA  }
0xd3: {  	_ =	task.clear_ibuf [dreg:s20], $0x7FFFF;
	_ =	strace $0x9000004F  }
0xd4: {  	s29 =	simm.s32 $0xA;
	_ =	strace $0x80000051  }
0xd5: {  	_ =	swait.ge [sflag:s29], $0x1  }
0xd6: {  	[sflag:s29] =	ssyncadd.s32 $0xFFFFFFFF  }
0xd7: {  	_ =	strace $0x90000051  }
0xd8: {  	_ =	sfence  }
0xd9: {  	s30 =	sld [smem:$0x0];
	_ =	sdelay $0x2  }
0xda: {  	s31 =	sshll.u32 s1, $0xD;
	s1 =	sshrl.u32 s1, $0x2  }
0xdb: {  	s4 =	sand.u32 $0x4000, s31;
	s1 =	sadd.s32 s1, s30  }
0xdc: {  	s0 =	sor.u32 s4, s0;
	s1 =	sshll.u32 s1, $0x11  }
0xdd: {  	s0 =	sor.u32 s1, s0  }
0xde: {  	s0 =	sadd.s32 $0x8F2B, s0  }
0xdf: {  	[sflag:s0] =	ssyncadd.remote.s32 $0x1  }
0xe0: {  	_ =	sfence.sel $0xFFFF  }
0xe1: {  	[dreg:$0x0] =	wrdreg $0xFFFFFFFF;
	(pc) =	sbr.abs _section_cstart, $3  }
0xe2: {  	[dreg:$0x1] =	wrdreg $0xFFFFFFFF  }
0xe3: {  	_ =	task.clear_ibuf [dreg:s20], $0x2FFFF;
	_ =	strace $0x9FFFFFFF  }
0xe4: {  	(tm) =	ssettm $0x7FFFFFFF  }
0xe5: {  	_ =	shalt  }
tec
execute0_lowered:
.L_overlay_start_1:
0x0: {  	(tag) =	ssettag $0x1  }
0x1: {  	s0 =	rddreg [dreg:$0x0]  }
0x2: {  	s1 =	rddreg [dreg:$0x1]  }
0x3: {  	s2 =	stileid.u32;
	[bflag:$0x3] =	sbarrier.arrive $0xFFFF;
	s3 =	simm.s32 $_size_execute1_lowered  }
0x4: {  	s28 =	srdreg.scid;
	p0 =	sne.s32 s2, $0x0;
	s5 =	sshll.u32 s3, $0x1  }
0x5: {  	s3 =	simm.s32 @!p0 $0x1C3F;
	s4 =	simm.s32 @!p0 $0x4060;
	[dreg:$0x4] =	wrdreg s5  }
0x6: {  	[timem:s4], [sflag:s3] =	dma.local @!p0 [hbm:s0], s5  }
0x7: {  	s0 =	sshll.u32 s28, $0x5  }
0x8: {  	s30 =	simm.s32 $0x1;
	s2 =	sshll.u32 s2, $0x6;
	s0 =	sand.u32 $0x20, s0  }
0x9: {  	s6 =	simm.s32 $0x2;
	s10 =	simm.s32 $0x0;
	s3 =	sor.u32 s2, s0  }
0xa: {  	s31 =	sadd.s32 $0x1037C00, s1;
	s5 =	sadd.s32 $0xF1C00, s1;
	s0 =	ssub.s32 $0x2800, s3  }
0xb: {  	s4 =	simm.s32 $0x1;
	_ =	strace $0x8000004D;
	s29 =	sand.u32 $0x3E0, s0  }
.Ltmp0:
0xc: {  	[dreg:$0x8] =	wrdreg s31;
	p1 =	sne.s32 s29, $0x0;
	(pc) =	sbr.rel .LBB2_1-.Ltmp0, $4  }
0xd: {  	[dreg:$0x6] =	wrdreg s5;
	s0 =	sshrl.u32 s0, $0xA;
	s4 =	simm.s32 @!p1 $0x0  }
0xe: {  	[sflag:s30] =	ssyncpa.u1 $0x0;
	[dreg:$0x5] =	wrdreg s3;
	s7 =	sadd.s32 s4, s0  }
0xf: {  	[sflag:s6] =	ssyncpa.u1 $0x0;
	s6 =	sadd.s32 $0x1, s7;
	[dreg:$0x7] =	wrdreg s7  }
0x10: {  	s9 =	simm.s32 $0x0;
	s8 =	smov.u32 s3;
	[dreg:$0x9] =	wrdreg s6  }
.LBB2_4:
0x11: {  	_ =	sdelay $0x3  }
0x12: {  	[tilespmem:v1+s22+$0x0 ss:$0x1] =	vst.idx.msk $0xffff, v7  }
0x13: {  	s15 =	sor.u32 s1, s0;
	v30 =	vld.idx.msk [tilespmem:v0+s16+$0x0 ss:$0x1], $0xffff;
	[tilespmem:v1+s21+$0x0 ss:$0x1] =	vst.idx.msk $0xffff, v6  }
0x14: {  	[tilespmem:v1+s20+$0x0 ss:$0x1] =	vst.idx.msk $0xffff, v5;
	v31 =	vld.idx.msk [tilespmem:v0+s23+$0x0 ss:$0x1], $0xffff;
	s2 =	sor.u32 $0x410, s15  }
0x15: {  	[tilespmem:v1+s19+$0x0 ss:$0x1] =	vst.idx.msk $0xffff, v3;
	s22 =	sor.u32 $0x420, s15;
	v32 =	vld.idx.msk [tilespmem:v0+s2+$0x0 ss:$0x1], $0xffff  }
0x16: {  	[tilespmem:v1+s18+$0x0 ss:$0x1] =	vst.idx.msk $0xffff, v2;
	s24 =	sor.u32 $0x440, s15;
	v44 =	vld.idx.msk [tilespmem:v0+s22+$0x0 ss:$0x1], $0xffff  }
0x17: {  	[tilespmem:v1+s17+$0x0 ss:$0x1] =	vst.idx.msk $0xffff, v4;
	s25 =	sor.u32 $0x450, s15;
	v46 =	vld.idx.msk [tilespmem:v0+s24+$0x0 ss:$0x1], $0xffff  }
0x18: {  	s26 =	sor.u32 $0x460, s15;
	v47 =	vld.idx.msk [tilespmem:v0+s25+$0x0 ss:$0x1], $0xffff;
	[tilespmem:v1+s16+$0x0 ss:$0x1] =	vst.idx.msk $0xffff, v30  }
0x19: {  	s28 =	sor.u32 $0x470, s15;
	v48 =	vld.idx.msk [tilespmem:v0+s26+$0x0 ss:$0x1], $0xffff;
	[tilespmem:v1+s23+$0x0 ss:$0x1] =	vst.idx.msk $0xffff, v31  }
0x1a: {  	s29 =	sor.u32 $0x810, s15;
	v49 =	vld.idx.msk [tilespmem:v0+s28+$0x0 ss:$0x1], $0xffff;
	[tilespmem:v1+s2+$0x0 ss:$0x1] =	vst.idx.msk $0xffff, v32  }
0x1b: {  	s30 =	sor.u32 $0x820, s15;
	v50 =	vld.idx.msk [tilespmem:v0+s29+$0x0 ss:$0x1], $0xffff;
	[tilespmem:v1+s22+$0x0 ss:$0x1] =	vst.idx.msk $0xffff, v44  }
0x1c: {  	s14 =	sand.u32 $0x180, s13;
	s1 =	sand.u32 $0x3200, s15;
	s31 =	sor.u32 $0x830, s15;
	v51 =	vld.idx.msk [tilespmem:v0+s30+$0x0 ss:$0x1], $0xffff;
	[tilespmem:v1+s24+$0x0 ss:$0x1] =	vst.idx.msk $0xffff, v46  }
0x1d: {  	s0 =	sor.u32 s14, s1;
	v52 =	vld.idx.msk [tilespmem:v0+s31+$0x0 ss:$0x1], $0xffff;
	[tilespmem:v1+s25+$0x0 ss:$0x1] =	vst.idx.msk $0xffff, v47  }
0x1e: {  	v33 =	vld.idx.msk [tilespmem:v0+s0+$0x0 ss:$0x1], $0xffff;
	s1 =	sor.u32 $0xC00, s0;
	[tilespmem:v1+s26+$0x0 ss:$0x1] =	vst.idx.msk $0xffff, v48  }
0x1f: {  	s3 =	sor.u32 $0x10, s0;
	v34 =	vld.idx.msk [tilespmem:v0+s1+$0x0 ss:$0x1], $0xffff;
	[tilespmem:v1+s28+$0x0 ss:$0x1] =	vst.idx.msk $0xffff, v49  }
0x20: {  	s4 =	sor.u32 $0x20, s0;
	v35 =	vld.idx.msk [tilespmem:v0+s3+$0x0 ss:$0x1], $0xffff;
	[tilespmem:v1+s29+$0x0 ss:$0x1] =	vst.idx.msk $0xffff, v50  }
0x21: {  	s5 =	sor.u32 $0x30, s0;
	v36 =	vld.idx.msk [tilespmem:v0+s4+$0x0 ss:$0x1], $0xffff;
	[tilespmem:v1+s30+$0x0 ss:$0x1] =	vst.idx.msk $0xffff, v51  }
0x22: {  	s6 =	sor.u32 $0x40, s0;
	v37 =	vld.idx.msk [tilespmem:v0+s5+$0x0 ss:$0x1], $0xffff;
	[tilespmem:v1+s31+$0x0 ss:$0x1] =	vst.idx.msk $0xffff, v52  }
0x23: {  	s7 =	sor.u32 $0x60, s0;
	v38 =	vld.idx.msk [tilespmem:v0+s6+$0x0 ss:$0x1], $0xffff;
	[tilespmem:v1+s0+$0x0 ss:$0x1] =	vst.idx.msk $0xffff, v33  }
0x24: {  	s19 =	sor.u32 $0x50, s0;
	v40 =	vld.idx.msk [tilespmem:v0+s7+$0x0 ss:$0x1], $0xffff;
	[tilespmem:v1+s1+$0x0 ss:$0x1] =	vst.idx.msk $0xffff, v34  }
0x25: {  	s20 =	sor.u32 $0x70, s0;
	v39 =	vld.idx.msk [tilespmem:v0+s19+$0x0 ss:$0x1], $0xffff;
	[tilespmem:v1+s3+$0x0 ss:$0x1] =	vst.idx.msk $0xffff, v35  }
0x26: {  	s21 =	sor.u32 $0x400, s0;
	v41 =	vld.idx.msk [tilespmem:v0+s20+$0x0 ss:$0x1], $0xffff;
	[tilespmem:v1+s4+$0x0 ss:$0x1] =	vst.idx.msk $0xffff, v36  }
0x27: {  	v42 =	vld.idx.msk [tilespmem:v0+s21+$0x0 ss:$0x1], $0xffff;
	s23 =	sor.u32 $0x430, s15;
	[tilespmem:v1+s5+$0x0 ss:$0x1] =	vst.idx.msk $0xffff, v37  }
0x28: {  	v45 =	vld.idx.msk [tilespmem:v0+s23+$0x0 ss:$0x1], $0xffff;
	s0 =	sor.u32 $0x800, s0;
	[tilespmem:v1+s6+$0x0 ss:$0x1] =	vst.idx.msk $0xffff, v38  }
0x29: {  	v43 =	vld.idx.msk [tilespmem:v0+s0+$0x0 ss:$0x1], $0xffff;
	[tilespmem:v1+s7+$0x0 ss:$0x1] =	vst.idx.msk $0xffff, v40;
	s7 =	sor.u32 $0x840, s15  }
0x2a: {  	s9 =	sor.u32 $0x850, s15;
	[tilespmem:v1+s19+$0x0 ss:$0x1] =	vst.idx.msk $0xffff, v39;
	v53 =	vld.idx.msk [tilespmem:v0+s7+$0x0 ss:$0x1], $0xffff  }
0x2b: {  	s10 =	sor.u32 $0x860, s15;
	v54 =	vld.idx.msk [tilespmem:v0+s9+$0x0 ss:$0x1], $0xffff;
	[tilespmem:v1+s20+$0x0 ss:$0x1] =	vst.idx.msk $0xffff, v41  }
0x2c: {  	s11 =	sor.u32 $0x870, s15;
	v55 =	vld.idx.msk [tilespmem:v0+s10+$0x0 ss:$0x1], $0xffff;
	[tilespmem:v1+s21+$0x0 ss:$0x1] =	vst.idx.msk $0xffff, v42  }
0x2d: {  	s12 =	sor.u32 $0xC10, s15;
	v56 =	vld.idx.msk [tilespmem:v0+s11+$0x0 ss:$0x1], $0xffff;
	[tilespmem:v1+s23+$0x0 ss:$0x1] =	vst.idx.msk $0xffff, v45  }
0x2e: {  	s13 =	sor.u32 $0xC20, s15;
	v57 =	vld.idx.msk [tilespmem:v0+s12+$0x0 ss:$0x1], $0xffff;
	[tilespmem:v1+s0+$0x0 ss:$0x1] =	vst.idx.msk $0xffff, v43  }
0x2f: {  	s17 =	sor.u32 $0xC30, s15;
	v58 =	vld.idx.msk [tilespmem:v0+s13+$0x0 ss:$0x1], $0xffff;
	s8 =	rddreg [dreg:$0xc];
	[tilespmem:v1+s7+$0x0 ss:$0x1] =	vst.idx.msk $0xffff, v53  }
0x30: {  	s18 =	sor.u32 $0xC40, s15;
	v59 =	vld.idx.msk [tilespmem:v0+s17+$0x0 ss:$0x1], $0xffff;
	[tilespmem:v1+s9+$0x0 ss:$0x1] =	vst.idx.msk $0xffff, v54  }
0x31: {  	v60 =	vld.idx.msk [tilespmem:v0+s18+$0x0 ss:$0x1], $0xffff;
	s19 =	sor.u32 $0xC50, s15;
	[tilespmem:v1+s10+$0x0 ss:$0x1] =	vst.idx.msk $0xffff, v55  }
0x32: {  	s21 =	sor.u32 $0xC60, s15;
	v61 =	vld.idx.msk [tilespmem:v0+s19+$0x0 ss:$0x1], $0xffff;
	[tilespmem:v1+s11+$0x0 ss:$0x1] =	vst.idx.msk $0xffff, v56  }
0x33: {  	v62 =	vld.idx.msk [tilespmem:v0+s21+$0x0 ss:$0x1], $0xffff;
	s23 =	sor.u32 $0xC70, s15;
	[tilespmem:v1+s12+$0x0 ss:$0x1] =	vst.idx.msk $0xffff, v57  }
0x34: {  	v63 =	vld.idx.msk [tilespmem:v0+s23+$0x0 ss:$0x1], $0xffff;
	[tilespmem:v1+s13+$0x0 ss:$0x1] =	vst.idx.msk $0xffff, v58  }
0x35: {  	[tilespmem:v1+s17+$0x0 ss:$0x1] =	vst.idx.msk $0xffff, v59;
	s14 =	sshll.u32 s8, $0x9;
	s16 =	sshll.u32 s8, $0x7  }
0x36: {  	[tilespmem:v1+s18+$0x0 ss:$0x1] =	vst.idx.msk $0xffff, v60;
	s5 =	sand.u32 $0xFFFFF000, s14;
	s7 =	sand.u32 $0x200, s16  }
0x37: {  	[tilespmem:v1+s19+$0x0 ss:$0x1] =	vst.idx.msk $0xffff, v61;
	s5 =	sor.u32 s7, s5  }
0x38: {  	[tilespmem:v1+s21+$0x0 ss:$0x1] =	vst.idx.msk $0xffff, v62;
	s20 =	sshrl.u32 s5, $0x9  }
0x39: {  	s28 =	rddreg [dreg:$0x8];
	[tilespmem:v1+s23+$0x0 ss:$0x1] =	vst.idx.msk $0xffff, v63;
	s22 =	smulhi.u32 $0x666667, s20  }
0x3a: {  	s31 =	rddreg [dreg:$0xd]  }
0x3b: {  	s7 =	rddreg [dreg:$0x7];
	s3 =	sshrl.u32 s22, $0x4  }
0x3c: {  	s6 =	rddreg [dreg:$0x9];
	s24 =	smul.u32 $0x2800, s3  }
0x3d: {  	s25 =	sshll.u32 s8, $0x4;
	s8 =	rddreg [dreg:$0xa]  }
0x3e: {  	s26 =	sand.u32 $0x30, s25;
	s9 =	rddreg [dreg:$0xb];
	s1 =	ssub.s32 s20, s24  }
0x3f: {  	s2 =	sadd.s32 s28, s26;
	s5 =	rddreg [dreg:$0x6];
	s1 =	sshll.u32 s1, $0x6  }
0x40: {  	s30 =	simm.s32 $0x0;
	s3 =	rddreg [dreg:$0x5];
	s29 =	sadd.s32 s1, s2  }
0x41: {  	[hbm4b:s29+s30] =	stream.linear.scatter [tilespmem:s31], [sflag:$0x2], $0x4000, $0x38;
	[tilespmem:$0x10000] =	vst v63  }
.LBB2_5:
0x42: {  	s1 =	sadd.s32 $0x400, s8  }
0x43: {  	p2 =	sgt.s32 s1, $0x27FF  }
0x44: {  	s1 =	smov.u32 @p2 s3;
	p2 =	sne.s32 s9, s6  }
.Ltmp1:
0x45: {  	p1 =	slt.u32 s9, $0x2;
	(pc) =	sbr.rel @!p2 .LBB2_6-.Ltmp1, $4  }
0x46: {  	s0 =	simm.s32 @!p1 $0x2  }
0x47: {  	_ =	swait.ge @!p1 [sflag:s0], $0x4000  }
0x48: {  	s2 =	sadd.s32 $0x1, s9;
	s10 =	smov.u32 s8;
	[sflag:s0] =	ssyncset.done @!p1 $0x0  }
0x49: {  	s9 =	smov.u32 s2;
	s8 =	smov.u32 s1;
	[sflag:s0] =	ssyncadd.s32 @!p1 $0xFFFFC000  }
.LBB2_1:
0x4a: {  	p1 =	sge.u32 s9, s7  }
0x4b: {  	s0 =	sshll.u32 @!p1 s8, $0x9;
	s1 =	sshll.u32 @!p1 s8, $0x7  }
0x4c: {  	s0 =	sand.u32 @!p1 $0xFFFFF000, s0;
	s1 =	sand.u32 @!p1 $0x200, s1  }
0x4d: {  	s0 =	sor.u32 @!p1 s1, s0  }
0x4e: {  	s0 =	sshrl.u32 @!p1 s0, $0x9  }
0x4f: {  	s1 =	smulhi.u32 @!p1 $0x666667, s0;
	_ =	sdelay $0x1  }
0x50: {  	s1 =	sshrl.u32 @!p1 s1, $0x4  }
0x51: {  	s1 =	smul.u32 @!p1 $0x2800, s1  }
0x52: {  	s31 =	sadd.s32 $0xFFFFFFFF, s9;
	s4 =	sshll.u32 @!p1 s8, $0x4  }
0x53: {  	s4 =	sand.u32 @!p1 $0x30, s4;
	s0 =	ssub.s32 @!p1 s0, s1;
	s1 =	sxor.u32 @!p1 $0xFFFFFFFF, s9  }
0x54: {  	s4 =	sadd.s32 @!p1 s5, s4;
	s1 =	sshll.u32 @!p1 s1, $0xE;
	s0 =	sshll.u32 @!p1 s0, $0x6  }
0x55: {  	s1 =	sand.u32 @!p1 $0x4000, s1;
	s0 =	sadd.s32 @!p1 s0, s4;
	s4 =	simm.s32 @!p1 $0x0  }
0x56: {  	[tilespmem:s1], [sflag:$0x1] =	stream.linear.gather @!p1 [hbm4b:s0+s4], $0x4000, $0x38;
	[tilespmem:$0x10000] =	vst v63  }
0x57: {  	p1 =	sge.u32 s31, s7  }
.Ltmp2:
0x58: {  	_ = 	snop;
	(pc) =	sbr.rel @p1 .LBB2_5-.Ltmp2, $1  }
0x59: {  	_ =	sdelay $0x3  }
0x5a: {  	[dreg:$0xc] =	wrdreg s10;
	s0 =	sshll.u32 s9, $0xE  }
0x5b: {  	[dreg:$0xa] =	wrdreg s8;
	s0 =	sand.u32 $0x4000, s0  }
0x5c: {  	[dreg:$0xb] =	wrdreg s9;
	s2 =	simm.s32 $0x1;
	v0 =	vmov s0  }
0x5d: {  	s1 =	simm.s32 $0x0;
	_ =	swait.ge [sflag:s2], $0x4000  }
0x5e: {  	s4 =	sand.u32 $0x3000, s1;
	s6 =	sand.u32 $0x380, s1;
	s1 =	sand.u32 $0x180, s1  }
0x5f: {  	[sflag:s2] =	ssyncset.done $0x0;
	s13 =	sor.u32 s6, s4;
	s8 =	sor.u32 $0x8000, s0  }
0x60: {  	[sflag:s2] =	ssyncadd.s32 $0xFFFFC000;
	s4 =	sand.u32 $0x3200, s13;
	s6 =	sor.u32 $0x410, s13  }
0x61: {  	s9 =	sor.u32 s1, s4;
	v2 =	vld.idx.msk [tilespmem:v0+s6+$0x0 ss:$0x1], $0xffff;
	[dreg:$0xd] =	wrdreg s8  }
0x62: {  	v1 =	vmov s8;
	s1 =	sor.u32 $0xC00, s9;
	v3 =	vld.idx.msk [tilespmem:v0+s9+$0x0 ss:$0x1], $0xffff  }
0x63: {  	s4 =	sor.u32 $0x10, s9;
	v4 =	vld.idx.msk [tilespmem:v0+s1+$0x0 ss:$0x1], $0xffff  }
0x64: {  	s10 =	sor.u32 $0x20, s9;
	v5 =	vld.idx.msk [tilespmem:v0+s4+$0x0 ss:$0x1], $0xffff  }
0x65: {  	s14 =	sor.u32 $0x30, s9;
	v6 =	vld.idx.msk [tilespmem:v0+s10+$0x0 ss:$0x1], $0xffff  }
0x66: {  	s15 =	sor.u32 $0x40, s9;
	v7 =	vld.idx.msk [tilespmem:v0+s14+$0x0 ss:$0x1], $0xffff  }
0x67: {  	s29 =	sor.u32 $0x850, s13;
	v8 =	vld.idx.msk [tilespmem:v0+s15+$0x0 ss:$0x1], $0xffff;
	[tilespmem:v1+s6+$0x0 ss:$0x1] =	vst.idx.msk $0xffff, v2  }
0x68: {  	s16 =	sor.u32 $0x50, s9;
	v9 =	vld.idx.msk [tilespmem:v0+s29+$0x0 ss:$0x1], $0xffff;
	[tilespmem:v1+s9+$0x0 ss:$0x1] =	vst.idx.msk $0xffff, v3  }
0x69: {  	s11 =	sor.u32 $0x60, s9;
	v2 =	vld.idx.msk [tilespmem:v0+s16+$0x0 ss:$0x1], $0xffff;
	[tilespmem:v1+s1+$0x0 ss:$0x1] =	vst.idx.msk $0xffff, v4  }
0x6a: {  	s17 =	sor.u32 $0x70, s9;
	v3 =	vld.idx.msk [tilespmem:v0+s11+$0x0 ss:$0x1], $0xffff;
	[tilespmem:v1+s4+$0x0 ss:$0x1] =	vst.idx.msk $0xffff, v5  }
0x6b: {  	s12 =	sor.u32 $0x400, s9;
	v4 =	vld.idx.msk [tilespmem:v0+s17+$0x0 ss:$0x1], $0xffff;
	[tilespmem:v1+s10+$0x0 ss:$0x1] =	vst.idx.msk $0xffff, v6  }
0x6c: {  	s0 =	sor.u32 $0x800, s9;
	v5 =	vld.idx.msk [tilespmem:v0+s12+$0x0 ss:$0x1], $0xffff;
	[tilespmem:v1+s14+$0x0 ss:$0x1] =	vst.idx.msk $0xffff, v7  }
0x6d: {  	s18 =	sor.u32 $0x420, s13;
	v6 =	vld.idx.msk [tilespmem:v0+s0+$0x0 ss:$0x1], $0xffff;
	[tilespmem:v1+s15+$0x0 ss:$0x1] =	vst.idx.msk $0xffff, v8  }
0x6e: {  	s23 =	sor.u32 $0x470, s13;
	v7 =	vld.idx.msk [tilespmem:v0+s18+$0x0 ss:$0x1], $0xffff;
	[tilespmem:v1+s29+$0x0 ss:$0x1] =	vst.idx.msk $0xffff, v9  }
0x6f: {  	s19 =	sor.u32 $0x430, s13;
	v8 =	vld.idx.msk [tilespmem:v0+s23+$0x0 ss:$0x1], $0xffff;
	[tilespmem:v1+s16+$0x0 ss:$0x1] =	vst.idx.msk $0xffff, v2  }
0x70: {  	s20 =	sor.u32 $0x440, s13;
	v2 =	vld.idx.msk [tilespmem:v0+s19+$0x0 ss:$0x1], $0xffff;
	[tilespmem:v1+s11+$0x0 ss:$0x1] =	vst.idx.msk $0xffff, v3  }
0x71: {  	s21 =	sor.u32 $0x450, s13;
	v3 =	vld.idx.msk [tilespmem:v0+s20+$0x0 ss:$0x1], $0xffff;
	[tilespmem:v1+s17+$0x0 ss:$0x1] =	vst.idx.msk $0xffff, v4  }
0x72: {  	s22 =	sor.u32 $0x460, s13;
	v4 =	vld.idx.msk [tilespmem:v0+s21+$0x0 ss:$0x1], $0xffff;
	[tilespmem:v1+s12+$0x0 ss:$0x1] =	vst.idx.msk $0xffff, v5  }
0x73: {  	s24 =	sor.u32 $0x810, s13;
	v5 =	vld.idx.msk [tilespmem:v0+s22+$0x0 ss:$0x1], $0xffff;
	[tilespmem:v1+s0+$0x0 ss:$0x1] =	vst.idx.msk $0xffff, v6  }
0x74: {  	s30 =	sor.u32 $0x860, s13;
	v6 =	vld.idx.msk [tilespmem:v0+s24+$0x0 ss:$0x1], $0xffff;
	[tilespmem:v1+s23+$0x0 ss:$0x1] =	vst.idx.msk $0xffff, v8  }
0x75: {  	s25 =	sor.u32 $0x820, s13;
	v8 =	vld.idx.msk [tilespmem:v0+s30+$0x0 ss:$0x1], $0xffff;
	[tilespmem:v1+s19+$0x0 ss:$0x1] =	vst.idx.msk $0xffff, v2  }
0x76: {  	s26 =	sor.u32 $0x830, s13;
	v2 =	vld.idx.msk [tilespmem:v0+s25+$0x0 ss:$0x1], $0xffff;
	[tilespmem:v1+s20+$0x0 ss:$0x1] =	vst.idx.msk $0xffff, v3  }
0x77: {  	s28 =	sor.u32 $0x840, s13;
	v3 =	vld.idx.msk [tilespmem:v0+s26+$0x0 ss:$0x1], $0xffff;
	[tilespmem:v1+s21+$0x0 ss:$0x1] =	vst.idx.msk $0xffff, v4  }
0x78: {  	v4 =	vld.idx.msk [tilespmem:v0+s28+$0x0 ss:$0x1], $0xffff;
	[tilespmem:v1+s22+$0x0 ss:$0x1] =	vst.idx.msk $0xffff, v5;
	s22 =	sor.u32 $0x870, s13  }
0x79: {  	[tilespmem:v1+s18+$0x0 ss:$0x1] =	vst.idx.msk $0xffff, v7;
	s21 =	sor.u32 $0xC10, s13;
	v7 =	vld.idx.msk [tilespmem:v0+s22+$0x0 ss:$0x1], $0xffff  }
0x7a: {  	[tilespmem:v1+s24+$0x0 ss:$0x1] =	vst.idx.msk $0xffff, v6;
	s20 =	sor.u32 $0xC20, s13;
	v6 =	vld.idx.msk [tilespmem:v0+s21+$0x0 ss:$0x1], $0xffff  }
0x7b: {  	s18 =	sor.u32 $0xC40, s13;
	[tilespmem:v1+s30+$0x0 ss:$0x1] =	vst.idx.msk $0xffff, v8;
	v5 =	vld.idx.msk [tilespmem:v0+s20+$0x0 ss:$0x1], $0xffff  }
0x7c: {  	s31 =	simm.s32 $0x200;
	s16 =	sor.u32 $0xC60, s13;
	s19 =	sor.u32 $0xC30, s13;
	[tilespmem:v1+s25+$0x0 ss:$0x1] =	vst.idx.msk $0xffff, v2;
	v2 =	vld.idx.msk [tilespmem:v0+s18+$0x0 ss:$0x1], $0xffff  }
0x7d: {  	s17 =	sor.u32 $0xC50, s13;
	s23 =	sor.u32 $0xC70, s13;
	s13 =	simm.s32 $0x80;
	[tilespmem:v1+s26+$0x0 ss:$0x1] =	vst.idx.msk $0xffff, v3;
	v3 =	vld.idx.msk [tilespmem:v0+s19+$0x0 ss:$0x1], $0xffff  }
0x7e: {  	s15 =	simm.s32 $0x400;
	s0 =	sand.u32 $0x3000, s31;
	s1 =	sand.u32 $0x380, s13;
	[tilespmem:v1+s28+$0x0 ss:$0x1] =	vst.idx.msk $0xffff, v4;
	v4 =	vld.idx.msk [tilespmem:v0+s17+$0x0 ss:$0x1], $0xffff  }
.LBB2_3:
0x7f: {  	s26 =	sor.u32 s1, s0;
	[tilespmem:v1+s22+$0x0 ss:$0x1] =	vst.idx.msk $0xffff, v7;
	v7 =	vld.idx.msk [tilespmem:v0+s16+$0x0 ss:$0x1], $0xffff  }
0x80: {  	[tilespmem:v1+s21+$0x0 ss:$0x1] =	vst.idx.msk $0xffff, v6;
	v6 =	vld.idx.msk [tilespmem:v0+s23+$0x0 ss:$0x1], $0xffff;
	s8 =	sor.u32 $0x410, s26  }
0x81: {  	[tilespmem:v1+s20+$0x0 ss:$0x1] =	vst.idx.msk $0xffff, v5;
	s31 =	sor.u32 $0x830, s26;
	v8 =	vld.idx.msk [tilespmem:v0+s8+$0x0 ss:$0x1], $0xffff  }
0x82: {  	s14 =	sand.u32 $0x180, s13;
	[tilespmem:v1+s19+$0x0 ss:$0x1] =	vst.idx.msk $0xffff, v3;
	s1 =	sand.u32 $0x3200, s26;
	s29 =	sor.u32 $0x850, s26;
	v9 =	vld.idx.msk [tilespmem:v0+s31+$0x0 ss:$0x1], $0xffff  }
0x83: {  	[tilespmem:v1+s18+$0x0 ss:$0x1] =	vst.idx.msk $0xffff, v2;
	s22 =	sor.u32 s14, s1;
	v10 =	vld.idx.msk [tilespmem:v0+s29+$0x0 ss:$0x1], $0xffff  }
0x84: {  	[tilespmem:v1+s17+$0x0 ss:$0x1] =	vst.idx.msk $0xffff, v4;
	v5 =	vld.idx.msk [tilespmem:v0+s22+$0x0 ss:$0x1], $0xffff;
	s20 =	sor.u32 $0xC00, s22  }
0x85: {  	s3 =	sor.u32 $0x10, s22;
	v3 =	vld.idx.msk [tilespmem:v0+s20+$0x0 ss:$0x1], $0xffff;
	[tilespmem:v1+s16+$0x0 ss:$0x1] =	vst.idx.msk $0xffff, v7  }
0x86: {  	s7 =	sor.u32 $0x20, s22;
	v2 =	vld.idx.msk [tilespmem:v0+s3+$0x0 ss:$0x1], $0xffff;
	[tilespmem:v1+s23+$0x0 ss:$0x1] =	vst.idx.msk $0xffff, v6  }
0x87: {  	s2 =	sor.u32 $0x30, s22;
	v4 =	vld.idx.msk [tilespmem:v0+s7+$0x0 ss:$0x1], $0xffff;
	[tilespmem:v1+s8+$0x0 ss:$0x1] =	vst.idx.msk $0xffff, v8  }
0x88: {  	s12 =	sor.u32 $0x40, s22;
	v7 =	vld.idx.msk [tilespmem:v0+s2+$0x0 ss:$0x1], $0xffff;
	[tilespmem:v1+s31+$0x0 ss:$0x1] =	vst.idx.msk $0xffff, v9  }
0x89: {  	s11 =	sor.u32 $0x60, s22;
	v6 =	vld.idx.msk [tilespmem:v0+s12+$0x0 ss:$0x1], $0xffff;
	[tilespmem:v1+s29+$0x0 ss:$0x1] =	vst.idx.msk $0xffff, v10  }
0x8a: {  	s24 =	sor.u32 $0x420, s26;
	s25 =	sor.u32 $0x430, s26;
	s5 =	sor.u32 $0x50, s22;
	v8 =	vld.idx.msk [tilespmem:v0+s11+$0x0 ss:$0x1], $0xffff;
	[tilespmem:v1+s22+$0x0 ss:$0x1] =	vst.idx.msk $0xffff, v5  }
0x8b: {  	s6 =	sor.u32 $0x440, s26;
	s0 =	sor.u32 $0x450, s26;
	s9 =	sor.u32 $0x70, s22;
	v5 =	vld.idx.msk [tilespmem:v0+s5+$0x0 ss:$0x1], $0xffff;
	[tilespmem:v1+s20+$0x0 ss:$0x1] =	vst.idx.msk $0xffff, v3  }
0x8c: {  	s4 =	sor.u32 $0x460, s26;
	s30 =	sor.u32 $0x810, s26;
	s10 =	sor.u32 $0x400, s22;
	[tilespmem:v1+s3+$0x0 ss:$0x1] =	vst.idx.msk $0xffff, v2;
	v2 =	vld.idx.msk [tilespmem:v0+s9+$0x0 ss:$0x1], $0xffff  }
0x8d: {  	s28 =	sor.u32 $0x840, s26;
	s21 =	sor.u32 $0xC10, s26;
	s14 =	sor.u32 $0x800, s22;
	[tilespmem:v1+s7+$0x0 ss:$0x1] =	vst.idx.msk $0xffff, v4;
	v3 =	vld.idx.msk [tilespmem:v0+s10+$0x0 ss:$0x1], $0xffff  }
0x8e: {  	s19 =	sor.u32 $0xC30, s26;
	s18 =	sor.u32 $0xC40, s26;
	s17 =	sor.u32 $0xC50, s26;
	v4 =	vld.idx.msk [tilespmem:v0+s14+$0x0 ss:$0x1], $0xffff;
	[tilespmem:v1+s2+$0x0 ss:$0x1] =	vst.idx.msk $0xffff, v7  }
0x8f: {  	[dreg:$0x3] =	wrdreg s25;
	s1 =	sor.u32 $0x470, s26;
	s25 =	sor.u32 $0x860, s26;
	[tilespmem:v1+s12+$0x0 ss:$0x1] =	vst.idx.msk $0xffff, v6;
	v6 =	vld.idx.msk [tilespmem:v0+s24+$0x0 ss:$0x1], $0xffff  }
0x90: {  	s16 =	sor.u32 $0xC60, s26;
	s23 =	sor.u32 $0xC70, s26;
	s8 =	sor.u32 $0x820, s26;
	v7 =	vld.idx.msk [tilespmem:v0+s6+$0x0 ss:$0x1], $0xffff;
	[tilespmem:v1+s11+$0x0 ss:$0x1] =	vst.idx.msk $0xffff, v8  }
0x91: {  	s22 =	sor.u32 $0x870, s26;
	s20 =	sor.u32 $0xC20, s26;
	s26 =	rddreg [dreg:$0x3];
	v8 =	vld.idx.msk [tilespmem:v0+s1+$0x0 ss:$0x1], $0xffff;
	[tilespmem:v1+s5+$0x0 ss:$0x1] =	vst.idx.msk $0xffff, v5  }
0x92: {  	v5 =	vld.idx.msk [tilespmem:v0+s26+$0x0 ss:$0x1], $0xffff;
	[tilespmem:v1+s9+$0x0 ss:$0x1] =	vst.idx.msk $0xffff, v2  }
0x93: {  	v2 =	vld.idx.msk [tilespmem:v0+s0+$0x0 ss:$0x1], $0xffff;
	[tilespmem:v1+s10+$0x0 ss:$0x1] =	vst.idx.msk $0xffff, v3  }
0x94: {  	v3 =	vld.idx.msk [tilespmem:v0+s4+$0x0 ss:$0x1], $0xffff;
	[tilespmem:v1+s14+$0x0 ss:$0x1] =	vst.idx.msk $0xffff, v4  }
0x95: {  	v4 =	vld.idx.msk [tilespmem:v0+s30+$0x0 ss:$0x1], $0xffff;
	[tilespmem:v1+s24+$0x0 ss:$0x1] =	vst.idx.msk $0xffff, v6  }
0x96: {  	[tilespmem:v1+s6+$0x0 ss:$0x1] =	vst.idx.msk $0xffff, v7;
	v7 =	vld.idx.msk [tilespmem:v0+s22+$0x0 ss:$0x1], $0xffff  }
0x97: {  	[tilespmem:v1+s1+$0x0 ss:$0x1] =	vst.idx.msk $0xffff, v8;
	v8 =	vld.idx.msk [tilespmem:v0+s25+$0x0 ss:$0x1], $0xffff  }
0x98: {  	[tilespmem:v1+s26+$0x0 ss:$0x1] =	vst.idx.msk $0xffff, v5;
	v5 =	vld.idx.msk [tilespmem:v0+s8+$0x0 ss:$0x1], $0xffff  }
0x99: {  	p1 =	sne.s32 s15, $0x3E00;
	[tilespmem:v1+s0+$0x0 ss:$0x1] =	vst.idx.msk $0xffff, v2;
	v2 =	vld.idx.msk [tilespmem:v0+s28+$0x0 ss:$0x1], $0xffff  }
.Ltmp3:
0x9a: {  	v6 =	vld.idx.msk [tilespmem:v0+s21+$0x0 ss:$0x1], $0xffff;
	[tilespmem:v1+s4+$0x0 ss:$0x1] =	vst.idx.msk $0xffff, v3;
	(pc) =	sbr.rel @p1 .LBB2_3-.Ltmp3, $4  }
0x9b: {  	[tilespmem:v1+s30+$0x0 ss:$0x1] =	vst.idx.msk $0xffff, v4;
	v3 =	vld.idx.msk [tilespmem:v0+s19+$0x0 ss:$0x1], $0xffff  }
0x9c: {  	v4 =	vld.idx.msk [tilespmem:v0+s17+$0x0 ss:$0x1], $0xffff;
	[tilespmem:v1+s25+$0x0 ss:$0x1] =	vst.idx.msk $0xffff, v8  }
0x9d: {  	s13 =	sadd.s32 $0x80, s13;
	[tilespmem:v1+s8+$0x0 ss:$0x1] =	vst.idx.msk $0xffff, v5;
	v5 =	vld.idx.msk [tilespmem:v0+s20+$0x0 ss:$0x1], $0xffff  }
0x9e: {  	s1 =	sand.u32 $0x380, s13;
	s0 =	sand.u32 $0x3000, s15;
	s15 =	sadd.s32 $0x200, s15;
	[tilespmem:v1+s28+$0x0 ss:$0x1] =	vst.idx.msk $0xffff, v2;
	v2 =	vld.idx.msk [tilespmem:v0+s18+$0x0 ss:$0x1], $0xffff  }
.Ltmp4:
0x9f: {  	_ = 	snop;
	(pc) =	sbr.rel .LBB2_4-.Ltmp4, $1  }
0xa0: {  	_ =	sdelay $0x3  }
.LBB2_6:
0xa1: {  	_ =	sfence.sel $0x180000  }
0xa2: {  	s0 =	simm.s32 $0x1;
	[bflag:$0x0] =	sbarrier.arrive $0xFFFF  }
0xa3: {  	s31 =	simm.s32 $0x2;
	[sflag:s0] =	ssyncpa.u1 $0x1  }
0xa4: {  	[sflag:s31] =	ssyncpa.u1 $0x1  }
0xa5: {  	_ =	strace $0x9000004D  }
0xa6: {  	[bflag:$0x2] =	sbarrier.arrive $0xFFFF  }
0xa7: {  	s0 =	rddreg [dreg:$0x2]  }
0xa8: {  	s0 =	sadd.s32 @!p0 $0x100000, s0  }
0xa9: {  	s1 =	rddreg [dreg:$0x4];
	[sflag:s0] =	ssyncadd.tile.s32 @!p0 $0x1;
	s0 =	simm.s32 @!p0 $0x3F  }
0xaa: {  	_ =	swait.ge @!p0 [sflag:s0], s1  }
0xab: {  	s1 =	ssub.s32 @!p0 $0x0, s1;
	[sflag:s0] =	ssyncset.done @!p0 $0x0  }
0xac: {  	[sflag:s0] =	ssyncadd.s32 @!p0 s1  }
0xad: {  	[bflag:$0x3] =	sbarrier.arrive $0xFFFF  }
0xae: {  	_ =	shalt  }
.Lfunc_end2:
execute1_lowered:
.L_overlay_start_2:
0xaf: {  	(tag) =	ssettag $0x2  }
0xb0: {  	s2 =	rddreg [dreg:$0x0]  }
0xb1: {  	s0 =	rddreg [dreg:$0x1]  }
0xb2: {  	s4 =	rddreg [dreg:$0x2];
	_ =	strace $0x80000050;
	s1 =	simm.s32 $0x1  }
0xb3: {  	s3 =	simm.s32 $0x408;
	v0 =	vimm.s32 $0x0;
	[sflag:s1] =	ssyncpa.u1 $0x0  }
0xb4: {  	[tilespmem:s3+$0x70] =	vst v0  }
0xb5: {  	[tilespmem:s3+$0x60] =	vst v0  }
0xb6: {  	[tilespmem:s3+$0x50] =	vst v0  }
0xb7: {  	[tilespmem:s3+$0x40] =	vst v0  }
0xb8: {  	[tilespmem:s3+$0x30] =	vst v0  }
0xb9: {  	s1 =	sadd.s32 $0x1037C00, s2;
	s6 =	sadd.s32 $0x191C00, s2;
	[tilespmem:s3+$0x20] =	vst v0  }
0xba: {  	s2 =	sadd.s32 $0x25800, s2;
	s7 =	sand.u32 $0x1, s4;
	s4 =	simm.s32 $0x40;
	[tilespmem:s3+$0x10] =	vst v0  }
.LBB3_1:
0xbb: {  	s4 =	sadd.s32 $0x40, s4;
	[tilespmem:s3+$0x0] =	vst v0;
	s3 =	sadd.s32 $0x80, s3  }
0xbc: {  	p0 =	slt.u32 s4, $0x3100;
	[tilespmem:s3+$0x70] =	vst v0  }
0xbd: {  	[tilespmem:s3+$0x60] =	vst v0  }
.Ltmp5:
0xbe: {  	[tilespmem:s3+$0x50] =	vst v0;
	(pc) =	sbr.rel @p0 .LBB3_1-.Ltmp5, $4  }
0xbf: {  	[tilespmem:s3+$0x40] =	vst v0  }
0xc0: {  	[tilespmem:s3+$0x30] =	vst v0  }
0xc1: {  	[tilespmem:s3+$0x20] =	vst v0  }
0xc2: {  	[tilespmem:s3+$0x10] =	vst v0  }
0xc3: {  	s9 =	stileid.u32  }
0xc4: {  	s4 =	smul.u32 $0x9C, s9  }
0xc5: {  	s5 =	smin.u32 s9, $0x4  }
0xc6: {  	s4 =	sadd.s32 s5, s4  }
0xc7: {  	p0 =	slt.u32 s9, $0x4;
	s11 =	smul.u32 $0x30, s4;
	s4 =	simm.s32 $0x1D70  }
0xc8: {  	s4 =	simm.s32 @!p0 $0x1D40  }
0xc9: {  	s4 =	sadd.s32 s4, s11  }
0xca: {  	s8 =	smin.u32 s4, $0x1D4C0  }
0xcb: {  	s26 =	simm.s32 $0x2;
	s10 =	simm.s32 $0x9;
	s4 =	ssub.s32 s8, s11  }
0xcc: {  	s29 =	simm.s32 $0xA;
	s30 =	simm.s32 $0xB;
	p0 =	sgt.s32 s4, $0x0  }
0xcd: {  	[dreg:$0x5] =	wrdreg s7;
	s31 =	smul.u32 $0x3A98, s7;
	s4 =	simm.s32 @!p0 $0x0  }
0xce: {  	s13 =	simm.s32 $0x1;
	p1 =	por $0x0, $0x0;
	s25 =	smulhi.u32 $0x2AAAAAAB, s4  }
0xcf: {  	s19 =	simm.s32 $0x80;
	s20 =	simm.s32 $0x400;
	s18 =	simm.s32 $0xC  }
0xd0: {  	s22 =	simm.s32 $0x0;
	s24 =	simm.s32 $0x0;
	s28 =	sshrl.u32 s25, $0x3  }
0xd1: {  	[tilespmem:s3+$0x0] =	vst v0;
	v0 =	vimm.s32 $0xFFFFFFFF;
	[sflag:s26] =	ssyncpa.u1 $0x0;
	s15 =	sshll.u32 s9, $0xA;
	s5 =	smul.u32 $0x30, s28  }
0xd2: {  	[tilespmem:$0xC808] =	vst v0;
	[sflag:s10] =	ssyncpa.u1 $0x0;
	s0 =	sadd.s32 s31, s0;
	[dreg:$0x8] =	wrdreg s15  }
.Ltmp6:
0xd3: {  	p0 =	sne.s32 s4, s5;
	s4 =	simm.s32 $0x1;
	(pc) =	sbr.rel .LBB3_3-.Ltmp6, $4  }
0xd4: {  	s14 =	sadd.s32 s31, s2;
	[dreg:$0x7] =	wrdreg s0;
	s4 =	simm.s32 @!p0 $0x0  }
0xd5: {  	[sflag:s29] =	ssyncpa.u1 $0x0;
	[dreg:$0x6] =	wrdreg s14;
	s12 =	sadd.s32 s4, s28  }
0xd6: {  	[sflag:s30] =	ssyncpa.u1 $0x0;
	s23 =	smov.u32 s11;
	s17 =	sadd.s32 $0x1, s12  }
0xd7: {  	v0 =	vlaneseq.u32;
	s25 =	simm.s32 $0x0;
	p0 =	por $0x1, $0x1;
	[dreg:$0x9] =	wrdreg s17  }
.LBB3_32:
0xd8: {  	s2 =	sshrl.u32 s4, $0x2  }
.LBB3_34:
0xd9: {  	_ =	swait.ge [sflag:s18], s2  }
0xda: {  	s31 =	ssub.s32 $0x0, s2;
	v1 =	vmov s28;
	vm0 =	veq.s32 v0, $0x0;
	[sflag:s18] =	ssyncset.done $0x0  }
0xdb: {  	vm15 =	veq.s32 v0, $0x2;
	v1 =	vsel vm0, s0, v1;
	[sflag:s18] =	ssyncadd.s32 s31  }
0xdc: {  	v1 =	vsel vm15, s25, v1;
	[sflag:s18] =	ssyncpa.u1 $0x1  }
0xdd: {  	[tilespmem:$0xC808] =	vst v1  }
.LBB3_35:
0xde: {  	s0 =	sadd.s32 $0x30, s23  }
0xdf: {  	s2 =	smov.u32 s11;
	p2 =	slt.s32 s0, s8  }
0xe0: {  	s2 =	smov.u32 @p2 s0;
	p2 =	sne.s32 s24, s17  }
.Ltmp7:
0xe1: {  	_ = 	snop;
	(pc) =	sbr.rel @!p2 .LBB3_36-.Ltmp7, $4  }
0xe2: {  	_ = 	snop  }
0xe3: {  	s25 =	smov.u32 s22  }
0xe4: {  	s31 =	sadd.s32 $0x1, s24;
	s22 =	smov.u32 s23;
	p0 =	por !p0, !p0  }
0xe5: {  	p1 =	por !p1, !p1;
	s24 =	smov.u32 s31;
	s23 =	smov.u32 s2  }
.LBB3_3:
0xe6: {  	p2 =	sge.u32 s24, s12  }
0xe7: {  	s0 =	smulhi.u32 @!p2 $0xAAAAAAAB, s24  }
0xe8: {  	s2 =	smov.u32 s23;
	p3 =	sgt.s32 @!p2 s23, $0x1D490  }
0xe9: {  	s3 =	sshra.s32 @!p2 s23, $0x1F;
	p3 =	por !p3, p2;
	s0 =	sshrl.u32 @!p2 s0, $0x1  }
0xea: {  	s3 =	sand.u32 @!p2 s3, s23;
	s2 =	simm.s32 @p3 $0x1D490;
	s0 =	smul.u32 @!p2 $0x3, s0  }
0xeb: {  	s2 =	ssub.s32 @!p2 s2, s3  }
0xec: {  	s2 =	sadd.s32 @!p2 $0xFFFE2B70, s2;
	s0 =	ssub.s32 @!p2 s24, s0  }
0xed: {  	s3 =	sshll.u32 @!p2 s2, $0x2;
	p3 =	sgt.s32 @!p2 s2, $0x2F;
	s0 =	smul.u32 @!p2 $0xC0, s0  }
0xee: {  	s4 =	sand.u32 @!p2 $0x7, s23;
	s2 =	ssub.s32 @!p2 $0xC0, s3;
	p3 =	por !p3, p2  }
0xef: {  	s3 =	sshrl.u32 @!p2 s23, $0x3;
	s2 =	sshrl.u32 @!p2 s2, $0x2;
	s0 =	sshrl.u32 @!p2 s0, $0x2  }
0xf0: {  	s3 =	sadd.s32 @!p2 s3, s14;
	s2 =	simm.s32 @!p3 $0x0;
	s0 =	sadd.s32 @!p2 $0x10848, s0  }
0xf1: {  	[tilespmem:s0], [sflag:$0xA] =	stream.linear.gather @!p2 [hbm4b:s3+s4], s2, $0x38;
	[tilespmem:$0x1C938] =	vst v63  }
0xf2: {  	s0 =	sadd.s32 $0xFFFFFFFF, s24  }
0xf3: {  	p2 =	slt.u32 s0, s12  }
.Ltmp8:
0xf4: {  	_ = 	snop;
	(pc) =	sbr.rel @!p2 .LBB3_11-.Ltmp8, $1  }
0xf5: {  	_ =	sdelay $0x3  }
0xf6: {  	p2 =	sgt.s32 s22, $0x1D490;
	s2 =	smov.u32 s22;
	s3 =	sshra.s32 s22, $0x1F  }
0xf7: {  	s2 =	simm.s32 @!p2 $0x1D490;
	s3 =	sand.u32 s3, s22  }
0xf8: {  	s21 =	smulhi.u32 $0xAAAAAAAB, s0;
	s2 =	ssub.s32 s2, s3  }
0xf9: {  	s26 =	sand.u32 $0x1, s0;
	s7 =	simm.s32 $0xA;
	s2 =	sadd.s32 $0xFFFE2B70, s2  }
0xfa: {  	s30 =	smul.u32 $0xC0, s26;
	s3 =	sshrl.u32 s21, $0x1;
	s4 =	sshll.u32 s2, $0x2  }
0xfb: {  	s5 =	sshrl.u32 s22, $0x3;
	s3 =	smul.u32 $0x3, s3;
	s4 =	ssub.s32 $0xC0, s4  }
0xfc: {  	s10 =	sand.u32 $0x7, s22;
	p2 =	sgt.s32 s2, $0x2F;
	s2 =	sshrl.u32 s4, $0x2  }
0xfd: {  	s29 =	ssub.s32 s0, s3;
	s3 =	sshrl.u32 s30, $0x2;
	s2 =	simm.s32 @p2 $0x0  }
0xfe: {  	s3 =	sadd.s32 $0x108D8, s3;
	s0 =	smul.u32 $0xC0, s29;
	_ =	swait.ge [sflag:s7], s2  }
0xff: {  	s31 =	ssub.s32 $0x0, s2;
	[sflag:s7] =	ssyncset.done $0x0;
	s9 =	rddreg [dreg:$0x7]  }
0x100: {  	s28 =	sshrl.u32 s0, $0x2;
	[sflag:s7] =	ssyncadd.s32 s31;
	s4 =	sadd.s32 s5, s9  }
0x101: {  	[tilespmem:s3], [sflag:$0xB] =	stream.linear.gather [hbm4b:s4+s10], s2, $0x38;
	[tilespmem:$0x1C938] =	vst v63  }
0x102: {  	v1 =	vld.msk [tilespmem:s28+$0x10848], $0xffff;
	_ =	sdelay $0x3  }
0x103: {  	s15 =	simm.s32 $0x0  }
0x104: {  	(v2sf) =	vpush v1, s15;
	_ =	sdelay $0x4  }
0x105: {  	s16 =	simm.s32 $0x1  }
0x106: {  	(v2sf) =	vpush v1, s16;
	_ =	sdelay $0x5  }
0x107: {  	s29 =	simm.s32 $0x2  }
0x108: {  	(v2sf) =	vpush v1, s29  }
0x109: {  	s30 =	simm.s32 $0x3  }
0x10a: {  	s21 =	spop (v2sf);
	(v2sf) =	vpush v1, s30  }
0x10b: {  	s0 =	simm.s32 $0x1  }
0x10c: {  	s0 =	simm.s32 @!p0 $0x0  }
0x10d: {  	s0 =	smul.u32 $0x18000, s0;
	s26 =	sshll.u32 s21, $0x9;
	s2 =	sshll.u32 s21, $0x7  }
0x10e: {  	s3 =	sand.u32 $0xFFFFF000, s26;
	s2 =	sand.u32 $0x380, s2  }
0x10f: {  	s0 =	sshrl.u32 s0, $0x2;
	s2 =	sor.u32 s2, s3  }
0x110: {  	s31 =	spop (v2sf);
	s26 =	sadd.s32 $0x14938, s0;
	s3 =	sshrl.u32 s2, $0x3  }
0x111: {  	s4 =	sshll.u32 s31, $0x9;
	s2 =	sor.u32 $0x10938, s0;
	s3 =	sadd.s32 s6, s3  }
0x112: {  	[tilespmem:s2], [sflag:$0x9] =	stream.strided.gather [hbm4b:s3+s19], $0x200, s20, s19, $0x38;
	[tilespmem:$0x1C938] =	vst v63  }
0x113: {  	s5 =	sshll.u32 s31, $0x7;
	s0 =	sadd.s32 $0x12938, s0;
	s3 =	simm.s32 $0x4  }
.LBB3_5:
0x114: {  	(v2sf) =	vpush v1, s3;
	s4 =	sand.u32 $0xFFFFF000, s4;
	s5 =	sand.u32 $0x380, s5;
	p2 =	seq.s32 s3, $0xF  }
.Ltmp9:
0x115: {  	s3 =	sadd.s32 $0x1, s3;
	s4 =	sor.u32 s5, s4;
	(pc) =	sbr.rel @!p2 .LBB3_5-.Ltmp9, $4  }
0x116: {  	s4 =	sshrl.u32 s4, $0x3  }
0x117: {  	s2 =	sadd.s32 $0x200, s2;
	s5 =	spop (v2sf);
	s4 =	sadd.s32 s6, s4  }
0x118: {  	[tilespmem:s2], [sflag:$0x9] =	stream.strided.gather [hbm4b:s4+s19], $0x200, s20, s19, $0x38;
	[tilespmem:$0x1C938] =	vst v63  }
0x119: {  	s4 =	sshll.u32 s5, $0x9;
	s5 =	sshll.u32 s5, $0x7  }
0x11a: {  	s3 =	sand.u32 $0xFFFFF000, s4;
	s30 =	sand.u32 $0x380, s5  }
0x11b: {  	s3 =	sor.u32 s30, s3  }
0x11c: {  	s31 =	spop (v2sf);
	s2 =	sadd.s32 $0x200, s2;
	s3 =	sshrl.u32 s3, $0x3  }
0x11d: {  	s5 =	sshll.u32 s31, $0x9;
	s4 =	sshll.u32 s31, $0x7;
	s3 =	sadd.s32 s6, s3  }
0x11e: {  	[tilespmem:s2], [sflag:$0x9] =	stream.strided.gather [hbm4b:s3+s19], $0x200, s20, s19, $0x38;
	[tilespmem:$0x1C938] =	vst v63  }
0x11f: {  	s4 =	sand.u32 $0x380, s4;
	s3 =	sand.u32 $0xFFFFF000, s5  }
0x120: {  	s3 =	sor.u32 s4, s3  }
0x121: {  	s3 =	sshrl.u32 s3, $0x3  }
0x122: {  	s2 =	sadd.s32 $0x200, s2;
	s3 =	sadd.s32 s6, s3  }
0x123: {  	[tilespmem:s2], [sflag:$0x9] =	stream.strided.gather [hbm4b:s3+s19], $0x200, s20, s19, $0x38;
	[tilespmem:$0x1C938] =	vst v63  }
0x124: {  	s7 =	spop (v2sf)  }
0x125: {  	s9 =	sshll.u32 s7, $0x9;
	s4 =	sshll.u32 s7, $0x7  }
0x126: {  	s3 =	sand.u32 $0xFFFFF000, s9;
	s4 =	sand.u32 $0x380, s4  }
0x127: {  	s3 =	sor.u32 s4, s3  }
0x128: {  	s3 =	sshrl.u32 s3, $0x3  }
0x129: {  	s2 =	sadd.s32 $0x200, s2;
	s3 =	sadd.s32 s6, s3  }
0x12a: {  	[tilespmem:s2], [sflag:$0x9] =	stream.strided.gather [hbm4b:s3+s19], $0x200, s20, s19, $0x38;
	[tilespmem:$0x1C938] =	vst v63  }
0x12b: {  	v1 =	vld.msk [tilespmem:s28+$0x10858], $0xffff;
	_ =	sdelay $0x3  }
0x12c: {  	s10 =	simm.s32 $0x0  }
0x12d: {  	(v2sf) =	vpush v1, s10;
	_ =	sdelay $0x7  }
0x12e: {  	s15 =	simm.s32 $0x1  }
0x12f: {  	(v2sf) =	vpush v1, s15;
	_ =	sdelay $0x4  }
0x130: {  	s29 =	simm.s32 $0x2  }
0x131: {  	s16 =	spop (v2sf);
	(v2sf) =	vpush v1, s29  }
0x132: {  	s30 =	simm.s32 $0x3  }
0x133: {  	(v2sf) =	vpush v1, s30;
	_ =	sdelay $0x2  }
0x134: {  	s21 =	sshll.u32 s16, $0x9;
	s2 =	sshll.u32 s16, $0x7  }
0x135: {  	s3 =	sand.u32 $0xFFFFF000, s21;
	s2 =	sand.u32 $0x380, s2  }
0x136: {  	s2 =	sor.u32 s2, s3  }
0x137: {  	s2 =	sshrl.u32 s2, $0x3  }
0x138: {  	s31 =	spop (v2sf);
	s2 =	sadd.s32 s6, s2  }
0x139: {  	[tilespmem:s0], [sflag:$0x9] =	stream.strided.gather [hbm4b:s2+s19], $0x200, s20, s19, $0x38;
	[tilespmem:$0x1C938] =	vst v63  }
0x13a: {  	s4 =	sshll.u32 s31, $0x7;
	s3 =	sshll.u32 s31, $0x9;
	s2 =	simm.s32 $0x4  }
.LBB3_7:
0x13b: {  	(v2sf) =	vpush v1, s2;
	s3 =	sand.u32 $0xFFFFF000, s3;
	s4 =	sand.u32 $0x380, s4;
	p2 =	sne.s32 s2, $0xF  }
.Ltmp10:
0x13c: {  	s2 =	sadd.s32 $0x1, s2;
	s3 =	sor.u32 s4, s3;
	(pc) =	sbr.rel @p2 .LBB3_7-.Ltmp10, $4  }
0x13d: {  	s3 =	sshrl.u32 s3, $0x3  }
0x13e: {  	s0 =	sadd.s32 $0x200, s0;
	s4 =	spop (v2sf);
	s3 =	sadd.s32 s6, s3  }
0x13f: {  	[tilespmem:s0], [sflag:$0x9] =	stream.strided.gather [hbm4b:s3+s19], $0x200, s20, s19, $0x38;
	[tilespmem:$0x1C938] =	vst v63  }
0x140: {  	s3 =	sshll.u32 s4, $0x9;
	s4 =	sshll.u32 s4, $0x7  }
0x141: {  	s2 =	sand.u32 $0xFFFFF000, s3;
	s4 =	sand.u32 $0x380, s4  }
0x142: {  	s2 =	sor.u32 s4, s2  }
0x143: {  	s5 =	spop (v2sf);
	s0 =	sadd.s32 $0x200, s0;
	s2 =	sshrl.u32 s2, $0x3  }
0x144: {  	s7 =	sshll.u32 s5, $0x9;
	s3 =	sshll.u32 s5, $0x7;
	s2 =	sadd.s32 s6, s2  }
0x145: {  	[tilespmem:s0], [sflag:$0x9] =	stream.strided.gather [hbm4b:s2+s19], $0x200, s20, s19, $0x38;
	[tilespmem:$0x1C938] =	vst v63  }
0x146: {  	s3 =	sand.u32 $0x380, s3;
	s2 =	sand.u32 $0xFFFFF000, s7  }
0x147: {  	s2 =	sor.u32 s3, s2  }
0x148: {  	s2 =	sshrl.u32 s2, $0x3  }
0x149: {  	s0 =	sadd.s32 $0x200, s0;
	s2 =	sadd.s32 s6, s2  }
0x14a: {  	[tilespmem:s0], [sflag:$0x9] =	stream.strided.gather [hbm4b:s2+s19], $0x200, s20, s19, $0x38;
	[tilespmem:$0x1C938] =	vst v63  }
0x14b: {  	s9 =	spop (v2sf)  }
0x14c: {  	s10 =	sshll.u32 s9, $0x9;
	s3 =	sshll.u32 s9, $0x7  }
0x14d: {  	s2 =	sand.u32 $0xFFFFF000, s10;
	s3 =	sand.u32 $0x380, s3  }
0x14e: {  	s2 =	sor.u32 s3, s2  }
0x14f: {  	s2 =	sshrl.u32 s2, $0x3  }
0x150: {  	s0 =	sadd.s32 $0x200, s0;
	s2 =	sadd.s32 s6, s2  }
0x151: {  	[tilespmem:s0], [sflag:$0x9] =	stream.strided.gather [hbm4b:s2+s19], $0x200, s20, s19, $0x38;
	[tilespmem:$0x1C938] =	vst v63  }
0x152: {  	v1 =	vld.msk [tilespmem:s28+$0x10868], $0xffff;
	_ =	sdelay $0x3  }
0x153: {  	s15 =	simm.s32 $0x0  }
0x154: {  	(v2sf) =	vpush v1, s15;
	_ =	sdelay $0x7  }
0x155: {  	s16 =	simm.s32 $0x1  }
0x156: {  	(v2sf) =	vpush v1, s16;
	_ =	sdelay $0x4  }
0x157: {  	s29 =	simm.s32 $0x2  }
0x158: {  	s21 =	spop (v2sf);
	(v2sf) =	vpush v1, s29  }
0x159: {  	s30 =	simm.s32 $0x3  }
0x15a: {  	(v2sf) =	vpush v1, s30;
	_ =	sdelay $0x2  }
0x15b: {  	s28 =	sshll.u32 s21, $0x9;
	s0 =	sshll.u32 s21, $0x7  }
0x15c: {  	s2 =	sand.u32 $0xFFFFF000, s28;
	s0 =	sand.u32 $0x380, s0  }
0x15d: {  	s0 =	sor.u32 s0, s2  }
0x15e: {  	s0 =	sshrl.u32 s0, $0x3  }
0x15f: {  	s31 =	spop (v2sf);
	s0 =	sadd.s32 s6, s0  }
0x160: {  	[tilespmem:s26], [sflag:$0x9] =	stream.strided.gather [hbm4b:s0+s19], $0x200, s20, s19, $0x38;
	[tilespmem:$0x1C938] =	vst v63  }
0x161: {  	s3 =	sshll.u32 s31, $0x7;
	s2 =	sshll.u32 s31, $0x9;
	s0 =	simm.s32 $0x4  }
.LBB3_9:
0x162: {  	(v2sf) =	vpush v1, s0;
	s2 =	sand.u32 $0xFFFFF000, s2;
	s3 =	sand.u32 $0x380, s3;
	p2 =	seq.s32 s0, $0xF  }
.Ltmp11:
0x163: {  	s0 =	sadd.s32 $0x1, s0;
	s2 =	sor.u32 s3, s2;
	(pc) =	sbr.rel @!p2 .LBB3_9-.Ltmp11, $4  }
0x164: {  	s2 =	sshrl.u32 s2, $0x3  }
0x165: {  	s26 =	sadd.s32 $0x200, s26;
	s3 =	spop (v2sf);
	s2 =	sadd.s32 s6, s2  }
0x166: {  	[tilespmem:s26], [sflag:$0x9] =	stream.strided.gather [hbm4b:s2+s19], $0x200, s20, s19, $0x38;
	[tilespmem:$0x1C938] =	vst v63  }
0x167: {  	s2 =	sshll.u32 s3, $0x9;
	s3 =	sshll.u32 s3, $0x7  }
0x168: {  	s0 =	sand.u32 $0xFFFFF000, s2;
	s16 =	sand.u32 $0x380, s3  }
0x169: {  	s0 =	sor.u32 s16, s0  }
0x16a: {  	s21 =	spop (v2sf);
	s26 =	sadd.s32 $0x200, s26;
	s0 =	sshrl.u32 s0, $0x3  }
0x16b: {  	s28 =	sshll.u32 s21, $0x9;
	s2 =	sshll.u32 s21, $0x7;
	s0 =	sadd.s32 s6, s0  }
0x16c: {  	[tilespmem:s26], [sflag:$0x9] =	stream.strided.gather [hbm4b:s0+s19], $0x200, s20, s19, $0x38;
	[tilespmem:$0x1C938] =	vst v63  }
0x16d: {  	s2 =	sand.u32 $0x380, s2;
	s0 =	sand.u32 $0xFFFFF000, s28  }
0x16e: {  	s0 =	sor.u32 s2, s0  }
0x16f: {  	s0 =	sshrl.u32 s0, $0x3  }
0x170: {  	s3 =	sadd.s32 $0x200, s26;
	s0 =	sadd.s32 s6, s0  }
0x171: {  	[tilespmem:s3], [sflag:$0x9] =	stream.strided.gather [hbm4b:s0+s19], $0x200, s20, s19, $0x38;
	[tilespmem:$0x1C938] =	vst v63  }
0x172: {  	s29 =	spop (v2sf)  }
0x173: {  	s30 =	sshll.u32 s29, $0x9;
	s2 =	sshll.u32 s29, $0x7  }
0x174: {  	s0 =	sand.u32 $0xFFFFF000, s30;
	s2 =	sand.u32 $0x380, s2  }
0x175: {  	s0 =	sor.u32 s2, s0  }
0x176: {  	s0 =	sshrl.u32 s0, $0x3  }
0x177: {  	s31 =	sadd.s32 $0x200, s3;
	s0 =	sadd.s32 s6, s0  }
0x178: {  	[tilespmem:s31], [sflag:$0x9] =	stream.strided.gather [hbm4b:s0+s19], $0x200, s20, s19, $0x38;
	[tilespmem:$0x1C938] =	vst v63  }
.LBB3_11:
0x179: {  	p2 =	slt.u32 s24, $0x2  }
.Ltmp12:
0x17a: {  	_ = 	snop;
	(pc) =	sbr.rel @p2 .LBB3_35-.Ltmp12, $1  }
0x17b: {  	_ =	sdelay $0x3  }
0x17c: {  	p2 =	sgt.s32 s25, $0x1D490;
	s0 =	smov.u32 s25;
	s2 =	sshra.s32 s25, $0x1F  }
0x17d: {  	s0 =	simm.s32 @!p2 $0x1D490;
	s2 =	sand.u32 s2, s25  }
0x17e: {  	s0 =	ssub.s32 s0, s2  }
0x17f: {  	s0 =	sadd.s32 $0xFFFE2B70, s0  }
0x180: {  	s3 =	simm.s32 $0x9;
	s30 =	sshll.u32 s0, $0x2  }
0x181: {  	_ =	swait.ge [sflag:s3], $0x6000;
	s2 =	ssub.s32 $0xC0, s30  }
0x182: {  	[sflag:s3] =	ssyncset.done $0x0;
	p2 =	sgt.s32 s0, $0x2F;
	s0 =	sshrl.u32 s2, $0x2  }
0x183: {  	s31 =	simm.s32 $0xB;
	[sflag:s3] =	ssyncadd.s32 $0xFFFFA000;
	s0 =	simm.s32 @p2 $0x0  }
0x184: {  	_ =	swait.ge [sflag:s31], s0  }
0x185: {  	s0 =	ssub.s32 $0x0, s0;
	[sflag:s31] =	ssyncset.done $0x0  }
0x186: {  	[sflag:s31] =	ssyncadd.s32 s0  }
0x187: {  	v1 =	vld [tilespmem:$0xC808];
	_ =	sdelay $0x4  }
0x188: {  	(v2sf) =	vpush v1, $0x0  }
0x189: {  	(v2sf) =	vpush v1, $0x1  }
0x18a: {  	(v2sf) =	vpush v1, $0x2;
	_ =	sdelay $0x3  }
0x18b: {  	s2 =	sadd.s32 $0x30, s25  }
0x18c: {  	s3 =	ssub.s32 $0x3A980, s25;
	p2 =	slt.s32 s8, s2  }
0x18d: {  	s2 =	smov.u32 @p2 s8;
	p2 =	sgt.s32 s3, $0x0  }
0x18e: {  	s26 =	ssub.s32 s2, s25;
	s3 =	simm.s32 @!p2 $0x0  }
0x18f: {  	p2 =	slt.s32 s3, s26  }
0x190: {  	s26 =	smov.u32 @p2 s3  }
0x191: {  	s0 =	simm.s32 $0x1;
	p2 =	slt.s32 s26, $0x1  }
.Ltmp13:
0x192: {  	s0 =	simm.s32 @!p1 $0x0;
	(pc) =	sbr.rel @p2 .LBB3_16-.Ltmp13, $4  }
0x193: {  	s4 =	smul.u32 $0xC0, s0  }
0x194: {  	s2 =	spop (v2sf)  }
0x195: {  	s4 =	sshrl.u32 s4, $0x2;
	s3 =	spop (v2sf)  }
0x196: {  	s4 =	sadd.s32 $0x108D8, s4;
	s25 =	spop (v2sf)  }
0x197: {  	s5 =	smin.u32 s26, $0x10  }
0x198: {  	v1 =	vmov s5  }
0x199: {  	vm1 =	vgt.u32 v1, v0  }
0x19a: {  	p3 =	sgt.s32 s26, $0x10  }
.Ltmp14:
0x19b: {  	_ = 	snop;
	(pc) =	sbr.rel @!p3 .LBB3_15-.Ltmp14, $2  }
0x19c: {  	_ =	sdelay $0x2  }
0x19d: {  	s9 =	simm.s32 $0x10;
	s16 =	sadd.s32 $0xFFFFFFF0, s26;
	s5 =	smov.u32 s4;
	vm0 =	vmmov vm1;
	v1 =	vld.msk [tilespmem:s4+$0x0 ss:$0x1], vm1  }
.LBB3_14:
0x19e: {  	s10 =	smin.u32 s16, $0x10;
	s9 =	sadd.s32 $0x10, s9  }
0x19f: {  	v2 =	vmov s10;
	p3 =	slt.s32 s9, s26  }
0x1a0: {  	vm1 =	vgt.u32 v2, v0;
	_ =	sdelay $0x1  }
0x1a1: {  	v2 =	vshll.u32 v1, $0x6;
	v1 =	vshll.u32 v1, $0x4  }
.Ltmp15:
0x1a2: {  	v2 =	vand.u32 $0xFFFFFE00, v2;
	v1 =	vand.u32 $0x70, v1;
	(pc) =	sbr.rel @p3 .LBB3_14-.Ltmp15, $4  }
0x1a3: {  	v1 =	vor.u32 v1, v2  }
0x1a4: {  	[tilespmem:s5+$0x0] =	vst.msk vm0, v1;
	s5 =	sadd.s32 $0x10, s5;
	vm0 =	vmmov vm1  }
0x1a5: {  	v1 =	vld.msk [tilespmem:s5+$0x0 ss:$0x1], vm1  }
0x1a6: {  	s16 =	sadd.s32 $0xFFFFFFF0, s16  }
.LBB3_15:
0x1a7: {  	_ =	sdelay $0x3  }
0x1a8: {  	v2 =	vshll.u32 v1, $0x6;
	v1 =	vshll.u32 v1, $0x4  }
0x1a9: {  	v2 =	vand.u32 $0xFFFFFE00, v2;
	v1 =	vand.u32 $0x70, v1  }
0x1aa: {  	v1 =	vor.u32 v1, v2  }
0x1ab: {  	[tilespmem:s5+$0x0] =	vst.msk vm0, v1  }
.LBB3_16:
0x1ac: {  	s5 =	sand.u32 $0x1, s24  }
0x1ad: {  	s5 =	smul.u32 $0x30, s5  }
0x1ae: {  	p3 =	sne.s32 s3, $0xFFFFFFFF  }
0x1af: {  	v1 =	vld.msk @!p3 [tilespmem:s5+$0x108D8], $0x1;
	_ =	sdelay $0x4  }
0x1b0: {  	(v2sf) =	vpush @!p3 v1, $0x0;
	_ =	sdelay $0xc  }
.Ltmp16:
0x1b1: {  	_ = 	snop;
	(pc) =	sbr.rel @p2 .LBB3_33-.Ltmp16, $4  }
0x1b2: {  	_ = 	snop  }
0x1b3: {  	s31 =	spop @!p3 (v2sf)  }
0x1b4: {  	s25 =	simm.s32 @!p3 $0x0;
	s28 =	smov.u32 s31  }
0x1b5: {  	[sflag:s18] =	ssyncpa.u1 $0x0;
	s31 =	smov.u32 @p3 s2;
	s28 =	smov.u32 @p3 s3  }
0x1b6: {  	v1 =	vld.msk [tilespmem:s4+$0x0], $0x1;
	_ =	sdelay $0x4  }
0x1b7: {  	(v2sf) =	vpush v1, $0x0;
	_ =	sdelay $0xe  }
0x1b8: {  	s17 =	smov.u32 s12;
	s2 =	spop (v2sf)  }
0x1b9: {  	s14 =	smov.u32 s8;
	s0 =	smul.u32 $0x18000, s0;
	p2 =	seq.s32 s31, s2  }
0x1ba: {  	s8 =	smov.u32 s11;
	s3 =	ssub.s32 $0x0, s26;
	p3 =	sgt.s32 @!p2 s31, $0x0  }
0x1bb: {  	s9 =	smov.u32 s31;
	s0 =	sshrl.u32 s0, $0x2;
	p3 =	por !p3, p2  }
0x1bc: {  	s29 =	sor.u32 $0x10938, s0;
	s0 =	sadd.s32 $0x108D8, s5;
	s9 =	simm.s32 @p3 $0x0  }
0x1bd: {  	s5 =	sadd.s32 $0x1, s3;
	s10 =	simm.s32 @!p2 $0x6608;
	s9 =	smin.u32 @!p2 s9, $0x9FE70  }
0x1be: {  	p3 =	seq.s32 s5, $0x0;
	s16 =	sand.u32 @!p2 $0xFFFF8, s9;
	s11 =	sadd.s32 @!p2 $0x80, s9  }
0x1bf: {  	s15 =	sadd.s32 @!p2 s1, s16;
	s16 =	sand.u32 @!p2 $0x7, s9;
	s11 =	sand.u32 @!p2 $0x1FFFF8, s11  }
0x1c0: {  	[tilespmem:s10], [sflag:$0x2] =	stream.linear.gather @!p2 [hbm4b:s15+s16], $0x80, $0x38;
	[tilespmem:$0x1C938] =	vst v63  }
0x1c1: {  	s12 =	sadd.s32 @!p2 $0x100, s9;
	s10 =	simm.s32 @!p2 $0x6688;
	s11 =	sadd.s32 @!p2 s1, s11  }
0x1c2: {  	[tilespmem:s10], [sflag:$0x2] =	stream.linear.gather @!p2 [hbm4b:s11+s16], $0x80, $0x38;
	[tilespmem:$0x1C938] =	vst v63  }
.Ltmp17:
0x1c3: {  	s30 =	simm.s32 $0x0;
	s12 =	sand.u32 @!p2 $0x1FFFF8, s12;
	(pc) =	sbr.rel @p3 .LBB3_19-.Ltmp17, $4  }
0x1c4: {  	s9 =	sadd.s32 @!p2 $0x180, s9;
	s10 =	simm.s32 @!p2 $0x6708;
	s11 =	sadd.s32 @!p2 s1, s12  }
0x1c5: {  	[tilespmem:s10], [sflag:$0x2] =	stream.linear.gather @!p2 [hbm4b:s11+s16], $0x80, $0x38;
	[tilespmem:$0x1C938] =	vst v63  }
0x1c6: {  	s4 =	sadd.s32 $0x1, s4;
	s3 =	simm.s32 @!p2 $0x1;
	s10 =	sand.u32 @!p2 $0x1FFFF8, s9  }
0x1c7: {  	s3 =	smov.u32 @p2 s30;
	s9 =	simm.s32 @!p2 $0x6788;
	s10 =	sadd.s32 @!p2 s1, s10  }
.LBB3_18:
0x1c8: {  	s11 =	smov.u32 s3  }
0x1c9: {  	[tilespmem:s9], [sflag:$0x2] =	stream.linear.gather @!p2 [hbm4b:s10+s16], $0x80, $0x38;
	[tilespmem:$0x1C938] =	vst v63  }
0x1ca: {  	s5 =	sadd.s32 $0x1, s5;
	s9 =	smov.u32 s2  }
0x1cb: {  	p3 =	seq.s32 s5, $0x0;
	v1 =	vld.msk [tilespmem:s4+$0x0], $0x1;
	_ =	sdelay $0x4  }
0x1cc: {  	(v2sf) =	vpush v1, $0x0;
	_ =	sdelay $0xe  }
0x1cd: {  	s2 =	spop (v2sf)  }
0x1ce: {  	p2 =	seq.s32 s9, s2  }
0x1cf: {  	p4 =	sgt.s32 @!p2 s9, $0x0;
	s10 =	sshll.u32 @!p2 s3, $0xB;
	s3 =	sadd.s32 @!p2 $0x1, s3  }
0x1d0: {  	p4 =	por !p4, p2;
	s10 =	sshra.s32 @!p2 s10, $0x2;
	s3 =	smov.u32 @p2 s11  }
0x1d1: {  	s9 =	simm.s32 @p4 $0x0;
	s11 =	sadd.s32 @!p2 $0x6608, s10;
	s12 =	sadd.s32 @!p2 $0x6688, s10  }
0x1d2: {  	s18 =	sadd.s32 @!p2 $0x6708, s10;
	s15 =	smin.u32 @!p2 s9, $0x9FE70;
	s9 =	sadd.s32 @!p2 $0x6788, s10  }
0x1d3: {  	s10 =	sand.u32 @!p2 $0xFFFF8, s15;
	s7 =	sadd.s32 @!p2 $0x80, s15;
	s21 =	sadd.s32 @!p2 $0x100, s15  }
0x1d4: {  	s16 =	sand.u32 @!p2 $0x7, s15;
	s10 =	sadd.s32 @!p2 s1, s10;
	s7 =	sand.u32 @!p2 $0x1FFFF8, s7  }
0x1d5: {  	[tilespmem:s11], [sflag:$0x2] =	stream.linear.gather @!p2 [hbm4b:s10+s16], $0x80, $0x38;
	[tilespmem:$0x1C938] =	vst v63  }
0x1d6: {  	s7 =	sadd.s32 @!p2 s1, s7  }
.Ltmp18:
0x1d7: {  	s10 =	sand.u32 @!p2 $0x1FFFF8, s21;
	s11 =	sadd.s32 @!p2 $0x180, s15;
	(pc) =	sbr.rel @!p3 .LBB3_18-.Ltmp18, $4  }
0x1d8: {  	[tilespmem:s12], [sflag:$0x2] =	stream.linear.gather @!p2 [hbm4b:s7+s16], $0x80, $0x38;
	[tilespmem:$0x1C938] =	vst v63  }
0x1d9: {  	s7 =	sadd.s32 @!p2 s1, s10;
	s10 =	sand.u32 @!p2 $0x1FFFF8, s11  }
0x1da: {  	[tilespmem:s18], [sflag:$0x2] =	stream.linear.gather @!p2 [hbm4b:s7+s16], $0x80, $0x38;
	[tilespmem:$0x1C938] =	vst v63  }
0x1db: {  	s4 =	sadd.s32 $0x1, s4;
	s10 =	sadd.s32 @!p2 s1, s10  }
.LBB3_19:
0x1dc: {  	[tilespmem:s9], [sflag:$0x2] =	stream.linear.gather @!p2 [hbm4b:s10+s16], $0x80, $0x38;
	[tilespmem:$0x1C938] =	vst v63  }
0x1dd: {  	s2 =	sshll.u32 s3, $0x9;
	s21 =	simm.s32 $0x2  }
.Ltmp19:
0x1de: {  	s4 =	simm.s32 $0x0;
	s2 =	sand.u32 $0x3FFFFE00, s2;
	(pc) =	sbr.rel .LBB3_20-.Ltmp19, $4  }
0x1df: {  	s5 =	simm.s32 $0x0;
	s11 =	smov.u32 s8;
	_ =	swait.ge [sflag:s21], s2  }
0x1e0: {  	s8 =	smov.u32 s14;
	s12 =	smov.u32 s17;
	s14 =	rddreg [dreg:$0x6]  }
0x1e1: {  	s2 =	ssub.s32 $0x0, s2;
	[sflag:s21] =	ssyncset.done $0x0;
	s15 =	rddreg [dreg:$0x8]  }
0x1e2: {  	v1 =	vmov s0;
	s18 =	simm.s32 $0xC;
	s17 =	rddreg [dreg:$0x9];
	[sflag:s21] =	ssyncadd.s32 s2  }
.LBB3_30:
0x1e3: {  	[tilespmem:s2+$0x0] =	vst v2;
	s30 =	sadd.s32 $0x1, s30  }
.LBB3_31:
0x1e4: {  	s5 =	sadd.s32 $0x1, s5  }
0x1e5: {  	p2 =	sne.s32 s5, s26  }
.Ltmp20:
0x1e6: {  	_ = 	snop;
	(pc) =	sbr.rel @!p2 .LBB3_32-.Ltmp20, $2  }
0x1e7: {  	_ =	sdelay $0x2  }
0x1e8: {  	s29 =	sadd.s32 $0x200, s29;
	s31 =	smov.u32 s0  }
.LBB3_20:
0x1e9: {  	_ =	sdelay $0x3  }
0x1ea: {  	v2 =	vld.idx.msk [tilespmem:v1+s5+$0x0 ss:$0x1], $0x1;
	_ =	sdelay $0x4  }
0x1eb: {  	(v2sf) =	vpush v2, $0x0;
	_ =	sdelay $0xe  }
0x1ec: {  	s0 =	spop (v2sf)  }
0x1ed: {  	p2 =	sne.s32 s31, s0  }
.Ltmp21:
0x1ee: {  	_ = 	snop;
	(pc) =	sbr.rel @p2 .LBB3_24-.Ltmp21, $3  }
0x1ef: {  	_ =	sdelay $0x1  }
0x1f0: {  	s2 =	sshll.u32 s25, $0xB  }
0x1f1: {  	s2 =	sshra.s32 s2, $0x2  }
0x1f2: {  	s2 =	sadd.s32 $0x408, s2;
	s3 =	simm.s32 $0x0;
	v2 =	vld [tilespmem:s29+$0x0];
	s9 =	smov.u32 s29  }
.LBB3_22:
0x1f3: {  	s3 =	sadd.s32 $0x10, s3  }
0x1f4: {  	p2 =	slt.u32 s3, $0x1F0  }
.Ltmp22:
0x1f5: {  	_ = 	snop;
	(pc) =	sbr.rel @p2 .LBB3_22-.Ltmp22, $3  }
0x1f6: {  	_ =	sdelay $0x1  }
0x1f7: {  	s9 =	sadd.s32 $0x10, s9;
	[tilespmem:s2+$0x0] =	vst.add.f32.msk $0xffff, v2;
	s2 =	sadd.s32 $0x10, s2  }
0x1f8: {  	v2 =	vld [tilespmem:s9+$0x0]  }
.Ltmp23:
0x1f9: {  	_ = 	snop;
	(pc) =	sbr.rel .LBB3_31-.Ltmp23, $2  }
0x1fa: {  	_ =	sdelay $0x2  }
0x1fb: {  	[tilespmem:s2+$0x0] =	vst.add.f32.msk $0xffff, v2  }
.LBB3_24:
0x1fc: {  	p2 =	seq.s32 s31, s28  }
.Ltmp24:
0x1fd: {  	_ = 	snop;
	(pc) =	sbr.rel @!p2 .LBB3_25-.Ltmp24, $1  }
0x1fe: {  	_ =	sdelay $0x3  }
.Ltmp25:
0x1ff: {  	s2 =	sadd.s32 $0x408, s2;
	(pc) =	sbr.rel .LBB3_28-.Ltmp25, $4  }
0x200: {  	[spmem:s15] =	stream.linear.scatter [tilespmem:s2], [sflag:$0x1], $0x200, $0x38;
	[tilespmem:$0x1C938] =	vst v63  }
0x201: {  	_ =	swait.ge [sflag:s13], $0x200  }
0x202: {  	[sflag:s13] =	ssyncset.done $0x0  }
0x203: {  	[sflag:s13] =	ssyncadd.s32 $0xFFFFFE00  }
.LBB3_25:
0x204: {  	s3 =	sshll.u32 s30, $0xB  }
0x205: {  	s3 =	sshra.s32 s3, $0x2  }
0x206: {  	s9 =	sadd.s32 $0x6608, s3;
	s3 =	sadd.s32 $0x408, s2  }
0x207: {  	s10 =	simm.s32 $0x0;
	v2 =	vld [tilespmem:s9+$0x0];
	s16 =	smov.u32 s3  }
.LBB3_26:
0x208: {  	s10 =	sadd.s32 $0x10, s10  }
0x209: {  	p2 =	slt.u32 s10, $0x1F0  }
.Ltmp26:
0x20a: {  	_ = 	snop;
	(pc) =	sbr.rel @p2 .LBB3_26-.Ltmp26, $3  }
0x20b: {  	_ =	sdelay $0x1  }
0x20c: {  	s9 =	sadd.s32 $0x10, s9;
	[tilespmem:s16+$0x0] =	vst.add.f32.msk $0xffff, v2;
	s16 =	sadd.s32 $0x10, s16  }
0x20d: {  	v2 =	vld [tilespmem:s9+$0x0]  }
0x20e: {  	_ =	sdelay $0x1  }
0x20f: {  	p2 =	sgt.u32 s31, $0x9FE70  }
0x210: {  	s7 =	sand.u32 @!p2 $0xFFFF8, s31  }
0x211: {  	s9 =	sand.u32 @!p2 $0x7, s31;
	s7 =	sadd.s32 @!p2 s1, s7;
	[tilespmem:s16+$0x0] =	vst.add.f32.msk $0xffff, v2  }
0x212: {  	[hbm4b:s7+s9] =	stream.linear.scatter @!p2 [tilespmem:s3], [sflag:$0xC], $0x80, $0x38;
	[tilespmem:$0x1C938] =	vst v63  }
0x213: {  	s3 =	sadd.s32 @!p2 $0x80, s31  }
0x214: {  	s3 =	sand.u32 @!p2 $0x1FFFF8, s3  }
0x215: {  	s7 =	sadd.s32 @!p2 $0x488, s2;
	s3 =	sadd.s32 @!p2 s1, s3  }
0x216: {  	[hbm4b:s3+s9] =	stream.linear.scatter @!p2 [tilespmem:s7], [sflag:$0xC], $0x80, $0x38;
	[tilespmem:$0x1C938] =	vst v63  }
0x217: {  	s3 =	sadd.s32 @!p2 $0x100, s31  }
0x218: {  	s3 =	sand.u32 @!p2 $0x1FFFF8, s3  }
0x219: {  	s7 =	sadd.s32 @!p2 $0x508, s2;
	s3 =	sadd.s32 @!p2 s1, s3  }
0x21a: {  	[hbm4b:s3+s9] =	stream.linear.scatter @!p2 [tilespmem:s7], [sflag:$0xC], $0x80, $0x38;
	[tilespmem:$0x1C938] =	vst v63  }
0x21b: {  	s3 =	sadd.s32 @!p2 $0x180, s31;
	s7 =	simm.s32 $0x0  }
0x21c: {  	s3 =	sand.u32 @!p2 $0x1FFFF8, s3;
	s7 =	simm.s32 @!p2 $0x800  }
0x21d: {  	s2 =	sadd.s32 @!p2 $0x588, s2;
	s3 =	sadd.s32 @!p2 s1, s3;
	s4 =	sadd.s32 s7, s4  }
0x21e: {  	[hbm4b:s3+s9] =	stream.linear.scatter @!p2 [tilespmem:s2], [sflag:$0xC], $0x80, $0x38;
	[tilespmem:$0x1C938] =	vst v63  }
.LBB3_28:
0x21f: {  	s2 =	sadd.s32 $0x1, s25  }
0x220: {  	s3 =	smulhi.u32 $0xAAAAAAAB, s2;
	_ =	sdelay $0x1  }
0x221: {  	s3 =	sshrl.u32 s3, $0x5  }
0x222: {  	s3 =	smul.u32 $0x30, s3;
	_ =	sdelay $0x1  }
0x223: {  	s25 =	ssub.s32 s2, s3  }
0x224: {  	s2 =	sshll.u32 s25, $0x9  }
0x225: {  	v2 =	vld [tilespmem:s29+$0x0];
	s9 =	smov.u32 s29;
	s3 =	simm.s32 $0x0;
	s2 =	sadd.s32 $0x408, s2  }
.LBB3_29:
0x226: {  	s3 =	sadd.s32 $0x10, s3  }
0x227: {  	p2 =	slt.u32 s3, $0x1F0  }
.Ltmp27:
0x228: {  	_ = 	snop;
	(pc) =	sbr.rel @p2 .LBB3_29-.Ltmp27, $3  }
0x229: {  	_ =	sdelay $0x1  }
0x22a: {  	[tilespmem:s2+$0x0] =	vst v2;
	s2 =	sadd.s32 $0x10, s2;
	s9 =	sadd.s32 $0x10, s9  }
0x22b: {  	v2 =	vld [tilespmem:s9+$0x0]  }
.Ltmp28:
0x22c: {  	_ = 	snop;
	(pc) =	sbr.rel .LBB3_30-.Ltmp28, $1  }
0x22d: {  	_ =	sdelay $0x3  }
.LBB3_33:
.Ltmp29:
0x22e: {  	(pc) =	sbr.rel .LBB3_34-.Ltmp29, $4  }
0x22f: {  	_ = 	snop  }
0x230: {  	s0 =	simm.s32 $0x2  }
0x231: {  	_ =	swait.ge [sflag:s0], $0x0  }
0x232: {  	s2 =	simm.s32 $0x0;
	[sflag:s0] =	ssyncset.done $0x0;
	s0 =	smov.u32 s31  }
.LBB3_36:
0x233: {  	_ =	sfence.sel $0x180000  }
0x234: {  	s0 =	simm.s32 $0x9;
	[bflag:$0x0] =	sbarrier.arrive $0xFFFF  }
0x235: {  	s24 =	simm.s32 $0xA;
	[sflag:s0] =	ssyncpa.u1 $0x1  }
0x236: {  	s25 =	simm.s32 $0xB;
	[sflag:s24] =	ssyncpa.u1 $0x1  }
0x237: {  	s26 =	simm.s32 $0x2;
	[sflag:s25] =	ssyncpa.u1 $0x1  }
0x238: {  	[sflag:s26] =	ssyncpa.u1 $0x1  }
0x239: {  	v0 =	vld [tilespmem:$0xC808];
	_ =	sdelay $0x4  }
0x23a: {  	(v2sf) =	vpush v0, $0x0  }
0x23b: {  	(v2sf) =	vpush v0, $0x1;
	_ =	sdelay $0x1  }
0x23c: {  	(v2sf) =	vpush v0, $0x2;
	_ =	sdelay $0xb  }
0x23d: {  	s0 =	spop (v2sf)  }
0x23e: {  	s2 =	spop (v2sf)  }
0x23f: {  	s3 =	smov.u32 s0;
	p0 =	sne.s32 s0, s2  }
0x240: {  	s4 =	spop (v2sf);
	s3 =	simm.s32 @!p0 $0xFFFFFFFF  }
0x241: {  	v2 =	vimm.s32 $0x1;
	v3 =	vlaneseq.u32;
	p0 =	seq.s32 s4, $0xFFFFFFFF;
	v1 =	vmov s3  }
0x242: {  	s17 =	stileid.u32;
	v0 =	vperm.xlane v0, v2;
	p1 =	sne.s32 @!p0 s0, s2;
	v1 =	vperm.xlane v1, v3  }
0x243: {  	vm0 =	vcmask $0x3F04;
	s6 =	simm.s32 $0xC808;
	s0 =	simm.s32 @!p0 $0x1;
	p1 =	por !p1, p0  }
0x244: {  	s3 =	sshll.u32 s17, $0x1;
	s2 =	sshll.u32 @!p0 s4, $0xB;
	s0 =	simm.s32 @p1 $0x0;
	v0 =	vsel vm0, v1, v0  }
0x245: {  	s5 =	sor.u32 $0x4000, s3;
	s2 =	sshra.s32 @!p0 s2, $0x2;
	s0 =	sor.u32 @!p0 s0, s3;
	[tilespmem:$0xC808] =	vst v0  }
0x246: {  	[spmem:s5] =	stream.linear.scatter [tilespmem:s6], [sflag:$0x1], $0x2, $0x38;
	[tilespmem:$0x1C938] =	vst v63  }
0x247: {  	s2 =	sadd.s32 @!p0 $0x408, s2;
	s0 =	sshll.u32 @!p0 s0, $0x9  }
0x248: {  	[spmem:s0] =	stream.linear.scatter @!p0 [tilespmem:s2], [sflag:$0x1], $0x200, $0x38;
	[tilespmem:$0x1C938] =	vst v63  }
0x249: {  	s0 =	simm.s32 @!p0 $0x202  }
0x24a: {  	s28 =	simm.s32 $0x1;
	s0 =	simm.s32 @p0 $0x2  }
0x24b: {  	_ =	swait.ge [sflag:s28], s0  }
0x24c: {  	s0 =	ssub.s32 $0x0, s0;
	[sflag:s28] =	ssyncset.done $0x0  }
0x24d: {  	p0 =	sne.s32 s17, $0x0;
	[sflag:s28] =	ssyncadd.s32 s0  }
.Ltmp30:
0x24e: {  	_ =	sfence.stream.spmem;
	(pc) =	sbr.rel @p0 .LBB3_61-.Ltmp30, $4  }
0x24f: {  	s29 =	simm.s32 $0x3;
	[bflag:$0x0] =	sbarrier.arrive $0xFFFF  }
0x250: {  	s30 =	simm.s32 $0x4;
	[sflag:s29] =	ssyncpa.u1 $0x1  }
0x251: {  	s31 =	simm.s32 $0x3C;
	[sflag:s30] =	ssyncpa.u1 $0x1  }
0x252: {  	s16 =	rddreg [dreg:$0x5];
	[sflag:s31] =	ssyncpa.u1 $0x1  }
0x253: {  	_ =	sfence.stream.spmem;
	s0 =	simm.s32 $0x5  }
0x254: {  	s2 =	simm.s32 $0x4000;
	s3 =	simm.s32 $0xC818;
	[sflag:s0] =	ssyncpa.u1 $0x0  }
0x255: {  	[tilespmem:s3], [sflag:$0x5] =	stream.linear.gather [spmem:s2], $0x20, $0x38;
	[tilespmem:$0x1C938] =	vst v63  }
0x256: {  	s26 =	simm.s32 $0x0;
	s28 =	simm.s32 $0xC838  }
0x257: {  	[tilespmem:s28], [sflag:$0x5] =	stream.linear.gather [spmem:s26], $0x4000, $0x38;
	[tilespmem:$0x1C938] =	vst v63  }
0x258: {  	_ =	swait.ge [sflag:s0], $0x4020  }
0x259: {  	[sflag:s0] =	ssyncset.done $0x0  }
0x25a: {  	s29 =	simm.s32 $0x0;
	[sflag:s0] =	ssyncadd.s32 $0xFFFFBFE0  }
0x25b: {  	v0 =	vld.msk [tilespmem:s29+$0xC818], $0x1;
	_ =	sdelay $0x1  }
0x25c: {  	s30 =	simm.s32 $0x1  }
0x25d: {  	v1 =	vld.msk [tilespmem:s30+$0xC818], $0x1;
	_ =	sdelay $0x1  }
0x25e: {  	(v2sf) =	vpush v0, $0x0;
	_ =	sdelay $0x2  }
0x25f: {  	(v2sf) =	vpush v1, $0x0;
	_ =	sdelay $0x2  }
0x260: {  	s31 =	simm.s32 $0x2  }
0x261: {  	v0 =	vld.msk [tilespmem:s31+$0xC818], $0x1;
	_ =	sdelay $0x2  }
0x262: {  	s2 =	simm.s32 $0xFFFFFFFF;
	s3 =	simm.s32 $0xFFFFFFFF;
	s0 =	simm.s32 $0xC  }
.LBB3_38:
0x263: {  	s4 =	smov.u32 s3;
	s5 =	smov.u32 s2  }
0x264: {  	s2 =	sshra.s32 s0, $0x2;
	p1 =	sne.s32 s0, $0x7C;
	s0 =	sadd.s32 $0x4, s0;
	(v2sf) =	vpush v0, $0x0  }
0x265: {  	v0 =	vld.msk [tilespmem:s2+$0xC818], $0x1  }
.Ltmp31:
0x266: {  	(pc) =	sbr.rel @p1 .LBB3_38-.Ltmp31, $4  }
0x267: {  	s3 =	spop (v2sf)  }
0x268: {  	p2 =	sne.s32 s5, $0xFFFFFFFF;
	s2 =	smov.u32 s3  }
0x269: {  	p3 =	seq.s32 s3, $0xFFFFFFFF;
	s2 =	smov.u32 @p2 s5  }
0x26a: {  	s3 =	smov.u32 @p3 s4;
	s2 =	smov.u32 @p3 s5  }
0x26b: {  	(v2sf) =	vpush v0, $0x0;
	_ =	sdelay $0x8  }
0x26c: {  	s0 =	spop (v2sf);
	p1 =	sne.s32 s2, $0xFFFFFFFF;
	s9 =	simm.s32 $0x6  }
0x26d: {  	s6 =	simm.s32 $0x0;
	s10 =	simm.s32 $0xC838;
	s4 =	smov.u32 s0  }
0x26e: {  	s11 =	simm.s32 $0xC688;
	p2 =	seq.s32 s0, $0xFFFFFFFF;
	s4 =	smov.u32 @p1 s2  }
0x26f: {  	s12 =	simm.s32 $0xC708;
	s4 =	smov.u32 @p2 s2;
	s2 =	spop (v2sf)  }
0x270: {  	s0 =	smov.u32 @p2 s3;
	p1 =	sne.s32 s4, $0xFFFFFFFF;
	s5 =	smov.u32 s2  }
.Ltmp32:
0x271: {  	p2 =	seq.s32 s2, $0xFFFFFFFF;
	s5 =	smov.u32 @p1 s4;
	(pc) =	sbr.rel .LBB3_40-.Ltmp32, $4  }
0x272: {  	s13 =	simm.s32 $0xC788;
	s5 =	smov.u32 @p2 s4;
	s7 =	spop (v2sf)  }
0x273: {  	s14 =	simm.s32 $0x0;
	p1 =	sne.s32 s5, $0xFFFFFFFF;
	s8 =	smov.u32 s7  }
0x274: {  	s2 =	smov.u32 @p2 s0;
	p2 =	seq.s32 s7, $0xFFFFFFFF;
	s8 =	smov.u32 @p1 s5  }
0x275: {  	[sflag:s9] =	ssyncpa.u1 $0x0;
	s7 =	smov.u32 @p2 s2;
	s8 =	smov.u32 @p2 s5  }
.LBB3_55:
0x276: {  	s14 =	sadd.s32 $0x1, s14  }
0x277: {  	p1 =	sne.s32 s14, $0x20  }
.Ltmp33:
0x278: {  	_ = 	snop;
	(pc) =	sbr.rel @!p1 .LBB3_56-.Ltmp33, $2  }
0x279: {  	_ =	sdelay $0x2  }
0x27a: {  	s10 =	sadd.s32 $0x200, s10  }
.LBB3_40:
0x27b: {  	v0 =	vld.msk [tilespmem:s14+$0xC818], $0x1;
	_ =	sdelay $0x4  }
0x27c: {  	(v2sf) =	vpush v0, $0x0;
	_ =	sdelay $0xe  }
0x27d: {  	s0 =	spop (v2sf)  }
0x27e: {  	p1 =	seq.s32 s0, $0xFFFFFFFF  }
.Ltmp34:
0x27f: {  	_ = 	snop;
	(pc) =	sbr.rel @p1 .LBB3_55-.Ltmp34, $1  }
0x280: {  	_ =	sdelay $0x3  }
0x281: {  	p1 =	slt.s32 s6, $0x1  }
.Ltmp35:
0x282: {  	_ = 	snop;
	(pc) =	sbr.rel @p1 .LBB3_48-.Ltmp35, $1  }
0x283: {  	_ =	sdelay $0x3  }
0x284: {  	s2 =	simm.s32 $0xC818;
	p1 =	por $0x0, $0x0  }
0x285: {  	v1 =	vld.msk @!p1 [tilespmem:s2+$0x0], $0x1;
	_ =	sdelay $0x4  }
0x286: {  	(v2sf) =	vpush @!p1 v1, $0x0;
	_ =	sdelay $0xd  }
0x287: {  	p3 =	sne.s32 s6, $0x1  }
.Ltmp36:
0x288: {  	s3 =	spop @!p1 (v2sf);
	(pc) =	sbr.rel @!p3 .LBB3_44-.Ltmp36, $4  }
0x289: {  	p2 =	seq.s32 @!p1 s0, s3  }
0x28a: {  	s3 =	simm.s32 $0x0;
	p2 =	por !p2, p1  }
0x28b: {  	s5 =	simm.s32 $0xFFFFFFFF;
	s3 =	simm.s32 @p2 $0xFFFFFFFF  }
0x28c: {  	s4 =	simm.s32 $0x1;
	s3 =	smov.u32 @p1 s5  }
.LBB3_43:
0x28d: {  	s5 =	smov.u32 s3;
	p1 =	sne.s32 s3, $0xFFFFFFFF  }
0x28e: {  	s2 =	sadd.s32 $0x1, s2;
	s3 =	smov.u32 s4;
	s4 =	sadd.s32 $0x1, s4  }
0x28f: {  	p2 =	sne.s32 s6, s4;
	v1 =	vld.msk @!p1 [tilespmem:s2+$0x0], $0x1;
	_ =	sdelay $0x4  }
0x290: {  	(v2sf) =	vpush @!p1 v1, $0x0;
	_ =	sdelay $0xe  }
.Ltmp37:
0x291: {  	s15 =	spop @!p1 (v2sf);
	(pc) =	sbr.rel @p2 .LBB3_43-.Ltmp37, $4  }
0x292: {  	p3 =	seq.s32 @!p1 s0, s15  }
0x293: {  	p3 =	por !p3, p1  }
0x294: {  	s3 =	simm.s32 @p3 $0xFFFFFFFF  }
0x295: {  	s3 =	smov.u32 @p1 s5  }
.LBB3_44:
0x296: {  	p1 =	seq.s32 s3, $0xFFFFFFFF  }
.Ltmp38:
0x297: {  	_ = 	snop;
	(pc) =	sbr.rel @p1 .LBB3_48-.Ltmp38, $1  }
0x298: {  	_ =	sdelay $0x3  }
0x299: {  	s0 =	sshll.u32 s3, $0xB  }
0x29a: {  	s0 =	sshra.s32 s0, $0x2  }
0x29b: {  	s2 =	simm.s32 $0x0;
	v0 =	vld [tilespmem:s10+$0x0];
	s3 =	smov.u32 s10;
	s0 =	sadd.s32 $0xC838, s0  }
.LBB3_46:
0x29c: {  	s2 =	sadd.s32 $0x10, s2  }
0x29d: {  	p1 =	slt.u32 s2, $0x1F0  }
.Ltmp39:
0x29e: {  	_ = 	snop;
	(pc) =	sbr.rel @p1 .LBB3_46-.Ltmp39, $3  }
0x29f: {  	_ =	sdelay $0x1  }
0x2a0: {  	s3 =	sadd.s32 $0x10, s3;
	[tilespmem:s0+$0x0] =	vst.add.f32.msk $0xffff, v0;
	s0 =	sadd.s32 $0x10, s0  }
0x2a1: {  	v0 =	vld [tilespmem:s3+$0x0]  }
.Ltmp40:
0x2a2: {  	_ = 	snop;
	(pc) =	sbr.rel .LBB3_55-.Ltmp40, $2  }
0x2a3: {  	_ =	sdelay $0x2  }
0x2a4: {  	[tilespmem:s0+$0x0] =	vst.add.f32.msk $0xffff, v0  }
.LBB3_48:
0x2a5: {  	p1 =	sgt.u32 s0, $0x9FE70  }
0x2a6: {  	p2 =	seq.s32 @!p1 s0, s8  }
0x2a7: {  	p1 =	por p1, p2  }
0x2a8: {  	p2 =	seq.s32 @!p1 s0, s7  }
0x2a9: {  	p1 =	por p1, p2  }
.Ltmp41:
0x2aa: {  	_ = 	snop;
	(pc) =	sbr.rel @p1 .LBB3_52-.Ltmp41, $1  }
0x2ab: {  	_ =	sdelay $0x3  }
0x2ac: {  	s2 =	sand.u32 $0xFFFF8, s0;
	s4 =	sand.u32 $0x7, s0  }
0x2ad: {  	s29 =	sadd.s32 $0x80, s0;
	s3 =	sadd.s32 s1, s2;
	s2 =	simm.s32 $0xC608  }
0x2ae: {  	[tilespmem:s2], [sflag:$0x6] =	stream.linear.gather [hbm4b:s3+s4], $0x80, $0x38;
	[tilespmem:$0x1C938] =	vst v63  }
0x2af: {  	s3 =	sand.u32 $0x1FFFF8, s29  }
0x2b0: {  	s30 =	sadd.s32 $0x100, s0;
	s3 =	sadd.s32 s1, s3  }
0x2b1: {  	[tilespmem:s11], [sflag:$0x6] =	stream.linear.gather [hbm4b:s3+s4], $0x80, $0x38;
	[tilespmem:$0x1C938] =	vst v63  }
0x2b2: {  	s31 =	sadd.s32 $0x180, s0;
	s3 =	sand.u32 $0x1FFFF8, s30  }
0x2b3: {  	s0 =	sand.u32 $0x1FFFF8, s31;
	s3 =	sadd.s32 s1, s3  }
0x2b4: {  	[tilespmem:s12], [sflag:$0x6] =	stream.linear.gather [hbm4b:s3+s4], $0x80, $0x38;
	[tilespmem:$0x1C938] =	vst v63  }
0x2b5: {  	s0 =	sadd.s32 s1, s0  }
0x2b6: {  	[tilespmem:s13], [sflag:$0x6] =	stream.linear.gather [hbm4b:s0+s4], $0x80, $0x38;
	[tilespmem:$0x1C938] =	vst v63  }
0x2b7: {  	_ =	swait.ge [sflag:s9], $0x200  }
0x2b8: {  	[sflag:s9] =	ssyncset.done $0x0  }
0x2b9: {  	[sflag:s9] =	ssyncadd.s32 $0xFFFFFE00  }
0x2ba: {  	s3 =	smov.u32 s10;
	s0 =	simm.s32 $0x0;
	v1 =	vld [tilespmem:s2+$0x0]  }
.LBB3_50:
0x2bb: {  	s0 =	sadd.s32 $0x10, s0  }
0x2bc: {  	p1 =	slt.u32 s0, $0x1F0  }
.Ltmp42:
0x2bd: {  	_ = 	snop;
	(pc) =	sbr.rel @p1 .LBB3_50-.Ltmp42, $3  }
0x2be: {  	_ =	sdelay $0x1  }
0x2bf: {  	s2 =	sadd.s32 $0x10, s2;
	[tilespmem:s3+$0x0] =	vst.add.f32.msk $0xffff, v1;
	s3 =	sadd.s32 $0x10, s3  }
0x2c0: {  	v1 =	vld [tilespmem:s2+$0x0]  }
0x2c1: {  	_ =	sdelay $0x3  }
0x2c2: {  	[tilespmem:s3+$0x0] =	vst.add.f32.msk $0xffff, v1  }
.LBB3_52:
0x2c3: {  	s0 =	sshll.u32 s6, $0xB  }
0x2c4: {  	[tilespmem:s6+$0xC818] =	vst.msk $0x1, v0;
	s0 =	sshra.s32 s0, $0x2  }
0x2c5: {  	s2 =	simm.s32 $0x0;
	s3 =	smov.u32 s10;
	v0 =	vld [tilespmem:s10+$0x0];
	s0 =	sadd.s32 $0xC838, s0  }
.LBB3_53:
0x2c6: {  	s2 =	sadd.s32 $0x10, s2  }
0x2c7: {  	p1 =	slt.u32 s2, $0x1F0  }
.Ltmp43:
0x2c8: {  	_ = 	snop;
	(pc) =	sbr.rel @p1 .LBB3_53-.Ltmp43, $3  }
0x2c9: {  	_ =	sdelay $0x1  }
0x2ca: {  	s3 =	sadd.s32 $0x10, s3;
	[tilespmem:s0+$0x0] =	vst v0;
	s0 =	sadd.s32 $0x10, s0  }
0x2cb: {  	v0 =	vld [tilespmem:s3+$0x0]  }
.Ltmp44:
0x2cc: {  	_ = 	snop;
	(pc) =	sbr.rel .LBB3_55-.Ltmp44, $2  }
0x2cd: {  	_ =	sdelay $0x2  }
0x2ce: {  	s6 =	sadd.s32 $0x1, s6;
	[tilespmem:s0+$0x0] =	vst v0  }
.LBB3_56:
0x2cf: {  	s0 =	simm.s32 $0x6;
	p1 =	seq.s32 s6, $0x0  }
0x2d0: {  	[sflag:s0] =	ssyncpa.u1 $0x1;
	v0 =	vimm.s32 @p1 $0xFFFFFFFF  }
0x2d1: {  	s0 =	sadd.s32 $0xFFFFFFFF, s6;
	[tilespmem:$0x10838] =	vst @p1 v0  }
0x2d2: {  	v0 =	vld.msk @!p1 [tilespmem:s0+$0xC818], $0x1;
	_ =	sdelay $0x1  }
0x2d3: {  	v1 =	vld.msk @!p1 [tilespmem:$0xC818], $0x1;
	_ =	sdelay $0x2  }
0x2d4: {  	p2 =	seq.s32 @!p1 s0, $0x0;
	v0 =	vbroadcast @!p1 v0, $0x0  }
0x2d5: {  	vm0 =	vmmov @!p1 $0x1;
	p2 =	por !p2, p1  }
0x2d6: {  	v1 =	vnsel @!p1 vm0, $0xFFFFFFFF, v1;
	vm0 =	vcmask @!p1 $0x308;
	v0 =	vpsel !p2, $0xFFFFFFFF, v0  }
0x2d7: {  	p2 =	sne.s32 @!p1 s8, s7;
	v0 =	vsel @!p1 vm0, v1, v0  }
0x2d8: {  	s2 =	simm.s32 @!p1 $0xC838;
	s3 =	simm.s32 @!p1 $0x0;
	p3 =	por !p2, p1;
	[tilespmem:$0x10838] =	vst @!p1 v0  }
0x2d9: {  	[spmem:s3] =	stream.linear.scatter @!p1 [tilespmem:s2], [sflag:$0x1], $0x200, $0x38;
	[tilespmem:$0x1C938] =	vst v63  }
0x2da: {  	s2 =	sshll.u32 @!p3 s0, $0xB  }
0x2db: {  	s2 =	sshra.s32 @!p3 s2, $0x2  }
0x2dc: {  	s3 =	simm.s32 @!p3 $0x200;
	s2 =	sadd.s32 @!p3 $0xC838, s2  }
0x2dd: {  	[spmem:s3] =	stream.linear.scatter @!p3 [tilespmem:s2], [sflag:$0x1], $0x200, $0x38;
	[tilespmem:$0x1C938] =	vst v63  }
0x2de: {  	s2 =	simm.s32 @!p3 $0x1  }
0x2df: {  	_ =	swait.ge @!p3 [sflag:s2], $0x400  }
0x2e0: {  	p1 =	por p2, p1;
	[sflag:s2] =	ssyncset.done @!p3 $0x0  }
0x2e1: {  	[sflag:s2] =	ssyncadd.s32 @!p3 $0xFFFFFC00;
	s2 =	simm.s32 @!p1 $0x1  }
0x2e2: {  	_ =	swait.ge @!p1 [sflag:s2], $0x200  }
0x2e3: {  	s29 =	simm.s32 $0x10838;
	[sflag:s2] =	ssyncset.done @!p1 $0x0  }
0x2e4: {  	s30 =	simm.s32 $0x4000;
	s31 =	simm.s32 $0x1;
	[sflag:s2] =	ssyncadd.s32 @!p1 $0xFFFFFE00  }
0x2e5: {  	[spmem:s30] =	stream.linear.scatter [tilespmem:s29], [sflag:$0x1], $0x10, $0x38;
	[tilespmem:$0x1C938] =	vst v63  }
0x2e6: {  	_ =	swait.ge [sflag:s31], $0x10  }
0x2e7: {  	[sflag:s31] =	ssyncset.done $0x0  }
0x2e8: {  	p1 =	seq.s32 s16, $0x0;
	s9 =	rddreg [dreg:$0x2];
	[sflag:s31] =	ssyncadd.s32 $0xFFFFFFF0  }
0x2e9: {  	s3 =	sshll.u32 @p1 s9, $0xE;
	s8 =	rddreg [dreg:$0x3]  }
0x2ea: {  	s2 =	sadd.s32 @p1 $0x15C3C, s3;
	s3 =	sshll.u32 @p1 s8, $0x11  }
0x2eb: {  	_ =	sfence.stream.spmem;
	s2 =	sor.u32 @p1 s3, s2  }
0x2ec: {  	[sflag:s2] =	ssyncadd.remote.s32 @p1 $0x1;
	s2 =	simm.s32 @p1 $0x4  }
0x2ed: {  	s4 =	simm.s32 @!p1 $0x3C;
	s3 =	sand.u32 $0xFFFFFFFE, s9;
	_ =	swait.ge @p1 [sflag:s2], $0x82  }
0x2ee: {  	s5 =	simm.s32 @!p1 $0x0;
	s3 =	sadd.s32 @!p1 $0x4, s3;
	[sflag:s2] =	ssyncset.done @p1 $0x0  }
0x2ef: {  	s7 =	simm.s32 @!p1 $0x400;
	[sflag:s2] =	ssyncadd.s32 @p1 $0xFFFFFF7E;
	s2 =	sshll.u32 @!p1 s3, $0x1A  }
0x2f0: {  	s3 =	sshll.u32 @!p1 s3, $0xD;
	s2 =	sor.u32 @!p1 s2, s8;
	_ =	swait.eq @!p1 [sflag:s4], $0x1  }
0x2f1: {  	s3 =	sor.u32 @!p1 $0x1C04, s3;
	s4 =	simm.s32 @!p1 $0x1C03;
	s2 =	sor.u32 @!p1 $0x80004000, s2  }
0x2f2: {  	[spmem:s7], [sflag:s3] =	dma.general @!p1 [spmem:s5], [sflag:s4], length:$0x80, [dreg:$0x0], stride_count:$0x0, ici_dest:s2, dma_misc:DstOpCode:WRITE  }
0x2f3: {  	p2 =	slt.s32 s0, $0x2;
	s5 =	simm.s32 @!p1 $0x800;
	s7 =	simm.s32 @!p1 $0x802  }
0x2f4: {  	[spmem:s7], [sflag:s3] =	dma.general @!p1 [spmem:s5], [sflag:s4], length:$0x2, [dreg:$0x0], stride_count:$0x0, ici_dest:s2, dma_misc:DstOpCode:WRITE  }
.Ltmp45:
0x2f5: {  	s2 =	simm.s32 @!p1 $0x3;
	(pc) =	sbr.rel @p2 .LBB3_60-.Ltmp45, $4  }
0x2f6: {  	s3 =	sshll.u32 @!p1 s9, $0xE;
	_ =	swait.ge @!p1 [sflag:s2], $0x82  }
0x2f7: {  	s4 =	sshll.u32 @!p1 s8, $0x11;
	s3 =	sadd.s32 @!p1 $0x11C3C, s3;
	[sflag:s2] =	ssyncset.done @!p1 $0x0  }
0x2f8: {  	[sflag:s2] =	ssyncadd.s32 @!p1 $0xFFFFFF7E;
	s2 =	sor.u32 @!p1 s4, s3  }
0x2f9: {  	s0 =	simm.s32 $0x0;
	[sflag:s2] =	ssyncadd.remote.s32 @!p1 $0xFFFFFFFF  }
0x2fa: {  	s0 =	simm.s32 $0xC819  }
0x2fb: {  	v0 =	vld.msk [tilespmem:s0+$0x0], $0x1;
	_ =	sdelay $0x4  }
0x2fc: {  	(v2sf) =	vpush v0, $0x0;
	_ =	sdelay $0xe  }
0x2fd: {  	s2 =	sadd.s32 $0xFFFFFFFE, s6;
	s6 =	spop (v2sf)  }
0x2fe: {  	s0 =	simm.s32 $0x0;
	s4 =	sadd.s32 $0xFFFFFFFF, s2;
	p1 =	sgt.u32 s6, $0x9FE70  }
0x2ff: {  	s2 =	simm.s32 $0xCA38;
	p2 =	sne.s32 s4, $0x0;
	s3 =	sand.u32 @!p1 $0xFFFF8, s6  }
0x300: {  	s5 =	sadd.s32 @!p1 $0x80, s6;
	s7 =	sadd.s32 @!p1 $0x100, s6;
	s8 =	sadd.s32 @!p1 s1, s3  }
0x301: {  	s3 =	sand.u32 @!p1 $0x7, s6;
	s5 =	sand.u32 @!p1 $0x1FFFF8, s5;
	s7 =	sand.u32 @!p1 $0x1FFFF8, s7  }
0x302: {  	[hbm4b:s8+s3] =	stream.linear.scatter @!p1 [tilespmem:s2], [sflag:$0x5], $0x80, $0x38;
	[tilespmem:$0x1C938] =	vst v63  }
0x303: {  	s2 =	simm.s32 @!p1 $0xCAB8;
	s5 =	sadd.s32 @!p1 s1, s5;
	s7 =	sadd.s32 @!p1 s1, s7  }
.Ltmp46:
0x304: {  	s8 =	sadd.s32 @!p1 $0x180, s6;
	s6 =	simm.s32 $0x0;
	(pc) =	sbr.rel @!p2 .LBB3_59-.Ltmp46, $4  }
0x305: {  	[hbm4b:s5+s3] =	stream.linear.scatter @!p1 [tilespmem:s2], [sflag:$0x5], $0x80, $0x38;
	[tilespmem:$0x1C938] =	vst v63  }
0x306: {  	s6 =	simm.s32 @!p1 $0x800;
	s8 =	sand.u32 @!p1 $0x1FFFF8, s8;
	s5 =	simm.s32 @!p1 $0xCB38  }
0x307: {  	[hbm4b:s7+s3] =	stream.linear.scatter @!p1 [tilespmem:s5], [sflag:$0x5], $0x80, $0x38;
	[tilespmem:$0x1C938] =	vst v63  }
0x308: {  	s2 =	simm.s32 $0xC81A;
	s5 =	simm.s32 $0xCC38;
	s7 =	simm.s32 @!p1 $0xCBB8  }
.LBB3_58:
0x309: {  	s4 =	sadd.s32 $0xFFFFFFFF, s4;
	s8 =	sadd.s32 @!p1 s1, s8;
	s0 =	sadd.s32 s0, s6  }
0x30a: {  	[hbm4b:s8+s3] =	stream.linear.scatter @!p1 [tilespmem:s7], [sflag:$0x5], $0x80, $0x38;
	[tilespmem:$0x1C938] =	vst v63  }
0x30b: {  	p2 =	sne.s32 s4, $0x0;
	s7 =	smov.u32 s5;
	v0 =	vld.msk [tilespmem:s2+$0x0], $0x1;
	_ =	sdelay $0x4  }
0x30c: {  	(v2sf) =	vpush v0, $0x0;
	_ =	sdelay $0xe  }
0x30d: {  	s6 =	spop (v2sf)  }
0x30e: {  	s5 =	sadd.s32 $0x200, s5;
	s2 =	sadd.s32 $0x1, s2;
	p1 =	sgt.u32 s6, $0x9FE70  }
0x30f: {  	s3 =	sand.u32 @!p1 $0xFFFF8, s6;
	s8 =	sadd.s32 @!p1 $0x80, s6;
	s9 =	sadd.s32 @!p1 $0x100, s6  }
0x310: {  	s10 =	sadd.s32 @!p1 s1, s3;
	s3 =	sand.u32 @!p1 $0x7, s6;
	s8 =	sand.u32 @!p1 $0x1FFFF8, s8  }
0x311: {  	[hbm4b:s10+s3] =	stream.linear.scatter @!p1 [tilespmem:s7], [sflag:$0x5], $0x80, $0x38;
	[tilespmem:$0x1C938] =	vst v63  }
0x312: {  	s9 =	sand.u32 @!p1 $0x1FFFF8, s9;
	s10 =	sadd.s32 @!p1 $0x80, s7  }
.Ltmp47:
0x313: {  	s8 =	sadd.s32 @!p1 s1, s8;
	s9 =	sadd.s32 @!p1 s1, s9;
	(pc) =	sbr.rel @p2 .LBB3_58-.Ltmp47, $4  }
0x314: {  	[hbm4b:s8+s3] =	stream.linear.scatter @!p1 [tilespmem:s10], [sflag:$0x5], $0x80, $0x38;
	[tilespmem:$0x1C938] =	vst v63  }
0x315: {  	s8 =	sadd.s32 @!p1 $0x100, s7;
	s10 =	sadd.s32 @!p1 $0x180, s6;
	s6 =	simm.s32 $0x0  }
0x316: {  	[hbm4b:s9+s3] =	stream.linear.scatter @!p1 [tilespmem:s8], [sflag:$0x5], $0x80, $0x38;
	[tilespmem:$0x1C938] =	vst v63  }
0x317: {  	s7 =	sadd.s32 @!p1 $0x180, s7;
	s6 =	simm.s32 @!p1 $0x800;
	s8 =	sand.u32 @!p1 $0x1FFFF8, s10  }
.LBB3_59:
0x318: {  	s2 =	sadd.s32 @!p1 s1, s8;
	s0 =	sadd.s32 s0, s6  }
0x319: {  	[hbm4b:s2+s3] =	stream.linear.scatter @!p1 [tilespmem:s7], [sflag:$0x5], $0x80, $0x38;
	[tilespmem:$0x1C938] =	vst v63  }
0x31a: {  	s0 =	sshrl.u32 s0, $0x2  }
.LBB3_60:
0x31b: {  	s2 =	simm.s32 $0x5  }
0x31c: {  	_ =	swait.ge [sflag:s2], s0  }
0x31d: {  	s31 =	ssub.s32 $0x0, s0;
	[sflag:s2] =	ssyncset.done $0x0  }
0x31e: {  	[sflag:s2] =	ssyncadd.s32 s31  }
0x31f: {  	[sflag:s2] =	ssyncpa.u1 $0x1  }
.LBB3_61:
0x320: {  	s0 =	sor.u32 s16, s17  }
0x321: {  	p1 =	sne.s32 s0, $0x0  }
.Ltmp48:
0x322: {  	_ = 	snop;
	(pc) =	sbr.rel @p1 .LBB3_84-.Ltmp48, $3  }
0x323: {  	_ =	sdelay $0x1  }
0x324: {  	[bflag:$0x0] =	sbarrier.arrive $0xFFFF  }
0x325: {  	_ =	sfence  }
0x326: {  	s0 =	simm.s32 $0x7  }
0x327: {  	s2 =	simm.s32 $0x4000;
	s3 =	simm.s32 $0xC818;
	[sflag:s0] =	ssyncpa.u1 $0x0  }
0x328: {  	[tilespmem:s3], [sflag:$0x7] =	stream.linear.gather [spmem:s2], $0x20, $0x38;
	[tilespmem:$0x1C938] =	vst v63  }
0x329: {  	s2 =	simm.s32 $0x0;
	s3 =	simm.s32 $0xC838  }
0x32a: {  	[tilespmem:s3], [sflag:$0x7] =	stream.linear.gather [spmem:s2], $0x4000, $0x38;
	[tilespmem:$0x1C938] =	vst v63  }
.Ltmp49:
0x32b: {  	_ = 	snop;
	(pc) =	sbr.rel .LBB3_63-.Ltmp49, $4  }
0x32c: {  	_ =	swait.ge [sflag:s0], $0x4020  }
0x32d: {  	s4 =	simm.s32 $0x8;
	[sflag:s0] =	ssyncset.done $0x0  }
0x32e: {  	s5 =	simm.s32 $0xC688;
	s6 =	simm.s32 $0xC708;
	[sflag:s0] =	ssyncadd.s32 $0xFFFFBFE0  }
0x32f: {  	s7 =	simm.s32 $0xC788;
	s8 =	simm.s32 $0x0;
	[sflag:s4] =	ssyncpa.u1 $0x0  }
.LBB3_78:
0x330: {  	s8 =	sadd.s32 $0x1, s8  }
0x331: {  	p1 =	sne.s32 s8, $0x20  }
.Ltmp50:
0x332: {  	_ = 	snop;
	(pc) =	sbr.rel @!p1 .LBB3_79-.Ltmp50, $2  }
0x333: {  	_ =	sdelay $0x2  }
0x334: {  	s3 =	sadd.s32 $0x200, s3  }
.LBB3_63:
0x335: {  	v0 =	vld.msk [tilespmem:s8+$0xC818], $0x1;
	_ =	sdelay $0x4  }
0x336: {  	(v2sf) =	vpush v0, $0x0;
	_ =	sdelay $0xe  }
0x337: {  	s0 =	spop (v2sf)  }
0x338: {  	p1 =	seq.s32 s0, $0xFFFFFFFF  }
.Ltmp51:
0x339: {  	_ = 	snop;
	(pc) =	sbr.rel @p1 .LBB3_78-.Ltmp51, $1  }
0x33a: {  	_ =	sdelay $0x3  }
0x33b: {  	p1 =	slt.s32 s2, $0x1  }
.Ltmp52:
0x33c: {  	_ = 	snop;
	(pc) =	sbr.rel @p1 .LBB3_71-.Ltmp52, $1  }
0x33d: {  	_ =	sdelay $0x3  }
0x33e: {  	s9 =	simm.s32 $0xC818;
	p1 =	por $0x0, $0x0  }
0x33f: {  	v1 =	vld.msk @!p1 [tilespmem:s9+$0x0], $0x1;
	_ =	sdelay $0x4  }
0x340: {  	(v2sf) =	vpush @!p1 v1, $0x0;
	_ =	sdelay $0xd  }
0x341: {  	p3 =	sne.s32 s2, $0x1  }
.Ltmp53:
0x342: {  	s10 =	spop @!p1 (v2sf);
	(pc) =	sbr.rel @!p3 .LBB3_67-.Ltmp53, $4  }
0x343: {  	p2 =	seq.s32 @!p1 s0, s10  }
0x344: {  	s10 =	simm.s32 $0x0;
	p2 =	por !p2, p1  }
0x345: {  	s12 =	simm.s32 $0xFFFFFFFF;
	s10 =	simm.s32 @p2 $0xFFFFFFFF  }
0x346: {  	s11 =	simm.s32 $0x1;
	s10 =	smov.u32 @p1 s12  }
.LBB3_66:
0x347: {  	s12 =	smov.u32 s10;
	p1 =	sne.s32 s10, $0xFFFFFFFF  }
0x348: {  	s9 =	sadd.s32 $0x1, s9;
	s10 =	smov.u32 s11;
	s11 =	sadd.s32 $0x1, s11  }
0x349: {  	p2 =	sne.s32 s2, s11;
	v1 =	vld.msk @!p1 [tilespmem:s9+$0x0], $0x1;
	_ =	sdelay $0x4  }
0x34a: {  	(v2sf) =	vpush @!p1 v1, $0x0;
	_ =	sdelay $0xe  }
.Ltmp54:
0x34b: {  	s13 =	spop @!p1 (v2sf);
	(pc) =	sbr.rel @p2 .LBB3_66-.Ltmp54, $4  }
0x34c: {  	p3 =	seq.s32 @!p1 s0, s13  }
0x34d: {  	p3 =	por !p3, p1  }
0x34e: {  	s10 =	simm.s32 @p3 $0xFFFFFFFF  }
0x34f: {  	s10 =	smov.u32 @p1 s12  }
.LBB3_67:
0x350: {  	p1 =	seq.s32 s10, $0xFFFFFFFF  }
.Ltmp55:
0x351: {  	_ = 	snop;
	(pc) =	sbr.rel @p1 .LBB3_71-.Ltmp55, $1  }
0x352: {  	_ =	sdelay $0x3  }
0x353: {  	s0 =	sshll.u32 s10, $0xB  }
0x354: {  	s0 =	sshra.s32 s0, $0x2  }
0x355: {  	s9 =	simm.s32 $0x0;
	v0 =	vld [tilespmem:s3+$0x0];
	s10 =	smov.u32 s3;
	s0 =	sadd.s32 $0xC838, s0  }
.LBB3_69:
0x356: {  	s9 =	sadd.s32 $0x10, s9  }
0x357: {  	p1 =	slt.u32 s9, $0x1F0  }
.Ltmp56:
0x358: {  	_ = 	snop;
	(pc) =	sbr.rel @p1 .LBB3_69-.Ltmp56, $3  }
0x359: {  	_ =	sdelay $0x1  }
0x35a: {  	s10 =	sadd.s32 $0x10, s10;
	[tilespmem:s0+$0x0] =	vst.add.f32.msk $0xffff, v0;
	s0 =	sadd.s32 $0x10, s0  }
0x35b: {  	v0 =	vld [tilespmem:s10+$0x0]  }
.Ltmp57:
0x35c: {  	_ = 	snop;
	(pc) =	sbr.rel .LBB3_78-.Ltmp57, $2  }
0x35d: {  	_ =	sdelay $0x2  }
0x35e: {  	[tilespmem:s0+$0x0] =	vst.add.f32.msk $0xffff, v0  }
.LBB3_71:
0x35f: {  	p1 =	sgt.u32 s0, $0x9FE70  }
.Ltmp58:
0x360: {  	_ = 	snop;
	(pc) =	sbr.rel @p1 .LBB3_75-.Ltmp58, $1  }
0x361: {  	_ =	sdelay $0x3  }
0x362: {  	s9 =	sand.u32 $0xFFFF8, s0;
	s11 =	sand.u32 $0x7, s0  }
0x363: {  	s29 =	sadd.s32 $0x80, s0;
	s10 =	sadd.s32 s1, s9;
	s9 =	simm.s32 $0xC608  }
0x364: {  	[tilespmem:s9], [sflag:$0x8] =	stream.linear.gather [hbm4b:s10+s11], $0x80, $0x38;
	[tilespmem:$0x1C938] =	vst v63  }
0x365: {  	s10 =	sand.u32 $0x1FFFF8, s29  }
0x366: {  	s30 =	sadd.s32 $0x100, s0;
	s10 =	sadd.s32 s1, s10  }
0x367: {  	[tilespmem:s5], [sflag:$0x8] =	stream.linear.gather [hbm4b:s10+s11], $0x80, $0x38;
	[tilespmem:$0x1C938] =	vst v63  }
0x368: {  	s31 =	sadd.s32 $0x180, s0;
	s10 =	sand.u32 $0x1FFFF8, s30  }
0x369: {  	s0 =	sand.u32 $0x1FFFF8, s31;
	s10 =	sadd.s32 s1, s10  }
0x36a: {  	[tilespmem:s6], [sflag:$0x8] =	stream.linear.gather [hbm4b:s10+s11], $0x80, $0x38;
	[tilespmem:$0x1C938] =	vst v63  }
0x36b: {  	s0 =	sadd.s32 s1, s0  }
0x36c: {  	[tilespmem:s7], [sflag:$0x8] =	stream.linear.gather [hbm4b:s0+s11], $0x80, $0x38;
	[tilespmem:$0x1C938] =	vst v63  }
0x36d: {  	_ =	swait.ge [sflag:s4], $0x200  }
0x36e: {  	[sflag:s4] =	ssyncset.done $0x0  }
0x36f: {  	[sflag:s4] =	ssyncadd.s32 $0xFFFFFE00  }
0x370: {  	s10 =	smov.u32 s3;
	s0 =	simm.s32 $0x0;
	v1 =	vld [tilespmem:s9+$0x0]  }
.LBB3_73:
0x371: {  	s0 =	sadd.s32 $0x10, s0  }
0x372: {  	p1 =	slt.u32 s0, $0x1F0  }
.Ltmp59:
0x373: {  	_ = 	snop;
	(pc) =	sbr.rel @p1 .LBB3_73-.Ltmp59, $3  }
0x374: {  	_ =	sdelay $0x1  }
0x375: {  	s9 =	sadd.s32 $0x10, s9;
	[tilespmem:s10+$0x0] =	vst.add.f32.msk $0xffff, v1;
	s10 =	sadd.s32 $0x10, s10  }
0x376: {  	v1 =	vld [tilespmem:s9+$0x0]  }
0x377: {  	_ =	sdelay $0x3  }
0x378: {  	[tilespmem:s10+$0x0] =	vst.add.f32.msk $0xffff, v1  }
.LBB3_75:
0x379: {  	s0 =	sshll.u32 s2, $0xB  }
0x37a: {  	[tilespmem:s2+$0xC818] =	vst.msk $0x1, v0;
	s0 =	sshra.s32 s0, $0x2  }
0x37b: {  	s9 =	simm.s32 $0x0;
	s10 =	smov.u32 s3;
	v0 =	vld [tilespmem:s3+$0x0];
	s0 =	sadd.s32 $0xC838, s0  }
.LBB3_76:
0x37c: {  	s9 =	sadd.s32 $0x10, s9  }
0x37d: {  	p1 =	slt.u32 s9, $0x1F0  }
.Ltmp60:
0x37e: {  	_ = 	snop;
	(pc) =	sbr.rel @p1 .LBB3_76-.Ltmp60, $3  }
0x37f: {  	_ =	sdelay $0x1  }
0x380: {  	s10 =	sadd.s32 $0x10, s10;
	[tilespmem:s0+$0x0] =	vst v0;
	s0 =	sadd.s32 $0x10, s0  }
0x381: {  	v0 =	vld [tilespmem:s10+$0x0]  }
.Ltmp61:
0x382: {  	_ = 	snop;
	(pc) =	sbr.rel .LBB3_78-.Ltmp61, $2  }
0x383: {  	_ =	sdelay $0x2  }
0x384: {  	s2 =	sadd.s32 $0x1, s2;
	[tilespmem:s0+$0x0] =	vst v0  }
.LBB3_79:
0x385: {  	p1 =	slt.s32 s2, $0x1  }
.Ltmp62:
0x386: {  	_ = 	snop;
	(pc) =	sbr.rel @p1 .LBB3_83-.Ltmp62, $3  }
0x387: {  	_ =	sdelay $0x1  }
0x388: {  	s0 =	simm.s32 $0x8  }
0x389: {  	[sflag:s0] =	ssyncpa.u1 $0x1;
	s0 =	simm.s32 $0x0  }
0x38a: {  	s3 =	simm.s32 $0xC818  }
0x38b: {  	v0 =	vld.msk [tilespmem:s3+$0x0], $0x1;
	_ =	sdelay $0x4  }
0x38c: {  	(v2sf) =	vpush v0, $0x0;
	_ =	sdelay $0xe  }
0x38d: {  	s7 =	spop (v2sf)  }
0x38e: {  	s2 =	sadd.s32 $0xFFFFFFFF, s2;
	p1 =	sgt.u32 s7, $0x9FE70  }
0x38f: {  	s3 =	simm.s32 $0xC838;
	s4 =	sand.u32 @!p1 $0xFFFF8, s7;
	s8 =	sadd.s32 @!p1 $0x80, s7  }
0x390: {  	s5 =	sand.u32 @!p1 $0x7, s7;
	s4 =	sadd.s32 @!p1 s1, s4;
	s8 =	sand.u32 @!p1 $0x1FFFF8, s8  }
0x391: {  	[hbm4b:s4+s5] =	stream.linear.scatter @!p1 [tilespmem:s3], [sflag:$0x7], $0x80, $0x38;
	[tilespmem:$0x1C938] =	vst v63  }
0x392: {  	p2 =	sne.s32 s2, $0x0;
	s3 =	simm.s32 @!p1 $0xC8B8;
	s4 =	sadd.s32 @!p1 s1, s8  }
0x393: {  	[hbm4b:s4+s5] =	stream.linear.scatter @!p1 [tilespmem:s3], [sflag:$0x7], $0x80, $0x38;
	[tilespmem:$0x1C938] =	vst v63  }
.Ltmp63:
0x394: {  	s6 =	simm.s32 $0x0;
	s9 =	sadd.s32 @!p1 $0x100, s7;
	(pc) =	sbr.rel @!p2 .LBB3_82-.Ltmp63, $4  }
0x395: {  	s6 =	simm.s32 @!p1 $0x800;
	s8 =	sand.u32 @!p1 $0x1FFFF8, s9;
	s3 =	simm.s32 @!p1 $0xC938  }
0x396: {  	s4 =	sadd.s32 @!p1 s1, s8;
	s8 =	sadd.s32 @!p1 $0x180, s7;
	s7 =	simm.s32 @!p1 $0xC9B8  }
0x397: {  	[hbm4b:s4+s5] =	stream.linear.scatter @!p1 [tilespmem:s3], [sflag:$0x7], $0x80, $0x38;
	[tilespmem:$0x1C938] =	vst v63  }
0x398: {  	s8 =	sand.u32 @!p1 $0x1FFFF8, s8;
	s3 =	simm.s32 $0xC819;
	s4 =	simm.s32 $0xCA38  }
.LBB3_81:
0x399: {  	s2 =	sadd.s32 $0xFFFFFFFF, s2;
	s8 =	sadd.s32 @!p1 s1, s8;
	s0 =	sadd.s32 s0, s6  }
0x39a: {  	[hbm4b:s8+s5] =	stream.linear.scatter @!p1 [tilespmem:s7], [sflag:$0x7], $0x80, $0x38;
	[tilespmem:$0x1C938] =	vst v63  }
0x39b: {  	p2 =	sne.s32 s2, $0x0;
	s7 =	smov.u32 s4;
	v0 =	vld.msk [tilespmem:s3+$0x0], $0x1;
	_ =	sdelay $0x4  }
0x39c: {  	(v2sf) =	vpush v0, $0x0;
	_ =	sdelay $0xe  }
0x39d: {  	s6 =	spop (v2sf)  }
0x39e: {  	s4 =	sadd.s32 $0x200, s4;
	s3 =	sadd.s32 $0x1, s3;
	p1 =	sgt.u32 s6, $0x9FE70  }
0x39f: {  	s5 =	sand.u32 @!p1 $0xFFFF8, s6;
	s8 =	sadd.s32 @!p1 $0x80, s6;
	s9 =	sadd.s32 @!p1 $0x100, s6  }
0x3a0: {  	s10 =	sadd.s32 @!p1 s1, s5;
	s5 =	sand.u32 @!p1 $0x7, s6;
	s8 =	sand.u32 @!p1 $0x1FFFF8, s8  }
0x3a1: {  	[hbm4b:s10+s5] =	stream.linear.scatter @!p1 [tilespmem:s7], [sflag:$0x7], $0x80, $0x38;
	[tilespmem:$0x1C938] =	vst v63  }
0x3a2: {  	s9 =	sand.u32 @!p1 $0x1FFFF8, s9;
	s10 =	sadd.s32 @!p1 $0x80, s7  }
.Ltmp64:
0x3a3: {  	s8 =	sadd.s32 @!p1 s1, s8;
	s9 =	sadd.s32 @!p1 s1, s9;
	(pc) =	sbr.rel @p2 .LBB3_81-.Ltmp64, $4  }
0x3a4: {  	[hbm4b:s8+s5] =	stream.linear.scatter @!p1 [tilespmem:s10], [sflag:$0x7], $0x80, $0x38;
	[tilespmem:$0x1C938] =	vst v63  }
0x3a5: {  	s8 =	sadd.s32 @!p1 $0x100, s7;
	s10 =	sadd.s32 @!p1 $0x180, s6;
	s6 =	simm.s32 $0x0  }
0x3a6: {  	[hbm4b:s9+s5] =	stream.linear.scatter @!p1 [tilespmem:s8], [sflag:$0x7], $0x80, $0x38;
	[tilespmem:$0x1C938] =	vst v63  }
0x3a7: {  	s7 =	sadd.s32 @!p1 $0x180, s7;
	s6 =	simm.s32 @!p1 $0x800;
	s8 =	sand.u32 @!p1 $0x1FFFF8, s10  }
.LBB3_82:
0x3a8: {  	s1 =	sadd.s32 @!p1 s1, s8;
	s0 =	sadd.s32 s0, s6  }
0x3a9: {  	[hbm4b:s1+s5] =	stream.linear.scatter @!p1 [tilespmem:s7], [sflag:$0x7], $0x80, $0x38;
	[tilespmem:$0x1C938] =	vst v63  }
0x3aa: {  	s0 =	sshrl.u32 s0, $0x2  }
.LBB3_83:
0x3ab: {  	s1 =	simm.s32 $0x7  }
0x3ac: {  	_ =	swait.ge [sflag:s1], s0  }
0x3ad: {  	s31 =	ssub.s32 $0x0, s0;
	[sflag:s1] =	ssyncset.done $0x0  }
0x3ae: {  	[sflag:s1] =	ssyncadd.s32 s31  }
0x3af: {  	[sflag:s1] =	ssyncpa.u1 $0x1  }
.LBB3_84:
0x3b0: {  	_ =	sfence;
	s0 =	simm.s32 $0x1  }
0x3b1: {  	[sflag:s0] =	ssyncpa.u1 $0x1  }
0x3b2: {  	_ =	strace $0x90000050  }
0x3b3: {  	[bflag:$0x2] =	sbarrier.arrive $0xFFFF  }
0x3b4: {  	s0 =	rddreg [dreg:$0x4]  }
0x3b5: {  	s0 =	sadd.s32 @!p0 $0x100000, s0  }
0x3b6: {  	[sflag:s0] =	ssyncadd.tile.s32 @!p0 $0x1;
	_ =	shalt  }
.Lfunc_end3:
_tile_overlayer_lowered:
.L_overlay_start_3:
0x3b7: {  	(tag) =	ssettag $0x3  }
0x3b8: {  	s0 =	rddreg [dreg:$0x0];
	s2 =	stileid.u32  }
0x3b9: {  	s1 =	rddreg [dreg:$0x1];
	p0 =	sne.s32 s2, $0x0  }
0x3ba: {  	s3 =	rddreg [dreg:$0x2];
	[bflag:$0x3] =	sbarrier.arrive $0xFFFF;
	s2 =	simm.s32 @!p0 $0x1C01  }
0x3bb: {  	[timem:s3], [sflag:s2] =	dma.local @!p0 [hbm:s0], s1  }
0x3bc: {  	s0 =	simm.s32 @!p0 $0x1  }
0x3bd: {  	_ =	swait.ge @!p0 [sflag:s0], s1  }
0x3be: {  	s1 =	ssub.s32 @!p0 $0x0, s1;
	[sflag:s0] =	ssyncset.done @!p0 $0x0  }
0x3bf: {  	[sflag:s0] =	ssyncadd.s32 @!p0 s1  }
0x3c0: {  	[bflag:$0x3] =	sbarrier.arrive $0xFFFF  }
0x3c1: {  	_ =	shalt  }

</sc_bundles>
